<compile_context>
chip_gen: v7x
topology: tpu7x:2x2x1
jax: 0.10.2.dev20260603
libtpu: 0.0.44.dev20260713+nightly
codegen_flags: <defaults>
</compile_context>

<pallas_src>
import functools

import jax
import jax.numpy as jnp
from jax import lax
from jax.experimental import pallas as pl
from jax.experimental.pallas import tpu as pltpu, tpu_sc as plsc

N = 100000
DEG = 32
E = N * DEG

NC = 2
NS = 16
NW = NC * NS
NP = 3136
N_PAD = NW * NP
W = 2048
GPW = W // 128

_mesh = plsc.VectorSubcoreMesh(core_axis_name="c", subcore_axis_name="s")


@functools.partial(
    pl.kernel,
    out_type=jax.ShapeDtypeStruct((12 * N_PAD,), jnp.float32),
    mesh=_mesh,
    compiler_params=pltpu.CompilerParams(needs_layout_passes=False,
                                         use_tc_tiling_on_sc=False),
    scratch_types=[
        pltpu.VMEM((NP + 16,), jnp.int32),
        pltpu.VMEM((4 * NP,), jnp.float32),
        pltpu.VMEM((GPW, 128), jnp.int32),
        pltpu.VMEM((GPW, 128, 16), jnp.float32),
        pltpu.VMEM((12 * NP,), jnp.float32),
        pltpu.SemaphoreType.DMA,
    ],
)
def _assemble(table_a, table_s, offs_hbm, idx_hbm, out_hbm,
              offs_v, ltab_v, idxw_v, rows_v, acc_v, sem):
    wid = lax.axis_index("s") * NC + lax.axis_index("c")
    n0 = wid * NP

    pltpu.sync_copy(offs_hbm.at[pl.ds(n0, NP + 16)], offs_v)
    for c in range(4):
        pltpu.sync_copy(table_s.at[pl.ds(c * N_PAD + n0, NP)],
                        ltab_v.at[pl.ds(c * NP, NP)])

    iota = lax.iota(jnp.int32, 16)
    ebv = offs_v[pl.ds(0, 16)]
    eb = ebv[0]
    wb0 = jnp.where(wid == 0, 0, eb & jnp.int32(-8))

    def refill(wb):
        cps = [pltpu.async_copy(
            idx_hbm.at[pl.ds(pl.multiple_of(wb + j * 128, 8), 128)],
            idxw_v.at[j], sem) for j in range(GPW)]
        for cp in cps:
            cp.wait()
        cps = [pltpu.async_copy(table_a.at[idxw_v.at[j]], rows_v.at[j], sem)
               for j in range(GPW)]
        for cp in cps:
            cp.wait()

    refill(wb0)

    c0 = jnp.zeros((16,), jnp.int32)
    c1 = c0 + 1
    c2 = c0 + 2
    c3 = c0 + 3

    def group_body(g, wb):
        base = jnp.int32(16) * g
        s_v = offs_v[pl.ds(pl.multiple_of(base, 16), 16)]
        e_v = plsc.load_gather(offs_v, [base + 1 + iota])
        s_v = jnp.where((iota == 0) & ((n0 + base) == 0), 0, s_v)
        sx = ltab_v[pl.ds(pl.multiple_of(0 * NP + base, 16), 16)]
        sy = ltab_v[pl.ds(pl.multiple_of(1 * NP + base, 16), 16)]
        sz = ltab_v[pl.ds(pl.multiple_of(2 * NP + base, 16), 16)]
        su = ltab_v[pl.ds(pl.multiple_of(3 * NP + base, 16), 16)]

        z = jnp.zeros((16,), jnp.float32)
        state = (s_v, wb, z, z, z, z, z, z, z, z, z, z, z, z)

        def outer_cond(st):
            return jnp.any(st[0] < e_v)

        def outer_body(st):
            p_v, wb = st[0], st[1]
            accs = st[2:]
            need = jnp.logical_not(
                jnp.any((p_v < e_v) & (p_v - wb < W)))

            def adv(wb):
                wb2 = wb + W
                refill(wb2)
                return wb2

            wb = lax.cond(need, adv, lambda wb: wb, wb)

            def inner_cond(st2):
                p_v = st2[0]
                return jnp.any((p_v < e_v) & (p_v - wb < W))

            def inner_body(st2):
                p_v = st2[0]
                (a00, a01, a02, a10, a11, a12,
                 a20, a21, a22, b0, b1, b2) = st2[1:]
                off = p_v - wb
                act = (p_v < e_v) & (off < W)
                idx = jnp.where(act, off, 0)
                jv = lax.shift_right_logical(idx, 7)
                rv = lax.bitwise_and(idx, jnp.int32(127))
                cx = plsc.load_gather(rows_v, [jv, rv, c0], mask=act)
                cy = plsc.load_gather(rows_v, [jv, rv, c1], mask=act)
                cz = plsc.load_gather(rows_v, [jv, rv, c2], mask=act)
                cu = plsc.load_gather(rows_v, [jv, rv, c3], mask=act)
                dx = cx - sx
                dy = cy - sy
                dz = cz - sz
                du = cu - su
                q = dx * dx + dy * dy + dz * dz
                w = jnp.float32(1.0) / (q + jnp.float32(1e-8))
                w = jnp.where(act, w, jnp.float32(0.0))
                wd0 = w * dx
                wd1 = w * dy
                wd2 = w * dz
                a00 = a00 + wd0 * dx
                a01 = a01 + wd0 * dy
                a02 = a02 + wd0 * dz
                a10 = a10 + wd1 * dx
                a11 = a11 + wd1 * dy
                a12 = a12 + wd1 * dz
                a20 = a20 + wd2 * dx
                a21 = a21 + wd2 * dy
                a22 = a22 + wd2 * dz
                b0 = b0 + wd0 * du
                b1 = b1 + wd1 * du
                b2 = b2 + wd2 * du
                p_v = p_v + jnp.where(act, 1, 0)
                return (p_v, a00, a01, a02, a10, a11, a12,
                        a20, a21, a22, b0, b1, b2)

            st2 = lax.while_loop(inner_cond, inner_body, (p_v,) + accs)
            return (st2[0], wb) + st2[1:]

        st = lax.while_loop(outer_cond, outer_body, state)
        wb = st[1]
        for k in range(12):
            acc_v[pl.ds(pl.multiple_of(k * NP + base, 16), 16)] = st[2 + k]
        return wb

    lax.fori_loop(0, NP // 16, group_body, wb0)

    for k in range(12):
        pltpu.sync_copy(acc_v.at[pl.ds(k * NP, NP)],
                        out_hbm.at[pl.ds(k * N_PAD + n0, NP)])


def kernel(coordinates, u, offsets, indices):
    coords = lax.stop_gradient(coordinates)
    values = jnp.squeeze(u, axis=-1)

    t4 = jnp.concatenate(
        [coords, values[:, None]], axis=1).astype(jnp.float32)
    t4 = jnp.pad(t4, ((0, N_PAD - N), (0, 0)))
    table_a = jnp.pad(t4, ((0, 0), (0, 12)))
    table_s = t4.T.reshape(-1)

    offs = offsets.astype(jnp.int32)[:N]
    offs_pad = jnp.pad(offs, (0, N_PAD + 16 - N), constant_values=E)
    idx_pad = jnp.pad(indices.astype(jnp.int32), (0, W + 8))

    out = _assemble(table_a, table_s, offs_pad, idx_pad).reshape(12, N_PAD)

    A = out[:9, :N].T.reshape(N, 3, 3)
    b = out[9:12, :N].T
    A = A + 1e-6 * jnp.eye(3, dtype=A.dtype)[None, :, :]
    g = jnp.linalg.solve(A, b[..., None])[..., 0]
    return (g[:, 0:1], g[:, 1:2], g[:, 2:3])

# --- scband reference (transcript-rebuilt; emitter-appended) ---
"""Pipeline reference for scband-gradients-least-squares-14053132992774 (READ-ONLY COPY).

The authoritative reference and input builder live on the scoring server;
editing this copy changes nothing except your own understanding.
"""

import jax, jax.numpy as jnp
import numpy as np

N = 100000
DEG = 32
E = N * DEG


def mesh_lsq_gradient(coords, values, offsets, indices):
    # Weighted least-squares gradient reconstruction on a point cloud / mesh.
    # CSR connectivity: node i's neighbors are indices[offsets[i]:offsets[i+1]].
    E_ = indices.shape[0]
    N_ = coords.shape[0]
    edge_pos = jnp.arange(E_)
    # map each edge slot to its source node via the CSR offsets
    src = jnp.clip(jnp.searchsorted(offsets, edge_pos, side='right') - 1, 0, N_ - 1)
    dst = indices
    d = coords[dst] - coords[src]                    # [E, 3] neighbor deltas (gather)
    dv = values[dst] - values[src]                   # [E]    field differences (gather)
    w = 1.0 / (jnp.sum(d * d, axis=1) + 1e-8)        # inverse-distance^2 weights
    wd = w[:, None] * d                              # [E, 3]
    A_e = wd[:, :, None] * d[:, None, :]             # [E, 3, 3]
    b_e = wd * dv[:, None]                           # [E, 3]
    A = jax.ops.segment_sum(A_e, src, num_segments=N_)   # scatter-add per node
    b = jax.ops.segment_sum(b_e, src, num_segments=N_)
    A = A + 1e-6 * jnp.eye(3, dtype=A.dtype)[None, :, :]  # regularize degenerate stencils
    g = jnp.linalg.solve(A, b[..., None])[..., 0]    # [N, 3]
    return g


def setup_inputs(seed: int = 0) -> dict:
    key = jax.random.key(seed)
    k1, k2, k3, k4 = jax.random.split(key, 4)
    coordinates = jax.random.normal(k1, (N, 3), dtype=jnp.float32)
    u = jax.random.normal(k2, (N, 1), dtype=jnp.float32)
    offsets = jnp.sort(jax.random.randint(k3, (N + 1,), 0, E))
    indices = jax.random.randint(k4, (E,), 0, N)
    return {"coordinates": coordinates, "u": u, "offsets": offsets, "indices": indices}


def reference(coordinates, u, offsets, indices):
    # forward of GradientsLeastSquares with invar='u', dim=3, order=1
    coords = jax.lax.stop_gradient(coordinates)  # coords.detach()
    values = jnp.squeeze(u, axis=-1)
    first_grads = mesh_lsq_gradient(coords, values, offsets, indices)
    # result dict {'u__x','u__y','u__z'} returned as a tuple in axis order
    return (first_grads[:, 0:1], first_grads[:, 1:2], first_grads[:, 2:3])

if __name__ == "__main__":
    import jax
    _d = setup_inputs()
    print(jax.jit(kernel)(*tuple(_d.values())))

</pallas_src>

<mosaic_0001>
#map = affine_map<(d0, d1) -> (0, 0)>
#map1 = affine_map<(d0, d1) -> (0)>
module attributes {stable_mosaic.version = 14 : i64} {
  func.func @_assemble(%arg0: i32, %arg1: i32, %arg2: memref<100352x16xf32, #tpu.memory_space<hbm>>, %arg3: memref<401408xf32, #tpu.memory_space<hbm>>, %arg4: memref<100368xi32, #tpu.memory_space<hbm>>, %arg5: memref<3202056xi32, #tpu.memory_space<hbm>>, %arg6: memref<1204224xf32, #tpu.memory_space<hbm>>, %arg7: memref<3152xi32, #tpu.memory_space<vmem>>, %arg8: memref<12544xf32, #tpu.memory_space<vmem>>, %arg9: memref<16x128xi32, #tpu.memory_space<vmem>>, %arg10: memref<16x128x16xf32, #tpu.memory_space<vmem>>, %arg11: memref<37632xf32, #tpu.memory_space<vmem>>, %arg12: memref<!tpu.dma_semaphore, #tpu.memory_space<semaphore_mem>>) attributes {dimension_semantics = [#tpu.dimension_semantics<core_parallel>, #tpu.dimension_semantics<subcore_parallel>], iteration_bounds = array<i64: 2, 16>, scalar_prefetch = 0 : i64, scratch_operands = 6 : i64, tpu.core_type = #tpu.core_type<sc_vector_subcore>, window_params = [{transform_indices = #map}, {transform_indices = #map1}, {transform_indices = #map1}, {transform_indices = #map1}, {transform_indices = #map1}]} {
    %mul3A = arith.constant 2 : i32
    %mul3A_0 = arith.muli %arg1, %mul3A : i32
    %add3A = arith.addi %mul3A_0, %arg0 : i32
    %mul3A_1 = arith.constant 3136 : i32
    %mul3A_2 = arith.muli %add3A, %mul3A_1 : i32
    "tpu.region"() ({
      %run_scoped3A = tpu.sem_alloc : memref<!tpu.dma_semaphore, #tpu.memory_space<semaphore_mem>>
      %dma_start3A_770 = tpu.memref_slice %arg4[%mul3A_2] : memref<100368xi32, #tpu.memory_space<hbm>> -> memref<3152xi32, #tpu.memory_space<hbm>>
      %dma_start3A_771 = tpu.memref_slice %arg4[%mul3A_2] : memref<100368xi32, #tpu.memory_space<hbm>> -> memref<3152xi32, #tpu.memory_space<hbm>>
      tpu.enqueue_dma source(%dma_start3A_771 : memref<3152xi32, #tpu.memory_space<hbm>>) target(%arg7 : memref<3152xi32, #tpu.memory_space<vmem>>) target_semaphore(%run_scoped3A : memref<!tpu.dma_semaphore, #tpu.memory_space<semaphore_mem>>)
      %dma_wait3A_772 = tpu.memref_slice %arg4[%mul3A_2] : memref<100368xi32, #tpu.memory_space<hbm>> -> memref<3152xi32, #tpu.memory_space<hbm>>
      %dma_wait3A_773 = tpu.memref_slice %arg4[%mul3A_2] : memref<100368xi32, #tpu.memory_space<hbm>> -> memref<3152xi32, #tpu.memory_space<hbm>>
      tpu.wait_dma2 semaphore(%run_scoped3A : memref<!tpu.dma_semaphore, #tpu.memory_space<semaphore_mem>>) src(%dma_wait3A_773 : memref<3152xi32, #tpu.memory_space<hbm>>) dst(%arg7 : memref<3152xi32, #tpu.memory_space<vmem>>)
      tpu.yield
    }) : () -> ()
    %add3A_3 = arith.constant 0 : i32
    %add3A_4 = arith.addi %add3A_3, %mul3A_2 : i32
    "tpu.region"() ({
      %run_scoped3A = tpu.sem_alloc : memref<!tpu.dma_semaphore, #tpu.memory_space<semaphore_mem>>
      %dma_start3A_770 = arith.constant 0 : i32
      %dma_start3A_771 = tpu.memref_slice %arg8[%dma_start3A_770] : memref<12544xf32, #tpu.memory_space<vmem>> -> memref<3136xf32, #tpu.memory_space<vmem>>
      %dma_start3A_772 = tpu.memref_slice %arg3[%add3A_4] : memref<401408xf32, #tpu.memory_space<hbm>> -> memref<3136xf32, #tpu.memory_space<hbm>>
      %dma_start3A_773 = arith.constant 0 : i32
      %dma_start3A_774 = tpu.memref_slice %arg8[%dma_start3A_773] : memref<12544xf32, #tpu.memory_space<vmem>> -> memref<3136xf32, #tpu.memory_space<vmem>>
      %dma_start3A_775 = tpu.memref_slice %arg3[%add3A_4] : memref<401408xf32, #tpu.memory_space<hbm>> -> memref<3136xf32, #tpu.memory_space<hbm>>
      tpu.enqueue_dma source(%dma_start3A_775 : memref<3136xf32, #tpu.memory_space<hbm>>) target(%dma_start3A_774 : memref<3136xf32, #tpu.memory_space<vmem>>) target_semaphore(%run_scoped3A : memref<!tpu.dma_semaphore, #tpu.memory_space<semaphore_mem>>)
      %dma_wait3A_776 = arith.constant 0 : i32
      %dma_wait3A_777 = tpu.memref_slice %arg8[%dma_wait3A_776] : memref<12544xf32, #tpu.memory_space<vmem>> -> memref<3136xf32, #tpu.memory_space<vmem>>
      %dma_wait3A_778 = tpu.memref_slice %arg3[%add3A_4] : memref<401408xf32, #tpu.memory_space<hbm>> -> memref<3136xf32, #tpu.memory_space<hbm>>
      %dma_wait3A_779 = arith.constant 0 : i32
      %dma_wait3A_780 = tpu.memref_slice %arg8[%dma_wait3A_779] : memref<12544xf32, #tpu.memory_space<vmem>> -> memref<3136xf32, #tpu.memory_space<vmem>>
      %dma_wait3A_781 = tpu.memref_slice %arg3[%add3A_4] : memref<401408xf32, #tpu.memory_space<hbm>> -> memref<3136xf32, #tpu.memory_space<hbm>>
      tpu.wait_dma2 semaphore(%run_scoped3A : memref<!tpu.dma_semaphore, #tpu.memory_space<semaphore_mem>>) src(%dma_wait3A_781 : memref<3136xf32, #tpu.memory_space<hbm>>) dst(%dma_wait3A_780 : memref<3136xf32, #tpu.memory_space<vmem>>)
      tpu.yield
    }) : () -> ()
    %add3A_5 = arith.constant 100352 : i32
    %add3A_6 = arith.addi %add3A_5, %mul3A_2 : i32
    "tpu.region"() ({
      %run_scoped3A = tpu.sem_alloc : memref<!tpu.dma_semaphore, #tpu.memory_space<semaphore_mem>>
      %dma_start3A_770 = arith.constant 3136 : i32
      %dma_start3A_771 = tpu.memref_slice %arg8[%dma_start3A_770] : memref<12544xf32, #tpu.memory_space<vmem>> -> memref<3136xf32, #tpu.memory_space<vmem>>
      %dma_start3A_772 = tpu.memref_slice %arg3[%add3A_6] : memref<401408xf32, #tpu.memory_space<hbm>> -> memref<3136xf32, #tpu.memory_space<hbm>>
      %dma_start3A_773 = arith.constant 3136 : i32
      %dma_start3A_774 = tpu.memref_slice %arg8[%dma_start3A_773] : memref<12544xf32, #tpu.memory_space<vmem>> -> memref<3136xf32, #tpu.memory_space<vmem>>
      %dma_start3A_775 = tpu.memref_slice %arg3[%add3A_6] : memref<401408xf32, #tpu.memory_space<hbm>> -> memref<3136xf32, #tpu.memory_space<hbm>>
      tpu.enqueue_dma source(%dma_start3A_775 : memref<3136xf32, #tpu.memory_space<hbm>>) target(%dma_start3A_774 : memref<3136xf32, #tpu.memory_space<vmem>>) target_semaphore(%run_scoped3A : memref<!tpu.dma_semaphore, #tpu.memory_space<semaphore_mem>>)
      %dma_wait3A_776 = arith.constant 3136 : i32
      %dma_wait3A_777 = tpu.memref_slice %arg8[%dma_wait3A_776] : memref<12544xf32, #tpu.memory_space<vmem>> -> memref<3136xf32, #tpu.memory_space<vmem>>
      %dma_wait3A_778 = tpu.memref_slice %arg3[%add3A_6] : memref<401408xf32, #tpu.memory_space<hbm>> -> memref<3136xf32, #tpu.memory_space<hbm>>
      %dma_wait3A_779 = arith.constant 3136 : i32
      %dma_wait3A_780 = tpu.memref_slice %arg8[%dma_wait3A_779] : memref<12544xf32, #tpu.memory_space<vmem>> -> memref<3136xf32, #tpu.memory_space<vmem>>
      %dma_wait3A_781 = tpu.memref_slice %arg3[%add3A_6] : memref<401408xf32, #tpu.memory_space<hbm>> -> memref<3136xf32, #tpu.memory_space<hbm>>
      tpu.wait_dma2 semaphore(%run_scoped3A : memref<!tpu.dma_semaphore, #tpu.memory_space<semaphore_mem>>) src(%dma_wait3A_781 : memref<3136xf32, #tpu.memory_space<hbm>>) dst(%dma_wait3A_780 : memref<3136xf32, #tpu.memory_space<vmem>>)
      tpu.yield
    }) : () -> ()
    %add3A_7 = arith.constant 200704 : i32
    %add3A_8 = arith.addi %add3A_7, %mul3A_2 : i32
    "tpu.region"() ({
      %run_scoped3A = tpu.sem_alloc : memref<!tpu.dma_semaphore, #tpu.memory_space<semaphore_mem>>
      %dma_start3A_770 = arith.constant 6272 : i32
      %dma_start3A_771 = tpu.memref_slice %arg8[%dma_start3A_770] : memref<12544xf32, #tpu.memory_space<vmem>> -> memref<3136xf32, #tpu.memory_space<vmem>>
      %dma_start3A_772 = tpu.memref_slice %arg3[%add3A_8] : memref<401408xf32, #tpu.memory_space<hbm>> -> memref<3136xf32, #tpu.memory_space<hbm>>
      %dma_start3A_773 = arith.constant 6272 : i32
      %dma_start3A_774 = tpu.memref_slice %arg8[%dma_start3A_773] : memref<12544xf32, #tpu.memory_space<vmem>> -> memref<3136xf32, #tpu.memory_space<vmem>>
      %dma_start3A_775 = tpu.memref_slice %arg3[%add3A_8] : memref<401408xf32, #tpu.memory_space<hbm>> -> memref<3136xf32, #tpu.memory_space<hbm>>
      tpu.enqueue_dma source(%dma_start3A_775 : memref<3136xf32, #tpu.memory_space<hbm>>) target(%dma_start3A_774 : memref<3136xf32, #tpu.memory_space<vmem>>) target_semaphore(%run_scoped3A : memref<!tpu.dma_semaphore, #tpu.memory_space<semaphore_mem>>)
      %dma_wait3A_776 = arith.constant 6272 : i32
      %dma_wait3A_777 = tpu.memref_slice %arg8[%dma_wait3A_776] : memref<12544xf32, #tpu.memory_space<vmem>> -> memref<3136xf32, #tpu.memory_space<vmem>>
      %dma_wait3A_778 = tpu.memref_slice %arg3[%add3A_8] : memref<401408xf32, #tpu.memory_space<hbm>> -> memref<3136xf32, #tpu.memory_space<hbm>>
      %dma_wait3A_779 = arith.constant 6272 : i32
      %dma_wait3A_780 = tpu.memref_slice %arg8[%dma_wait3A_779] : memref<12544xf32, #tpu.memory_space<vmem>> -> memref<3136xf32, #tpu.memory_space<vmem>>
      %dma_wait3A_781 = tpu.memref_slice %arg3[%add3A_8] : memref<401408xf32, #tpu.memory_space<hbm>> -> memref<3136xf32, #tpu.memory_space<hbm>>
      tpu.wait_dma2 semaphore(%run_scoped3A : memref<!tpu.dma_semaphore, #tpu.memory_space<semaphore_mem>>) src(%dma_wait3A_781 : memref<3136xf32, #tpu.memory_space<hbm>>) dst(%dma_wait3A_780 : memref<3136xf32, #tpu.memory_space<vmem>>)
      tpu.yield
    }) : () -> ()
    %add3A_9 = arith.constant 301056 : i32
    %add3A_10 = arith.addi %add3A_9, %mul3A_2 : i32
    "tpu.region"() ({
      %run_scoped3A = tpu.sem_alloc : memref<!tpu.dma_semaphore, #tpu.memory_space<semaphore_mem>>
      %dma_start3A_770 = arith.constant 9408 : i32
      %dma_start3A_771 = tpu.memref_slice %arg8[%dma_start3A_770] : memref<12544xf32, #tpu.memory_space<vmem>> -> memref<3136xf32, #tpu.memory_space<vmem>>
      %dma_start3A_772 = tpu.memref_slice %arg3[%add3A_10] : memref<401408xf32, #tpu.memory_space<hbm>> -> memref<3136xf32, #tpu.memory_space<hbm>>
      %dma_start3A_773 = arith.constant 9408 : i32
      %dma_start3A_774 = tpu.memref_slice %arg8[%dma_start3A_773] : memref<12544xf32, #tpu.memory_space<vmem>> -> memref<3136xf32, #tpu.memory_space<vmem>>
      %dma_start3A_775 = tpu.memref_slice %arg3[%add3A_10] : memref<401408xf32, #tpu.memory_space<hbm>> -> memref<3136xf32, #tpu.memory_space<hbm>>
      tpu.enqueue_dma source(%dma_start3A_775 : memref<3136xf32, #tpu.memory_space<hbm>>) target(%dma_start3A_774 : memref<3136xf32, #tpu.memory_space<vmem>>) target_semaphore(%run_scoped3A : memref<!tpu.dma_semaphore, #tpu.memory_space<semaphore_mem>>)
      %dma_wait3A_776 = arith.constant 9408 : i32
      %dma_wait3A_777 = tpu.memref_slice %arg8[%dma_wait3A_776] : memref<12544xf32, #tpu.memory_space<vmem>> -> memref<3136xf32, #tpu.memory_space<vmem>>
      %dma_wait3A_778 = tpu.memref_slice %arg3[%add3A_10] : memref<401408xf32, #tpu.memory_space<hbm>> -> memref<3136xf32, #tpu.memory_space<hbm>>
      %dma_wait3A_779 = arith.constant 9408 : i32
      %dma_wait3A_780 = tpu.memref_slice %arg8[%dma_wait3A_779] : memref<12544xf32, #tpu.memory_space<vmem>> -> memref<3136xf32, #tpu.memory_space<vmem>>
      %dma_wait3A_781 = tpu.memref_slice %arg3[%add3A_10] : memref<401408xf32, #tpu.memory_space<hbm>> -> memref<3136xf32, #tpu.memory_space<hbm>>
      tpu.wait_dma2 semaphore(%run_scoped3A : memref<!tpu.dma_semaphore, #tpu.memory_space<semaphore_mem>>) src(%dma_wait3A_781 : memref<3136xf32, #tpu.memory_space<hbm>>) dst(%dma_wait3A_780 : memref<3136xf32, #tpu.memory_space<vmem>>)
      tpu.yield
    }) : () -> ()
    %iota3A = tpu.iota {dimensions = array<i32: 0>} : vector<16xi32>
    %get3A = arith.constant 0 : index
    %get3A_11 = tpu.vector_load %arg7[%get3A] {strides = array<i32>} : memref<3152xi32, #tpu.memory_space<vmem>>, vector<16xi32>,
    %slice3A = vector.extract_strided_slice %get3A_11 {offsets = [0], sizes = [1], strides = [1]} : vector<16xi32> to vector<1xi32>
    %squeeze3A = vector.extract %slice3A[0] : i32 from vector<1xi32>
    %eq3A = arith.constant 0 : i32
    %eq3A_12 = arith.cmpi eq, %add3A, %eq3A : i32
    %and3A = arith.constant -8 : i32
    %and3A_13 = arith.andi %squeeze3A, %and3A : i32
    %jit3A = arith.constant 0 : i32
    %select_n3A = arith.select %eq3A_12, %jit3A, %and3A_13 : i32
    %add3A_14 = arith.constant 0 : i32
    %add3A_15 = arith.addi %select_n3A, %add3A_14 : i32
    %multiple_of3A = tpu.assume_multiple %add3A_15, 8 : i32
    %dma_start3A = arith.constant 0 : i32
    %dma_start3A_16 = arith.constant 0 : i32
    %dma_start3A_17 = tpu.memref_slice %arg9[%dma_start3A, %dma_start3A_16] : memref<16x128xi32, #tpu.memory_space<vmem>> -> memref<1x128xi32, #tpu.memory_space<vmem>>
    %dma_start3A_18 = tpu.memref_squeeze %dma_start3A_17 : memref<1x128xi32, #tpu.memory_space<vmem>> -> memref<128xi32, #tpu.memory_space<vmem>>
    %dma_start3A_19 = tpu.memref_slice %arg5[%multiple_of3A] : memref<3202056xi32, #tpu.memory_space<hbm>> -> memref<128xi32, #tpu.memory_space<hbm>>
    %dma_start3A_20 = arith.constant 0 : i32
    %dma_start3A_21 = tpu.memref_slice %arg9[%dma_start3A, %dma_start3A_20] : memref<16x128xi32, #tpu.memory_space<vmem>> -> memref<1x128xi32, #tpu.memory_space<vmem>>
    %dma_start3A_22 = tpu.memref_squeeze %dma_start3A_21 : memref<1x128xi32, #tpu.memory_space<vmem>> -> memref<128xi32, #tpu.memory_space<vmem>>
    %dma_start3A_23 = tpu.memref_slice %arg5[%multiple_of3A] : memref<3202056xi32, #tpu.memory_space<hbm>> -> memref<128xi32, #tpu.memory_space<hbm>>
    tpu.enqueue_dma source(%dma_start3A_23 : memref<128xi32, #tpu.memory_space<hbm>>) target(%dma_start3A_22 : memref<128xi32, #tpu.memory_space<vmem>>) target_semaphore(%arg12 : memref<!tpu.dma_semaphore, #tpu.memory_space<semaphore_mem>>)
    %add3A_24 = arith.constant 128 : i32
    %add3A_25 = arith.addi %select_n3A, %add3A_24 : i32
    %multiple_of3A_26 = tpu.assume_multiple %add3A_25, 8 : i32
    %dma_start3A_27 = arith.constant 1 : i32
    %dma_start3A_28 = arith.constant 0 : i32
    %dma_start3A_29 = tpu.memref_slice %arg9[%dma_start3A_27, %dma_start3A_28] : memref<16x128xi32, #tpu.memory_space<vmem>> -> memref<1x128xi32, #tpu.memory_space<vmem>>
    %dma_start3A_30 = tpu.memref_squeeze %dma_start3A_29 : memref<1x128xi32, #tpu.memory_space<vmem>> -> memref<128xi32, #tpu.memory_space<vmem>>
    %dma_start3A_31 = tpu.memref_slice %arg5[%multiple_of3A_26] : memref<3202056xi32, #tpu.memory_space<hbm>> -> memref<128xi32, #tpu.memory_space<hbm>>
    %dma_start3A_32 = arith.constant 0 : i32
    %dma_start3A_33 = tpu.memref_slice %arg9[%dma_start3A_27, %dma_start3A_32] : memref<16x128xi32, #tpu.memory_space<vmem>> -> memref<1x128xi32, #tpu.memory_space<vmem>>
    %dma_start3A_34 = tpu.memref_squeeze %dma_start3A_33 : memref<1x128xi32, #tpu.memory_space<vmem>> -> memref<128xi32, #tpu.memory_space<vmem>>
    %dma_start3A_35 = tpu.memref_slice %arg5[%multiple_of3A_26] : memref<3202056xi32, #tpu.memory_space<hbm>> -> memref<128xi32, #tpu.memory_space<hbm>>
    tpu.enqueue_dma source(%dma_start3A_35 : memref<128xi32, #tpu.memory_space<hbm>>) target(%dma_start3A_34 : memref<128xi32, #tpu.memory_space<vmem>>) target_semaphore(%arg12 : memref<!tpu.dma_semaphore, #tpu.memory_space<semaphore_mem>>)
    %add3A_36 = arith.constant 256 : i32
    %add3A_37 = arith.addi %select_n3A, %add3A_36 : i32
    %multiple_of3A_38 = tpu.assume_multiple %add3A_37, 8 : i32
    %dma_start3A_39 = arith.constant 2 : i32
    %dma_start3A_40 = arith.constant 0 : i32
    %dma_start3A_41 = tpu.memref_slice %arg9[%dma_start3A_39, %dma_start3A_40] : memref<16x128xi32, #tpu.memory_space<vmem>> -> memref<1x128xi32, #tpu.memory_space<vmem>>
    %dma_start3A_42 = tpu.memref_squeeze %dma_start3A_41 : memref<1x128xi32, #tpu.memory_space<vmem>> -> memref<128xi32, #tpu.memory_space<vmem>>
    %dma_start3A_43 = tpu.memref_slice %arg5[%multiple_of3A_38] : memref<3202056xi32, #tpu.memory_space<hbm>> -> memref<128xi32, #tpu.memory_space<hbm>>
    %dma_start3A_44 = arith.constant 0 : i32
    %dma_start3A_45 = tpu.memref_slice %arg9[%dma_start3A_39, %dma_start3A_44] : memref<16x128xi32, #tpu.memory_space<vmem>> -> memref<1x128xi32, #tpu.memory_space<vmem>>
    %dma_start3A_46 = tpu.memref_squeeze %dma_start3A_45 : memref<1x128xi32, #tpu.memory_space<vmem>> -> memref<128xi32, #tpu.memory_space<vmem>>
    %dma_start3A_47 = tpu.memref_slice %arg5[%multiple_of3A_38] : memref<3202056xi32, #tpu.memory_space<hbm>> -> memref<128xi32, #tpu.memory_space<hbm>>
    tpu.enqueue_dma source(%dma_start3A_47 : memref<128xi32, #tpu.memory_space<hbm>>) target(%dma_start3A_46 : memref<128xi32, #tpu.memory_space<vmem>>) target_semaphore(%arg12 : memref<!tpu.dma_semaphore, #tpu.memory_space<semaphore_mem>>)
    %add3A_48 = arith.constant 384 : i32
    %add3A_49 = arith.addi %select_n3A, %add3A_48 : i32
    %multiple_of3A_50 = tpu.assume_multiple %add3A_49, 8 : i32
    %dma_start3A_51 = arith.constant 3 : i32
    %dma_start3A_52 = arith.constant 0 : i32
    %dma_start3A_53 = tpu.memref_slice %arg9[%dma_start3A_51, %dma_start3A_52] : memref<16x128xi32, #tpu.memory_space<vmem>> -> memref<1x128xi32, #tpu.memory_space<vmem>>
    %dma_start3A_54 = tpu.memref_squeeze %dma_start3A_53 : memref<1x128xi32, #tpu.memory_space<vmem>> -> memref<128xi32, #tpu.memory_space<vmem>>
    %dma_start3A_55 = tpu.memref_slice %arg5[%multiple_of3A_50] : memref<3202056xi32, #tpu.memory_space<hbm>> -> memref<128xi32, #tpu.memory_space<hbm>>
    %dma_start3A_56 = arith.constant 0 : i32
    %dma_start3A_57 = tpu.memref_slice %arg9[%dma_start3A_51, %dma_start3A_56] : memref<16x128xi32, #tpu.memory_space<vmem>> -> memref<1x128xi32, #tpu.memory_space<vmem>>
    %dma_start3A_58 = tpu.memref_squeeze %dma_start3A_57 : memref<1x128xi32, #tpu.memory_space<vmem>> -> memref<128xi32, #tpu.memory_space<vmem>>
    %dma_start3A_59 = tpu.memref_slice %arg5[%multiple_of3A_50] : memref<3202056xi32, #tpu.memory_space<hbm>> -> memref<128xi32, #tpu.memory_space<hbm>>
    tpu.enqueue_dma source(%dma_start3A_59 : memref<128xi32, #tpu.memory_space<hbm>>) target(%dma_start3A_58 : memref<128xi32, #tpu.memory_space<vmem>>) target_semaphore(%arg12 : memref<!tpu.dma_semaphore, #tpu.memory_space<semaphore_mem>>)
    %add3A_60 = arith.constant 512 : i32
    %add3A_61 = arith.addi %select_n3A, %add3A_60 : i32
    %multiple_of3A_62 = tpu.assume_multiple %add3A_61, 8 : i32
    %dma_start3A_63 = arith.constant 4 : i32
    %dma_start3A_64 = arith.constant 0 : i32
    %dma_start3A_65 = tpu.memref_slice %arg9[%dma_start3A_63, %dma_start3A_64] : memref<16x128xi32, #tpu.memory_space<vmem>> -> memref<1x128xi32, #tpu.memory_space<vmem>>
    %dma_start3A_66 = tpu.memref_squeeze %dma_start3A_65 : memref<1x128xi32, #tpu.memory_space<vmem>> -> memref<128xi32, #tpu.memory_space<vmem>>
    %dma_start3A_67 = tpu.memref_slice %arg5[%multiple_of3A_62] : memref<3202056xi32, #tpu.memory_space<hbm>> -> memref<128xi32, #tpu.memory_space<hbm>>
    %dma_start3A_68 = arith.constant 0 : i32
    %dma_start3A_69 = tpu.memref_slice %arg9[%dma_start3A_63, %dma_start3A_68] : memref<16x128xi32, #tpu.memory_space<vmem>> -> memref<1x128xi32, #tpu.memory_space<vmem>>
    %dma_start3A_70 = tpu.memref_squeeze %dma_start3A_69 : memref<1x128xi32, #tpu.memory_space<vmem>> -> memref<128xi32, #tpu.memory_space<vmem>>
    %dma_start3A_71 = tpu.memref_slice %arg5[%multiple_of3A_62] : memref<3202056xi32, #tpu.memory_space<hbm>> -> memref<128xi32, #tpu.memory_space<hbm>>
    tpu.enqueue_dma source(%dma_start3A_71 : memref<128xi32, #tpu.memory_space<hbm>>) target(%dma_start3A_70 : memref<128xi32, #tpu.memory_space<vmem>>) target_semaphore(%arg12 : memref<!tpu.dma_semaphore, #tpu.memory_space<semaphore_mem>>)
    %add3A_72 = arith.constant 640 : i32
    %add3A_73 = arith.addi %select_n3A, %add3A_72 : i32
    %multiple_of3A_74 = tpu.assume_multiple %add3A_73, 8 : i32
    %dma_start3A_75 = arith.constant 5 : i32
    %dma_start3A_76 = arith.constant 0 : i32
    %dma_start3A_77 = tpu.memref_slice %arg9[%dma_start3A_75, %dma_start3A_76] : memref<16x128xi32, #tpu.memory_space<vmem>> -> memref<1x128xi32, #tpu.memory_space<vmem>>
    %dma_start3A_78 = tpu.memref_squeeze %dma_start3A_77 : memref<1x128xi32, #tpu.memory_space<vmem>> -> memref<128xi32, #tpu.memory_space<vmem>>
    %dma_start3A_79 = tpu.memref_slice %arg5[%multiple_of3A_74] : memref<3202056xi32, #tpu.memory_space<hbm>> -> memref<128xi32, #tpu.memory_space<hbm>>
    %dma_start3A_80 = arith.constant 0 : i32
    %dma_start3A_81 = tpu.memref_slice %arg9[%dma_start3A_75, %dma_start3A_80] : memref<16x128xi32, #tpu.memory_space<vmem>> -> memref<1x128xi32, #tpu.memory_space<vmem>>
    %dma_start3A_82 = tpu.memref_squeeze %dma_start3A_81 : memref<1x128xi32, #tpu.memory_space<vmem>> -> memref<128xi32, #tpu.memory_space<vmem>>
    %dma_start3A_83 = tpu.memref_slice %arg5[%multiple_of3A_74] : memref<3202056xi32, #tpu.memory_space<hbm>> -> memref<128xi32, #tpu.memory_space<hbm>>
    tpu.enqueue_dma source(%dma_start3A_83 : memref<128xi32, #tpu.memory_space<hbm>>) target(%dma_start3A_82 : memref<128xi32, #tpu.memory_space<vmem>>) target_semaphore(%arg12 : memref<!tpu.dma_semaphore, #tpu.memory_space<semaphore_mem>>)
    %add3A_84 = arith.constant 768 : i32
    %add3A_85 = arith.addi %select_n3A, %add3A_84 : i32
    %multiple_of3A_86 = tpu.assume_multiple %add3A_85, 8 : i32
    %dma_start3A_87 = arith.constant 6 : i32
    %dma_start3A_88 = arith.constant 0 : i32
    %dma_start3A_89 = tpu.memref_slice %arg9[%dma_start3A_87, %dma_start3A_88] : memref<16x128xi32, #tpu.memory_space<vmem>> -> memref<1x128xi32, #tpu.memory_space<vmem>>
    %dma_start3A_90 = tpu.memref_squeeze %dma_start3A_89 : memref<1x128xi32, #tpu.memory_space<vmem>> -> memref<128xi32, #tpu.memory_space<vmem>>
    %dma_start3A_91 = tpu.memref_slice %arg5[%multiple_of3A_86] : memref<3202056xi32, #tpu.memory_space<hbm>> -> memref<128xi32, #tpu.memory_space<hbm>>
    %dma_start3A_92 = arith.constant 0 : i32
    %dma_start3A_93 = tpu.memref_slice %arg9[%dma_start3A_87, %dma_start3A_92] : memref<16x128xi32, #tpu.memory_space<vmem>> -> memref<1x128xi32, #tpu.memory_space<vmem>>
    %dma_start3A_94 = tpu.memref_squeeze %dma_start3A_93 : memref<1x128xi32, #tpu.memory_space<vmem>> -> memref<128xi32, #tpu.memory_space<vmem>>
    %dma_start3A_95 = tpu.memref_slice %arg5[%multiple_of3A_86] : memref<3202056xi32, #tpu.memory_space<hbm>> -> memref<128xi32, #tpu.memory_space<hbm>>
    tpu.enqueue_dma source(%dma_start3A_95 : memref<128xi32, #tpu.memory_space<hbm>>) target(%dma_start3A_94 : memref<128xi32, #tpu.memory_space<vmem>>) target_semaphore(%arg12 : memref<!tpu.dma_semaphore, #tpu.memory_space<semaphore_mem>>)
    %add3A_96 = arith.constant 896 : i32
    %add3A_97 = arith.addi %select_n3A, %add3A_96 : i32
    %multiple_of3A_98 = tpu.assume_multiple %add3A_97, 8 : i32
    %dma_start3A_99 = arith.constant 7 : i32
    %dma_start3A_100 = arith.constant 0 : i32
    %dma_start3A_101 = tpu.memref_slice %arg9[%dma_start3A_99, %dma_start3A_100] : memref<16x128xi32, #tpu.memory_space<vmem>> -> memref<1x128xi32, #tpu.memory_space<vmem>>
    %dma_start3A_102 = tpu.memref_squeeze %dma_start3A_101 : memref<1x128xi32, #tpu.memory_space<vmem>> -> memref<128xi32, #tpu.memory_space<vmem>>
    %dma_start3A_103 = tpu.memref_slice %arg5[%multiple_of3A_98] : memref<3202056xi32, #tpu.memory_space<hbm>> -> memref<128xi32, #tpu.memory_space<hbm>>
    %dma_start3A_104 = arith.constant 0 : i32
    %dma_start3A_105 = tpu.memref_slice %arg9[%dma_start3A_99, %dma_start3A_104] : memref<16x128xi32, #tpu.memory_space<vmem>> -> memref<1x128xi32, #tpu.memory_space<vmem>>
    %dma_start3A_106 = tpu.memref_squeeze %dma_start3A_105 : memref<1x128xi32, #tpu.memory_space<vmem>> -> memref<128xi32, #tpu.memory_space<vmem>>
    %dma_start3A_107 = tpu.memref_slice %arg5[%multiple_of3A_98] : memref<3202056xi32, #tpu.memory_space<hbm>> -> memref<128xi32, #tpu.memory_space<hbm>>
    tpu.enqueue_dma source(%dma_start3A_107 : memref<128xi32, #tpu.memory_space<hbm>>) target(%dma_start3A_106 : memref<128xi32, #tpu.memory_space<vmem>>) target_semaphore(%arg12 : memref<!tpu.dma_semaphore, #tpu.memory_space<semaphore_mem>>)
    %add3A_108 = arith.constant 1024 : i32
    %add3A_109 = arith.addi %select_n3A, %add3A_108 : i32
    %multiple_of3A_110 = tpu.assume_multiple %add3A_109, 8 : i32
    %dma_start3A_111 = arith.constant 8 : i32
    %dma_start3A_112 = arith.constant 0 : i32
    %dma_start3A_113 = tpu.memref_slice %arg9[%dma_start3A_111, %dma_start3A_112] : memref<16x128xi32, #tpu.memory_space<vmem>> -> memref<1x128xi32, #tpu.memory_space<vmem>>
    %dma_start3A_114 = tpu.memref_squeeze %dma_start3A_113 : memref<1x128xi32, #tpu.memory_space<vmem>> -> memref<128xi32, #tpu.memory_space<vmem>>
    %dma_start3A_115 = tpu.memref_slice %arg5[%multiple_of3A_110] : memref<3202056xi32, #tpu.memory_space<hbm>> -> memref<128xi32, #tpu.memory_space<hbm>>
    %dma_start3A_116 = arith.constant 0 : i32
    %dma_start3A_117 = tpu.memref_slice %arg9[%dma_start3A_111, %dma_start3A_116] : memref<16x128xi32, #tpu.memory_space<vmem>> -> memref<1x128xi32, #tpu.memory_space<vmem>>
    %dma_start3A_118 = tpu.memref_squeeze %dma_start3A_117 : memref<1x128xi32, #tpu.memory_space<vmem>> -> memref<128xi32, #tpu.memory_space<vmem>>
    %dma_start3A_119 = tpu.memref_slice %arg5[%multiple_of3A_110] : memref<3202056xi32, #tpu.memory_space<hbm>> -> memref<128xi32, #tpu.memory_space<hbm>>
    tpu.enqueue_dma source(%dma_start3A_119 : memref<128xi32, #tpu.memory_space<hbm>>) target(%dma_start3A_118 : memref<128xi32, #tpu.memory_space<vmem>>) target_semaphore(%arg12 : memref<!tpu.dma_semaphore, #tpu.memory_space<semaphore_mem>>)
    %add3A_120 = arith.constant 1152 : i32
    %add3A_121 = arith.addi %select_n3A, %add3A_120 : i32
    %multiple_of3A_122 = tpu.assume_multiple %add3A_121, 8 : i32
    %dma_start3A_123 = arith.constant 9 : i32
    %dma_start3A_124 = arith.constant 0 : i32
    %dma_start3A_125 = tpu.memref_slice %arg9[%dma_start3A_123, %dma_start3A_124] : memref<16x128xi32, #tpu.memory_space<vmem>> -> memref<1x128xi32, #tpu.memory_space<vmem>>
    %dma_start3A_126 = tpu.memref_squeeze %dma_start3A_125 : memref<1x128xi32, #tpu.memory_space<vmem>> -> memref<128xi32, #tpu.memory_space<vmem>>
    %dma_start3A_127 = tpu.memref_slice %arg5[%multiple_of3A_122] : memref<3202056xi32, #tpu.memory_space<hbm>> -> memref<128xi32, #tpu.memory_space<hbm>>
    %dma_start3A_128 = arith.constant 0 : i32
    %dma_start3A_129 = tpu.memref_slice %arg9[%dma_start3A_123, %dma_start3A_128] : memref<16x128xi32, #tpu.memory_space<vmem>> -> memref<1x128xi32, #tpu.memory_space<vmem>>
    %dma_start3A_130 = tpu.memref_squeeze %dma_start3A_129 : memref<1x128xi32, #tpu.memory_space<vmem>> -> memref<128xi32, #tpu.memory_space<vmem>>
    %dma_start3A_131 = tpu.memref_slice %arg5[%multiple_of3A_122] : memref<3202056xi32, #tpu.memory_space<hbm>> -> memref<128xi32, #tpu.memory_space<hbm>>
    tpu.enqueue_dma source(%dma_start3A_131 : memref<128xi32, #tpu.memory_space<hbm>>) target(%dma_start3A_130 : memref<128xi32, #tpu.memory_space<vmem>>) target_semaphore(%arg12 : memref<!tpu.dma_semaphore, #tpu.memory_space<semaphore_mem>>)
    %add3A_132 = arith.constant 1280 : i32
    %add3A_133 = arith.addi %select_n3A, %add3A_132 : i32
    %multiple_of3A_134 = tpu.assume_multiple %add3A_133, 8 : i32
    %dma_start3A_135 = arith.constant 10 : i32
    %dma_start3A_136 = arith.constant 0 : i32
    %dma_start3A_137 = tpu.memref_slice %arg9[%dma_start3A_135, %dma_start3A_136] : memref<16x128xi32, #tpu.memory_space<vmem>> -> memref<1x128xi32, #tpu.memory_space<vmem>>
    %dma_start3A_138 = tpu.memref_squeeze %dma_start3A_137 : memref<1x128xi32, #tpu.memory_space<vmem>> -> memref<128xi32, #tpu.memory_space<vmem>>
    %dma_start3A_139 = tpu.memref_slice %arg5[%multiple_of3A_134] : memref<3202056xi32, #tpu.memory_space<hbm>> -> memref<128xi32, #tpu.memory_space<hbm>>
    %dma_start3A_140 = arith.constant 0 : i32
    %dma_start3A_141 = tpu.memref_slice %arg9[%dma_start3A_135, %dma_start3A_140] : memref<16x128xi32, #tpu.memory_space<vmem>> -> memref<1x128xi32, #tpu.memory_space<vmem>>
    %dma_start3A_142 = tpu.memref_squeeze %dma_start3A_141 : memref<1x128xi32, #tpu.memory_space<vmem>> -> memref<128xi32, #tpu.memory_space<vmem>>
    %dma_start3A_143 = tpu.memref_slice %arg5[%multiple_of3A_134] : memref<3202056xi32, #tpu.memory_space<hbm>> -> memref<128xi32, #tpu.memory_space<hbm>>
    tpu.enqueue_dma source(%dma_start3A_143 : memref<128xi32, #tpu.memory_space<hbm>>) target(%dma_start3A_142 : memref<128xi32, #tpu.memory_space<vmem>>) target_semaphore(%arg12 : memref<!tpu.dma_semaphore, #tpu.memory_space<semaphore_mem>>)
    %add3A_144 = arith.constant 1408 : i32
    %add3A_145 = arith.addi %select_n3A, %add3A_144 : i32
    %multiple_of3A_146 = tpu.assume_multiple %add3A_145, 8 : i32
    %dma_start3A_147 = arith.constant 11 : i32
    %dma_start3A_148 = arith.constant 0 : i32
    %dma_start3A_149 = tpu.memref_slice %arg9[%dma_start3A_147, %dma_start3A_148] : memref<16x128xi32, #tpu.memory_space<vmem>> -> memref<1x128xi32, #tpu.memory_space<vmem>>
    %dma_start3A_150 = tpu.memref_squeeze %dma_start3A_149 : memref<1x128xi32, #tpu.memory_space<vmem>> -> memref<128xi32, #tpu.memory_space<vmem>>
    %dma_start3A_151 = tpu.memref_slice %arg5[%multiple_of3A_146] : memref<3202056xi32, #tpu.memory_space<hbm>> -> memref<128xi32, #tpu.memory_space<hbm>>
    %dma_start3A_152 = arith.constant 0 : i32
    %dma_start3A_153 = tpu.memref_slice %arg9[%dma_start3A_147, %dma_start3A_152] : memref<16x128xi32, #tpu.memory_space<vmem>> -> memref<1x128xi32, #tpu.memory_space<vmem>>
    %dma_start3A_154 = tpu.memref_squeeze %dma_start3A_153 : memref<1x128xi32, #tpu.memory_space<vmem>> -> memref<128xi32, #tpu.memory_space<vmem>>
    %dma_start3A_155 = tpu.memref_slice %arg5[%multiple_of3A_146] : memref<3202056xi32, #tpu.memory_space<hbm>> -> memref<128xi32, #tpu.memory_space<hbm>>
    tpu.enqueue_dma source(%dma_start3A_155 : memref<128xi32, #tpu.memory_space<hbm>>) target(%dma_start3A_154 : memref<128xi32, #tpu.memory_space<vmem>>) target_semaphore(%arg12 : memref<!tpu.dma_semaphore, #tpu.memory_space<semaphore_mem>>)
    %add3A_156 = arith.constant 1536 : i32
    %add3A_157 = arith.addi %select_n3A, %add3A_156 : i32
    %multiple_of3A_158 = tpu.assume_multiple %add3A_157, 8 : i32
    %dma_start3A_159 = arith.constant 12 : i32
    %dma_start3A_160 = arith.constant 0 : i32
    %dma_start3A_161 = tpu.memref_slice %arg9[%dma_start3A_159, %dma_start3A_160] : memref<16x128xi32, #tpu.memory_space<vmem>> -> memref<1x128xi32, #tpu.memory_space<vmem>>
    %dma_start3A_162 = tpu.memref_squeeze %dma_start3A_161 : memref<1x128xi32, #tpu.memory_space<vmem>> -> memref<128xi32, #tpu.memory_space<vmem>>
    %dma_start3A_163 = tpu.memref_slice %arg5[%multiple_of3A_158] : memref<3202056xi32, #tpu.memory_space<hbm>> -> memref<128xi32, #tpu.memory_space<hbm>>
    %dma_start3A_164 = arith.constant 0 : i32
    %dma_start3A_165 = tpu.memref_slice %arg9[%dma_start3A_159, %dma_start3A_164] : memref<16x128xi32, #tpu.memory_space<vmem>> -> memref<1x128xi32, #tpu.memory_space<vmem>>
    %dma_start3A_166 = tpu.memref_squeeze %dma_start3A_165 : memref<1x128xi32, #tpu.memory_space<vmem>> -> memref<128xi32, #tpu.memory_space<vmem>>
    %dma_start3A_167 = tpu.memref_slice %arg5[%multiple_of3A_158] : memref<3202056xi32, #tpu.memory_space<hbm>> -> memref<128xi32, #tpu.memory_space<hbm>>
    tpu.enqueue_dma source(%dma_start3A_167 : memref<128xi32, #tpu.memory_space<hbm>>) target(%dma_start3A_166 : memref<128xi32, #tpu.memory_space<vmem>>) target_semaphore(%arg12 : memref<!tpu.dma_semaphore, #tpu.memory_space<semaphore_mem>>)
    %add3A_168 = arith.constant 1664 : i32
    %add3A_169 = arith.addi %select_n3A, %add3A_168 : i32
    %multiple_of3A_170 = tpu.assume_multiple %add3A_169, 8 : i32
    %dma_start3A_171 = arith.constant 13 : i32
    %dma_start3A_172 = arith.constant 0 : i32
    %dma_start3A_173 = tpu.memref_slice %arg9[%dma_start3A_171, %dma_start3A_172] : memref<16x128xi32, #tpu.memory_space<vmem>> -> memref<1x128xi32, #tpu.memory_space<vmem>>
    %dma_start3A_174 = tpu.memref_squeeze %dma_start3A_173 : memref<1x128xi32, #tpu.memory_space<vmem>> -> memref<128xi32, #tpu.memory_space<vmem>>
    %dma_start3A_175 = tpu.memref_slice %arg5[%multiple_of3A_170] : memref<3202056xi32, #tpu.memory_space<hbm>> -> memref<128xi32, #tpu.memory_space<hbm>>
    %dma_start3A_176 = arith.constant 0 : i32
    %dma_start3A_177 = tpu.memref_slice %arg9[%dma_start3A_171, %dma_start3A_176] : memref<16x128xi32, #tpu.memory_space<vmem>> -> memref<1x128xi32, #tpu.memory_space<vmem>>
    %dma_start3A_178 = tpu.memref_squeeze %dma_start3A_177 : memref<1x128xi32, #tpu.memory_space<vmem>> -> memref<128xi32, #tpu.memory_space<vmem>>
    %dma_start3A_179 = tpu.memref_slice %arg5[%multiple_of3A_170] : memref<3202056xi32, #tpu.memory_space<hbm>> -> memref<128xi32, #tpu.memory_space<hbm>>
    tpu.enqueue_dma source(%dma_start3A_179 : memref<128xi32, #tpu.memory_space<hbm>>) target(%dma_start3A_178 : memref<128xi32, #tpu.memory_space<vmem>>) target_semaphore(%arg12 : memref<!tpu.dma_semaphore, #tpu.memory_space<semaphore_mem>>)
    %add3A_180 = arith.constant 1792 : i32
    %add3A_181 = arith.addi %select_n3A, %add3A_180 : i32
    %multiple_of3A_182 = tpu.assume_multiple %add3A_181, 8 : i32
    %dma_start3A_183 = arith.constant 14 : i32
    %dma_start3A_184 = arith.constant 0 : i32
    %dma_start3A_185 = tpu.memref_slice %arg9[%dma_start3A_183, %dma_start3A_184] : memref<16x128xi32, #tpu.memory_space<vmem>> -> memref<1x128xi32, #tpu.memory_space<vmem>>
    %dma_start3A_186 = tpu.memref_squeeze %dma_start3A_185 : memref<1x128xi32, #tpu.memory_space<vmem>> -> memref<128xi32, #tpu.memory_space<vmem>>
    %dma_start3A_187 = tpu.memref_slice %arg5[%multiple_of3A_182] : memref<3202056xi32, #tpu.memory_space<hbm>> -> memref<128xi32, #tpu.memory_space<hbm>>
    %dma_start3A_188 = arith.constant 0 : i32
    %dma_start3A_189 = tpu.memref_slice %arg9[%dma_start3A_183, %dma_start3A_188] : memref<16x128xi32, #tpu.memory_space<vmem>> -> memref<1x128xi32, #tpu.memory_space<vmem>>
    %dma_start3A_190 = tpu.memref_squeeze %dma_start3A_189 : memref<1x128xi32, #tpu.memory_space<vmem>> -> memref<128xi32, #tpu.memory_space<vmem>>
    %dma_start3A_191 = tpu.memref_slice %arg5[%multiple_of3A_182] : memref<3202056xi32, #tpu.memory_space<hbm>> -> memref<128xi32, #tpu.memory_space<hbm>>
    tpu.enqueue_dma source(%dma_start3A_191 : memref<128xi32, #tpu.memory_space<hbm>>) target(%dma_start3A_190 : memref<128xi32, #tpu.memory_space<vmem>>) target_semaphore(%arg12 : memref<!tpu.dma_semaphore, #tpu.memory_space<semaphore_mem>>)
    %add3A_192 = arith.constant 1920 : i32
    %add3A_193 = arith.addi %select_n3A, %add3A_192 : i32
    %multiple_of3A_194 = tpu.assume_multiple %add3A_193, 8 : i32
    %dma_start3A_195 = arith.constant 15 : i32
    %dma_start3A_196 = arith.constant 0 : i32
    %dma_start3A_197 = tpu.memref_slice %arg9[%dma_start3A_195, %dma_start3A_196] : memref<16x128xi32, #tpu.memory_space<vmem>> -> memref<1x128xi32, #tpu.memory_space<vmem>>
    %dma_start3A_198 = tpu.memref_squeeze %dma_start3A_197 : memref<1x128xi32, #tpu.memory_space<vmem>> -> memref<128xi32, #tpu.memory_space<vmem>>
    %dma_start3A_199 = tpu.memref_slice %arg5[%multiple_of3A_194] : memref<3202056xi32, #tpu.memory_space<hbm>> -> memref<128xi32, #tpu.memory_space<hbm>>
    %dma_start3A_200 = arith.constant 0 : i32
    %dma_start3A_201 = tpu.memref_slice %arg9[%dma_start3A_195, %dma_start3A_200] : memref<16x128xi32, #tpu.memory_space<vmem>> -> memref<1x128xi32, #tpu.memory_space<vmem>>
    %dma_start3A_202 = tpu.memref_squeeze %dma_start3A_201 : memref<1x128xi32, #tpu.memory_space<vmem>> -> memref<128xi32, #tpu.memory_space<vmem>>
    %dma_start3A_203 = tpu.memref_slice %arg5[%multiple_of3A_194] : memref<3202056xi32, #tpu.memory_space<hbm>> -> memref<128xi32, #tpu.memory_space<hbm>>
    tpu.enqueue_dma source(%dma_start3A_203 : memref<128xi32, #tpu.memory_space<hbm>>) target(%dma_start3A_202 : memref<128xi32, #tpu.memory_space<vmem>>) target_semaphore(%arg12 : memref<!tpu.dma_semaphore, #tpu.memory_space<semaphore_mem>>)
    %dma_wait3A = arith.constant 0 : i32
    %dma_wait3A_204 = arith.constant 0 : i32
    %dma_wait3A_205 = tpu.memref_slice %arg9[%dma_wait3A, %dma_wait3A_204] : memref<16x128xi32, #tpu.memory_space<vmem>> -> memref<1x128xi32, #tpu.memory_space<vmem>>
    %dma_wait3A_206 = tpu.memref_squeeze %dma_wait3A_205 : memref<1x128xi32, #tpu.memory_space<vmem>> -> memref<128xi32, #tpu.memory_space<vmem>>
    %dma_wait3A_207 = tpu.memref_slice %arg5[%multiple_of3A] : memref<3202056xi32, #tpu.memory_space<hbm>> -> memref<128xi32, #tpu.memory_space<hbm>>
    %dma_wait3A_208 = arith.constant 0 : i32
    %dma_wait3A_209 = tpu.memref_slice %arg9[%dma_wait3A, %dma_wait3A_208] : memref<16x128xi32, #tpu.memory_space<vmem>> -> memref<1x128xi32, #tpu.memory_space<vmem>>
    %dma_wait3A_210 = tpu.memref_squeeze %dma_wait3A_209 : memref<1x128xi32, #tpu.memory_space<vmem>> -> memref<128xi32, #tpu.memory_space<vmem>>
    %dma_wait3A_211 = tpu.memref_slice %arg5[%multiple_of3A] : memref<3202056xi32, #tpu.memory_space<hbm>> -> memref<128xi32, #tpu.memory_space<hbm>>
    tpu.wait_dma2 semaphore(%arg12 : memref<!tpu.dma_semaphore, #tpu.memory_space<semaphore_mem>>) src(%dma_wait3A_211 : memref<128xi32, #tpu.memory_space<hbm>>) dst(%dma_wait3A_210 : memref<128xi32, #tpu.memory_space<vmem>>)
    %dma_wait3A_212 = arith.constant 1 : i32
    %dma_wait3A_213 = arith.constant 0 : i32
    %dma_wait3A_214 = tpu.memref_slice %arg9[%dma_wait3A_212, %dma_wait3A_213] : memref<16x128xi32, #tpu.memory_space<vmem>> -> memref<1x128xi32, #tpu.memory_space<vmem>>
    %dma_wait3A_215 = tpu.memref_squeeze %dma_wait3A_214 : memref<1x128xi32, #tpu.memory_space<vmem>> -> memref<128xi32, #tpu.memory_space<vmem>>
    %dma_wait3A_216 = tpu.memref_slice %arg5[%multiple_of3A_26] : memref<3202056xi32, #tpu.memory_space<hbm>> -> memref<128xi32, #tpu.memory_space<hbm>>
    %dma_wait3A_217 = arith.constant 0 : i32
    %dma_wait3A_218 = tpu.memref_slice %arg9[%dma_wait3A_212, %dma_wait3A_217] : memref<16x128xi32, #tpu.memory_space<vmem>> -> memref<1x128xi32, #tpu.memory_space<vmem>>
    %dma_wait3A_219 = tpu.memref_squeeze %dma_wait3A_218 : memref<1x128xi32, #tpu.memory_space<vmem>> -> memref<128xi32, #tpu.memory_space<vmem>>
    %dma_wait3A_220 = tpu.memref_slice %arg5[%multiple_of3A_26] : memref<3202056xi32, #tpu.memory_space<hbm>> -> memref<128xi32, #tpu.memory_space<hbm>>
    tpu.wait_dma2 semaphore(%arg12 : memref<!tpu.dma_semaphore, #tpu.memory_space<semaphore_mem>>) src(%dma_wait3A_220 : memref<128xi32, #tpu.memory_space<hbm>>) dst(%dma_wait3A_219 : memref<128xi32, #tpu.memory_space<vmem>>)
    %dma_wait3A_221 = arith.constant 2 : i32
    %dma_wait3A_222 = arith.constant 0 : i32
    %dma_wait3A_223 = tpu.memref_slice %arg9[%dma_wait3A_221, %dma_wait3A_222] : memref<16x128xi32, #tpu.memory_space<vmem>> -> memref<1x128xi32, #tpu.memory_space<vmem>>
    %dma_wait3A_224 = tpu.memref_squeeze %dma_wait3A_223 : memref<1x128xi32, #tpu.memory_space<vmem>> -> memref<128xi32, #tpu.memory_space<vmem>>
    %dma_wait3A_225 = tpu.memref_slice %arg5[%multiple_of3A_38] : memref<3202056xi32, #tpu.memory_space<hbm>> -> memref<128xi32, #tpu.memory_space<hbm>>
    %dma_wait3A_226 = arith.constant 0 : i32
    %dma_wait3A_227 = tpu.memref_slice %arg9[%dma_wait3A_221, %dma_wait3A_226] : memref<16x128xi32, #tpu.memory_space<vmem>> -> memref<1x128xi32, #tpu.memory_space<vmem>>
    %dma_wait3A_228 = tpu.memref_squeeze %dma_wait3A_227 : memref<1x128xi32, #tpu.memory_space<vmem>> -> memref<128xi32, #tpu.memory_space<vmem>>
    %dma_wait3A_229 = tpu.memref_slice %arg5[%multiple_of3A_38] : memref<3202056xi32, #tpu.memory_space<hbm>> -> memref<128xi32, #tpu.memory_space<hbm>>
    tpu.wait_dma2 semaphore(%arg12 : memref<!tpu.dma_semaphore, #tpu.memory_space<semaphore_mem>>) src(%dma_wait3A_229 : memref<128xi32, #tpu.memory_space<hbm>>) dst(%dma_wait3A_228 : memref<128xi32, #tpu.memory_space<vmem>>)
    %dma_wait3A_230 = arith.constant 3 : i32
    %dma_wait3A_231 = arith.constant 0 : i32
    %dma_wait3A_232 = tpu.memref_slice %arg9[%dma_wait3A_230, %dma_wait3A_231] : memref<16x128xi32, #tpu.memory_space<vmem>> -> memref<1x128xi32, #tpu.memory_space<vmem>>
    %dma_wait3A_233 = tpu.memref_squeeze %dma_wait3A_232 : memref<1x128xi32, #tpu.memory_space<vmem>> -> memref<128xi32, #tpu.memory_space<vmem>>
    %dma_wait3A_234 = tpu.memref_slice %arg5[%multiple_of3A_50] : memref<3202056xi32, #tpu.memory_space<hbm>> -> memref<128xi32, #tpu.memory_space<hbm>>
    %dma_wait3A_235 = arith.constant 0 : i32
    %dma_wait3A_236 = tpu.memref_slice %arg9[%dma_wait3A_230, %dma_wait3A_235] : memref<16x128xi32, #tpu.memory_space<vmem>> -> memref<1x128xi32, #tpu.memory_space<vmem>>
    %dma_wait3A_237 = tpu.memref_squeeze %dma_wait3A_236 : memref<1x128xi32, #tpu.memory_space<vmem>> -> memref<128xi32, #tpu.memory_space<vmem>>
    %dma_wait3A_238 = tpu.memref_slice %arg5[%multiple_of3A_50] : memref<3202056xi32, #tpu.memory_space<hbm>> -> memref<128xi32, #tpu.memory_space<hbm>>
    tpu.wait_dma2 semaphore(%arg12 : memref<!tpu.dma_semaphore, #tpu.memory_space<semaphore_mem>>) src(%dma_wait3A_238 : memref<128xi32, #tpu.memory_space<hbm>>) dst(%dma_wait3A_237 : memref<128xi32, #tpu.memory_space<vmem>>)
    %dma_wait3A_239 = arith.constant 4 : i32
    %dma_wait3A_240 = arith.constant 0 : i32
    %dma_wait3A_241 = tpu.memref_slice %arg9[%dma_wait3A_239, %dma_wait3A_240] : memref<16x128xi32, #tpu.memory_space<vmem>> -> memref<1x128xi32, #tpu.memory_space<vmem>>
    %dma_wait3A_242 = tpu.memref_squeeze %dma_wait3A_241 : memref<1x128xi32, #tpu.memory_space<vmem>> -> memref<128xi32, #tpu.memory_space<vmem>>
    %dma_wait3A_243 = tpu.memref_slice %arg5[%multiple_of3A_62] : memref<3202056xi32, #tpu.memory_space<hbm>> -> memref<128xi32, #tpu.memory_space<hbm>>
    %dma_wait3A_244 = arith.constant 0 : i32
    %dma_wait3A_245 = tpu.memref_slice %arg9[%dma_wait3A_239, %dma_wait3A_244] : memref<16x128xi32, #tpu.memory_space<vmem>> -> memref<1x128xi32, #tpu.memory_space<vmem>>
    %dma_wait3A_246 = tpu.memref_squeeze %dma_wait3A_245 : memref<1x128xi32, #tpu.memory_space<vmem>> -> memref<128xi32, #tpu.memory_space<vmem>>
    %dma_wait3A_247 = tpu.memref_slice %arg5[%multiple_of3A_62] : memref<3202056xi32, #tpu.memory_space<hbm>> -> memref<128xi32, #tpu.memory_space<hbm>>
    tpu.wait_dma2 semaphore(%arg12 : memref<!tpu.dma_semaphore, #tpu.memory_space<semaphore_mem>>) src(%dma_wait3A_247 : memref<128xi32, #tpu.memory_space<hbm>>) dst(%dma_wait3A_246 : memref<128xi32, #tpu.memory_space<vmem>>)
    %dma_wait3A_248 = arith.constant 5 : i32
    %dma_wait3A_249 = arith.constant 0 : i32
    %dma_wait3A_250 = tpu.memref_slice %arg9[%dma_wait3A_248, %dma_wait3A_249] : memref<16x128xi32, #tpu.memory_space<vmem>> -> memref<1x128xi32, #tpu.memory_space<vmem>>
    %dma_wait3A_251 = tpu.memref_squeeze %dma_wait3A_250 : memref<1x128xi32, #tpu.memory_space<vmem>> -> memref<128xi32, #tpu.memory_space<vmem>>
    %dma_wait3A_252 = tpu.memref_slice %arg5[%multiple_of3A_74] : memref<3202056xi32, #tpu.memory_space<hbm>> -> memref<128xi32, #tpu.memory_space<hbm>>
    %dma_wait3A_253 = arith.constant 0 : i32
    %dma_wait3A_254 = tpu.memref_slice %arg9[%dma_wait3A_248, %dma_wait3A_253] : memref<16x128xi32, #tpu.memory_space<vmem>> -> memref<1x128xi32, #tpu.memory_space<vmem>>
    %dma_wait3A_255 = tpu.memref_squeeze %dma_wait3A_254 : memref<1x128xi32, #tpu.memory_space<vmem>> -> memref<128xi32, #tpu.memory_space<vmem>>
    %dma_wait3A_256 = tpu.memref_slice %arg5[%multiple_of3A_74] : memref<3202056xi32, #tpu.memory_space<hbm>> -> memref<128xi32, #tpu.memory_space<hbm>>
    tpu.wait_dma2 semaphore(%arg12 : memref<!tpu.dma_semaphore, #tpu.memory_space<semaphore_mem>>) src(%dma_wait3A_256 : memref<128xi32, #tpu.memory_space<hbm>>) dst(%dma_wait3A_255 : memref<128xi32, #tpu.memory_space<vmem>>)
    %dma_wait3A_257 = arith.constant 6 : i32
    %dma_wait3A_258 = arith.constant 0 : i32
    %dma_wait3A_259 = tpu.memref_slice %arg9[%dma_wait3A_257, %dma_wait3A_258] : memref<16x128xi32, #tpu.memory_space<vmem>> -> memref<1x128xi32, #tpu.memory_space<vmem>>
    %dma_wait3A_260 = tpu.memref_squeeze %dma_wait3A_259 : memref<1x128xi32, #tpu.memory_space<vmem>> -> memref<128xi32, #tpu.memory_space<vmem>>
    %dma_wait3A_261 = tpu.memref_slice %arg5[%multiple_of3A_86] : memref<3202056xi32, #tpu.memory_space<hbm>> -> memref<128xi32, #tpu.memory_space<hbm>>
    %dma_wait3A_262 = arith.constant 0 : i32
    %dma_wait3A_263 = tpu.memref_slice %arg9[%dma_wait3A_257, %dma_wait3A_262] : memref<16x128xi32, #tpu.memory_space<vmem>> -> memref<1x128xi32, #tpu.memory_space<vmem>>
    %dma_wait3A_264 = tpu.memref_squeeze %dma_wait3A_263 : memref<1x128xi32, #tpu.memory_space<vmem>> -> memref<128xi32, #tpu.memory_space<vmem>>
    %dma_wait3A_265 = tpu.memref_slice %arg5[%multiple_of3A_86] : memref<3202056xi32, #tpu.memory_space<hbm>> -> memref<128xi32, #tpu.memory_space<hbm>>
    tpu.wait_dma2 semaphore(%arg12 : memref<!tpu.dma_semaphore, #tpu.memory_space<semaphore_mem>>) src(%dma_wait3A_265 : memref<128xi32, #tpu.memory_space<hbm>>) dst(%dma_wait3A_264 : memref<128xi32, #tpu.memory_space<vmem>>)
    %dma_wait3A_266 = arith.constant 7 : i32
    %dma_wait3A_267 = arith.constant 0 : i32
    %dma_wait3A_268 = tpu.memref_slice %arg9[%dma_wait3A_266, %dma_wait3A_267] : memref<16x128xi32, #tpu.memory_space<vmem>> -> memref<1x128xi32, #tpu.memory_space<vmem>>
    %dma_wait3A_269 = tpu.memref_squeeze %dma_wait3A_268 : memref<1x128xi32, #tpu.memory_space<vmem>> -> memref<128xi32, #tpu.memory_space<vmem>>
    %dma_wait3A_270 = tpu.memref_slice %arg5[%multiple_of3A_98] : memref<3202056xi32, #tpu.memory_space<hbm>> -> memref<128xi32, #tpu.memory_space<hbm>>
    %dma_wait3A_271 = arith.constant 0 : i32
    %dma_wait3A_272 = tpu.memref_slice %arg9[%dma_wait3A_266, %dma_wait3A_271] : memref<16x128xi32, #tpu.memory_space<vmem>> -> memref<1x128xi32, #tpu.memory_space<vmem>>
    %dma_wait3A_273 = tpu.memref_squeeze %dma_wait3A_272 : memref<1x128xi32, #tpu.memory_space<vmem>> -> memref<128xi32, #tpu.memory_space<vmem>>
    %dma_wait3A_274 = tpu.memref_slice %arg5[%multiple_of3A_98] : memref<3202056xi32, #tpu.memory_space<hbm>> -> memref<128xi32, #tpu.memory_space<hbm>>
    tpu.wait_dma2 semaphore(%arg12 : memref<!tpu.dma_semaphore, #tpu.memory_space<semaphore_mem>>) src(%dma_wait3A_274 : memref<128xi32, #tpu.memory_space<hbm>>) dst(%dma_wait3A_273 : memref<128xi32, #tpu.memory_space<vmem>>)
    %dma_wait3A_275 = arith.constant 8 : i32
    %dma_wait3A_276 = arith.constant 0 : i32
    %dma_wait3A_277 = tpu.memref_slice %arg9[%dma_wait3A_275, %dma_wait3A_276] : memref<16x128xi32, #tpu.memory_space<vmem>> -> memref<1x128xi32, #tpu.memory_space<vmem>>
    %dma_wait3A_278 = tpu.memref_squeeze %dma_wait3A_277 : memref<1x128xi32, #tpu.memory_space<vmem>> -> memref<128xi32, #tpu.memory_space<vmem>>
    %dma_wait3A_279 = tpu.memref_slice %arg5[%multiple_of3A_110] : memref<3202056xi32, #tpu.memory_space<hbm>> -> memref<128xi32, #tpu.memory_space<hbm>>
    %dma_wait3A_280 = arith.constant 0 : i32
    %dma_wait3A_281 = tpu.memref_slice %arg9[%dma_wait3A_275, %dma_wait3A_280] : memref<16x128xi32, #tpu.memory_space<vmem>> -> memref<1x128xi32, #tpu.memory_space<vmem>>
    %dma_wait3A_282 = tpu.memref_squeeze %dma_wait3A_281 : memref<1x128xi32, #tpu.memory_space<vmem>> -> memref<128xi32, #tpu.memory_space<vmem>>
    %dma_wait3A_283 = tpu.memref_slice %arg5[%multiple_of3A_110] : memref<3202056xi32, #tpu.memory_space<hbm>> -> memref<128xi32, #tpu.memory_space<hbm>>
    tpu.wait_dma2 semaphore(%arg12 : memref<!tpu.dma_semaphore, #tpu.memory_space<semaphore_mem>>) src(%dma_wait3A_283 : memref<128xi32, #tpu.memory_space<hbm>>) dst(%dma_wait3A_282 : memref<128xi32, #tpu.memory_space<vmem>>)
    %dma_wait3A_284 = arith.constant 9 : i32
    %dma_wait3A_285 = arith.constant 0 : i32
    %dma_wait3A_286 = tpu.memref_slice %arg9[%dma_wait3A_284, %dma_wait3A_285] : memref<16x128xi32, #tpu.memory_space<vmem>> -> memref<1x128xi32, #tpu.memory_space<vmem>>
    %dma_wait3A_287 = tpu.memref_squeeze %dma_wait3A_286 : memref<1x128xi32, #tpu.memory_space<vmem>> -> memref<128xi32, #tpu.memory_space<vmem>>
    %dma_wait3A_288 = tpu.memref_slice %arg5[%multiple_of3A_122] : memref<3202056xi32, #tpu.memory_space<hbm>> -> memref<128xi32, #tpu.memory_space<hbm>>
    %dma_wait3A_289 = arith.constant 0 : i32
    %dma_wait3A_290 = tpu.memref_slice %arg9[%dma_wait3A_284, %dma_wait3A_289] : memref<16x128xi32, #tpu.memory_space<vmem>> -> memref<1x128xi32, #tpu.memory_space<vmem>>
    %dma_wait3A_291 = tpu.memref_squeeze %dma_wait3A_290 : memref<1x128xi32, #tpu.memory_space<vmem>> -> memref<128xi32, #tpu.memory_space<vmem>>
    %dma_wait3A_292 = tpu.memref_slice %arg5[%multiple_of3A_122] : memref<3202056xi32, #tpu.memory_space<hbm>> -> memref<128xi32, #tpu.memory_space<hbm>>
    tpu.wait_dma2 semaphore(%arg12 : memref<!tpu.dma_semaphore, #tpu.memory_space<semaphore_mem>>) src(%dma_wait3A_292 : memref<128xi32, #tpu.memory_space<hbm>>) dst(%dma_wait3A_291 : memref<128xi32, #tpu.memory_space<vmem>>)
    %dma_wait3A_293 = arith.constant 10 : i32
    %dma_wait3A_294 = arith.constant 0 : i32
    %dma_wait3A_295 = tpu.memref_slice %arg9[%dma_wait3A_293, %dma_wait3A_294] : memref<16x128xi32, #tpu.memory_space<vmem>> -> memref<1x128xi32, #tpu.memory_space<vmem>>
    %dma_wait3A_296 = tpu.memref_squeeze %dma_wait3A_295 : memref<1x128xi32, #tpu.memory_space<vmem>> -> memref<128xi32, #tpu.memory_space<vmem>>
    %dma_wait3A_297 = tpu.memref_slice %arg5[%multiple_of3A_134] : memref<3202056xi32, #tpu.memory_space<hbm>> -> memref<128xi32, #tpu.memory_space<hbm>>
    %dma_wait3A_298 = arith.constant 0 : i32
    %dma_wait3A_299 = tpu.memref_slice %arg9[%dma_wait3A_293, %dma_wait3A_298] : memref<16x128xi32, #tpu.memory_space<vmem>> -> memref<1x128xi32, #tpu.memory_space<vmem>>
    %dma_wait3A_300 = tpu.memref_squeeze %dma_wait3A_299 : memref<1x128xi32, #tpu.memory_space<vmem>> -> memref<128xi32, #tpu.memory_space<vmem>>
    %dma_wait3A_301 = tpu.memref_slice %arg5[%multiple_of3A_134] : memref<3202056xi32, #tpu.memory_space<hbm>> -> memref<128xi32, #tpu.memory_space<hbm>>
    tpu.wait_dma2 semaphore(%arg12 : memref<!tpu.dma_semaphore, #tpu.memory_space<semaphore_mem>>) src(%dma_wait3A_301 : memref<128xi32, #tpu.memory_space<hbm>>) dst(%dma_wait3A_300 : memref<128xi32, #tpu.memory_space<vmem>>)
    %dma_wait3A_302 = arith.constant 11 : i32
    %dma_wait3A_303 = arith.constant 0 : i32
    %dma_wait3A_304 = tpu.memref_slice %arg9[%dma_wait3A_302, %dma_wait3A_303] : memref<16x128xi32, #tpu.memory_space<vmem>> -> memref<1x128xi32, #tpu.memory_space<vmem>>
    %dma_wait3A_305 = tpu.memref_squeeze %dma_wait3A_304 : memref<1x128xi32, #tpu.memory_space<vmem>> -> memref<128xi32, #tpu.memory_space<vmem>>
    %dma_wait3A_306 = tpu.memref_slice %arg5[%multiple_of3A_146] : memref<3202056xi32, #tpu.memory_space<hbm>> -> memref<128xi32, #tpu.memory_space<hbm>>
    %dma_wait3A_307 = arith.constant 0 : i32
    %dma_wait3A_308 = tpu.memref_slice %arg9[%dma_wait3A_302, %dma_wait3A_307] : memref<16x128xi32, #tpu.memory_space<vmem>> -> memref<1x128xi32, #tpu.memory_space<vmem>>
    %dma_wait3A_309 = tpu.memref_squeeze %dma_wait3A_308 : memref<1x128xi32, #tpu.memory_space<vmem>> -> memref<128xi32, #tpu.memory_space<vmem>>
    %dma_wait3A_310 = tpu.memref_slice %arg5[%multiple_of3A_146] : memref<3202056xi32, #tpu.memory_space<hbm>> -> memref<128xi32, #tpu.memory_space<hbm>>
    tpu.wait_dma2 semaphore(%arg12 : memref<!tpu.dma_semaphore, #tpu.memory_space<semaphore_mem>>) src(%dma_wait3A_310 : memref<128xi32, #tpu.memory_space<hbm>>) dst(%dma_wait3A_309 : memref<128xi32, #tpu.memory_space<vmem>>)
    %dma_wait3A_311 = arith.constant 12 : i32
    %dma_wait3A_312 = arith.constant 0 : i32
    %dma_wait3A_313 = tpu.memref_slice %arg9[%dma_wait3A_311, %dma_wait3A_312] : memref<16x128xi32, #tpu.memory_space<vmem>> -> memref<1x128xi32, #tpu.memory_space<vmem>>
    %dma_wait3A_314 = tpu.memref_squeeze %dma_wait3A_313 : memref<1x128xi32, #tpu.memory_space<vmem>> -> memref<128xi32, #tpu.memory_space<vmem>>
    %dma_wait3A_315 = tpu.memref_slice %arg5[%multiple_of3A_158] : memref<3202056xi32, #tpu.memory_space<hbm>> -> memref<128xi32, #tpu.memory_space<hbm>>
    %dma_wait3A_316 = arith.constant 0 : i32
    %dma_wait3A_317 = tpu.memref_slice %arg9[%dma_wait3A_311, %dma_wait3A_316] : memref<16x128xi32, #tpu.memory_space<vmem>> -> memref<1x128xi32, #tpu.memory_space<vmem>>
    %dma_wait3A_318 = tpu.memref_squeeze %dma_wait3A_317 : memref<1x128xi32, #tpu.memory_space<vmem>> -> memref<128xi32, #tpu.memory_space<vmem>>
    %dma_wait3A_319 = tpu.memref_slice %arg5[%multiple_of3A_158] : memref<3202056xi32, #tpu.memory_space<hbm>> -> memref<128xi32, #tpu.memory_space<hbm>>
    tpu.wait_dma2 semaphore(%arg12 : memref<!tpu.dma_semaphore, #tpu.memory_space<semaphore_mem>>) src(%dma_wait3A_319 : memref<128xi32, #tpu.memory_space<hbm>>) dst(%dma_wait3A_318 : memref<128xi32, #tpu.memory_space<vmem>>)
    %dma_wait3A_320 = arith.constant 13 : i32
    %dma_wait3A_321 = arith.constant 0 : i32
    %dma_wait3A_322 = tpu.memref_slice %arg9[%dma_wait3A_320, %dma_wait3A_321] : memref<16x128xi32, #tpu.memory_space<vmem>> -> memref<1x128xi32, #tpu.memory_space<vmem>>
    %dma_wait3A_323 = tpu.memref_squeeze %dma_wait3A_322 : memref<1x128xi32, #tpu.memory_space<vmem>> -> memref<128xi32, #tpu.memory_space<vmem>>
    %dma_wait3A_324 = tpu.memref_slice %arg5[%multiple_of3A_170] : memref<3202056xi32, #tpu.memory_space<hbm>> -> memref<128xi32, #tpu.memory_space<hbm>>
    %dma_wait3A_325 = arith.constant 0 : i32
    %dma_wait3A_326 = tpu.memref_slice %arg9[%dma_wait3A_320, %dma_wait3A_325] : memref<16x128xi32, #tpu.memory_space<vmem>> -> memref<1x128xi32, #tpu.memory_space<vmem>>
    %dma_wait3A_327 = tpu.memref_squeeze %dma_wait3A_326 : memref<1x128xi32, #tpu.memory_space<vmem>> -> memref<128xi32, #tpu.memory_space<vmem>>
    %dma_wait3A_328 = tpu.memref_slice %arg5[%multiple_of3A_170] : memref<3202056xi32, #tpu.memory_space<hbm>> -> memref<128xi32, #tpu.memory_space<hbm>>
    tpu.wait_dma2 semaphore(%arg12 : memref<!tpu.dma_semaphore, #tpu.memory_space<semaphore_mem>>) src(%dma_wait3A_328 : memref<128xi32, #tpu.memory_space<hbm>>) dst(%dma_wait3A_327 : memref<128xi32, #tpu.memory_space<vmem>>)
    %dma_wait3A_329 = arith.constant 14 : i32
    %dma_wait3A_330 = arith.constant 0 : i32
    %dma_wait3A_331 = tpu.memref_slice %arg9[%dma_wait3A_329, %dma_wait3A_330] : memref<16x128xi32, #tpu.memory_space<vmem>> -> memref<1x128xi32, #tpu.memory_space<vmem>>
    %dma_wait3A_332 = tpu.memref_squeeze %dma_wait3A_331 : memref<1x128xi32, #tpu.memory_space<vmem>> -> memref<128xi32, #tpu.memory_space<vmem>>
    %dma_wait3A_333 = tpu.memref_slice %arg5[%multiple_of3A_182] : memref<3202056xi32, #tpu.memory_space<hbm>> -> memref<128xi32, #tpu.memory_space<hbm>>
    %dma_wait3A_334 = arith.constant 0 : i32
    %dma_wait3A_335 = tpu.memref_slice %arg9[%dma_wait3A_329, %dma_wait3A_334] : memref<16x128xi32, #tpu.memory_space<vmem>> -> memref<1x128xi32, #tpu.memory_space<vmem>>
    %dma_wait3A_336 = tpu.memref_squeeze %dma_wait3A_335 : memref<1x128xi32, #tpu.memory_space<vmem>> -> memref<128xi32, #tpu.memory_space<vmem>>
    %dma_wait3A_337 = tpu.memref_slice %arg5[%multiple_of3A_182] : memref<3202056xi32, #tpu.memory_space<hbm>> -> memref<128xi32, #tpu.memory_space<hbm>>
    tpu.wait_dma2 semaphore(%arg12 : memref<!tpu.dma_semaphore, #tpu.memory_space<semaphore_mem>>) src(%dma_wait3A_337 : memref<128xi32, #tpu.memory_space<hbm>>) dst(%dma_wait3A_336 : memref<128xi32, #tpu.memory_space<vmem>>)
    %dma_wait3A_338 = arith.constant 15 : i32
    %dma_wait3A_339 = arith.constant 0 : i32
    %dma_wait3A_340 = tpu.memref_slice %arg9[%dma_wait3A_338, %dma_wait3A_339] : memref<16x128xi32, #tpu.memory_space<vmem>> -> memref<1x128xi32, #tpu.memory_space<vmem>>
    %dma_wait3A_341 = tpu.memref_squeeze %dma_wait3A_340 : memref<1x128xi32, #tpu.memory_space<vmem>> -> memref<128xi32, #tpu.memory_space<vmem>>
    %dma_wait3A_342 = tpu.memref_slice %arg5[%multiple_of3A_194] : memref<3202056xi32, #tpu.memory_space<hbm>> -> memref<128xi32, #tpu.memory_space<hbm>>
    %dma_wait3A_343 = arith.constant 0 : i32
    %dma_wait3A_344 = tpu.memref_slice %arg9[%dma_wait3A_338, %dma_wait3A_343] : memref<16x128xi32, #tpu.memory_space<vmem>> -> memref<1x128xi32, #tpu.memory_space<vmem>>
    %dma_wait3A_345 = tpu.memref_squeeze %dma_wait3A_344 : memref<1x128xi32, #tpu.memory_space<vmem>> -> memref<128xi32, #tpu.memory_space<vmem>>
    %dma_wait3A_346 = tpu.memref_slice %arg5[%multiple_of3A_194] : memref<3202056xi32, #tpu.memory_space<hbm>> -> memref<128xi32, #tpu.memory_space<hbm>>
    tpu.wait_dma2 semaphore(%arg12 : memref<!tpu.dma_semaphore, #tpu.memory_space<semaphore_mem>>) src(%dma_wait3A_346 : memref<128xi32, #tpu.memory_space<hbm>>) dst(%dma_wait3A_345 : memref<128xi32, #tpu.memory_space<vmem>>)
    %dma_start3A_347 = arith.constant 0 : i32
    %dma_start3A_348 = arith.constant 0 : i32
    %dma_start3A_349 = arith.constant 0 : i32
    %dma_start3A_350 = arith.constant 0 : i32
    %dma_start3A_351 = tpu.memref_slice %arg10[%dma_start3A_348, %dma_start3A_349, %dma_start3A_350] : memref<16x128x16xf32, #tpu.memory_space<vmem>> -> memref<1x128x16xf32, #tpu.memory_space<vmem>>
    %dma_start3A_352 = tpu.memref_squeeze %dma_start3A_351 : memref<1x128x16xf32, #tpu.memory_space<vmem>> -> memref<128x16xf32, #tpu.memory_space<vmem>>
    %dma_start3A_353 = arith.constant 0 : i32
    %dma_start3A_354 = tpu.memref_slice %arg9[%dma_start3A_347, %dma_start3A_353] : memref<16x128xi32, #tpu.memory_space<vmem>> -> memref<1x128xi32, #tpu.memory_space<vmem>>
    %dma_start3A_355 = tpu.memref_squeeze %dma_start3A_354 : memref<1x128xi32, #tpu.memory_space<vmem>> -> memref<128xi32, #tpu.memory_space<vmem>>
    %dma_start3A_356 = arith.constant 0 : i32
    %dma_start3A_357 = arith.constant 0 : i32
    %dma_start3A_358 = tpu.memref_slice %arg2[%dma_start3A_356, %dma_start3A_357] : memref<100352x16xf32, #tpu.memory_space<hbm>> -> memref<100352x16xf32, #tpu.memory_space<hbm>>
    tpu.enqueue_indirect_dma source(%dma_start3A_358 : memref<100352x16xf32, #tpu.memory_space<hbm>>) target(%dma_start3A_352 : memref<128x16xf32, #tpu.memory_space<vmem>>) offsets(%dma_start3A_355 : memref<128xi32, #tpu.memory_space<vmem>>) semaphore(%arg12 : memref<!tpu.dma_semaphore, #tpu.memory_space<semaphore_mem>>)
    %dma_start3A_359 = arith.constant 1 : i32
    %dma_start3A_360 = arith.constant 1 : i32
    %dma_start3A_361 = arith.constant 0 : i32
    %dma_start3A_362 = arith.constant 0 : i32
    %dma_start3A_363 = tpu.memref_slice %arg10[%dma_start3A_360, %dma_start3A_361, %dma_start3A_362] : memref<16x128x16xf32, #tpu.memory_space<vmem>> -> memref<1x128x16xf32, #tpu.memory_space<vmem>>
    %dma_start3A_364 = tpu.memref_squeeze %dma_start3A_363 : memref<1x128x16xf32, #tpu.memory_space<vmem>> -> memref<128x16xf32, #tpu.memory_space<vmem>>
    %dma_start3A_365 = arith.constant 0 : i32
    %dma_start3A_366 = tpu.memref_slice %arg9[%dma_start3A_359, %dma_start3A_365] : memref<16x128xi32, #tpu.memory_space<vmem>> -> memref<1x128xi32, #tpu.memory_space<vmem>>
    %dma_start3A_367 = tpu.memref_squeeze %dma_start3A_366 : memref<1x128xi32, #tpu.memory_space<vmem>> -> memref<128xi32, #tpu.memory_space<vmem>>
    %dma_start3A_368 = arith.constant 0 : i32
    %dma_start3A_369 = arith.constant 0 : i32
    %dma_start3A_370 = tpu.memref_slice %arg2[%dma_start3A_368, %dma_start3A_369] : memref<100352x16xf32, #tpu.memory_space<hbm>> -> memref<100352x16xf32, #tpu.memory_space<hbm>>
    tpu.enqueue_indirect_dma source(%dma_start3A_370 : memref<100352x16xf32, #tpu.memory_space<hbm>>) target(%dma_start3A_364 : memref<128x16xf32, #tpu.memory_space<vmem>>) offsets(%dma_start3A_367 : memref<128xi32, #tpu.memory_space<vmem>>) semaphore(%arg12 : memref<!tpu.dma_semaphore, #tpu.memory_space<semaphore_mem>>)
    %dma_start3A_371 = arith.constant 2 : i32
    %dma_start3A_372 = arith.constant 2 : i32
    %dma_start3A_373 = arith.constant 0 : i32
    %dma_start3A_374 = arith.constant 0 : i32
    %dma_start3A_375 = tpu.memref_slice %arg10[%dma_start3A_372, %dma_start3A_373, %dma_start3A_374] : memref<16x128x16xf32, #tpu.memory_space<vmem>> -> memref<1x128x16xf32, #tpu.memory_space<vmem>>
    %dma_start3A_376 = tpu.memref_squeeze %dma_start3A_375 : memref<1x128x16xf32, #tpu.memory_space<vmem>> -> memref<128x16xf32, #tpu.memory_space<vmem>>
    %dma_start3A_377 = arith.constant 0 : i32
    %dma_start3A_378 = tpu.memref_slice %arg9[%dma_start3A_371, %dma_start3A_377] : memref<16x128xi32, #tpu.memory_space<vmem>> -> memref<1x128xi32, #tpu.memory_space<vmem>>
    %dma_start3A_379 = tpu.memref_squeeze %dma_start3A_378 : memref<1x128xi32, #tpu.memory_space<vmem>> -> memref<128xi32, #tpu.memory_space<vmem>>
    %dma_start3A_380 = arith.constant 0 : i32
    %dma_start3A_381 = arith.constant 0 : i32
    %dma_start3A_382 = tpu.memref_slice %arg2[%dma_start3A_380, %dma_start3A_381] : memref<100352x16xf32, #tpu.memory_space<hbm>> -> memref<100352x16xf32, #tpu.memory_space<hbm>>
    tpu.enqueue_indirect_dma source(%dma_start3A_382 : memref<100352x16xf32, #tpu.memory_space<hbm>>) target(%dma_start3A_376 : memref<128x16xf32, #tpu.memory_space<vmem>>) offsets(%dma_start3A_379 : memref<128xi32, #tpu.memory_space<vmem>>) semaphore(%arg12 : memref<!tpu.dma_semaphore, #tpu.memory_space<semaphore_mem>>)
    %dma_start3A_383 = arith.constant 3 : i32
    %dma_start3A_384 = arith.constant 3 : i32
    %dma_start3A_385 = arith.constant 0 : i32
    %dma_start3A_386 = arith.constant 0 : i32
    %dma_start3A_387 = tpu.memref_slice %arg10[%dma_start3A_384, %dma_start3A_385, %dma_start3A_386] : memref<16x128x16xf32, #tpu.memory_space<vmem>> -> memref<1x128x16xf32, #tpu.memory_space<vmem>>
    %dma_start3A_388 = tpu.memref_squeeze %dma_start3A_387 : memref<1x128x16xf32, #tpu.memory_space<vmem>> -> memref<128x16xf32, #tpu.memory_space<vmem>>
    %dma_start3A_389 = arith.constant 0 : i32
    %dma_start3A_390 = tpu.memref_slice %arg9[%dma_start3A_383, %dma_start3A_389] : memref<16x128xi32, #tpu.memory_space<vmem>> -> memref<1x128xi32, #tpu.memory_space<vmem>>
    %dma_start3A_391 = tpu.memref_squeeze %dma_start3A_390 : memref<1x128xi32, #tpu.memory_space<vmem>> -> memref<128xi32, #tpu.memory_space<vmem>>
    %dma_start3A_392 = arith.constant 0 : i32
    %dma_start3A_393 = arith.constant 0 : i32
    %dma_start3A_394 = tpu.memref_slice %arg2[%dma_start3A_392, %dma_start3A_393] : memref<100352x16xf32, #tpu.memory_space<hbm>> -> memref<100352x16xf32, #tpu.memory_space<hbm>>
    tpu.enqueue_indirect_dma source(%dma_start3A_394 : memref<100352x16xf32, #tpu.memory_space<hbm>>) target(%dma_start3A_388 : memref<128x16xf32, #tpu.memory_space<vmem>>) offsets(%dma_start3A_391 : memref<128xi32, #tpu.memory_space<vmem>>) semaphore(%arg12 : memref<!tpu.dma_semaphore, #tpu.memory_space<semaphore_mem>>)
    %dma_start3A_395 = arith.constant 4 : i32
    %dma_start3A_396 = arith.constant 4 : i32
    %dma_start3A_397 = arith.constant 0 : i32
    %dma_start3A_398 = arith.constant 0 : i32
    %dma_start3A_399 = tpu.memref_slice %arg10[%dma_start3A_396, %dma_start3A_397, %dma_start3A_398] : memref<16x128x16xf32, #tpu.memory_space<vmem>> -> memref<1x128x16xf32, #tpu.memory_space<vmem>>
    %dma_start3A_400 = tpu.memref_squeeze %dma_start3A_399 : memref<1x128x16xf32, #tpu.memory_space<vmem>> -> memref<128x16xf32, #tpu.memory_space<vmem>>
    %dma_start3A_401 = arith.constant 0 : i32
    %dma_start3A_402 = tpu.memref_slice %arg9[%dma_start3A_395, %dma_start3A_401] : memref<16x128xi32, #tpu.memory_space<vmem>> -> memref<1x128xi32, #tpu.memory_space<vmem>>
    %dma_start3A_403 = tpu.memref_squeeze %dma_start3A_402 : memref<1x128xi32, #tpu.memory_space<vmem>> -> memref<128xi32, #tpu.memory_space<vmem>>
    %dma_start3A_404 = arith.constant 0 : i32
    %dma_start3A_405 = arith.constant 0 : i32
    %dma_start3A_406 = tpu.memref_slice %arg2[%dma_start3A_404, %dma_start3A_405] : memref<100352x16xf32, #tpu.memory_space<hbm>> -> memref<100352x16xf32, #tpu.memory_space<hbm>>
    tpu.enqueue_indirect_dma source(%dma_start3A_406 : memref<100352x16xf32, #tpu.memory_space<hbm>>) target(%dma_start3A_400 : memref<128x16xf32, #tpu.memory_space<vmem>>) offsets(%dma_start3A_403 : memref<128xi32, #tpu.memory_space<vmem>>) semaphore(%arg12 : memref<!tpu.dma_semaphore, #tpu.memory_space<semaphore_mem>>)
    %dma_start3A_407 = arith.constant 5 : i32
    %dma_start3A_408 = arith.constant 5 : i32
    %dma_start3A_409 = arith.constant 0 : i32
    %dma_start3A_410 = arith.constant 0 : i32
    %dma_start3A_411 = tpu.memref_slice %arg10[%dma_start3A_408, %dma_start3A_409, %dma_start3A_410] : memref<16x128x16xf32, #tpu.memory_space<vmem>> -> memref<1x128x16xf32, #tpu.memory_space<vmem>>
    %dma_start3A_412 = tpu.memref_squeeze %dma_start3A_411 : memref<1x128x16xf32, #tpu.memory_space<vmem>> -> memref<128x16xf32, #tpu.memory_space<vmem>>
    %dma_start3A_413 = arith.constant 0 : i32
    %dma_start3A_414 = tpu.memref_slice %arg9[%dma_start3A_407, %dma_start3A_413] : memref<16x128xi32, #tpu.memory_space<vmem>> -> memref<1x128xi32, #tpu.memory_space<vmem>>
    %dma_start3A_415 = tpu.memref_squeeze %dma_start3A_414 : memref<1x128xi32, #tpu.memory_space<vmem>> -> memref<128xi32, #tpu.memory_space<vmem>>
    %dma_start3A_416 = arith.constant 0 : i32
    %dma_start3A_417 = arith.constant 0 : i32
    %dma_start3A_418 = tpu.memref_slice %arg2[%dma_start3A_416, %dma_start3A_417] : memref<100352x16xf32, #tpu.memory_space<hbm>> -> memref<100352x16xf32, #tpu.memory_space<hbm>>
    tpu.enqueue_indirect_dma source(%dma_start3A_418 : memref<100352x16xf32, #tpu.memory_space<hbm>>) target(%dma_start3A_412 : memref<128x16xf32, #tpu.memory_space<vmem>>) offsets(%dma_start3A_415 : memref<128xi32, #tpu.memory_space<vmem>>) semaphore(%arg12 : memref<!tpu.dma_semaphore, #tpu.memory_space<semaphore_mem>>)
    %dma_start3A_419 = arith.constant 6 : i32
    %dma_start3A_420 = arith.constant 6 : i32
    %dma_start3A_421 = arith.constant 0 : i32
    %dma_start3A_422 = arith.constant 0 : i32
    %dma_start3A_423 = tpu.memref_slice %arg10[%dma_start3A_420, %dma_start3A_421, %dma_start3A_422] : memref<16x128x16xf32, #tpu.memory_space<vmem>> -> memref<1x128x16xf32, #tpu.memory_space<vmem>>
    %dma_start3A_424 = tpu.memref_squeeze %dma_start3A_423 : memref<1x128x16xf32, #tpu.memory_space<vmem>> -> memref<128x16xf32, #tpu.memory_space<vmem>>
    %dma_start3A_425 = arith.constant 0 : i32
    %dma_start3A_426 = tpu.memref_slice %arg9[%dma_start3A_419, %dma_start3A_425] : memref<16x128xi32, #tpu.memory_space<vmem>> -> memref<1x128xi32, #tpu.memory_space<vmem>>
    %dma_start3A_427 = tpu.memref_squeeze %dma_start3A_426 : memref<1x128xi32, #tpu.memory_space<vmem>> -> memref<128xi32, #tpu.memory_space<vmem>>
    %dma_start3A_428 = arith.constant 0 : i32
    %dma_start3A_429 = arith.constant 0 : i32
    %dma_start3A_430 = tpu.memref_slice %arg2[%dma_start3A_428, %dma_start3A_429] : memref<100352x16xf32, #tpu.memory_space<hbm>> -> memref<100352x16xf32, #tpu.memory_space<hbm>>
    tpu.enqueue_indirect_dma source(%dma_start3A_430 : memref<100352x16xf32, #tpu.memory_space<hbm>>) target(%dma_start3A_424 : memref<128x16xf32, #tpu.memory_space<vmem>>) offsets(%dma_start3A_427 : memref<128xi32, #tpu.memory_space<vmem>>) semaphore(%arg12 : memref<!tpu.dma_semaphore, #tpu.memory_space<semaphore_mem>>)
    %dma_start3A_431 = arith.constant 7 : i32
    %dma_start3A_432 = arith.constant 7 : i32
    %dma_start3A_433 = arith.constant 0 : i32
    %dma_start3A_434 = arith.constant 0 : i32
    %dma_start3A_435 = tpu.memref_slice %arg10[%dma_start3A_432, %dma_start3A_433, %dma_start3A_434] : memref<16x128x16xf32, #tpu.memory_space<vmem>> -> memref<1x128x16xf32, #tpu.memory_space<vmem>>
    %dma_start3A_436 = tpu.memref_squeeze %dma_start3A_435 : memref<1x128x16xf32, #tpu.memory_space<vmem>> -> memref<128x16xf32, #tpu.memory_space<vmem>>
    %dma_start3A_437 = arith.constant 0 : i32
    %dma_start3A_438 = tpu.memref_slice %arg9[%dma_start3A_431, %dma_start3A_437] : memref<16x128xi32, #tpu.memory_space<vmem>> -> memref<1x128xi32, #tpu.memory_space<vmem>>
    %dma_start3A_439 = tpu.memref_squeeze %dma_start3A_438 : memref<1x128xi32, #tpu.memory_space<vmem>> -> memref<128xi32, #tpu.memory_space<vmem>>
    %dma_start3A_440 = arith.constant 0 : i32
    %dma_start3A_441 = arith.constant 0 : i32
    %dma_start3A_442 = tpu.memref_slice %arg2[%dma_start3A_440, %dma_start3A_441] : memref<100352x16xf32, #tpu.memory_space<hbm>> -> memref<100352x16xf32, #tpu.memory_space<hbm>>
    tpu.enqueue_indirect_dma source(%dma_start3A_442 : memref<100352x16xf32, #tpu.memory_space<hbm>>) target(%dma_start3A_436 : memref<128x16xf32, #tpu.memory_space<vmem>>) offsets(%dma_start3A_439 : memref<128xi32, #tpu.memory_space<vmem>>) semaphore(%arg12 : memref<!tpu.dma_semaphore, #tpu.memory_space<semaphore_mem>>)
    %dma_start3A_443 = arith.constant 8 : i32
    %dma_start3A_444 = arith.constant 8 : i32
    %dma_start3A_445 = arith.constant 0 : i32
    %dma_start3A_446 = arith.constant 0 : i32
    %dma_start3A_447 = tpu.memref_slice %arg10[%dma_start3A_444, %dma_start3A_445, %dma_start3A_446] : memref<16x128x16xf32, #tpu.memory_space<vmem>> -> memref<1x128x16xf32, #tpu.memory_space<vmem>>
    %dma_start3A_448 = tpu.memref_squeeze %dma_start3A_447 : memref<1x128x16xf32, #tpu.memory_space<vmem>> -> memref<128x16xf32, #tpu.memory_space<vmem>>
    %dma_start3A_449 = arith.constant 0 : i32
    %dma_start3A_450 = tpu.memref_slice %arg9[%dma_start3A_443, %dma_start3A_449] : memref<16x128xi32, #tpu.memory_space<vmem>> -> memref<1x128xi32, #tpu.memory_space<vmem>>
    %dma_start3A_451 = tpu.memref_squeeze %dma_start3A_450 : memref<1x128xi32, #tpu.memory_space<vmem>> -> memref<128xi32, #tpu.memory_space<vmem>>
    %dma_start3A_452 = arith.constant 0 : i32
    %dma_start3A_453 = arith.constant 0 : i32
    %dma_start3A_454 = tpu.memref_slice %arg2[%dma_start3A_452, %dma_start3A_453] : memref<100352x16xf32, #tpu.memory_space<hbm>> -> memref<100352x16xf32, #tpu.memory_space<hbm>>
    tpu.enqueue_indirect_dma source(%dma_start3A_454 : memref<100352x16xf32, #tpu.memory_space<hbm>>) target(%dma_start3A_448 : memref<128x16xf32, #tpu.memory_space<vmem>>) offsets(%dma_start3A_451 : memref<128xi32, #tpu.memory_space<vmem>>) semaphore(%arg12 : memref<!tpu.dma_semaphore, #tpu.memory_space<semaphore_mem>>)
    %dma_start3A_455 = arith.constant 9 : i32
    %dma_start3A_456 = arith.constant 9 : i32
    %dma_start3A_457 = arith.constant 0 : i32
    %dma_start3A_458 = arith.constant 0 : i32
    %dma_start3A_459 = tpu.memref_slice %arg10[%dma_start3A_456, %dma_start3A_457, %dma_start3A_458] : memref<16x128x16xf32, #tpu.memory_space<vmem>> -> memref<1x128x16xf32, #tpu.memory_space<vmem>>
    %dma_start3A_460 = tpu.memref_squeeze %dma_start3A_459 : memref<1x128x16xf32, #tpu.memory_space<vmem>> -> memref<128x16xf32, #tpu.memory_space<vmem>>
    %dma_start3A_461 = arith.constant 0 : i32
    %dma_start3A_462 = tpu.memref_slice %arg9[%dma_start3A_455, %dma_start3A_461] : memref<16x128xi32, #tpu.memory_space<vmem>> -> memref<1x128xi32, #tpu.memory_space<vmem>>
    %dma_start3A_463 = tpu.memref_squeeze %dma_start3A_462 : memref<1x128xi32, #tpu.memory_space<vmem>> -> memref<128xi32, #tpu.memory_space<vmem>>
    %dma_start3A_464 = arith.constant 0 : i32
    %dma_start3A_465 = arith.constant 0 : i32
    %dma_start3A_466 = tpu.memref_slice %arg2[%dma_start3A_464, %dma_start3A_465] : memref<100352x16xf32, #tpu.memory_space<hbm>> -> memref<100352x16xf32, #tpu.memory_space<hbm>>
    tpu.enqueue_indirect_dma source(%dma_start3A_466 : memref<100352x16xf32, #tpu.memory_space<hbm>>) target(%dma_start3A_460 : memref<128x16xf32, #tpu.memory_space<vmem>>) offsets(%dma_start3A_463 : memref<128xi32, #tpu.memory_space<vmem>>) semaphore(%arg12 : memref<!tpu.dma_semaphore, #tpu.memory_space<semaphore_mem>>)
    %dma_start3A_467 = arith.constant 10 : i32
    %dma_start3A_468 = arith.constant 10 : i32
    %dma_start3A_469 = arith.constant 0 : i32
    %dma_start3A_470 = arith.constant 0 : i32
    %dma_start3A_471 = tpu.memref_slice %arg10[%dma_start3A_468, %dma_start3A_469, %dma_start3A_470] : memref<16x128x16xf32, #tpu.memory_space<vmem>> -> memref<1x128x16xf32, #tpu.memory_space<vmem>>
    %dma_start3A_472 = tpu.memref_squeeze %dma_start3A_471 : memref<1x128x16xf32, #tpu.memory_space<vmem>> -> memref<128x16xf32, #tpu.memory_space<vmem>>
    %dma_start3A_473 = arith.constant 0 : i32
    %dma_start3A_474 = tpu.memref_slice %arg9[%dma_start3A_467, %dma_start3A_473] : memref<16x128xi32, #tpu.memory_space<vmem>> -> memref<1x128xi32, #tpu.memory_space<vmem>>
    %dma_start3A_475 = tpu.memref_squeeze %dma_start3A_474 : memref<1x128xi32, #tpu.memory_space<vmem>> -> memref<128xi32, #tpu.memory_space<vmem>>
    %dma_start3A_476 = arith.constant 0 : i32
    %dma_start3A_477 = arith.constant 0 : i32
    %dma_start3A_478 = tpu.memref_slice %arg2[%dma_start3A_476, %dma_start3A_477] : memref<100352x16xf32, #tpu.memory_space<hbm>> -> memref<100352x16xf32, #tpu.memory_space<hbm>>
    tpu.enqueue_indirect_dma source(%dma_start3A_478 : memref<100352x16xf32, #tpu.memory_space<hbm>>) target(%dma_start3A_472 : memref<128x16xf32, #tpu.memory_space<vmem>>) offsets(%dma_start3A_475 : memref<128xi32, #tpu.memory_space<vmem>>) semaphore(%arg12 : memref<!tpu.dma_semaphore, #tpu.memory_space<semaphore_mem>>)
    %dma_start3A_479 = arith.constant 11 : i32
    %dma_start3A_480 = arith.constant 11 : i32
    %dma_start3A_481 = arith.constant 0 : i32
    %dma_start3A_482 = arith.constant 0 : i32
    %dma_start3A_483 = tpu.memref_slice %arg10[%dma_start3A_480, %dma_start3A_481, %dma_start3A_482] : memref<16x128x16xf32, #tpu.memory_space<vmem>> -> memref<1x128x16xf32, #tpu.memory_space<vmem>>
    %dma_start3A_484 = tpu.memref_squeeze %dma_start3A_483 : memref<1x128x16xf32, #tpu.memory_space<vmem>> -> memref<128x16xf32, #tpu.memory_space<vmem>>
    %dma_start3A_485 = arith.constant 0 : i32
    %dma_start3A_486 = tpu.memref_slice %arg9[%dma_start3A_479, %dma_start3A_485] : memref<16x128xi32, #tpu.memory_space<vmem>> -> memref<1x128xi32, #tpu.memory_space<vmem>>
    %dma_start3A_487 = tpu.memref_squeeze %dma_start3A_486 : memref<1x128xi32, #tpu.memory_space<vmem>> -> memref<128xi32, #tpu.memory_space<vmem>>
    %dma_start3A_488 = arith.constant 0 : i32
    %dma_start3A_489 = arith.constant 0 : i32
    %dma_start3A_490 = tpu.memref_slice %arg2[%dma_start3A_488, %dma_start3A_489] : memref<100352x16xf32, #tpu.memory_space<hbm>> -> memref<100352x16xf32, #tpu.memory_space<hbm>>
    tpu.enqueue_indirect_dma source(%dma_start3A_490 : memref<100352x16xf32, #tpu.memory_space<hbm>>) target(%dma_start3A_484 : memref<128x16xf32, #tpu.memory_space<vmem>>) offsets(%dma_start3A_487 : memref<128xi32, #tpu.memory_space<vmem>>) semaphore(%arg12 : memref<!tpu.dma_semaphore, #tpu.memory_space<semaphore_mem>>)
    %dma_start3A_491 = arith.constant 12 : i32
    %dma_start3A_492 = arith.constant 12 : i32
    %dma_start3A_493 = arith.constant 0 : i32
    %dma_start3A_494 = arith.constant 0 : i32
    %dma_start3A_495 = tpu.memref_slice %arg10[%dma_start3A_492, %dma_start3A_493, %dma_start3A_494] : memref<16x128x16xf32, #tpu.memory_space<vmem>> -> memref<1x128x16xf32, #tpu.memory_space<vmem>>
    %dma_start3A_496 = tpu.memref_squeeze %dma_start3A_495 : memref<1x128x16xf32, #tpu.memory_space<vmem>> -> memref<128x16xf32, #tpu.memory_space<vmem>>
    %dma_start3A_497 = arith.constant 0 : i32
    %dma_start3A_498 = tpu.memref_slice %arg9[%dma_start3A_491, %dma_start3A_497] : memref<16x128xi32, #tpu.memory_space<vmem>> -> memref<1x128xi32, #tpu.memory_space<vmem>>
    %dma_start3A_499 = tpu.memref_squeeze %dma_start3A_498 : memref<1x128xi32, #tpu.memory_space<vmem>> -> memref<128xi32, #tpu.memory_space<vmem>>
    %dma_start3A_500 = arith.constant 0 : i32
    %dma_start3A_501 = arith.constant 0 : i32
    %dma_start3A_502 = tpu.memref_slice %arg2[%dma_start3A_500, %dma_start3A_501] : memref<100352x16xf32, #tpu.memory_space<hbm>> -> memref<100352x16xf32, #tpu.memory_space<hbm>>
    tpu.enqueue_indirect_dma source(%dma_start3A_502 : memref<100352x16xf32, #tpu.memory_space<hbm>>) target(%dma_start3A_496 : memref<128x16xf32, #tpu.memory_space<vmem>>) offsets(%dma_start3A_499 : memref<128xi32, #tpu.memory_space<vmem>>) semaphore(%arg12 : memref<!tpu.dma_semaphore, #tpu.memory_space<semaphore_mem>>)
    %dma_start3A_503 = arith.constant 13 : i32
    %dma_start3A_504 = arith.constant 13 : i32
    %dma_start3A_505 = arith.constant 0 : i32
    %dma_start3A_506 = arith.constant 0 : i32
    %dma_start3A_507 = tpu.memref_slice %arg10[%dma_start3A_504, %dma_start3A_505, %dma_start3A_506] : memref<16x128x16xf32, #tpu.memory_space<vmem>> -> memref<1x128x16xf32, #tpu.memory_space<vmem>>
    %dma_start3A_508 = tpu.memref_squeeze %dma_start3A_507 : memref<1x128x16xf32, #tpu.memory_space<vmem>> -> memref<128x16xf32, #tpu.memory_space<vmem>>
    %dma_start3A_509 = arith.constant 0 : i32
    %dma_start3A_510 = tpu.memref_slice %arg9[%dma_start3A_503, %dma_start3A_509] : memref<16x128xi32, #tpu.memory_space<vmem>> -> memref<1x128xi32, #tpu.memory_space<vmem>>
    %dma_start3A_511 = tpu.memref_squeeze %dma_start3A_510 : memref<1x128xi32, #tpu.memory_space<vmem>> -> memref<128xi32, #tpu.memory_space<vmem>>
    %dma_start3A_512 = arith.constant 0 : i32
    %dma_start3A_513 = arith.constant 0 : i32
    %dma_start3A_514 = tpu.memref_slice %arg2[%dma_start3A_512, %dma_start3A_513] : memref<100352x16xf32, #tpu.memory_space<hbm>> -> memref<100352x16xf32, #tpu.memory_space<hbm>>
    tpu.enqueue_indirect_dma source(%dma_start3A_514 : memref<100352x16xf32, #tpu.memory_space<hbm>>) target(%dma_start3A_508 : memref<128x16xf32, #tpu.memory_space<vmem>>) offsets(%dma_start3A_511 : memref<128xi32, #tpu.memory_space<vmem>>) semaphore(%arg12 : memref<!tpu.dma_semaphore, #tpu.memory_space<semaphore_mem>>)
    %dma_start3A_515 = arith.constant 14 : i32
    %dma_start3A_516 = arith.constant 14 : i32
    %dma_start3A_517 = arith.constant 0 : i32
    %dma_start3A_518 = arith.constant 0 : i32
    %dma_start3A_519 = tpu.memref_slice %arg10[%dma_start3A_516, %dma_start3A_517, %dma_start3A_518] : memref<16x128x16xf32, #tpu.memory_space<vmem>> -> memref<1x128x16xf32, #tpu.memory_space<vmem>>
    %dma_start3A_520 = tpu.memref_squeeze %dma_start3A_519 : memref<1x128x16xf32, #tpu.memory_space<vmem>> -> memref<128x16xf32, #tpu.memory_space<vmem>>
    %dma_start3A_521 = arith.constant 0 : i32
    %dma_start3A_522 = tpu.memref_slice %arg9[%dma_start3A_515, %dma_start3A_521] : memref<16x128xi32, #tpu.memory_space<vmem>> -> memref<1x128xi32, #tpu.memory_space<vmem>>
    %dma_start3A_523 = tpu.memref_squeeze %dma_start3A_522 : memref<1x128xi32, #tpu.memory_space<vmem>> -> memref<128xi32, #tpu.memory_space<vmem>>
    %dma_start3A_524 = arith.constant 0 : i32
    %dma_start3A_525 = arith.constant 0 : i32
    %dma_start3A_526 = tpu.memref_slice %arg2[%dma_start3A_524, %dma_start3A_525] : memref<100352x16xf32, #tpu.memory_space<hbm>> -> memref<100352x16xf32, #tpu.memory_space<hbm>>
    tpu.enqueue_indirect_dma source(%dma_start3A_526 : memref<100352x16xf32, #tpu.memory_space<hbm>>) target(%dma_start3A_520 : memref<128x16xf32, #tpu.memory_space<vmem>>) offsets(%dma_start3A_523 : memref<128xi32, #tpu.memory_space<vmem>>) semaphore(%arg12 : memref<!tpu.dma_semaphore, #tpu.memory_space<semaphore_mem>>)
    %dma_start3A_527 = arith.constant 15 : i32
    %dma_start3A_528 = arith.constant 15 : i32
    %dma_start3A_529 = arith.constant 0 : i32
    %dma_start3A_530 = arith.constant 0 : i32
    %dma_start3A_531 = tpu.memref_slice %arg10[%dma_start3A_528, %dma_start3A_529, %dma_start3A_530] : memref<16x128x16xf32, #tpu.memory_space<vmem>> -> memref<1x128x16xf32, #tpu.memory_space<vmem>>
    %dma_start3A_532 = tpu.memref_squeeze %dma_start3A_531 : memref<1x128x16xf32, #tpu.memory_space<vmem>> -> memref<128x16xf32, #tpu.memory_space<vmem>>
    %dma_start3A_533 = arith.constant 0 : i32
    %dma_start3A_534 = tpu.memref_slice %arg9[%dma_start3A_527, %dma_start3A_533] : memref<16x128xi32, #tpu.memory_space<vmem>> -> memref<1x128xi32, #tpu.memory_space<vmem>>
    %dma_start3A_535 = tpu.memref_squeeze %dma_start3A_534 : memref<1x128xi32, #tpu.memory_space<vmem>> -> memref<128xi32, #tpu.memory_space<vmem>>
    %dma_start3A_536 = arith.constant 0 : i32
    %dma_start3A_537 = arith.constant 0 : i32
    %dma_start3A_538 = tpu.memref_slice %arg2[%dma_start3A_536, %dma_start3A_537] : memref<100352x16xf32, #tpu.memory_space<hbm>> -> memref<100352x16xf32, #tpu.memory_space<hbm>>
    tpu.enqueue_indirect_dma source(%dma_start3A_538 : memref<100352x16xf32, #tpu.memory_space<hbm>>) target(%dma_start3A_532 : memref<128x16xf32, #tpu.memory_space<vmem>>) offsets(%dma_start3A_535 : memref<128xi32, #tpu.memory_space<vmem>>) semaphore(%arg12 : memref<!tpu.dma_semaphore, #tpu.memory_space<semaphore_mem>>)
    %dma_wait3A_539 = arith.constant 0 : i32
    %dma_wait3A_540 = arith.constant 0 : i32
    %dma_wait3A_541 = arith.constant 0 : i32
    %dma_wait3A_542 = arith.constant 0 : i32
    %dma_wait3A_543 = tpu.memref_slice %arg10[%dma_wait3A_540, %dma_wait3A_541, %dma_wait3A_542] : memref<16x128x16xf32, #tpu.memory_space<vmem>> -> memref<1x128x16xf32, #tpu.memory_space<vmem>>
    %dma_wait3A_544 = tpu.memref_squeeze %dma_wait3A_543 : memref<1x128x16xf32, #tpu.memory_space<vmem>> -> memref<128x16xf32, #tpu.memory_space<vmem>>
    %dma_wait3A_545 = arith.constant 0 : i32
    %dma_wait3A_546 = tpu.memref_slice %arg9[%dma_wait3A_539, %dma_wait3A_545] : memref<16x128xi32, #tpu.memory_space<vmem>> -> memref<1x128xi32, #tpu.memory_space<vmem>>
    %dma_wait3A_547 = tpu.memref_squeeze %dma_wait3A_546 : memref<1x128xi32, #tpu.memory_space<vmem>> -> memref<128xi32, #tpu.memory_space<vmem>>
    %dma_wait3A_548 = arith.constant 0 : i32
    %dma_wait3A_549 = arith.constant 0 : i32
    %dma_wait3A_550 = tpu.memref_slice %arg2[%dma_wait3A_548, %dma_wait3A_549] : memref<100352x16xf32, #tpu.memory_space<hbm>> -> memref<100352x16xf32, #tpu.memory_space<hbm>>
    tpu.wait_indirect_dma semaphore(%arg12 : memref<!tpu.dma_semaphore, #tpu.memory_space<semaphore_mem>>) src(%dma_wait3A_550 : memref<100352x16xf32, #tpu.memory_space<hbm>>) dst(%dma_wait3A_544 : memref<128x16xf32, #tpu.memory_space<vmem>>)
    %dma_wait3A_551 = arith.constant 1 : i32
    %dma_wait3A_552 = arith.constant 1 : i32
    %dma_wait3A_553 = arith.constant 0 : i32
    %dma_wait3A_554 = arith.constant 0 : i32
    %dma_wait3A_555 = tpu.memref_slice %arg10[%dma_wait3A_552, %dma_wait3A_553, %dma_wait3A_554] : memref<16x128x16xf32, #tpu.memory_space<vmem>> -> memref<1x128x16xf32, #tpu.memory_space<vmem>>
    %dma_wait3A_556 = tpu.memref_squeeze %dma_wait3A_555 : memref<1x128x16xf32, #tpu.memory_space<vmem>> -> memref<128x16xf32, #tpu.memory_space<vmem>>
    %dma_wait3A_557 = arith.constant 0 : i32
    %dma_wait3A_558 = tpu.memref_slice %arg9[%dma_wait3A_551, %dma_wait3A_557] : memref<16x128xi32, #tpu.memory_space<vmem>> -> memref<1x128xi32, #tpu.memory_space<vmem>>
    %dma_wait3A_559 = tpu.memref_squeeze %dma_wait3A_558 : memref<1x128xi32, #tpu.memory_space<vmem>> -> memref<128xi32, #tpu.memory_space<vmem>>
    %dma_wait3A_560 = arith.constant 0 : i32
    %dma_wait3A_561 = arith.constant 0 : i32
    %dma_wait3A_562 = tpu.memref_slice %arg2[%dma_wait3A_560, %dma_wait3A_561] : memref<100352x16xf32, #tpu.memory_space<hbm>> -> memref<100352x16xf32, #tpu.memory_space<hbm>>
    tpu.wait_indirect_dma semaphore(%arg12 : memref<!tpu.dma_semaphore, #tpu.memory_space<semaphore_mem>>) src(%dma_wait3A_562 : memref<100352x16xf32, #tpu.memory_space<hbm>>) dst(%dma_wait3A_556 : memref<128x16xf32, #tpu.memory_space<vmem>>)
    %dma_wait3A_563 = arith.constant 2 : i32
    %dma_wait3A_564 = arith.constant 2 : i32
    %dma_wait3A_565 = arith.constant 0 : i32
    %dma_wait3A_566 = arith.constant 0 : i32
    %dma_wait3A_567 = tpu.memref_slice %arg10[%dma_wait3A_564, %dma_wait3A_565, %dma_wait3A_566] : memref<16x128x16xf32, #tpu.memory_space<vmem>> -> memref<1x128x16xf32, #tpu.memory_space<vmem>>
    %dma_wait3A_568 = tpu.memref_squeeze %dma_wait3A_567 : memref<1x128x16xf32, #tpu.memory_space<vmem>> -> memref<128x16xf32, #tpu.memory_space<vmem>>
    %dma_wait3A_569 = arith.constant 0 : i32
    %dma_wait3A_570 = tpu.memref_slice %arg9[%dma_wait3A_563, %dma_wait3A_569] : memref<16x128xi32, #tpu.memory_space<vmem>> -> memref<1x128xi32, #tpu.memory_space<vmem>>
    %dma_wait3A_571 = tpu.memref_squeeze %dma_wait3A_570 : memref<1x128xi32, #tpu.memory_space<vmem>> -> memref<128xi32, #tpu.memory_space<vmem>>
    %dma_wait3A_572 = arith.constant 0 : i32
    %dma_wait3A_573 = arith.constant 0 : i32
    %dma_wait3A_574 = tpu.memref_slice %arg2[%dma_wait3A_572, %dma_wait3A_573] : memref<100352x16xf32, #tpu.memory_space<hbm>> -> memref<100352x16xf32, #tpu.memory_space<hbm>>
    tpu.wait_indirect_dma semaphore(%arg12 : memref<!tpu.dma_semaphore, #tpu.memory_space<semaphore_mem>>) src(%dma_wait3A_574 : memref<100352x16xf32, #tpu.memory_space<hbm>>) dst(%dma_wait3A_568 : memref<128x16xf32, #tpu.memory_space<vmem>>)
    %dma_wait3A_575 = arith.constant 3 : i32
    %dma_wait3A_576 = arith.constant 3 : i32
    %dma_wait3A_577 = arith.constant 0 : i32
    %dma_wait3A_578 = arith.constant 0 : i32
    %dma_wait3A_579 = tpu.memref_slice %arg10[%dma_wait3A_576, %dma_wait3A_577, %dma_wait3A_578] : memref<16x128x16xf32, #tpu.memory_space<vmem>> -> memref<1x128x16xf32, #tpu.memory_space<vmem>>
    %dma_wait3A_580 = tpu.memref_squeeze %dma_wait3A_579 : memref<1x128x16xf32, #tpu.memory_space<vmem>> -> memref<128x16xf32, #tpu.memory_space<vmem>>
    %dma_wait3A_581 = arith.constant 0 : i32
    %dma_wait3A_582 = tpu.memref_slice %arg9[%dma_wait3A_575, %dma_wait3A_581] : memref<16x128xi32, #tpu.memory_space<vmem>> -> memref<1x128xi32, #tpu.memory_space<vmem>>
    %dma_wait3A_583 = tpu.memref_squeeze %dma_wait3A_582 : memref<1x128xi32, #tpu.memory_space<vmem>> -> memref<128xi32, #tpu.memory_space<vmem>>
    %dma_wait3A_584 = arith.constant 0 : i32
    %dma_wait3A_585 = arith.constant 0 : i32
    %dma_wait3A_586 = tpu.memref_slice %arg2[%dma_wait3A_584, %dma_wait3A_585] : memref<100352x16xf32, #tpu.memory_space<hbm>> -> memref<100352x16xf32, #tpu.memory_space<hbm>>
    tpu.wait_indirect_dma semaphore(%arg12 : memref<!tpu.dma_semaphore, #tpu.memory_space<semaphore_mem>>) src(%dma_wait3A_586 : memref<100352x16xf32, #tpu.memory_space<hbm>>) dst(%dma_wait3A_580 : memref<128x16xf32, #tpu.memory_space<vmem>>)
    %dma_wait3A_587 = arith.constant 4 : i32
    %dma_wait3A_588 = arith.constant 4 : i32
    %dma_wait3A_589 = arith.constant 0 : i32
    %dma_wait3A_590 = arith.constant 0 : i32
    %dma_wait3A_591 = tpu.memref_slice %arg10[%dma_wait3A_588, %dma_wait3A_589, %dma_wait3A_590] : memref<16x128x16xf32, #tpu.memory_space<vmem>> -> memref<1x128x16xf32, #tpu.memory_space<vmem>>
    %dma_wait3A_592 = tpu.memref_squeeze %dma_wait3A_591 : memref<1x128x16xf32, #tpu.memory_space<vmem>> -> memref<128x16xf32, #tpu.memory_space<vmem>>
    %dma_wait3A_593 = arith.constant 0 : i32
    %dma_wait3A_594 = tpu.memref_slice %arg9[%dma_wait3A_587, %dma_wait3A_593] : memref<16x128xi32, #tpu.memory_space<vmem>> -> memref<1x128xi32, #tpu.memory_space<vmem>>
    %dma_wait3A_595 = tpu.memref_squeeze %dma_wait3A_594 : memref<1x128xi32, #tpu.memory_space<vmem>> -> memref<128xi32, #tpu.memory_space<vmem>>
    %dma_wait3A_596 = arith.constant 0 : i32
    %dma_wait3A_597 = arith.constant 0 : i32
    %dma_wait3A_598 = tpu.memref_slice %arg2[%dma_wait3A_596, %dma_wait3A_597] : memref<100352x16xf32, #tpu.memory_space<hbm>> -> memref<100352x16xf32, #tpu.memory_space<hbm>>
    tpu.wait_indirect_dma semaphore(%arg12 : memref<!tpu.dma_semaphore, #tpu.memory_space<semaphore_mem>>) src(%dma_wait3A_598 : memref<100352x16xf32, #tpu.memory_space<hbm>>) dst(%dma_wait3A_592 : memref<128x16xf32, #tpu.memory_space<vmem>>)
    %dma_wait3A_599 = arith.constant 5 : i32
    %dma_wait3A_600 = arith.constant 5 : i32
    %dma_wait3A_601 = arith.constant 0 : i32
    %dma_wait3A_602 = arith.constant 0 : i32
    %dma_wait3A_603 = tpu.memref_slice %arg10[%dma_wait3A_600, %dma_wait3A_601, %dma_wait3A_602] : memref<16x128x16xf32, #tpu.memory_space<vmem>> -> memref<1x128x16xf32, #tpu.memory_space<vmem>>
    %dma_wait3A_604 = tpu.memref_squeeze %dma_wait3A_603 : memref<1x128x16xf32, #tpu.memory_space<vmem>> -> memref<128x16xf32, #tpu.memory_space<vmem>>
    %dma_wait3A_605 = arith.constant 0 : i32
    %dma_wait3A_606 = tpu.memref_slice %arg9[%dma_wait3A_599, %dma_wait3A_605] : memref<16x128xi32, #tpu.memory_space<vmem>> -> memref<1x128xi32, #tpu.memory_space<vmem>>
    %dma_wait3A_607 = tpu.memref_squeeze %dma_wait3A_606 : memref<1x128xi32, #tpu.memory_space<vmem>> -> memref<128xi32, #tpu.memory_space<vmem>>
    %dma_wait3A_608 = arith.constant 0 : i32
    %dma_wait3A_609 = arith.constant 0 : i32
    %dma_wait3A_610 = tpu.memref_slice %arg2[%dma_wait3A_608, %dma_wait3A_609] : memref<100352x16xf32, #tpu.memory_space<hbm>> -> memref<100352x16xf32, #tpu.memory_space<hbm>>
    tpu.wait_indirect_dma semaphore(%arg12 : memref<!tpu.dma_semaphore, #tpu.memory_space<semaphore_mem>>) src(%dma_wait3A_610 : memref<100352x16xf32, #tpu.memory_space<hbm>>) dst(%dma_wait3A_604 : memref<128x16xf32, #tpu.memory_space<vmem>>)
    %dma_wait3A_611 = arith.constant 6 : i32
    %dma_wait3A_612 = arith.constant 6 : i32
    %dma_wait3A_613 = arith.constant 0 : i32
    %dma_wait3A_614 = arith.constant 0 : i32
    %dma_wait3A_615 = tpu.memref_slice %arg10[%dma_wait3A_612, %dma_wait3A_613, %dma_wait3A_614] : memref<16x128x16xf32, #tpu.memory_space<vmem>> -> memref<1x128x16xf32, #tpu.memory_space<vmem>>
    %dma_wait3A_616 = tpu.memref_squeeze %dma_wait3A_615 : memref<1x128x16xf32, #tpu.memory_space<vmem>> -> memref<128x16xf32, #tpu.memory_space<vmem>>
    %dma_wait3A_617 = arith.constant 0 : i32
    %dma_wait3A_618 = tpu.memref_slice %arg9[%dma_wait3A_611, %dma_wait3A_617] : memref<16x128xi32, #tpu.memory_space<vmem>> -> memref<1x128xi32, #tpu.memory_space<vmem>>
    %dma_wait3A_619 = tpu.memref_squeeze %dma_wait3A_618 : memref<1x128xi32, #tpu.memory_space<vmem>> -> memref<128xi32, #tpu.memory_space<vmem>>
    %dma_wait3A_620 = arith.constant 0 : i32
    %dma_wait3A_621 = arith.constant 0 : i32
    %dma_wait3A_622 = tpu.memref_slice %arg2[%dma_wait3A_620, %dma_wait3A_621] : memref<100352x16xf32, #tpu.memory_space<hbm>> -> memref<100352x16xf32, #tpu.memory_space<hbm>>
    tpu.wait_indirect_dma semaphore(%arg12 : memref<!tpu.dma_semaphore, #tpu.memory_space<semaphore_mem>>) src(%dma_wait3A_622 : memref<100352x16xf32, #tpu.memory_space<hbm>>) dst(%dma_wait3A_616 : memref<128x16xf32, #tpu.memory_space<vmem>>)
    %dma_wait3A_623 = arith.constant 7 : i32
    %dma_wait3A_624 = arith.constant 7 : i32
    %dma_wait3A_625 = arith.constant 0 : i32
    %dma_wait3A_626 = arith.constant 0 : i32
    %dma_wait3A_627 = tpu.memref_slice %arg10[%dma_wait3A_624, %dma_wait3A_625, %dma_wait3A_626] : memref<16x128x16xf32, #tpu.memory_space<vmem>> -> memref<1x128x16xf32, #tpu.memory_space<vmem>>
    %dma_wait3A_628 = tpu.memref_squeeze %dma_wait3A_627 : memref<1x128x16xf32, #tpu.memory_space<vmem>> -> memref<128x16xf32, #tpu.memory_space<vmem>>
    %dma_wait3A_629 = arith.constant 0 : i32
    %dma_wait3A_630 = tpu.memref_slice %arg9[%dma_wait3A_623, %dma_wait3A_629] : memref<16x128xi32, #tpu.memory_space<vmem>> -> memref<1x128xi32, #tpu.memory_space<vmem>>
    %dma_wait3A_631 = tpu.memref_squeeze %dma_wait3A_630 : memref<1x128xi32, #tpu.memory_space<vmem>> -> memref<128xi32, #tpu.memory_space<vmem>>
    %dma_wait3A_632 = arith.constant 0 : i32
    %dma_wait3A_633 = arith.constant 0 : i32
    %dma_wait3A_634 = tpu.memref_slice %arg2[%dma_wait3A_632, %dma_wait3A_633] : memref<100352x16xf32, #tpu.memory_space<hbm>> -> memref<100352x16xf32, #tpu.memory_space<hbm>>
    tpu.wait_indirect_dma semaphore(%arg12 : memref<!tpu.dma_semaphore, #tpu.memory_space<semaphore_mem>>) src(%dma_wait3A_634 : memref<100352x16xf32, #tpu.memory_space<hbm>>) dst(%dma_wait3A_628 : memref<128x16xf32, #tpu.memory_space<vmem>>)
    %dma_wait3A_635 = arith.constant 8 : i32
    %dma_wait3A_636 = arith.constant 8 : i32
    %dma_wait3A_637 = arith.constant 0 : i32
    %dma_wait3A_638 = arith.constant 0 : i32
    %dma_wait3A_639 = tpu.memref_slice %arg10[%dma_wait3A_636, %dma_wait3A_637, %dma_wait3A_638] : memref<16x128x16xf32, #tpu.memory_space<vmem>> -> memref<1x128x16xf32, #tpu.memory_space<vmem>>
    %dma_wait3A_640 = tpu.memref_squeeze %dma_wait3A_639 : memref<1x128x16xf32, #tpu.memory_space<vmem>> -> memref<128x16xf32, #tpu.memory_space<vmem>>
    %dma_wait3A_641 = arith.constant 0 : i32
    %dma_wait3A_642 = tpu.memref_slice %arg9[%dma_wait3A_635, %dma_wait3A_641] : memref<16x128xi32, #tpu.memory_space<vmem>> -> memref<1x128xi32, #tpu.memory_space<vmem>>
    %dma_wait3A_643 = tpu.memref_squeeze %dma_wait3A_642 : memref<1x128xi32, #tpu.memory_space<vmem>> -> memref<128xi32, #tpu.memory_space<vmem>>
    %dma_wait3A_644 = arith.constant 0 : i32
    %dma_wait3A_645 = arith.constant 0 : i32
    %dma_wait3A_646 = tpu.memref_slice %arg2[%dma_wait3A_644, %dma_wait3A_645] : memref<100352x16xf32, #tpu.memory_space<hbm>> -> memref<100352x16xf32, #tpu.memory_space<hbm>>
    tpu.wait_indirect_dma semaphore(%arg12 : memref<!tpu.dma_semaphore, #tpu.memory_space<semaphore_mem>>) src(%dma_wait3A_646 : memref<100352x16xf32, #tpu.memory_space<hbm>>) dst(%dma_wait3A_640 : memref<128x16xf32, #tpu.memory_space<vmem>>)
    %dma_wait3A_647 = arith.constant 9 : i32
    %dma_wait3A_648 = arith.constant 9 : i32
    %dma_wait3A_649 = arith.constant 0 : i32
    %dma_wait3A_650 = arith.constant 0 : i32
    %dma_wait3A_651 = tpu.memref_slice %arg10[%dma_wait3A_648, %dma_wait3A_649, %dma_wait3A_650] : memref<16x128x16xf32, #tpu.memory_space<vmem>> -> memref<1x128x16xf32, #tpu.memory_space<vmem>>
    %dma_wait3A_652 = tpu.memref_squeeze %dma_wait3A_651 : memref<1x128x16xf32, #tpu.memory_space<vmem>> -> memref<128x16xf32, #tpu.memory_space<vmem>>
    %dma_wait3A_653 = arith.constant 0 : i32
    %dma_wait3A_654 = tpu.memref_slice %arg9[%dma_wait3A_647, %dma_wait3A_653] : memref<16x128xi32, #tpu.memory_space<vmem>> -> memref<1x128xi32, #tpu.memory_space<vmem>>
    %dma_wait3A_655 = tpu.memref_squeeze %dma_wait3A_654 : memref<1x128xi32, #tpu.memory_space<vmem>> -> memref<128xi32, #tpu.memory_space<vmem>>
    %dma_wait3A_656 = arith.constant 0 : i32
    %dma_wait3A_657 = arith.constant 0 : i32
    %dma_wait3A_658 = tpu.memref_slice %arg2[%dma_wait3A_656, %dma_wait3A_657] : memref<100352x16xf32, #tpu.memory_space<hbm>> -> memref<100352x16xf32, #tpu.memory_space<hbm>>
    tpu.wait_indirect_dma semaphore(%arg12 : memref<!tpu.dma_semaphore, #tpu.memory_space<semaphore_mem>>) src(%dma_wait3A_658 : memref<100352x16xf32, #tpu.memory_space<hbm>>) dst(%dma_wait3A_652 : memref<128x16xf32, #tpu.memory_space<vmem>>)
    %dma_wait3A_659 = arith.constant 10 : i32
    %dma_wait3A_660 = arith.constant 10 : i32
    %dma_wait3A_661 = arith.constant 0 : i32
    %dma_wait3A_662 = arith.constant 0 : i32
    %dma_wait3A_663 = tpu.memref_slice %arg10[%dma_wait3A_660, %dma_wait3A_661, %dma_wait3A_662] : memref<16x128x16xf32, #tpu.memory_space<vmem>> -> memref<1x128x16xf32, #tpu.memory_space<vmem>>
    %dma_wait3A_664 = tpu.memref_squeeze %dma_wait3A_663 : memref<1x128x16xf32, #tpu.memory_space<vmem>> -> memref<128x16xf32, #tpu.memory_space<vmem>>
    %dma_wait3A_665 = arith.constant 0 : i32
    %dma_wait3A_666 = tpu.memref_slice %arg9[%dma_wait3A_659, %dma_wait3A_665] : memref<16x128xi32, #tpu.memory_space<vmem>> -> memref<1x128xi32, #tpu.memory_space<vmem>>
    %dma_wait3A_667 = tpu.memref_squeeze %dma_wait3A_666 : memref<1x128xi32, #tpu.memory_space<vmem>> -> memref<128xi32, #tpu.memory_space<vmem>>
    %dma_wait3A_668 = arith.constant 0 : i32
    %dma_wait3A_669 = arith.constant 0 : i32
    %dma_wait3A_670 = tpu.memref_slice %arg2[%dma_wait3A_668, %dma_wait3A_669] : memref<100352x16xf32, #tpu.memory_space<hbm>> -> memref<100352x16xf32, #tpu.memory_space<hbm>>
    tpu.wait_indirect_dma semaphore(%arg12 : memref<!tpu.dma_semaphore, #tpu.memory_space<semaphore_mem>>) src(%dma_wait3A_670 : memref<100352x16xf32, #tpu.memory_space<hbm>>) dst(%dma_wait3A_664 : memref<128x16xf32, #tpu.memory_space<vmem>>)
    %dma_wait3A_671 = arith.constant 11 : i32
    %dma_wait3A_672 = arith.constant 11 : i32
    %dma_wait3A_673 = arith.constant 0 : i32
    %dma_wait3A_674 = arith.constant 0 : i32
    %dma_wait3A_675 = tpu.memref_slice %arg10[%dma_wait3A_672, %dma_wait3A_673, %dma_wait3A_674] : memref<16x128x16xf32, #tpu.memory_space<vmem>> -> memref<1x128x16xf32, #tpu.memory_space<vmem>>
    %dma_wait3A_676 = tpu.memref_squeeze %dma_wait3A_675 : memref<1x128x16xf32, #tpu.memory_space<vmem>> -> memref<128x16xf32, #tpu.memory_space<vmem>>
    %dma_wait3A_677 = arith.constant 0 : i32
    %dma_wait3A_678 = tpu.memref_slice %arg9[%dma_wait3A_671, %dma_wait3A_677] : memref<16x128xi32, #tpu.memory_space<vmem>> -> memref<1x128xi32, #tpu.memory_space<vmem>>
    %dma_wait3A_679 = tpu.memref_squeeze %dma_wait3A_678 : memref<1x128xi32, #tpu.memory_space<vmem>> -> memref<128xi32, #tpu.memory_space<vmem>>
    %dma_wait3A_680 = arith.constant 0 : i32
    %dma_wait3A_681 = arith.constant 0 : i32
    %dma_wait3A_682 = tpu.memref_slice %arg2[%dma_wait3A_680, %dma_wait3A_681] : memref<100352x16xf32, #tpu.memory_space<hbm>> -> memref<100352x16xf32, #tpu.memory_space<hbm>>
    tpu.wait_indirect_dma semaphore(%arg12 : memref<!tpu.dma_semaphore, #tpu.memory_space<semaphore_mem>>) src(%dma_wait3A_682 : memref<100352x16xf32, #tpu.memory_space<hbm>>) dst(%dma_wait3A_676 : memref<128x16xf32, #tpu.memory_space<vmem>>)
    %dma_wait3A_683 = arith.constant 12 : i32
    %dma_wait3A_684 = arith.constant 12 : i32
    %dma_wait3A_685 = arith.constant 0 : i32
    %dma_wait3A_686 = arith.constant 0 : i32
    %dma_wait3A_687 = tpu.memref_slice %arg10[%dma_wait3A_684, %dma_wait3A_685, %dma_wait3A_686] : memref<16x128x16xf32, #tpu.memory_space<vmem>> -> memref<1x128x16xf32, #tpu.memory_space<vmem>>
    %dma_wait3A_688 = tpu.memref_squeeze %dma_wait3A_687 : memref<1x128x16xf32, #tpu.memory_space<vmem>> -> memref<128x16xf32, #tpu.memory_space<vmem>>
    %dma_wait3A_689 = arith.constant 0 : i32
    %dma_wait3A_690 = tpu.memref_slice %arg9[%dma_wait3A_683, %dma_wait3A_689] : memref<16x128xi32, #tpu.memory_space<vmem>> -> memref<1x128xi32, #tpu.memory_space<vmem>>
    %dma_wait3A_691 = tpu.memref_squeeze %dma_wait3A_690 : memref<1x128xi32, #tpu.memory_space<vmem>> -> memref<128xi32, #tpu.memory_space<vmem>>
    %dma_wait3A_692 = arith.constant 0 : i32
    %dma_wait3A_693 = arith.constant 0 : i32
    %dma_wait3A_694 = tpu.memref_slice %arg2[%dma_wait3A_692, %dma_wait3A_693] : memref<100352x16xf32, #tpu.memory_space<hbm>> -> memref<100352x16xf32, #tpu.memory_space<hbm>>
    tpu.wait_indirect_dma semaphore(%arg12 : memref<!tpu.dma_semaphore, #tpu.memory_space<semaphore_mem>>) src(%dma_wait3A_694 : memref<100352x16xf32, #tpu.memory_space<hbm>>) dst(%dma_wait3A_688 : memref<128x16xf32, #tpu.memory_space<vmem>>)
    %dma_wait3A_695 = arith.constant 13 : i32
    %dma_wait3A_696 = arith.constant 13 : i32
    %dma_wait3A_697 = arith.constant 0 : i32
    %dma_wait3A_698 = arith.constant 0 : i32
    %dma_wait3A_699 = tpu.memref_slice %arg10[%dma_wait3A_696, %dma_wait3A_697, %dma_wait3A_698] : memref<16x128x16xf32, #tpu.memory_space<vmem>> -> memref<1x128x16xf32, #tpu.memory_space<vmem>>
    %dma_wait3A_700 = tpu.memref_squeeze %dma_wait3A_699 : memref<1x128x16xf32, #tpu.memory_space<vmem>> -> memref<128x16xf32, #tpu.memory_space<vmem>>
    %dma_wait3A_701 = arith.constant 0 : i32
    %dma_wait3A_702 = tpu.memref_slice %arg9[%dma_wait3A_695, %dma_wait3A_701] : memref<16x128xi32, #tpu.memory_space<vmem>> -> memref<1x128xi32, #tpu.memory_space<vmem>>
    %dma_wait3A_703 = tpu.memref_squeeze %dma_wait3A_702 : memref<1x128xi32, #tpu.memory_space<vmem>> -> memref<128xi32, #tpu.memory_space<vmem>>
    %dma_wait3A_704 = arith.constant 0 : i32
    %dma_wait3A_705 = arith.constant 0 : i32
    %dma_wait3A_706 = tpu.memref_slice %arg2[%dma_wait3A_704, %dma_wait3A_705] : memref<100352x16xf32, #tpu.memory_space<hbm>> -> memref<100352x16xf32, #tpu.memory_space<hbm>>
    tpu.wait_indirect_dma semaphore(%arg12 : memref<!tpu.dma_semaphore, #tpu.memory_space<semaphore_mem>>) src(%dma_wait3A_706 : memref<100352x16xf32, #tpu.memory_space<hbm>>) dst(%dma_wait3A_700 : memref<128x16xf32, #tpu.memory_space<vmem>>)
    %dma_wait3A_707 = arith.constant 14 : i32
    %dma_wait3A_708 = arith.constant 14 : i32
    %dma_wait3A_709 = arith.constant 0 : i32
    %dma_wait3A_710 = arith.constant 0 : i32
    %dma_wait3A_711 = tpu.memref_slice %arg10[%dma_wait3A_708, %dma_wait3A_709, %dma_wait3A_710] : memref<16x128x16xf32, #tpu.memory_space<vmem>> -> memref<1x128x16xf32, #tpu.memory_space<vmem>>
    %dma_wait3A_712 = tpu.memref_squeeze %dma_wait3A_711 : memref<1x128x16xf32, #tpu.memory_space<vmem>> -> memref<128x16xf32, #tpu.memory_space<vmem>>
    %dma_wait3A_713 = arith.constant 0 : i32
    %dma_wait3A_714 = tpu.memref_slice %arg9[%dma_wait3A_707, %dma_wait3A_713] : memref<16x128xi32, #tpu.memory_space<vmem>> -> memref<1x128xi32, #tpu.memory_space<vmem>>
    %dma_wait3A_715 = tpu.memref_squeeze %dma_wait3A_714 : memref<1x128xi32, #tpu.memory_space<vmem>> -> memref<128xi32, #tpu.memory_space<vmem>>
    %dma_wait3A_716 = arith.constant 0 : i32
    %dma_wait3A_717 = arith.constant 0 : i32
    %dma_wait3A_718 = tpu.memref_slice %arg2[%dma_wait3A_716, %dma_wait3A_717] : memref<100352x16xf32, #tpu.memory_space<hbm>> -> memref<100352x16xf32, #tpu.memory_space<hbm>>
    tpu.wait_indirect_dma semaphore(%arg12 : memref<!tpu.dma_semaphore, #tpu.memory_space<semaphore_mem>>) src(%dma_wait3A_718 : memref<100352x16xf32, #tpu.memory_space<hbm>>) dst(%dma_wait3A_712 : memref<128x16xf32, #tpu.memory_space<vmem>>)
    %dma_wait3A_719 = arith.constant 15 : i32
    %dma_wait3A_720 = arith.constant 15 : i32
    %dma_wait3A_721 = arith.constant 0 : i32
    %dma_wait3A_722 = arith.constant 0 : i32
    %dma_wait3A_723 = tpu.memref_slice %arg10[%dma_wait3A_720, %dma_wait3A_721, %dma_wait3A_722] : memref<16x128x16xf32, #tpu.memory_space<vmem>> -> memref<1x128x16xf32, #tpu.memory_space<vmem>>
    %dma_wait3A_724 = tpu.memref_squeeze %dma_wait3A_723 : memref<1x128x16xf32, #tpu.memory_space<vmem>> -> memref<128x16xf32, #tpu.memory_space<vmem>>
    %dma_wait3A_725 = arith.constant 0 : i32
    %dma_wait3A_726 = tpu.memref_slice %arg9[%dma_wait3A_719, %dma_wait3A_725] : memref<16x128xi32, #tpu.memory_space<vmem>> -> memref<1x128xi32, #tpu.memory_space<vmem>>
    %dma_wait3A_727 = tpu.memref_squeeze %dma_wait3A_726 : memref<1x128xi32, #tpu.memory_space<vmem>> -> memref<128xi32, #tpu.memory_space<vmem>>
    %dma_wait3A_728 = arith.constant 0 : i32
    %dma_wait3A_729 = arith.constant 0 : i32
    %dma_wait3A_730 = tpu.memref_slice %arg2[%dma_wait3A_728, %dma_wait3A_729] : memref<100352x16xf32, #tpu.memory_space<hbm>> -> memref<100352x16xf32, #tpu.memory_space<hbm>>
    tpu.wait_indirect_dma semaphore(%arg12 : memref<!tpu.dma_semaphore, #tpu.memory_space<semaphore_mem>>) src(%dma_wait3A_730 : memref<100352x16xf32, #tpu.memory_space<hbm>>) dst(%dma_wait3A_724 : memref<128x16xf32, #tpu.memory_space<vmem>>)
    %broadcast_in_dim3A = arith.constant 0 : i32
    %broadcast_in_dim3A_731 = vector.broadcast %broadcast_in_dim3A : i32 to vector<16xi32>
    %add3A_732 = arith.constant 1 : i32
    %add3A_733 = vector.broadcast %add3A_732 : i32 to vector<16xi32>
    %add3A_734 = arith.addi %broadcast_in_dim3A_731, %add3A_733 : vector<16xi32>
    %add3A_735 = arith.constant 2 : i32
    %add3A_736 = vector.broadcast %add3A_735 : i32 to vector<16xi32>
    %add3A_737 = arith.addi %broadcast_in_dim3A_731, %add3A_736 : vector<16xi32>
    %add3A_738 = arith.constant 3 : i32
    %add3A_739 = vector.broadcast %add3A_738 : i32 to vector<16xi32>
    %add3A_740 = arith.addi %broadcast_in_dim3A_731, %add3A_739 : vector<16xi32>
    %scan3A = arith.constant 0 : i32
    %scan3A_741 = arith.constant 196 : i32
    %scan3A_742 = arith.addi %scan3A, %scan3A_741 : i32
    %scan3A_743 = arith.constant 1 : i32
    %scan3A_744 = scf.for %scan3A_770 = %scan3A to %scan3A_742 step %scan3A_743 iter_args(%scan3A_771 = %select_n3A) -> (i32)  : i32 {
      %mul3A_772 = arith.constant 16 : i32
      %mul3A_773 = arith.muli %mul3A_772, %scan3A_770 : i32
      %multiple_of3A_774 = tpu.assume_multiple %mul3A_773, 16 : i32
      %get3A_775 = arith.index_cast %multiple_of3A_774 : i32 to index
      %get3A_776 = tpu.vector_load %arg7[%get3A_775] {strides = array<i32>} : memref<3152xi32, #tpu.memory_space<vmem>>, vector<16xi32>,
      %add3A_777 = arith.constant 1 : i32
      %add3A_778 = arith.addi %mul3A_773, %add3A_777 : i32
      %add3A_779 = vector.broadcast %add3A_778 : i32 to vector<16xi32>
      %add3A_780 = arith.addi %add3A_779, %iota3A : vector<16xi32>
      %gather3A = tpu.vector_load_idx %arg7[%add3A_780] : memref<3152xi32, #tpu.memory_space<vmem>>[vector<16xi32>], vector<16xi32>,
      %eq3A_781 = arith.constant 0 : i32
      %eq3A_782 = vector.broadcast %eq3A_781 : i32 to vector<16xi32>
      %eq3A_783 = arith.cmpi eq, %iota3A, %eq3A_782 : vector<16xi32>
      %add3A_784 = arith.addi %mul3A_2, %mul3A_773 : i32
      %eq3A_785 = arith.constant 0 : i32
      %eq3A_786 = arith.cmpi eq, %add3A_784, %eq3A_785 : i32
      %and3A_787 = vector.broadcast %eq3A_786 : i1 to vector<16xi1>
      %and3A_788 = arith.andi %eq3A_783, %and3A_787 : vector<16xi1>
      %jit3A_789 = arith.constant 0 : i32
      %broadcast_in_dim3A_790 = vector.broadcast %jit3A_789 : i32 to vector<16xi32>
      %select_n3A_791 = arith.select %and3A_788, %broadcast_in_dim3A_790, %get3A_776 : vector<16xi1>, vector<16xi32>
      %add3A_792 = arith.constant 0 : i32
      %add3A_793 = arith.addi %add3A_792, %mul3A_773 : i32
      %multiple_of3A_794 = tpu.assume_multiple %add3A_793, 16 : i32
      %get3A_795 = arith.index_cast %multiple_of3A_794 : i32 to index
      %get3A_796 = tpu.vector_load %arg8[%get3A_795] {strides = array<i32>} : memref<12544xf32, #tpu.memory_space<vmem>>, vector<16xf32>,
      %add3A_797 = arith.constant 3136 : i32
      %add3A_798 = arith.addi %add3A_797, %mul3A_773 : i32
      %multiple_of3A_799 = tpu.assume_multiple %add3A_798, 16 : i32
      %get3A_800 = arith.index_cast %multiple_of3A_799 : i32 to index
      %get3A_801 = tpu.vector_load %arg8[%get3A_800] {strides = array<i32>} : memref<12544xf32, #tpu.memory_space<vmem>>, vector<16xf32>,
      %add3A_802 = arith.constant 6272 : i32
      %add3A_803 = arith.addi %add3A_802, %mul3A_773 : i32
      %multiple_of3A_804 = tpu.assume_multiple %add3A_803, 16 : i32
      %get3A_805 = arith.index_cast %multiple_of3A_804 : i32 to index
      %get3A_806 = tpu.vector_load %arg8[%get3A_805] {strides = array<i32>} : memref<12544xf32, #tpu.memory_space<vmem>>, vector<16xf32>,
      %add3A_807 = arith.constant 9408 : i32
      %add3A_808 = arith.addi %add3A_807, %mul3A_773 : i32
      %multiple_of3A_809 = tpu.assume_multiple %add3A_808, 16 : i32
      %get3A_810 = arith.index_cast %multiple_of3A_809 : i32 to index
      %get3A_811 = tpu.vector_load %arg8[%get3A_810] {strides = array<i32>} : memref<12544xf32, #tpu.memory_space<vmem>>, vector<16xf32>,
      %broadcast_in_dim3A_812 = arith.constant 0.000000e+00 : f32
      %broadcast_in_dim3A_813 = vector.broadcast %broadcast_in_dim3A_812 : f32 to vector<16xf32>
      %while3A:14 = scf.while (%while3A_873 = %select_n3A_791, %while3A_874 = %scan3A_771, %while3A_875 = %broadcast_in_dim3A_813, %while3A_876 = %broadcast_in_dim3A_813, %while3A_877 = %broadcast_in_dim3A_813, %while3A_878 = %broadcast_in_dim3A_813, %while3A_879 = %broadcast_in_dim3A_813, %while3A_880 = %broadcast_in_dim3A_813, %while3A_881 = %broadcast_in_dim3A_813, %while3A_882 = %broadcast_in_dim3A_813, %while3A_883 = %broadcast_in_dim3A_813, %while3A_884 = %broadcast_in_dim3A_813, %while3A_885 = %broadcast_in_dim3A_813, %while3A_886 = %broadcast_in_dim3A_813) : (vector<16xi32>, i32, vector<16xf32>, vector<16xf32>, vector<16xf32>, vector<16xf32>, vector<16xf32>, vector<16xf32>, vector<16xf32>, vector<16xf32>, vector<16xf32>, vector<16xf32>, vector<16xf32>, vector<16xf32>) -> (vector<16xi32>, i32, vector<16xf32>, vector<16xf32>, vector<16xf32>, vector<16xf32>, vector<16xf32>, vector<16xf32>, vector<16xf32>, vector<16xf32>, vector<16xf32>, vector<16xf32>, vector<16xf32>, vector<16xf32>) {
        %lt3A = arith.cmpi slt, %while3A_873, %gather3A : vector<16xi32>
        %reduce_or3A = arith.constant 1.000000e+00 : f32
        %reduce_or3A_887 = arith.constant 0.000000e+00 : f32
        %reduce_or3A_888 = vector.broadcast %reduce_or3A : f32 to vector<16xf32>
        %reduce_or3A_889 = vector.broadcast %reduce_or3A_887 : f32 to vector<16xf32>
        %reduce_or3A_890 = arith.select %lt3A, %reduce_or3A_888, %reduce_or3A_889 : vector<16xi1>, vector<16xf32>
        %reduce_or3A_891 = arith.constant true
        %reduce_or3A_892 = vector.broadcast %reduce_or3A_891 : i1 to vector<16xi1>
        %reduce_or3A_893 = tpu.scan <max>, %reduce_or3A_890 masked %reduce_or3A_892 : vector<16xf32>, vector<16xi1> -> vector<16xf32>
        %reduce_or3A_894 = vector.extract %reduce_or3A_893[15] : f32 from vector<16xf32>
        %reduce_or3A_895 = arith.constant 0.000000e+00 : f32
        %reduce_or3A_896 = arith.cmpf ogt, %reduce_or3A_894, %reduce_or3A_895 : f32
        scf.condition(%reduce_or3A_896) %while3A_873, %while3A_874, %while3A_875, %while3A_876, %while3A_877, %while3A_878, %while3A_879, %while3A_880, %while3A_881, %while3A_882, %while3A_883, %while3A_884, %while3A_885, %while3A_886 : vector<16xi32>, i32, vector<16xf32>, vector<16xf32>, vector<16xf32>, vector<16xf32>, vector<16xf32>, vector<16xf32>, vector<16xf32>, vector<16xf32>, vector<16xf32>, vector<16xf32>, vector<16xf32>, vector<16xf32>
      } do {
      ^bb0(%while3A_873: vector<16xi32>, %while3A_874: i32, %while3A_875: vector<16xf32>, %while3A_876: vector<16xf32>, %while3A_877: vector<16xf32>, %while3A_878: vector<16xf32>, %while3A_879: vector<16xf32>, %while3A_880: vector<16xf32>, %while3A_881: vector<16xf32>, %while3A_882: vector<16xf32>, %while3A_883: vector<16xf32>, %while3A_884: vector<16xf32>, %while3A_885: vector<16xf32>, %while3A_886: vector<16xf32>):
        %lt3A = arith.cmpi slt, %while3A_873, %gather3A : vector<16xi32>
        %sub3A = vector.broadcast %while3A_874 : i32 to vector<16xi32>
        %sub3A_887 = arith.subi %while3A_873, %sub3A : vector<16xi32>
        %lt3A_888 = arith.constant 2048 : i32
        %lt3A_889 = vector.broadcast %lt3A_888 : i32 to vector<16xi32>
        %lt3A_890 = arith.cmpi slt, %sub3A_887, %lt3A_889 : vector<16xi32>
        %and3A_891 = arith.andi %lt3A, %lt3A_890 : vector<16xi1>
        %reduce_or3A = arith.constant 1.000000e+00 : f32
        %reduce_or3A_892 = arith.constant 0.000000e+00 : f32
        %reduce_or3A_893 = vector.broadcast %reduce_or3A : f32 to vector<16xf32>
        %reduce_or3A_894 = vector.broadcast %reduce_or3A_892 : f32 to vector<16xf32>
        %reduce_or3A_895 = arith.select %and3A_891, %reduce_or3A_893, %reduce_or3A_894 : vector<16xi1>, vector<16xf32>
        %reduce_or3A_896 = arith.constant true
        %reduce_or3A_897 = vector.broadcast %reduce_or3A_896 : i1 to vector<16xi1>
        %reduce_or3A_898 = tpu.scan <max>, %reduce_or3A_895 masked %reduce_or3A_897 : vector<16xf32>, vector<16xi1> -> vector<16xf32>
        %reduce_or3A_899 = vector.extract %reduce_or3A_898[15] : f32 from vector<16xf32>
        %reduce_or3A_900 = arith.constant 0.000000e+00 : f32
        %reduce_or3A_901 = arith.cmpf ogt, %reduce_or3A_899, %reduce_or3A_900 : f32
        %not3A = arith.constant true
        %not3A_902 = arith.xori %reduce_or3A_901, %not3A : i1
        %convert_element_type3A = arith.extui %not3A_902 : i1 to i32
        %cond3A = arith.constant 0 : i32
        %cond3A_903 = arith.cmpi ne, %convert_element_type3A, %cond3A : i32
        %cond3A_904 = scf.if %cond3A_903 -> (i32) {
          %add3A_906 = arith.constant 2048 : i32
          %add3A_907 = arith.addi %while3A_874, %add3A_906 : i32
          %add3A_908 = arith.constant 0 : i32
          %add3A_909 = arith.addi %add3A_907, %add3A_908 : i32
          %multiple_of3A_910 = tpu.assume_multiple %add3A_909, 8 : i32
          %dma_start3A_911 = arith.constant 0 : i32
          %dma_start3A_912 = arith.constant 0 : i32
          %dma_start3A_913 = tpu.memref_slice %arg9[%dma_start3A_911, %dma_start3A_912] : memref<16x128xi32, #tpu.memory_space<vmem>> -> memref<1x128xi32, #tpu.memory_space<vmem>>
          %dma_start3A_914 = tpu.memref_squeeze %dma_start3A_913 : memref<1x128xi32, #tpu.memory_space<vmem>> -> memref<128xi32, #tpu.memory_space<vmem>>
          %dma_start3A_915 = tpu.memref_slice %arg5[%multiple_of3A_910] : memref<3202056xi32, #tpu.memory_space<hbm>> -> memref<128xi32, #tpu.memory_space<hbm>>
          %dma_start3A_916 = arith.constant 0 : i32
          %dma_start3A_917 = tpu.memref_slice %arg9[%dma_start3A_911, %dma_start3A_916] : memref<16x128xi32, #tpu.memory_space<vmem>> -> memref<1x128xi32, #tpu.memory_space<vmem>>
          %dma_start3A_918 = tpu.memref_squeeze %dma_start3A_917 : memref<1x128xi32, #tpu.memory_space<vmem>> -> memref<128xi32, #tpu.memory_space<vmem>>
          %dma_start3A_919 = tpu.memref_slice %arg5[%multiple_of3A_910] : memref<3202056xi32, #tpu.memory_space<hbm>> -> memref<128xi32, #tpu.memory_space<hbm>>
          tpu.enqueue_dma source(%dma_start3A_919 : memref<128xi32, #tpu.memory_space<hbm>>) target(%dma_start3A_918 : memref<128xi32, #tpu.memory_space<vmem>>) target_semaphore(%arg12 : memref<!tpu.dma_semaphore, #tpu.memory_space<semaphore_mem>>)
          %add3A_920 = arith.constant 128 : i32
          %add3A_921 = arith.addi %add3A_907, %add3A_920 : i32
          %multiple_of3A_922 = tpu.assume_multiple %add3A_921, 8 : i32
          %dma_start3A_923 = arith.constant 1 : i32
          %dma_start3A_924 = arith.constant 0 : i32
          %dma_start3A_925 = tpu.memref_slice %arg9[%dma_start3A_923, %dma_start3A_924] : memref<16x128xi32, #tpu.memory_space<vmem>> -> memref<1x128xi32, #tpu.memory_space<vmem>>
          %dma_start3A_926 = tpu.memref_squeeze %dma_start3A_925 : memref<1x128xi32, #tpu.memory_space<vmem>> -> memref<128xi32, #tpu.memory_space<vmem>>
          %dma_start3A_927 = tpu.memref_slice %arg5[%multiple_of3A_922] : memref<3202056xi32, #tpu.memory_space<hbm>> -> memref<128xi32, #tpu.memory_space<hbm>>
          %dma_start3A_928 = arith.constant 0 : i32
          %dma_start3A_929 = tpu.memref_slice %arg9[%dma_start3A_923, %dma_start3A_928] : memref<16x128xi32, #tpu.memory_space<vmem>> -> memref<1x128xi32, #tpu.memory_space<vmem>>
          %dma_start3A_930 = tpu.memref_squeeze %dma_start3A_929 : memref<1x128xi32, #tpu.memory_space<vmem>> -> memref<128xi32, #tpu.memory_space<vmem>>
          %dma_start3A_931 = tpu.memref_slice %arg5[%multiple_of3A_922] : memref<3202056xi32, #tpu.memory_space<hbm>> -> memref<128xi32, #tpu.memory_space<hbm>>
          tpu.enqueue_dma source(%dma_start3A_931 : memref<128xi32, #tpu.memory_space<hbm>>) target(%dma_start3A_930 : memref<128xi32, #tpu.memory_space<vmem>>) target_semaphore(%arg12 : memref<!tpu.dma_semaphore, #tpu.memory_space<semaphore_mem>>)
          %add3A_932 = arith.constant 256 : i32
          %add3A_933 = arith.addi %add3A_907, %add3A_932 : i32
          %multiple_of3A_934 = tpu.assume_multiple %add3A_933, 8 : i32
          %dma_start3A_935 = arith.constant 2 : i32
          %dma_start3A_936 = arith.constant 0 : i32
          %dma_start3A_937 = tpu.memref_slice %arg9[%dma_start3A_935, %dma_start3A_936] : memref<16x128xi32, #tpu.memory_space<vmem>> -> memref<1x128xi32, #tpu.memory_space<vmem>>
          %dma_start3A_938 = tpu.memref_squeeze %dma_start3A_937 : memref<1x128xi32, #tpu.memory_space<vmem>> -> memref<128xi32, #tpu.memory_space<vmem>>
          %dma_start3A_939 = tpu.memref_slice %arg5[%multiple_of3A_934] : memref<3202056xi32, #tpu.memory_space<hbm>> -> memref<128xi32, #tpu.memory_space<hbm>>
          %dma_start3A_940 = arith.constant 0 : i32
          %dma_start3A_941 = tpu.memref_slice %arg9[%dma_start3A_935, %dma_start3A_940] : memref<16x128xi32, #tpu.memory_space<vmem>> -> memref<1x128xi32, #tpu.memory_space<vmem>>
          %dma_start3A_942 = tpu.memref_squeeze %dma_start3A_941 : memref<1x128xi32, #tpu.memory_space<vmem>> -> memref<128xi32, #tpu.memory_space<vmem>>
          %dma_start3A_943 = tpu.memref_slice %arg5[%multiple_of3A_934] : memref<3202056xi32, #tpu.memory_space<hbm>> -> memref<128xi32, #tpu.memory_space<hbm>>
          tpu.enqueue_dma source(%dma_start3A_943 : memref<128xi32, #tpu.memory_space<hbm>>) target(%dma_start3A_942 : memref<128xi32, #tpu.memory_space<vmem>>) target_semaphore(%arg12 : memref<!tpu.dma_semaphore, #tpu.memory_space<semaphore_mem>>)
          %add3A_944 = arith.constant 384 : i32
          %add3A_945 = arith.addi %add3A_907, %add3A_944 : i32
          %multiple_of3A_946 = tpu.assume_multiple %add3A_945, 8 : i32
          %dma_start3A_947 = arith.constant 3 : i32
          %dma_start3A_948 = arith.constant 0 : i32
          %dma_start3A_949 = tpu.memref_slice %arg9[%dma_start3A_947, %dma_start3A_948] : memref<16x128xi32, #tpu.memory_space<vmem>> -> memref<1x128xi32, #tpu.memory_space<vmem>>
          %dma_start3A_950 = tpu.memref_squeeze %dma_start3A_949 : memref<1x128xi32, #tpu.memory_space<vmem>> -> memref<128xi32, #tpu.memory_space<vmem>>
          %dma_start3A_951 = tpu.memref_slice %arg5[%multiple_of3A_946] : memref<3202056xi32, #tpu.memory_space<hbm>> -> memref<128xi32, #tpu.memory_space<hbm>>
          %dma_start3A_952 = arith.constant 0 : i32
          %dma_start3A_953 = tpu.memref_slice %arg9[%dma_start3A_947, %dma_start3A_952] : memref<16x128xi32, #tpu.memory_space<vmem>> -> memref<1x128xi32, #tpu.memory_space<vmem>>
          %dma_start3A_954 = tpu.memref_squeeze %dma_start3A_953 : memref<1x128xi32, #tpu.memory_space<vmem>> -> memref<128xi32, #tpu.memory_space<vmem>>
          %dma_start3A_955 = tpu.memref_slice %arg5[%multiple_of3A_946] : memref<3202056xi32, #tpu.memory_space<hbm>> -> memref<128xi32, #tpu.memory_space<hbm>>
          tpu.enqueue_dma source(%dma_start3A_955 : memref<128xi32, #tpu.memory_space<hbm>>) target(%dma_start3A_954 : memref<128xi32, #tpu.memory_space<vmem>>) target_semaphore(%arg12 : memref<!tpu.dma_semaphore, #tpu.memory_space<semaphore_mem>>)
          %add3A_956 = arith.constant 512 : i32
          %add3A_957 = arith.addi %add3A_907, %add3A_956 : i32
          %multiple_of3A_958 = tpu.assume_multiple %add3A_957, 8 : i32
          %dma_start3A_959 = arith.constant 4 : i32
          %dma_start3A_960 = arith.constant 0 : i32
          %dma_start3A_961 = tpu.memref_slice %arg9[%dma_start3A_959, %dma_start3A_960] : memref<16x128xi32, #tpu.memory_space<vmem>> -> memref<1x128xi32, #tpu.memory_space<vmem>>
          %dma_start3A_962 = tpu.memref_squeeze %dma_start3A_961 : memref<1x128xi32, #tpu.memory_space<vmem>> -> memref<128xi32, #tpu.memory_space<vmem>>
          %dma_start3A_963 = tpu.memref_slice %arg5[%multiple_of3A_958] : memref<3202056xi32, #tpu.memory_space<hbm>> -> memref<128xi32, #tpu.memory_space<hbm>>
          %dma_start3A_964 = arith.constant 0 : i32
          %dma_start3A_965 = tpu.memref_slice %arg9[%dma_start3A_959, %dma_start3A_964] : memref<16x128xi32, #tpu.memory_space<vmem>> -> memref<1x128xi32, #tpu.memory_space<vmem>>
          %dma_start3A_966 = tpu.memref_squeeze %dma_start3A_965 : memref<1x128xi32, #tpu.memory_space<vmem>> -> memref<128xi32, #tpu.memory_space<vmem>>
          %dma_start3A_967 = tpu.memref_slice %arg5[%multiple_of3A_958] : memref<3202056xi32, #tpu.memory_space<hbm>> -> memref<128xi32, #tpu.memory_space<hbm>>
          tpu.enqueue_dma source(%dma_start3A_967 : memref<128xi32, #tpu.memory_space<hbm>>) target(%dma_start3A_966 : memref<128xi32, #tpu.memory_space<vmem>>) target_semaphore(%arg12 : memref<!tpu.dma_semaphore, #tpu.memory_space<semaphore_mem>>)
          %add3A_968 = arith.constant 640 : i32
          %add3A_969 = arith.addi %add3A_907, %add3A_968 : i32
          %multiple_of3A_970 = tpu.assume_multiple %add3A_969, 8 : i32
          %dma_start3A_971 = arith.constant 5 : i32
          %dma_start3A_972 = arith.constant 0 : i32
          %dma_start3A_973 = tpu.memref_slice %arg9[%dma_start3A_971, %dma_start3A_972] : memref<16x128xi32, #tpu.memory_space<vmem>> -> memref<1x128xi32, #tpu.memory_space<vmem>>
          %dma_start3A_974 = tpu.memref_squeeze %dma_start3A_973 : memref<1x128xi32, #tpu.memory_space<vmem>> -> memref<128xi32, #tpu.memory_space<vmem>>
          %dma_start3A_975 = tpu.memref_slice %arg5[%multiple_of3A_970] : memref<3202056xi32, #tpu.memory_space<hbm>> -> memref<128xi32, #tpu.memory_space<hbm>>
          %dma_start3A_976 = arith.constant 0 : i32
          %dma_start3A_977 = tpu.memref_slice %arg9[%dma_start3A_971, %dma_start3A_976] : memref<16x128xi32, #tpu.memory_space<vmem>> -> memref<1x128xi32, #tpu.memory_space<vmem>>
          %dma_start3A_978 = tpu.memref_squeeze %dma_start3A_977 : memref<1x128xi32, #tpu.memory_space<vmem>> -> memref<128xi32, #tpu.memory_space<vmem>>
          %dma_start3A_979 = tpu.memref_slice %arg5[%multiple_of3A_970] : memref<3202056xi32, #tpu.memory_space<hbm>> -> memref<128xi32, #tpu.memory_space<hbm>>
          tpu.enqueue_dma source(%dma_start3A_979 : memref<128xi32, #tpu.memory_space<hbm>>) target(%dma_start3A_978 : memref<128xi32, #tpu.memory_space<vmem>>) target_semaphore(%arg12 : memref<!tpu.dma_semaphore, #tpu.memory_space<semaphore_mem>>)
          %add3A_980 = arith.constant 768 : i32
          %add3A_981 = arith.addi %add3A_907, %add3A_980 : i32
          %multiple_of3A_982 = tpu.assume_multiple %add3A_981, 8 : i32
          %dma_start3A_983 = arith.constant 6 : i32
          %dma_start3A_984 = arith.constant 0 : i32
          %dma_start3A_985 = tpu.memref_slice %arg9[%dma_start3A_983, %dma_start3A_984] : memref<16x128xi32, #tpu.memory_space<vmem>> -> memref<1x128xi32, #tpu.memory_space<vmem>>
          %dma_start3A_986 = tpu.memref_squeeze %dma_start3A_985 : memref<1x128xi32, #tpu.memory_space<vmem>> -> memref<128xi32, #tpu.memory_space<vmem>>
          %dma_start3A_987 = tpu.memref_slice %arg5[%multiple_of3A_982] : memref<3202056xi32, #tpu.memory_space<hbm>> -> memref<128xi32, #tpu.memory_space<hbm>>
          %dma_start3A_988 = arith.constant 0 : i32
          %dma_start3A_989 = tpu.memref_slice %arg9[%dma_start3A_983, %dma_start3A_988] : memref<16x128xi32, #tpu.memory_space<vmem>> -> memref<1x128xi32, #tpu.memory_space<vmem>>
          %dma_start3A_990 = tpu.memref_squeeze %dma_start3A_989 : memref<1x128xi32, #tpu.memory_space<vmem>> -> memref<128xi32, #tpu.memory_space<vmem>>
          %dma_start3A_991 = tpu.memref_slice %arg5[%multiple_of3A_982] : memref<3202056xi32, #tpu.memory_space<hbm>> -> memref<128xi32, #tpu.memory_space<hbm>>
          tpu.enqueue_dma source(%dma_start3A_991 : memref<128xi32, #tpu.memory_space<hbm>>) target(%dma_start3A_990 : memref<128xi32, #tpu.memory_space<vmem>>) target_semaphore(%arg12 : memref<!tpu.dma_semaphore, #tpu.memory_space<semaphore_mem>>)
          %add3A_992 = arith.constant 896 : i32
          %add3A_993 = arith.addi %add3A_907, %add3A_992 : i32
          %multiple_of3A_994 = tpu.assume_multiple %add3A_993, 8 : i32
          %dma_start3A_995 = arith.constant 7 : i32
          %dma_start3A_996 = arith.constant 0 : i32
          %dma_start3A_997 = tpu.memref_slice %arg9[%dma_start3A_995, %dma_start3A_996] : memref<16x128xi32, #tpu.memory_space<vmem>> -> memref<1x128xi32, #tpu.memory_space<vmem>>
          %dma_start3A_998 = tpu.memref_squeeze %dma_start3A_997 : memref<1x128xi32, #tpu.memory_space<vmem>> -> memref<128xi32, #tpu.memory_space<vmem>>
          %dma_start3A_999 = tpu.memref_slice %arg5[%multiple_of3A_994] : memref<3202056xi32, #tpu.memory_space<hbm>> -> memref<128xi32, #tpu.memory_space<hbm>>
          %dma_start3A_1000 = arith.constant 0 : i32
          %dma_start3A_1001 = tpu.memref_slice %arg9[%dma_start3A_995, %dma_start3A_1000] : memref<16x128xi32, #tpu.memory_space<vmem>> -> memref<1x128xi32, #tpu.memory_space<vmem>>
          %dma_start3A_1002 = tpu.memref_squeeze %dma_start3A_1001 : memref<1x128xi32, #tpu.memory_space<vmem>> -> memref<128xi32, #tpu.memory_space<vmem>>
          %dma_start3A_1003 = tpu.memref_slice %arg5[%multiple_of3A_994] : memref<3202056xi32, #tpu.memory_space<hbm>> -> memref<128xi32, #tpu.memory_space<hbm>>
          tpu.enqueue_dma source(%dma_start3A_1003 : memref<128xi32, #tpu.memory_space<hbm>>) target(%dma_start3A_1002 : memref<128xi32, #tpu.memory_space<vmem>>) target_semaphore(%arg12 : memref<!tpu.dma_semaphore, #tpu.memory_space<semaphore_mem>>)
          %add3A_1004 = arith.constant 1024 : i32
          %add3A_1005 = arith.addi %add3A_907, %add3A_1004 : i32
          %multiple_of3A_1006 = tpu.assume_multiple %add3A_1005, 8 : i32
          %dma_start3A_1007 = arith.constant 8 : i32
          %dma_start3A_1008 = arith.constant 0 : i32
          %dma_start3A_1009 = tpu.memref_slice %arg9[%dma_start3A_1007, %dma_start3A_1008] : memref<16x128xi32, #tpu.memory_space<vmem>> -> memref<1x128xi32, #tpu.memory_space<vmem>>
          %dma_start3A_1010 = tpu.memref_squeeze %dma_start3A_1009 : memref<1x128xi32, #tpu.memory_space<vmem>> -> memref<128xi32, #tpu.memory_space<vmem>>
          %dma_start3A_1011 = tpu.memref_slice %arg5[%multiple_of3A_1006] : memref<3202056xi32, #tpu.memory_space<hbm>> -> memref<128xi32, #tpu.memory_space<hbm>>
          %dma_start3A_1012 = arith.constant 0 : i32
          %dma_start3A_1013 = tpu.memref_slice %arg9[%dma_start3A_1007, %dma_start3A_1012] : memref<16x128xi32, #tpu.memory_space<vmem>> -> memref<1x128xi32, #tpu.memory_space<vmem>>
          %dma_start3A_1014 = tpu.memref_squeeze %dma_start3A_1013 : memref<1x128xi32, #tpu.memory_space<vmem>> -> memref<128xi32, #tpu.memory_space<vmem>>
          %dma_start3A_1015 = tpu.memref_slice %arg5[%multiple_of3A_1006] : memref<3202056xi32, #tpu.memory_space<hbm>> -> memref<128xi32, #tpu.memory_space<hbm>>
          tpu.enqueue_dma source(%dma_start3A_1015 : memref<128xi32, #tpu.memory_space<hbm>>) target(%dma_start3A_1014 : memref<128xi32, #tpu.memory_space<vmem>>) target_semaphore(%arg12 : memref<!tpu.dma_semaphore, #tpu.memory_space<semaphore_mem>>)
          %add3A_1016 = arith.constant 1152 : i32
          %add3A_1017 = arith.addi %add3A_907, %add3A_1016 : i32
          %multiple_of3A_1018 = tpu.assume_multiple %add3A_1017, 8 : i32
          %dma_start3A_1019 = arith.constant 9 : i32
          %dma_start3A_1020 = arith.constant 0 : i32
          %dma_start3A_1021 = tpu.memref_slice %arg9[%dma_start3A_1019, %dma_start3A_1020] : memref<16x128xi32, #tpu.memory_space<vmem>> -> memref<1x128xi32, #tpu.memory_space<vmem>>
          %dma_start3A_1022 = tpu.memref_squeeze %dma_start3A_1021 : memref<1x128xi32, #tpu.memory_space<vmem>> -> memref<128xi32, #tpu.memory_space<vmem>>
          %dma_start3A_1023 = tpu.memref_slice %arg5[%multiple_of3A_1018] : memref<3202056xi32, #tpu.memory_space<hbm>> -> memref<128xi32, #tpu.memory_space<hbm>>
          %dma_start3A_1024 = arith.constant 0 : i32
          %dma_start3A_1025 = tpu.memref_slice %arg9[%dma_start3A_1019, %dma_start3A_1024] : memref<16x128xi32, #tpu.memory_space<vmem>> -> memref<1x128xi32, #tpu.memory_space<vmem>>
          %dma_start3A_1026 = tpu.memref_squeeze %dma_start3A_1025 : memref<1x128xi32, #tpu.memory_space<vmem>> -> memref<128xi32, #tpu.memory_space<vmem>>
          %dma_start3A_1027 = tpu.memref_slice %arg5[%multiple_of3A_1018] : memref<3202056xi32, #tpu.memory_space<hbm>> -> memref<128xi32, #tpu.memory_space<hbm>>
          tpu.enqueue_dma source(%dma_start3A_1027 : memref<128xi32, #tpu.memory_space<hbm>>) target(%dma_start3A_1026 : memref<128xi32, #tpu.memory_space<vmem>>) target_semaphore(%arg12 : memref<!tpu.dma_semaphore, #tpu.memory_space<semaphore_mem>>)
          %add3A_1028 = arith.constant 1280 : i32
          %add3A_1029 = arith.addi %add3A_907, %add3A_1028 : i32
          %multiple_of3A_1030 = tpu.assume_multiple %add3A_1029, 8 : i32
          %dma_start3A_1031 = arith.constant 10 : i32
          %dma_start3A_1032 = arith.constant 0 : i32
          %dma_start3A_1033 = tpu.memref_slice %arg9[%dma_start3A_1031, %dma_start3A_1032] : memref<16x128xi32, #tpu.memory_space<vmem>> -> memref<1x128xi32, #tpu.memory_space<vmem>>
          %dma_start3A_1034 = tpu.memref_squeeze %dma_start3A_1033 : memref<1x128xi32, #tpu.memory_space<vmem>> -> memref<128xi32, #tpu.memory_space<vmem>>
          %dma_start3A_1035 = tpu.memref_slice %arg5[%multiple_of3A_1030] : memref<3202056xi32, #tpu.memory_space<hbm>> -> memref<128xi32, #tpu.memory_space<hbm>>
          %dma_start3A_1036 = arith.constant 0 : i32
          %dma_start3A_1037 = tpu.memref_slice %arg9[%dma_start3A_1031, %dma_start3A_1036] : memref<16x128xi32, #tpu.memory_space<vmem>> -> memref<1x128xi32, #tpu.memory_space<vmem>>
          %dma_start3A_1038 = tpu.memref_squeeze %dma_start3A_1037 : memref<1x128xi32, #tpu.memory_space<vmem>> -> memref<128xi32, #tpu.memory_space<vmem>>
          %dma_start3A_1039 = tpu.memref_slice %arg5[%multiple_of3A_1030] : memref<3202056xi32, #tpu.memory_space<hbm>> -> memref<128xi32, #tpu.memory_space<hbm>>
          tpu.enqueue_dma source(%dma_start3A_1039 : memref<128xi32, #tpu.memory_space<hbm>>) target(%dma_start3A_1038 : memref<128xi32, #tpu.memory_space<vmem>>) target_semaphore(%arg12 : memref<!tpu.dma_semaphore, #tpu.memory_space<semaphore_mem>>)
          %add3A_1040 = arith.constant 1408 : i32
          %add3A_1041 = arith.addi %add3A_907, %add3A_1040 : i32
          %multiple_of3A_1042 = tpu.assume_multiple %add3A_1041, 8 : i32
          %dma_start3A_1043 = arith.constant 11 : i32
          %dma_start3A_1044 = arith.constant 0 : i32
          %dma_start3A_1045 = tpu.memref_slice %arg9[%dma_start3A_1043, %dma_start3A_1044] : memref<16x128xi32, #tpu.memory_space<vmem>> -> memref<1x128xi32, #tpu.memory_space<vmem>>
          %dma_start3A_1046 = tpu.memref_squeeze %dma_start3A_1045 : memref<1x128xi32, #tpu.memory_space<vmem>> -> memref<128xi32, #tpu.memory_space<vmem>>
          %dma_start3A_1047 = tpu.memref_slice %arg5[%multiple_of3A_1042] : memref<3202056xi32, #tpu.memory_space<hbm>> -> memref<128xi32, #tpu.memory_space<hbm>>
          %dma_start3A_1048 = arith.constant 0 : i32
          %dma_start3A_1049 = tpu.memref_slice %arg9[%dma_start3A_1043, %dma_start3A_1048] : memref<16x128xi32, #tpu.memory_space<vmem>> -> memref<1x128xi32, #tpu.memory_space<vmem>>
          %dma_start3A_1050 = tpu.memref_squeeze %dma_start3A_1049 : memref<1x128xi32, #tpu.memory_space<vmem>> -> memref<128xi32, #tpu.memory_space<vmem>>
          %dma_start3A_1051 = tpu.memref_slice %arg5[%multiple_of3A_1042] : memref<3202056xi32, #tpu.memory_space<hbm>> -> memref<128xi32, #tpu.memory_space<hbm>>
          tpu.enqueue_dma source(%dma_start3A_1051 : memref<128xi32, #tpu.memory_space<hbm>>) target(%dma_start3A_1050 : memref<128xi32, #tpu.memory_space<vmem>>) target_semaphore(%arg12 : memref<!tpu.dma_semaphore, #tpu.memory_space<semaphore_mem>>)
          %add3A_1052 = arith.constant 1536 : i32
          %add3A_1053 = arith.addi %add3A_907, %add3A_1052 : i32
          %multiple_of3A_1054 = tpu.assume_multiple %add3A_1053, 8 : i32
          %dma_start3A_1055 = arith.constant 12 : i32
          %dma_start3A_1056 = arith.constant 0 : i32
          %dma_start3A_1057 = tpu.memref_slice %arg9[%dma_start3A_1055, %dma_start3A_1056] : memref<16x128xi32, #tpu.memory_space<vmem>> -> memref<1x128xi32, #tpu.memory_space<vmem>>
          %dma_start3A_1058 = tpu.memref_squeeze %dma_start3A_1057 : memref<1x128xi32, #tpu.memory_space<vmem>> -> memref<128xi32, #tpu.memory_space<vmem>>
          %dma_start3A_1059 = tpu.memref_slice %arg5[%multiple_of3A_1054] : memref<3202056xi32, #tpu.memory_space<hbm>> -> memref<128xi32, #tpu.memory_space<hbm>>
          %dma_start3A_1060 = arith.constant 0 : i32
          %dma_start3A_1061 = tpu.memref_slice %arg9[%dma_start3A_1055, %dma_start3A_1060] : memref<16x128xi32, #tpu.memory_space<vmem>> -> memref<1x128xi32, #tpu.memory_space<vmem>>
          %dma_start3A_1062 = tpu.memref_squeeze %dma_start3A_1061 : memref<1x128xi32, #tpu.memory_space<vmem>> -> memref<128xi32, #tpu.memory_space<vmem>>
          %dma_start3A_1063 = tpu.memref_slice %arg5[%multiple_of3A_1054] : memref<3202056xi32, #tpu.memory_space<hbm>> -> memref<128xi32, #tpu.memory_space<hbm>>
          tpu.enqueue_dma source(%dma_start3A_1063 : memref<128xi32, #tpu.memory_space<hbm>>) target(%dma_start3A_1062 : memref<128xi32, #tpu.memory_space<vmem>>) target_semaphore(%arg12 : memref<!tpu.dma_semaphore, #tpu.memory_space<semaphore_mem>>)
          %add3A_1064 = arith.constant 1664 : i32
          %add3A_1065 = arith.addi %add3A_907, %add3A_1064 : i32
          %multiple_of3A_1066 = tpu.assume_multiple %add3A_1065, 8 : i32
          %dma_start3A_1067 = arith.constant 13 : i32
          %dma_start3A_1068 = arith.constant 0 : i32
          %dma_start3A_1069 = tpu.memref_slice %arg9[%dma_start3A_1067, %dma_start3A_1068] : memref<16x128xi32, #tpu.memory_space<vmem>> -> memref<1x128xi32, #tpu.memory_space<vmem>>
          %dma_start3A_1070 = tpu.memref_squeeze %dma_start3A_1069 : memref<1x128xi32, #tpu.memory_space<vmem>> -> memref<128xi32, #tpu.memory_space<vmem>>
          %dma_start3A_1071 = tpu.memref_slice %arg5[%multiple_of3A_1066] : memref<3202056xi32, #tpu.memory_space<hbm>> -> memref<128xi32, #tpu.memory_space<hbm>>
          %dma_start3A_1072 = arith.constant 0 : i32
          %dma_start3A_1073 = tpu.memref_slice %arg9[%dma_start3A_1067, %dma_start3A_1072] : memref<16x128xi32, #tpu.memory_space<vmem>> -> memref<1x128xi32, #tpu.memory_space<vmem>>
          %dma_start3A_1074 = tpu.memref_squeeze %dma_start3A_1073 : memref<1x128xi32, #tpu.memory_space<vmem>> -> memref<128xi32, #tpu.memory_space<vmem>>
          %dma_start3A_1075 = tpu.memref_slice %arg5[%multiple_of3A_1066] : memref<3202056xi32, #tpu.memory_space<hbm>> -> memref<128xi32, #tpu.memory_space<hbm>>
          tpu.enqueue_dma source(%dma_start3A_1075 : memref<128xi32, #tpu.memory_space<hbm>>) target(%dma_start3A_1074 : memref<128xi32, #tpu.memory_space<vmem>>) target_semaphore(%arg12 : memref<!tpu.dma_semaphore, #tpu.memory_space<semaphore_mem>>)
          %add3A_1076 = arith.constant 1792 : i32
          %add3A_1077 = arith.addi %add3A_907, %add3A_1076 : i32
          %multiple_of3A_1078 = tpu.assume_multiple %add3A_1077, 8 : i32
          %dma_start3A_1079 = arith.constant 14 : i32
          %dma_start3A_1080 = arith.constant 0 : i32
          %dma_start3A_1081 = tpu.memref_slice %arg9[%dma_start3A_1079, %dma_start3A_1080] : memref<16x128xi32, #tpu.memory_space<vmem>> -> memref<1x128xi32, #tpu.memory_space<vmem>>
          %dma_start3A_1082 = tpu.memref_squeeze %dma_start3A_1081 : memref<1x128xi32, #tpu.memory_space<vmem>> -> memref<128xi32, #tpu.memory_space<vmem>>
          %dma_start3A_1083 = tpu.memref_slice %arg5[%multiple_of3A_1078] : memref<3202056xi32, #tpu.memory_space<hbm>> -> memref<128xi32, #tpu.memory_space<hbm>>
          %dma_start3A_1084 = arith.constant 0 : i32
          %dma_start3A_1085 = tpu.memref_slice %arg9[%dma_start3A_1079, %dma_start3A_1084] : memref<16x128xi32, #tpu.memory_space<vmem>> -> memref<1x128xi32, #tpu.memory_space<vmem>>
          %dma_start3A_1086 = tpu.memref_squeeze %dma_start3A_1085 : memref<1x128xi32, #tpu.memory_space<vmem>> -> memref<128xi32, #tpu.memory_space<vmem>>
          %dma_start3A_1087 = tpu.memref_slice %arg5[%multiple_of3A_1078] : memref<3202056xi32, #tpu.memory_space<hbm>> -> memref<128xi32, #tpu.memory_space<hbm>>
          tpu.enqueue_dma source(%dma_start3A_1087 : memref<128xi32, #tpu.memory_space<hbm>>) target(%dma_start3A_1086 : memref<128xi32, #tpu.memory_space<vmem>>) target_semaphore(%arg12 : memref<!tpu.dma_semaphore, #tpu.memory_space<semaphore_mem>>)
          %add3A_1088 = arith.constant 1920 : i32
          %add3A_1089 = arith.addi %add3A_907, %add3A_1088 : i32
          %multiple_of3A_1090 = tpu.assume_multiple %add3A_1089, 8 : i32
          %dma_start3A_1091 = arith.constant 15 : i32
          %dma_start3A_1092 = arith.constant 0 : i32
          %dma_start3A_1093 = tpu.memref_slice %arg9[%dma_start3A_1091, %dma_start3A_1092] : memref<16x128xi32, #tpu.memory_space<vmem>> -> memref<1x128xi32, #tpu.memory_space<vmem>>
          %dma_start3A_1094 = tpu.memref_squeeze %dma_start3A_1093 : memref<1x128xi32, #tpu.memory_space<vmem>> -> memref<128xi32, #tpu.memory_space<vmem>>
          %dma_start3A_1095 = tpu.memref_slice %arg5[%multiple_of3A_1090] : memref<3202056xi32, #tpu.memory_space<hbm>> -> memref<128xi32, #tpu.memory_space<hbm>>
          %dma_start3A_1096 = arith.constant 0 : i32
          %dma_start3A_1097 = tpu.memref_slice %arg9[%dma_start3A_1091, %dma_start3A_1096] : memref<16x128xi32, #tpu.memory_space<vmem>> -> memref<1x128xi32, #tpu.memory_space<vmem>>
          %dma_start3A_1098 = tpu.memref_squeeze %dma_start3A_1097 : memref<1x128xi32, #tpu.memory_space<vmem>> -> memref<128xi32, #tpu.memory_space<vmem>>
          %dma_start3A_1099 = tpu.memref_slice %arg5[%multiple_of3A_1090] : memref<3202056xi32, #tpu.memory_space<hbm>> -> memref<128xi32, #tpu.memory_space<hbm>>
          tpu.enqueue_dma source(%dma_start3A_1099 : memref<128xi32, #tpu.memory_space<hbm>>) target(%dma_start3A_1098 : memref<128xi32, #tpu.memory_space<vmem>>) target_semaphore(%arg12 : memref<!tpu.dma_semaphore, #tpu.memory_space<semaphore_mem>>)
          %dma_wait3A_1100 = arith.constant 0 : i32
          %dma_wait3A_1101 = arith.constant 0 : i32
          %dma_wait3A_1102 = tpu.memref_slice %arg9[%dma_wait3A_1100, %dma_wait3A_1101] : memref<16x128xi32, #tpu.memory_space<vmem>> -> memref<1x128xi32, #tpu.memory_space<vmem>>
          %dma_wait3A_1103 = tpu.memref_squeeze %dma_wait3A_1102 : memref<1x128xi32, #tpu.memory_space<vmem>> -> memref<128xi32, #tpu.memory_space<vmem>>
          %dma_wait3A_1104 = tpu.memref_slice %arg5[%multiple_of3A_910] : memref<3202056xi32, #tpu.memory_space<hbm>> -> memref<128xi32, #tpu.memory_space<hbm>>
          %dma_wait3A_1105 = arith.constant 0 : i32
          %dma_wait3A_1106 = tpu.memref_slice %arg9[%dma_wait3A_1100, %dma_wait3A_1105] : memref<16x128xi32, #tpu.memory_space<vmem>> -> memref<1x128xi32, #tpu.memory_space<vmem>>
          %dma_wait3A_1107 = tpu.memref_squeeze %dma_wait3A_1106 : memref<1x128xi32, #tpu.memory_space<vmem>> -> memref<128xi32, #tpu.memory_space<vmem>>
          %dma_wait3A_1108 = tpu.memref_slice %arg5[%multiple_of3A_910] : memref<3202056xi32, #tpu.memory_space<hbm>> -> memref<128xi32, #tpu.memory_space<hbm>>
          tpu.wait_dma2 semaphore(%arg12 : memref<!tpu.dma_semaphore, #tpu.memory_space<semaphore_mem>>) src(%dma_wait3A_1108 : memref<128xi32, #tpu.memory_space<hbm>>) dst(%dma_wait3A_1107 : memref<128xi32, #tpu.memory_space<vmem>>)
          %dma_wait3A_1109 = arith.constant 1 : i32
          %dma_wait3A_1110 = arith.constant 0 : i32
          %dma_wait3A_1111 = tpu.memref_slice %arg9[%dma_wait3A_1109, %dma_wait3A_1110] : memref<16x128xi32, #tpu.memory_space<vmem>> -> memref<1x128xi32, #tpu.memory_space<vmem>>
          %dma_wait3A_1112 = tpu.memref_squeeze %dma_wait3A_1111 : memref<1x128xi32, #tpu.memory_space<vmem>> -> memref<128xi32, #tpu.memory_space<vmem>>
          %dma_wait3A_1113 = tpu.memref_slice %arg5[%multiple_of3A_922] : memref<3202056xi32, #tpu.memory_space<hbm>> -> memref<128xi32, #tpu.memory_space<hbm>>
          %dma_wait3A_1114 = arith.constant 0 : i32
          %dma_wait3A_1115 = tpu.memref_slice %arg9[%dma_wait3A_1109, %dma_wait3A_1114] : memref<16x128xi32, #tpu.memory_space<vmem>> -> memref<1x128xi32, #tpu.memory_space<vmem>>
          %dma_wait3A_1116 = tpu.memref_squeeze %dma_wait3A_1115 : memref<1x128xi32, #tpu.memory_space<vmem>> -> memref<128xi32, #tpu.memory_space<vmem>>
          %dma_wait3A_1117 = tpu.memref_slice %arg5[%multiple_of3A_922] : memref<3202056xi32, #tpu.memory_space<hbm>> -> memref<128xi32, #tpu.memory_space<hbm>>
          tpu.wait_dma2 semaphore(%arg12 : memref<!tpu.dma_semaphore, #tpu.memory_space<semaphore_mem>>) src(%dma_wait3A_1117 : memref<128xi32, #tpu.memory_space<hbm>>) dst(%dma_wait3A_1116 : memref<128xi32, #tpu.memory_space<vmem>>)
          %dma_wait3A_1118 = arith.constant 2 : i32
          %dma_wait3A_1119 = arith.constant 0 : i32
          %dma_wait3A_1120 = tpu.memref_slice %arg9[%dma_wait3A_1118, %dma_wait3A_1119] : memref<16x128xi32, #tpu.memory_space<vmem>> -> memref<1x128xi32, #tpu.memory_space<vmem>>
          %dma_wait3A_1121 = tpu.memref_squeeze %dma_wait3A_1120 : memref<1x128xi32, #tpu.memory_space<vmem>> -> memref<128xi32, #tpu.memory_space<vmem>>
          %dma_wait3A_1122 = tpu.memref_slice %arg5[%multiple_of3A_934] : memref<3202056xi32, #tpu.memory_space<hbm>> -> memref<128xi32, #tpu.memory_space<hbm>>
          %dma_wait3A_1123 = arith.constant 0 : i32
          %dma_wait3A_1124 = tpu.memref_slice %arg9[%dma_wait3A_1118, %dma_wait3A_1123] : memref<16x128xi32, #tpu.memory_space<vmem>> -> memref<1x128xi32, #tpu.memory_space<vmem>>
          %dma_wait3A_1125 = tpu.memref_squeeze %dma_wait3A_1124 : memref<1x128xi32, #tpu.memory_space<vmem>> -> memref<128xi32, #tpu.memory_space<vmem>>
          %dma_wait3A_1126 = tpu.memref_slice %arg5[%multiple_of3A_934] : memref<3202056xi32, #tpu.memory_space<hbm>> -> memref<128xi32, #tpu.memory_space<hbm>>
          tpu.wait_dma2 semaphore(%arg12 : memref<!tpu.dma_semaphore, #tpu.memory_space<semaphore_mem>>) src(%dma_wait3A_1126 : memref<128xi32, #tpu.memory_space<hbm>>) dst(%dma_wait3A_1125 : memref<128xi32, #tpu.memory_space<vmem>>)
          %dma_wait3A_1127 = arith.constant 3 : i32
          %dma_wait3A_1128 = arith.constant 0 : i32
          %dma_wait3A_1129 = tpu.memref_slice %arg9[%dma_wait3A_1127, %dma_wait3A_1128] : memref<16x128xi32, #tpu.memory_space<vmem>> -> memref<1x128xi32, #tpu.memory_space<vmem>>
          %dma_wait3A_1130 = tpu.memref_squeeze %dma_wait3A_1129 : memref<1x128xi32, #tpu.memory_space<vmem>> -> memref<128xi32, #tpu.memory_space<vmem>>
          %dma_wait3A_1131 = tpu.memref_slice %arg5[%multiple_of3A_946] : memref<3202056xi32, #tpu.memory_space<hbm>> -> memref<128xi32, #tpu.memory_space<hbm>>
          %dma_wait3A_1132 = arith.constant 0 : i32
          %dma_wait3A_1133 = tpu.memref_slice %arg9[%dma_wait3A_1127, %dma_wait3A_1132] : memref<16x128xi32, #tpu.memory_space<vmem>> -> memref<1x128xi32, #tpu.memory_space<vmem>>
          %dma_wait3A_1134 = tpu.memref_squeeze %dma_wait3A_1133 : memref<1x128xi32, #tpu.memory_space<vmem>> -> memref<128xi32, #tpu.memory_space<vmem>>
          %dma_wait3A_1135 = tpu.memref_slice %arg5[%multiple_of3A_946] : memref<3202056xi32, #tpu.memory_space<hbm>> -> memref<128xi32, #tpu.memory_space<hbm>>
          tpu.wait_dma2 semaphore(%arg12 : memref<!tpu.dma_semaphore, #tpu.memory_space<semaphore_mem>>) src(%dma_wait3A_1135 : memref<128xi32, #tpu.memory_space<hbm>>) dst(%dma_wait3A_1134 : memref<128xi32, #tpu.memory_space<vmem>>)
          %dma_wait3A_1136 = arith.constant 4 : i32
          %dma_wait3A_1137 = arith.constant 0 : i32
          %dma_wait3A_1138 = tpu.memref_slice %arg9[%dma_wait3A_1136, %dma_wait3A_1137] : memref<16x128xi32, #tpu.memory_space<vmem>> -> memref<1x128xi32, #tpu.memory_space<vmem>>
          %dma_wait3A_1139 = tpu.memref_squeeze %dma_wait3A_1138 : memref<1x128xi32, #tpu.memory_space<vmem>> -> memref<128xi32, #tpu.memory_space<vmem>>
          %dma_wait3A_1140 = tpu.memref_slice %arg5[%multiple_of3A_958] : memref<3202056xi32, #tpu.memory_space<hbm>> -> memref<128xi32, #tpu.memory_space<hbm>>
          %dma_wait3A_1141 = arith.constant 0 : i32
          %dma_wait3A_1142 = tpu.memref_slice %arg9[%dma_wait3A_1136, %dma_wait3A_1141] : memref<16x128xi32, #tpu.memory_space<vmem>> -> memref<1x128xi32, #tpu.memory_space<vmem>>
          %dma_wait3A_1143 = tpu.memref_squeeze %dma_wait3A_1142 : memref<1x128xi32, #tpu.memory_space<vmem>> -> memref<128xi32, #tpu.memory_space<vmem>>
          %dma_wait3A_1144 = tpu.memref_slice %arg5[%multiple_of3A_958] : memref<3202056xi32, #tpu.memory_space<hbm>> -> memref<128xi32, #tpu.memory_space<hbm>>
          tpu.wait_dma2 semaphore(%arg12 : memref<!tpu.dma_semaphore, #tpu.memory_space<semaphore_mem>>) src(%dma_wait3A_1144 : memref<128xi32, #tpu.memory_space<hbm>>) dst(%dma_wait3A_1143 : memref<128xi32, #tpu.memory_space<vmem>>)
          %dma_wait3A_1145 = arith.constant 5 : i32
          %dma_wait3A_1146 = arith.constant 0 : i32
          %dma_wait3A_1147 = tpu.memref_slice %arg9[%dma_wait3A_1145, %dma_wait3A_1146] : memref<16x128xi32, #tpu.memory_space<vmem>> -> memref<1x128xi32, #tpu.memory_space<vmem>>
          %dma_wait3A_1148 = tpu.memref_squeeze %dma_wait3A_1147 : memref<1x128xi32, #tpu.memory_space<vmem>> -> memref<128xi32, #tpu.memory_space<vmem>>
          %dma_wait3A_1149 = tpu.memref_slice %arg5[%multiple_of3A_970] : memref<3202056xi32, #tpu.memory_space<hbm>> -> memref<128xi32, #tpu.memory_space<hbm>>
          %dma_wait3A_1150 = arith.constant 0 : i32
          %dma_wait3A_1151 = tpu.memref_slice %arg9[%dma_wait3A_1145, %dma_wait3A_1150] : memref<16x128xi32, #tpu.memory_space<vmem>> -> memref<1x128xi32, #tpu.memory_space<vmem>>
          %dma_wait3A_1152 = tpu.memref_squeeze %dma_wait3A_1151 : memref<1x128xi32, #tpu.memory_space<vmem>> -> memref<128xi32, #tpu.memory_space<vmem>>
          %dma_wait3A_1153 = tpu.memref_slice %arg5[%multiple_of3A_970] : memref<3202056xi32, #tpu.memory_space<hbm>> -> memref<128xi32, #tpu.memory_space<hbm>>
          tpu.wait_dma2 semaphore(%arg12 : memref<!tpu.dma_semaphore, #tpu.memory_space<semaphore_mem>>) src(%dma_wait3A_1153 : memref<128xi32, #tpu.memory_space<hbm>>) dst(%dma_wait3A_1152 : memref<128xi32, #tpu.memory_space<vmem>>)
          %dma_wait3A_1154 = arith.constant 6 : i32
          %dma_wait3A_1155 = arith.constant 0 : i32
          %dma_wait3A_1156 = tpu.memref_slice %arg9[%dma_wait3A_1154, %dma_wait3A_1155] : memref<16x128xi32, #tpu.memory_space<vmem>> -> memref<1x128xi32, #tpu.memory_space<vmem>>
          %dma_wait3A_1157 = tpu.memref_squeeze %dma_wait3A_1156 : memref<1x128xi32, #tpu.memory_space<vmem>> -> memref<128xi32, #tpu.memory_space<vmem>>
          %dma_wait3A_1158 = tpu.memref_slice %arg5[%multiple_of3A_982] : memref<3202056xi32, #tpu.memory_space<hbm>> -> memref<128xi32, #tpu.memory_space<hbm>>
          %dma_wait3A_1159 = arith.constant 0 : i32
          %dma_wait3A_1160 = tpu.memref_slice %arg9[%dma_wait3A_1154, %dma_wait3A_1159] : memref<16x128xi32, #tpu.memory_space<vmem>> -> memref<1x128xi32, #tpu.memory_space<vmem>>
          %dma_wait3A_1161 = tpu.memref_squeeze %dma_wait3A_1160 : memref<1x128xi32, #tpu.memory_space<vmem>> -> memref<128xi32, #tpu.memory_space<vmem>>
          %dma_wait3A_1162 = tpu.memref_slice %arg5[%multiple_of3A_982] : memref<3202056xi32, #tpu.memory_space<hbm>> -> memref<128xi32, #tpu.memory_space<hbm>>
          tpu.wait_dma2 semaphore(%arg12 : memref<!tpu.dma_semaphore, #tpu.memory_space<semaphore_mem>>) src(%dma_wait3A_1162 : memref<128xi32, #tpu.memory_space<hbm>>) dst(%dma_wait3A_1161 : memref<128xi32, #tpu.memory_space<vmem>>)
          %dma_wait3A_1163 = arith.constant 7 : i32
          %dma_wait3A_1164 = arith.constant 0 : i32
          %dma_wait3A_1165 = tpu.memref_slice %arg9[%dma_wait3A_1163, %dma_wait3A_1164] : memref<16x128xi32, #tpu.memory_space<vmem>> -> memref<1x128xi32, #tpu.memory_space<vmem>>
          %dma_wait3A_1166 = tpu.memref_squeeze %dma_wait3A_1165 : memref<1x128xi32, #tpu.memory_space<vmem>> -> memref<128xi32, #tpu.memory_space<vmem>>
          %dma_wait3A_1167 = tpu.memref_slice %arg5[%multiple_of3A_994] : memref<3202056xi32, #tpu.memory_space<hbm>> -> memref<128xi32, #tpu.memory_space<hbm>>
          %dma_wait3A_1168 = arith.constant 0 : i32
          %dma_wait3A_1169 = tpu.memref_slice %arg9[%dma_wait3A_1163, %dma_wait3A_1168] : memref<16x128xi32, #tpu.memory_space<vmem>> -> memref<1x128xi32, #tpu.memory_space<vmem>>
          %dma_wait3A_1170 = tpu.memref_squeeze %dma_wait3A_1169 : memref<1x128xi32, #tpu.memory_space<vmem>> -> memref<128xi32, #tpu.memory_space<vmem>>
          %dma_wait3A_1171 = tpu.memref_slice %arg5[%multiple_of3A_994] : memref<3202056xi32, #tpu.memory_space<hbm>> -> memref<128xi32, #tpu.memory_space<hbm>>
          tpu.wait_dma2 semaphore(%arg12 : memref<!tpu.dma_semaphore, #tpu.memory_space<semaphore_mem>>) src(%dma_wait3A_1171 : memref<128xi32, #tpu.memory_space<hbm>>) dst(%dma_wait3A_1170 : memref<128xi32, #tpu.memory_space<vmem>>)
          %dma_wait3A_1172 = arith.constant 8 : i32
          %dma_wait3A_1173 = arith.constant 0 : i32
          %dma_wait3A_1174 = tpu.memref_slice %arg9[%dma_wait3A_1172, %dma_wait3A_1173] : memref<16x128xi32, #tpu.memory_space<vmem>> -> memref<1x128xi32, #tpu.memory_space<vmem>>
          %dma_wait3A_1175 = tpu.memref_squeeze %dma_wait3A_1174 : memref<1x128xi32, #tpu.memory_space<vmem>> -> memref<128xi32, #tpu.memory_space<vmem>>
          %dma_wait3A_1176 = tpu.memref_slice %arg5[%multiple_of3A_1006] : memref<3202056xi32, #tpu.memory_space<hbm>> -> memref<128xi32, #tpu.memory_space<hbm>>
          %dma_wait3A_1177 = arith.constant 0 : i32
          %dma_wait3A_1178 = tpu.memref_slice %arg9[%dma_wait3A_1172, %dma_wait3A_1177] : memref<16x128xi32, #tpu.memory_space<vmem>> -> memref<1x128xi32, #tpu.memory_space<vmem>>
          %dma_wait3A_1179 = tpu.memref_squeeze %dma_wait3A_1178 : memref<1x128xi32, #tpu.memory_space<vmem>> -> memref<128xi32, #tpu.memory_space<vmem>>
          %dma_wait3A_1180 = tpu.memref_slice %arg5[%multiple_of3A_1006] : memref<3202056xi32, #tpu.memory_space<hbm>> -> memref<128xi32, #tpu.memory_space<hbm>>
          tpu.wait_dma2 semaphore(%arg12 : memref<!tpu.dma_semaphore, #tpu.memory_space<semaphore_mem>>) src(%dma_wait3A_1180 : memref<128xi32, #tpu.memory_space<hbm>>) dst(%dma_wait3A_1179 : memref<128xi32, #tpu.memory_space<vmem>>)
          %dma_wait3A_1181 = arith.constant 9 : i32
          %dma_wait3A_1182 = arith.constant 0 : i32
          %dma_wait3A_1183 = tpu.memref_slice %arg9[%dma_wait3A_1181, %dma_wait3A_1182] : memref<16x128xi32, #tpu.memory_space<vmem>> -> memref<1x128xi32, #tpu.memory_space<vmem>>
          %dma_wait3A_1184 = tpu.memref_squeeze %dma_wait3A_1183 : memref<1x128xi32, #tpu.memory_space<vmem>> -> memref<128xi32, #tpu.memory_space<vmem>>
          %dma_wait3A_1185 = tpu.memref_slice %arg5[%multiple_of3A_1018] : memref<3202056xi32, #tpu.memory_space<hbm>> -> memref<128xi32, #tpu.memory_space<hbm>>
          %dma_wait3A_1186 = arith.constant 0 : i32
          %dma_wait3A_1187 = tpu.memref_slice %arg9[%dma_wait3A_1181, %dma_wait3A_1186] : memref<16x128xi32, #tpu.memory_space<vmem>> -> memref<1x128xi32, #tpu.memory_space<vmem>>
          %dma_wait3A_1188 = tpu.memref_squeeze %dma_wait3A_1187 : memref<1x128xi32, #tpu.memory_space<vmem>> -> memref<128xi32, #tpu.memory_space<vmem>>
          %dma_wait3A_1189 = tpu.memref_slice %arg5[%multiple_of3A_1018] : memref<3202056xi32, #tpu.memory_space<hbm>> -> memref<128xi32, #tpu.memory_space<hbm>>
          tpu.wait_dma2 semaphore(%arg12 : memref<!tpu.dma_semaphore, #tpu.memory_space<semaphore_mem>>) src(%dma_wait3A_1189 : memref<128xi32, #tpu.memory_space<hbm>>) dst(%dma_wait3A_1188 : memref<128xi32, #tpu.memory_space<vmem>>)
          %dma_wait3A_1190 = arith.constant 10 : i32
          %dma_wait3A_1191 = arith.constant 0 : i32
          %dma_wait3A_1192 = tpu.memref_slice %arg9[%dma_wait3A_1190, %dma_wait3A_1191] : memref<16x128xi32, #tpu.memory_space<vmem>> -> memref<1x128xi32, #tpu.memory_space<vmem>>
          %dma_wait3A_1193 = tpu.memref_squeeze %dma_wait3A_1192 : memref<1x128xi32, #tpu.memory_space<vmem>> -> memref<128xi32, #tpu.memory_space<vmem>>
          %dma_wait3A_1194 = tpu.memref_slice %arg5[%multiple_of3A_1030] : memref<3202056xi32, #tpu.memory_space<hbm>> -> memref<128xi32, #tpu.memory_space<hbm>>
          %dma_wait3A_1195 = arith.constant 0 : i32
          %dma_wait3A_1196 = tpu.memref_slice %arg9[%dma_wait3A_1190, %dma_wait3A_1195] : memref<16x128xi32, #tpu.memory_space<vmem>> -> memref<1x128xi32, #tpu.memory_space<vmem>>
          %dma_wait3A_1197 = tpu.memref_squeeze %dma_wait3A_1196 : memref<1x128xi32, #tpu.memory_space<vmem>> -> memref<128xi32, #tpu.memory_space<vmem>>
          %dma_wait3A_1198 = tpu.memref_slice %arg5[%multiple_of3A_1030] : memref<3202056xi32, #tpu.memory_space<hbm>> -> memref<128xi32, #tpu.memory_space<hbm>>
          tpu.wait_dma2 semaphore(%arg12 : memref<!tpu.dma_semaphore, #tpu.memory_space<semaphore_mem>>) src(%dma_wait3A_1198 : memref<128xi32, #tpu.memory_space<hbm>>) dst(%dma_wait3A_1197 : memref<128xi32, #tpu.memory_space<vmem>>)
          %dma_wait3A_1199 = arith.constant 11 : i32
          %dma_wait3A_1200 = arith.constant 0 : i32
          %dma_wait3A_1201 = tpu.memref_slice %arg9[%dma_wait3A_1199, %dma_wait3A_1200] : memref<16x128xi32, #tpu.memory_space<vmem>> -> memref<1x128xi32, #tpu.memory_space<vmem>>
          %dma_wait3A_1202 = tpu.memref_squeeze %dma_wait3A_1201 : memref<1x128xi32, #tpu.memory_space<vmem>> -> memref<128xi32, #tpu.memory_space<vmem>>
          %dma_wait3A_1203 = tpu.memref_slice %arg5[%multiple_of3A_1042] : memref<3202056xi32, #tpu.memory_space<hbm>> -> memref<128xi32, #tpu.memory_space<hbm>>
          %dma_wait3A_1204 = arith.constant 0 : i32
          %dma_wait3A_1205 = tpu.memref_slice %arg9[%dma_wait3A_1199, %dma_wait3A_1204] : memref<16x128xi32, #tpu.memory_space<vmem>> -> memref<1x128xi32, #tpu.memory_space<vmem>>
          %dma_wait3A_1206 = tpu.memref_squeeze %dma_wait3A_1205 : memref<1x128xi32, #tpu.memory_space<vmem>> -> memref<128xi32, #tpu.memory_space<vmem>>
          %dma_wait3A_1207 = tpu.memref_slice %arg5[%multiple_of3A_1042] : memref<3202056xi32, #tpu.memory_space<hbm>> -> memref<128xi32, #tpu.memory_space<hbm>>
          tpu.wait_dma2 semaphore(%arg12 : memref<!tpu.dma_semaphore, #tpu.memory_space<semaphore_mem>>) src(%dma_wait3A_1207 : memref<128xi32, #tpu.memory_space<hbm>>) dst(%dma_wait3A_1206 : memref<128xi32, #tpu.memory_space<vmem>>)
          %dma_wait3A_1208 = arith.constant 12 : i32
          %dma_wait3A_1209 = arith.constant 0 : i32
          %dma_wait3A_1210 = tpu.memref_slice %arg9[%dma_wait3A_1208, %dma_wait3A_1209] : memref<16x128xi32, #tpu.memory_space<vmem>> -> memref<1x128xi32, #tpu.memory_space<vmem>>
          %dma_wait3A_1211 = tpu.memref_squeeze %dma_wait3A_1210 : memref<1x128xi32, #tpu.memory_space<vmem>> -> memref<128xi32, #tpu.memory_space<vmem>>
          %dma_wait3A_1212 = tpu.memref_slice %arg5[%multiple_of3A_1054] : memref<3202056xi32, #tpu.memory_space<hbm>> -> memref<128xi32, #tpu.memory_space<hbm>>
          %dma_wait3A_1213 = arith.constant 0 : i32
          %dma_wait3A_1214 = tpu.memref_slice %arg9[%dma_wait3A_1208, %dma_wait3A_1213] : memref<16x128xi32, #tpu.memory_space<vmem>> -> memref<1x128xi32, #tpu.memory_space<vmem>>
          %dma_wait3A_1215 = tpu.memref_squeeze %dma_wait3A_1214 : memref<1x128xi32, #tpu.memory_space<vmem>> -> memref<128xi32, #tpu.memory_space<vmem>>
          %dma_wait3A_1216 = tpu.memref_slice %arg5[%multiple_of3A_1054] : memref<3202056xi32, #tpu.memory_space<hbm>> -> memref<128xi32, #tpu.memory_space<hbm>>
          tpu.wait_dma2 semaphore(%arg12 : memref<!tpu.dma_semaphore, #tpu.memory_space<semaphore_mem>>) src(%dma_wait3A_1216 : memref<128xi32, #tpu.memory_space<hbm>>) dst(%dma_wait3A_1215 : memref<128xi32, #tpu.memory_space<vmem>>)
          %dma_wait3A_1217 = arith.constant 13 : i32
          %dma_wait3A_1218 = arith.constant 0 : i32
          %dma_wait3A_1219 = tpu.memref_slice %arg9[%dma_wait3A_1217, %dma_wait3A_1218] : memref<16x128xi32, #tpu.memory_space<vmem>> -> memref<1x128xi32, #tpu.memory_space<vmem>>
          %dma_wait3A_1220 = tpu.memref_squeeze %dma_wait3A_1219 : memref<1x128xi32, #tpu.memory_space<vmem>> -> memref<128xi32, #tpu.memory_space<vmem>>
          %dma_wait3A_1221 = tpu.memref_slice %arg5[%multiple_of3A_1066] : memref<3202056xi32, #tpu.memory_space<hbm>> -> memref<128xi32, #tpu.memory_space<hbm>>
          %dma_wait3A_1222 = arith.constant 0 : i32
          %dma_wait3A_1223 = tpu.memref_slice %arg9[%dma_wait3A_1217, %dma_wait3A_1222] : memref<16x128xi32, #tpu.memory_space<vmem>> -> memref<1x128xi32, #tpu.memory_space<vmem>>
          %dma_wait3A_1224 = tpu.memref_squeeze %dma_wait3A_1223 : memref<1x128xi32, #tpu.memory_space<vmem>> -> memref<128xi32, #tpu.memory_space<vmem>>
          %dma_wait3A_1225 = tpu.memref_slice %arg5[%multiple_of3A_1066] : memref<3202056xi32, #tpu.memory_space<hbm>> -> memref<128xi32, #tpu.memory_space<hbm>>
          tpu.wait_dma2 semaphore(%arg12 : memref<!tpu.dma_semaphore, #tpu.memory_space<semaphore_mem>>) src(%dma_wait3A_1225 : memref<128xi32, #tpu.memory_space<hbm>>) dst(%dma_wait3A_1224 : memref<128xi32, #tpu.memory_space<vmem>>)
          %dma_wait3A_1226 = arith.constant 14 : i32
          %dma_wait3A_1227 = arith.constant 0 : i32
          %dma_wait3A_1228 = tpu.memref_slice %arg9[%dma_wait3A_1226, %dma_wait3A_1227] : memref<16x128xi32, #tpu.memory_space<vmem>> -> memref<1x128xi32, #tpu.memory_space<vmem>>
          %dma_wait3A_1229 = tpu.memref_squeeze %dma_wait3A_1228 : memref<1x128xi32, #tpu.memory_space<vmem>> -> memref<128xi32, #tpu.memory_space<vmem>>
          %dma_wait3A_1230 = tpu.memref_slice %arg5[%multiple_of3A_1078] : memref<3202056xi32, #tpu.memory_space<hbm>> -> memref<128xi32, #tpu.memory_space<hbm>>
          %dma_wait3A_1231 = arith.constant 0 : i32
          %dma_wait3A_1232 = tpu.memref_slice %arg9[%dma_wait3A_1226, %dma_wait3A_1231] : memref<16x128xi32, #tpu.memory_space<vmem>> -> memref<1x128xi32, #tpu.memory_space<vmem>>
          %dma_wait3A_1233 = tpu.memref_squeeze %dma_wait3A_1232 : memref<1x128xi32, #tpu.memory_space<vmem>> -> memref<128xi32, #tpu.memory_space<vmem>>
          %dma_wait3A_1234 = tpu.memref_slice %arg5[%multiple_of3A_1078] : memref<3202056xi32, #tpu.memory_space<hbm>> -> memref<128xi32, #tpu.memory_space<hbm>>
          tpu.wait_dma2 semaphore(%arg12 : memref<!tpu.dma_semaphore, #tpu.memory_space<semaphore_mem>>) src(%dma_wait3A_1234 : memref<128xi32, #tpu.memory_space<hbm>>) dst(%dma_wait3A_1233 : memref<128xi32, #tpu.memory_space<vmem>>)
          %dma_wait3A_1235 = arith.constant 15 : i32
          %dma_wait3A_1236 = arith.constant 0 : i32
          %dma_wait3A_1237 = tpu.memref_slice %arg9[%dma_wait3A_1235, %dma_wait3A_1236] : memref<16x128xi32, #tpu.memory_space<vmem>> -> memref<1x128xi32, #tpu.memory_space<vmem>>
          %dma_wait3A_1238 = tpu.memref_squeeze %dma_wait3A_1237 : memref<1x128xi32, #tpu.memory_space<vmem>> -> memref<128xi32, #tpu.memory_space<vmem>>
          %dma_wait3A_1239 = tpu.memref_slice %arg5[%multiple_of3A_1090] : memref<3202056xi32, #tpu.memory_space<hbm>> -> memref<128xi32, #tpu.memory_space<hbm>>
          %dma_wait3A_1240 = arith.constant 0 : i32
          %dma_wait3A_1241 = tpu.memref_slice %arg9[%dma_wait3A_1235, %dma_wait3A_1240] : memref<16x128xi32, #tpu.memory_space<vmem>> -> memref<1x128xi32, #tpu.memory_space<vmem>>
          %dma_wait3A_1242 = tpu.memref_squeeze %dma_wait3A_1241 : memref<1x128xi32, #tpu.memory_space<vmem>> -> memref<128xi32, #tpu.memory_space<vmem>>
          %dma_wait3A_1243 = tpu.memref_slice %arg5[%multiple_of3A_1090] : memref<3202056xi32, #tpu.memory_space<hbm>> -> memref<128xi32, #tpu.memory_space<hbm>>
          tpu.wait_dma2 semaphore(%arg12 : memref<!tpu.dma_semaphore, #tpu.memory_space<semaphore_mem>>) src(%dma_wait3A_1243 : memref<128xi32, #tpu.memory_space<hbm>>) dst(%dma_wait3A_1242 : memref<128xi32, #tpu.memory_space<vmem>>)
          %dma_start3A_1244 = arith.constant 0 : i32
          %dma_start3A_1245 = arith.constant 0 : i32
          %dma_start3A_1246 = arith.constant 0 : i32
          %dma_start3A_1247 = arith.constant 0 : i32
          %dma_start3A_1248 = tpu.memref_slice %arg10[%dma_start3A_1245, %dma_start3A_1246, %dma_start3A_1247] : memref<16x128x16xf32, #tpu.memory_space<vmem>> -> memref<1x128x16xf32, #tpu.memory_space<vmem>>
          %dma_start3A_1249 = tpu.memref_squeeze %dma_start3A_1248 : memref<1x128x16xf32, #tpu.memory_space<vmem>> -> memref<128x16xf32, #tpu.memory_space<vmem>>
          %dma_start3A_1250 = arith.constant 0 : i32
          %dma_start3A_1251 = tpu.memref_slice %arg9[%dma_start3A_1244, %dma_start3A_1250] : memref<16x128xi32, #tpu.memory_space<vmem>> -> memref<1x128xi32, #tpu.memory_space<vmem>>
          %dma_start3A_1252 = tpu.memref_squeeze %dma_start3A_1251 : memref<1x128xi32, #tpu.memory_space<vmem>> -> memref<128xi32, #tpu.memory_space<vmem>>
          %dma_start3A_1253 = arith.constant 0 : i32
          %dma_start3A_1254 = arith.constant 0 : i32
          %dma_start3A_1255 = tpu.memref_slice %arg2[%dma_start3A_1253, %dma_start3A_1254] : memref<100352x16xf32, #tpu.memory_space<hbm>> -> memref<100352x16xf32, #tpu.memory_space<hbm>>
          tpu.enqueue_indirect_dma source(%dma_start3A_1255 : memref<100352x16xf32, #tpu.memory_space<hbm>>) target(%dma_start3A_1249 : memref<128x16xf32, #tpu.memory_space<vmem>>) offsets(%dma_start3A_1252 : memref<128xi32, #tpu.memory_space<vmem>>) semaphore(%arg12 : memref<!tpu.dma_semaphore, #tpu.memory_space<semaphore_mem>>)
          %dma_start3A_1256 = arith.constant 1 : i32
          %dma_start3A_1257 = arith.constant 1 : i32
          %dma_start3A_1258 = arith.constant 0 : i32
          %dma_start3A_1259 = arith.constant 0 : i32
          %dma_start3A_1260 = tpu.memref_slice %arg10[%dma_start3A_1257, %dma_start3A_1258, %dma_start3A_1259] : memref<16x128x16xf32, #tpu.memory_space<vmem>> -> memref<1x128x16xf32, #tpu.memory_space<vmem>>
          %dma_start3A_1261 = tpu.memref_squeeze %dma_start3A_1260 : memref<1x128x16xf32, #tpu.memory_space<vmem>> -> memref<128x16xf32, #tpu.memory_space<vmem>>
          %dma_start3A_1262 = arith.constant 0 : i32
          %dma_start3A_1263 = tpu.memref_slice %arg9[%dma_start3A_1256, %dma_start3A_1262] : memref<16x128xi32, #tpu.memory_space<vmem>> -> memref<1x128xi32, #tpu.memory_space<vmem>>
          %dma_start3A_1264 = tpu.memref_squeeze %dma_start3A_1263 : memref<1x128xi32, #tpu.memory_space<vmem>> -> memref<128xi32, #tpu.memory_space<vmem>>
          %dma_start3A_1265 = arith.constant 0 : i32
          %dma_start3A_1266 = arith.constant 0 : i32
          %dma_start3A_1267 = tpu.memref_slice %arg2[%dma_start3A_1265, %dma_start3A_1266] : memref<100352x16xf32, #tpu.memory_space<hbm>> -> memref<100352x16xf32, #tpu.memory_space<hbm>>
          tpu.enqueue_indirect_dma source(%dma_start3A_1267 : memref<100352x16xf32, #tpu.memory_space<hbm>>) target(%dma_start3A_1261 : memref<128x16xf32, #tpu.memory_space<vmem>>) offsets(%dma_start3A_1264 : memref<128xi32, #tpu.memory_space<vmem>>) semaphore(%arg12 : memref<!tpu.dma_semaphore, #tpu.memory_space<semaphore_mem>>)
          %dma_start3A_1268 = arith.constant 2 : i32
          %dma_start3A_1269 = arith.constant 2 : i32
          %dma_start3A_1270 = arith.constant 0 : i32
          %dma_start3A_1271 = arith.constant 0 : i32
          %dma_start3A_1272 = tpu.memref_slice %arg10[%dma_start3A_1269, %dma_start3A_1270, %dma_start3A_1271] : memref<16x128x16xf32, #tpu.memory_space<vmem>> -> memref<1x128x16xf32, #tpu.memory_space<vmem>>
          %dma_start3A_1273 = tpu.memref_squeeze %dma_start3A_1272 : memref<1x128x16xf32, #tpu.memory_space<vmem>> -> memref<128x16xf32, #tpu.memory_space<vmem>>
          %dma_start3A_1274 = arith.constant 0 : i32
          %dma_start3A_1275 = tpu.memref_slice %arg9[%dma_start3A_1268, %dma_start3A_1274] : memref<16x128xi32, #tpu.memory_space<vmem>> -> memref<1x128xi32, #tpu.memory_space<vmem>>
          %dma_start3A_1276 = tpu.memref_squeeze %dma_start3A_1275 : memref<1x128xi32, #tpu.memory_space<vmem>> -> memref<128xi32, #tpu.memory_space<vmem>>
          %dma_start3A_1277 = arith.constant 0 : i32
          %dma_start3A_1278 = arith.constant 0 : i32
          %dma_start3A_1279 = tpu.memref_slice %arg2[%dma_start3A_1277, %dma_start3A_1278] : memref<100352x16xf32, #tpu.memory_space<hbm>> -> memref<100352x16xf32, #tpu.memory_space<hbm>>
          tpu.enqueue_indirect_dma source(%dma_start3A_1279 : memref<100352x16xf32, #tpu.memory_space<hbm>>) target(%dma_start3A_1273 : memref<128x16xf32, #tpu.memory_space<vmem>>) offsets(%dma_start3A_1276 : memref<128xi32, #tpu.memory_space<vmem>>) semaphore(%arg12 : memref<!tpu.dma_semaphore, #tpu.memory_space<semaphore_mem>>)
          %dma_start3A_1280 = arith.constant 3 : i32
          %dma_start3A_1281 = arith.constant 3 : i32
          %dma_start3A_1282 = arith.constant 0 : i32
          %dma_start3A_1283 = arith.constant 0 : i32
          %dma_start3A_1284 = tpu.memref_slice %arg10[%dma_start3A_1281, %dma_start3A_1282, %dma_start3A_1283] : memref<16x128x16xf32, #tpu.memory_space<vmem>> -> memref<1x128x16xf32, #tpu.memory_space<vmem>>
          %dma_start3A_1285 = tpu.memref_squeeze %dma_start3A_1284 : memref<1x128x16xf32, #tpu.memory_space<vmem>> -> memref<128x16xf32, #tpu.memory_space<vmem>>
          %dma_start3A_1286 = arith.constant 0 : i32
          %dma_start3A_1287 = tpu.memref_slice %arg9[%dma_start3A_1280, %dma_start3A_1286] : memref<16x128xi32, #tpu.memory_space<vmem>> -> memref<1x128xi32, #tpu.memory_space<vmem>>
          %dma_start3A_1288 = tpu.memref_squeeze %dma_start3A_1287 : memref<1x128xi32, #tpu.memory_space<vmem>> -> memref<128xi32, #tpu.memory_space<vmem>>
          %dma_start3A_1289 = arith.constant 0 : i32
          %dma_start3A_1290 = arith.constant 0 : i32
          %dma_start3A_1291 = tpu.memref_slice %arg2[%dma_start3A_1289, %dma_start3A_1290] : memref<100352x16xf32, #tpu.memory_space<hbm>> -> memref<100352x16xf32, #tpu.memory_space<hbm>>
          tpu.enqueue_indirect_dma source(%dma_start3A_1291 : memref<100352x16xf32, #tpu.memory_space<hbm>>) target(%dma_start3A_1285 : memref<128x16xf32, #tpu.memory_space<vmem>>) offsets(%dma_start3A_1288 : memref<128xi32, #tpu.memory_space<vmem>>) semaphore(%arg12 : memref<!tpu.dma_semaphore, #tpu.memory_space<semaphore_mem>>)
          %dma_start3A_1292 = arith.constant 4 : i32
          %dma_start3A_1293 = arith.constant 4 : i32
          %dma_start3A_1294 = arith.constant 0 : i32
          %dma_start3A_1295 = arith.constant 0 : i32
          %dma_start3A_1296 = tpu.memref_slice %arg10[%dma_start3A_1293, %dma_start3A_1294, %dma_start3A_1295] : memref<16x128x16xf32, #tpu.memory_space<vmem>> -> memref<1x128x16xf32, #tpu.memory_space<vmem>>
          %dma_start3A_1297 = tpu.memref_squeeze %dma_start3A_1296 : memref<1x128x16xf32, #tpu.memory_space<vmem>> -> memref<128x16xf32, #tpu.memory_space<vmem>>
          %dma_start3A_1298 = arith.constant 0 : i32
          %dma_start3A_1299 = tpu.memref_slice %arg9[%dma_start3A_1292, %dma_start3A_1298] : memref<16x128xi32, #tpu.memory_space<vmem>> -> memref<1x128xi32, #tpu.memory_space<vmem>>
          %dma_start3A_1300 = tpu.memref_squeeze %dma_start3A_1299 : memref<1x128xi32, #tpu.memory_space<vmem>> -> memref<128xi32, #tpu.memory_space<vmem>>
          %dma_start3A_1301 = arith.constant 0 : i32
          %dma_start3A_1302 = arith.constant 0 : i32
          %dma_start3A_1303 = tpu.memref_slice %arg2[%dma_start3A_1301, %dma_start3A_1302] : memref<100352x16xf32, #tpu.memory_space<hbm>> -> memref<100352x16xf32, #tpu.memory_space<hbm>>
          tpu.enqueue_indirect_dma source(%dma_start3A_1303 : memref<100352x16xf32, #tpu.memory_space<hbm>>) target(%dma_start3A_1297 : memref<128x16xf32, #tpu.memory_space<vmem>>) offsets(%dma_start3A_1300 : memref<128xi32, #tpu.memory_space<vmem>>) semaphore(%arg12 : memref<!tpu.dma_semaphore, #tpu.memory_space<semaphore_mem>>)
          %dma_start3A_1304 = arith.constant 5 : i32
          %dma_start3A_1305 = arith.constant 5 : i32
          %dma_start3A_1306 = arith.constant 0 : i32
          %dma_start3A_1307 = arith.constant 0 : i32
          %dma_start3A_1308 = tpu.memref_slice %arg10[%dma_start3A_1305, %dma_start3A_1306, %dma_start3A_1307] : memref<16x128x16xf32, #tpu.memory_space<vmem>> -> memref<1x128x16xf32, #tpu.memory_space<vmem>>
          %dma_start3A_1309 = tpu.memref_squeeze %dma_start3A_1308 : memref<1x128x16xf32, #tpu.memory_space<vmem>> -> memref<128x16xf32, #tpu.memory_space<vmem>>
          %dma_start3A_1310 = arith.constant 0 : i32
          %dma_start3A_1311 = tpu.memref_slice %arg9[%dma_start3A_1304, %dma_start3A_1310] : memref<16x128xi32, #tpu.memory_space<vmem>> -> memref<1x128xi32, #tpu.memory_space<vmem>>
          %dma_start3A_1312 = tpu.memref_squeeze %dma_start3A_1311 : memref<1x128xi32, #tpu.memory_space<vmem>> -> memref<128xi32, #tpu.memory_space<vmem>>
          %dma_start3A_1313 = arith.constant 0 : i32
          %dma_start3A_1314 = arith.constant 0 : i32
          %dma_start3A_1315 = tpu.memref_slice %arg2[%dma_start3A_1313, %dma_start3A_1314] : memref<100352x16xf32, #tpu.memory_space<hbm>> -> memref<100352x16xf32, #tpu.memory_space<hbm>>
          tpu.enqueue_indirect_dma source(%dma_start3A_1315 : memref<100352x16xf32, #tpu.memory_space<hbm>>) target(%dma_start3A_1309 : memref<128x16xf32, #tpu.memory_space<vmem>>) offsets(%dma_start3A_1312 : memref<128xi32, #tpu.memory_space<vmem>>) semaphore(%arg12 : memref<!tpu.dma_semaphore, #tpu.memory_space<semaphore_mem>>)
          %dma_start3A_1316 = arith.constant 6 : i32
          %dma_start3A_1317 = arith.constant 6 : i32
          %dma_start3A_1318 = arith.constant 0 : i32
          %dma_start3A_1319 = arith.constant 0 : i32
          %dma_start3A_1320 = tpu.memref_slice %arg10[%dma_start3A_1317, %dma_start3A_1318, %dma_start3A_1319] : memref<16x128x16xf32, #tpu.memory_space<vmem>> -> memref<1x128x16xf32, #tpu.memory_space<vmem>>
          %dma_start3A_1321 = tpu.memref_squeeze %dma_start3A_1320 : memref<1x128x16xf32, #tpu.memory_space<vmem>> -> memref<128x16xf32, #tpu.memory_space<vmem>>
          %dma_start3A_1322 = arith.constant 0 : i32
          %dma_start3A_1323 = tpu.memref_slice %arg9[%dma_start3A_1316, %dma_start3A_1322] : memref<16x128xi32, #tpu.memory_space<vmem>> -> memref<1x128xi32, #tpu.memory_space<vmem>>
          %dma_start3A_1324 = tpu.memref_squeeze %dma_start3A_1323 : memref<1x128xi32, #tpu.memory_space<vmem>> -> memref<128xi32, #tpu.memory_space<vmem>>
          %dma_start3A_1325 = arith.constant 0 : i32
          %dma_start3A_1326 = arith.constant 0 : i32
          %dma_start3A_1327 = tpu.memref_slice %arg2[%dma_start3A_1325, %dma_start3A_1326] : memref<100352x16xf32, #tpu.memory_space<hbm>> -> memref<100352x16xf32, #tpu.memory_space<hbm>>
          tpu.enqueue_indirect_dma source(%dma_start3A_1327 : memref<100352x16xf32, #tpu.memory_space<hbm>>) target(%dma_start3A_1321 : memref<128x16xf32, #tpu.memory_space<vmem>>) offsets(%dma_start3A_1324 : memref<128xi32, #tpu.memory_space<vmem>>) semaphore(%arg12 : memref<!tpu.dma_semaphore, #tpu.memory_space<semaphore_mem>>)
          %dma_start3A_1328 = arith.constant 7 : i32
          %dma_start3A_1329 = arith.constant 7 : i32
          %dma_start3A_1330 = arith.constant 0 : i32
          %dma_start3A_1331 = arith.constant 0 : i32
          %dma_start3A_1332 = tpu.memref_slice %arg10[%dma_start3A_1329, %dma_start3A_1330, %dma_start3A_1331] : memref<16x128x16xf32, #tpu.memory_space<vmem>> -> memref<1x128x16xf32, #tpu.memory_space<vmem>>
          %dma_start3A_1333 = tpu.memref_squeeze %dma_start3A_1332 : memref<1x128x16xf32, #tpu.memory_space<vmem>> -> memref<128x16xf32, #tpu.memory_space<vmem>>
          %dma_start3A_1334 = arith.constant 0 : i32
          %dma_start3A_1335 = tpu.memref_slice %arg9[%dma_start3A_1328, %dma_start3A_1334] : memref<16x128xi32, #tpu.memory_space<vmem>> -> memref<1x128xi32, #tpu.memory_space<vmem>>
          %dma_start3A_1336 = tpu.memref_squeeze %dma_start3A_1335 : memref<1x128xi32, #tpu.memory_space<vmem>> -> memref<128xi32, #tpu.memory_space<vmem>>
          %dma_start3A_1337 = arith.constant 0 : i32
          %dma_start3A_1338 = arith.constant 0 : i32
          %dma_start3A_1339 = tpu.memref_slice %arg2[%dma_start3A_1337, %dma_start3A_1338] : memref<100352x16xf32, #tpu.memory_space<hbm>> -> memref<100352x16xf32, #tpu.memory_space<hbm>>
          tpu.enqueue_indirect_dma source(%dma_start3A_1339 : memref<100352x16xf32, #tpu.memory_space<hbm>>) target(%dma_start3A_1333 : memref<128x16xf32, #tpu.memory_space<vmem>>) offsets(%dma_start3A_1336 : memref<128xi32, #tpu.memory_space<vmem>>) semaphore(%arg12 : memref<!tpu.dma_semaphore, #tpu.memory_space<semaphore_mem>>)
          %dma_start3A_1340 = arith.constant 8 : i32
          %dma_start3A_1341 = arith.constant 8 : i32
          %dma_start3A_1342 = arith.constant 0 : i32
          %dma_start3A_1343 = arith.constant 0 : i32
          %dma_start3A_1344 = tpu.memref_slice %arg10[%dma_start3A_1341, %dma_start3A_1342, %dma_start3A_1343] : memref<16x128x16xf32, #tpu.memory_space<vmem>> -> memref<1x128x16xf32, #tpu.memory_space<vmem>>
          %dma_start3A_1345 = tpu.memref_squeeze %dma_start3A_1344 : memref<1x128x16xf32, #tpu.memory_space<vmem>> -> memref<128x16xf32, #tpu.memory_space<vmem>>
          %dma_start3A_1346 = arith.constant 0 : i32
          %dma_start3A_1347 = tpu.memref_slice %arg9[%dma_start3A_1340, %dma_start3A_1346] : memref<16x128xi32, #tpu.memory_space<vmem>> -> memref<1x128xi32, #tpu.memory_space<vmem>>
          %dma_start3A_1348 = tpu.memref_squeeze %dma_start3A_1347 : memref<1x128xi32, #tpu.memory_space<vmem>> -> memref<128xi32, #tpu.memory_space<vmem>>
          %dma_start3A_1349 = arith.constant 0 : i32
          %dma_start3A_1350 = arith.constant 0 : i32
          %dma_start3A_1351 = tpu.memref_slice %arg2[%dma_start3A_1349, %dma_start3A_1350] : memref<100352x16xf32, #tpu.memory_space<hbm>> -> memref<100352x16xf32, #tpu.memory_space<hbm>>
          tpu.enqueue_indirect_dma source(%dma_start3A_1351 : memref<100352x16xf32, #tpu.memory_space<hbm>>) target(%dma_start3A_1345 : memref<128x16xf32, #tpu.memory_space<vmem>>) offsets(%dma_start3A_1348 : memref<128xi32, #tpu.memory_space<vmem>>) semaphore(%arg12 : memref<!tpu.dma_semaphore, #tpu.memory_space<semaphore_mem>>)
          %dma_start3A_1352 = arith.constant 9 : i32
          %dma_start3A_1353 = arith.constant 9 : i32
          %dma_start3A_1354 = arith.constant 0 : i32
          %dma_start3A_1355 = arith.constant 0 : i32
          %dma_start3A_1356 = tpu.memref_slice %arg10[%dma_start3A_1353, %dma_start3A_1354, %dma_start3A_1355] : memref<16x128x16xf32, #tpu.memory_space<vmem>> -> memref<1x128x16xf32, #tpu.memory_space<vmem>>
          %dma_start3A_1357 = tpu.memref_squeeze %dma_start3A_1356 : memref<1x128x16xf32, #tpu.memory_space<vmem>> -> memref<128x16xf32, #tpu.memory_space<vmem>>
          %dma_start3A_1358 = arith.constant 0 : i32
          %dma_start3A_1359 = tpu.memref_slice %arg9[%dma_start3A_1352, %dma_start3A_1358] : memref<16x128xi32, #tpu.memory_space<vmem>> -> memref<1x128xi32, #tpu.memory_space<vmem>>
          %dma_start3A_1360 = tpu.memref_squeeze %dma_start3A_1359 : memref<1x128xi32, #tpu.memory_space<vmem>> -> memref<128xi32, #tpu.memory_space<vmem>>
          %dma_start3A_1361 = arith.constant 0 : i32
          %dma_start3A_1362 = arith.constant 0 : i32
          %dma_start3A_1363 = tpu.memref_slice %arg2[%dma_start3A_1361, %dma_start3A_1362] : memref<100352x16xf32, #tpu.memory_space<hbm>> -> memref<100352x16xf32, #tpu.memory_space<hbm>>
          tpu.enqueue_indirect_dma source(%dma_start3A_1363 : memref<100352x16xf32, #tpu.memory_space<hbm>>) target(%dma_start3A_1357 : memref<128x16xf32, #tpu.memory_space<vmem>>) offsets(%dma_start3A_1360 : memref<128xi32, #tpu.memory_space<vmem>>) semaphore(%arg12 : memref<!tpu.dma_semaphore, #tpu.memory_space<semaphore_mem>>)
          %dma_start3A_1364 = arith.constant 10 : i32
          %dma_start3A_1365 = arith.constant 10 : i32
          %dma_start3A_1366 = arith.constant 0 : i32
          %dma_start3A_1367 = arith.constant 0 : i32
          %dma_start3A_1368 = tpu.memref_slice %arg10[%dma_start3A_1365, %dma_start3A_1366, %dma_start3A_1367] : memref<16x128x16xf32, #tpu.memory_space<vmem>> -> memref<1x128x16xf32, #tpu.memory_space<vmem>>
          %dma_start3A_1369 = tpu.memref_squeeze %dma_start3A_1368 : memref<1x128x16xf32, #tpu.memory_space<vmem>> -> memref<128x16xf32, #tpu.memory_space<vmem>>
          %dma_start3A_1370 = arith.constant 0 : i32
          %dma_start3A_1371 = tpu.memref_slice %arg9[%dma_start3A_1364, %dma_start3A_1370] : memref<16x128xi32, #tpu.memory_space<vmem>> -> memref<1x128xi32, #tpu.memory_space<vmem>>
          %dma_start3A_1372 = tpu.memref_squeeze %dma_start3A_1371 : memref<1x128xi32, #tpu.memory_space<vmem>> -> memref<128xi32, #tpu.memory_space<vmem>>
          %dma_start3A_1373 = arith.constant 0 : i32
          %dma_start3A_1374 = arith.constant 0 : i32
          %dma_start3A_1375 = tpu.memref_slice %arg2[%dma_start3A_1373, %dma_start3A_1374] : memref<100352x16xf32, #tpu.memory_space<hbm>> -> memref<100352x16xf32, #tpu.memory_space<hbm>>
          tpu.enqueue_indirect_dma source(%dma_start3A_1375 : memref<100352x16xf32, #tpu.memory_space<hbm>>) target(%dma_start3A_1369 : memref<128x16xf32, #tpu.memory_space<vmem>>) offsets(%dma_start3A_1372 : memref<128xi32, #tpu.memory_space<vmem>>) semaphore(%arg12 : memref<!tpu.dma_semaphore, #tpu.memory_space<semaphore_mem>>)
          %dma_start3A_1376 = arith.constant 11 : i32
          %dma_start3A_1377 = arith.constant 11 : i32
          %dma_start3A_1378 = arith.constant 0 : i32
          %dma_start3A_1379 = arith.constant 0 : i32
          %dma_start3A_1380 = tpu.memref_slice %arg10[%dma_start3A_1377, %dma_start3A_1378, %dma_start3A_1379] : memref<16x128x16xf32, #tpu.memory_space<vmem>> -> memref<1x128x16xf32, #tpu.memory_space<vmem>>
          %dma_start3A_1381 = tpu.memref_squeeze %dma_start3A_1380 : memref<1x128x16xf32, #tpu.memory_space<vmem>> -> memref<128x16xf32, #tpu.memory_space<vmem>>
          %dma_start3A_1382 = arith.constant 0 : i32
          %dma_start3A_1383 = tpu.memref_slice %arg9[%dma_start3A_1376, %dma_start3A_1382] : memref<16x128xi32, #tpu.memory_space<vmem>> -> memref<1x128xi32, #tpu.memory_space<vmem>>
          %dma_start3A_1384 = tpu.memref_squeeze %dma_start3A_1383 : memref<1x128xi32, #tpu.memory_space<vmem>> -> memref<128xi32, #tpu.memory_space<vmem>>
          %dma_start3A_1385 = arith.constant 0 : i32
          %dma_start3A_1386 = arith.constant 0 : i32
          %dma_start3A_1387 = tpu.memref_slice %arg2[%dma_start3A_1385, %dma_start3A_1386] : memref<100352x16xf32, #tpu.memory_space<hbm>> -> memref<100352x16xf32, #tpu.memory_space<hbm>>
          tpu.enqueue_indirect_dma source(%dma_start3A_1387 : memref<100352x16xf32, #tpu.memory_space<hbm>>) target(%dma_start3A_1381 : memref<128x16xf32, #tpu.memory_space<vmem>>) offsets(%dma_start3A_1384 : memref<128xi32, #tpu.memory_space<vmem>>) semaphore(%arg12 : memref<!tpu.dma_semaphore, #tpu.memory_space<semaphore_mem>>)
          %dma_start3A_1388 = arith.constant 12 : i32
          %dma_start3A_1389 = arith.constant 12 : i32
          %dma_start3A_1390 = arith.constant 0 : i32
          %dma_start3A_1391 = arith.constant 0 : i32
          %dma_start3A_1392 = tpu.memref_slice %arg10[%dma_start3A_1389, %dma_start3A_1390, %dma_start3A_1391] : memref<16x128x16xf32, #tpu.memory_space<vmem>> -> memref<1x128x16xf32, #tpu.memory_space<vmem>>
          %dma_start3A_1393 = tpu.memref_squeeze %dma_start3A_1392 : memref<1x128x16xf32, #tpu.memory_space<vmem>> -> memref<128x16xf32, #tpu.memory_space<vmem>>
          %dma_start3A_1394 = arith.constant 0 : i32
          %dma_start3A_1395 = tpu.memref_slice %arg9[%dma_start3A_1388, %dma_start3A_1394] : memref<16x128xi32, #tpu.memory_space<vmem>> -> memref<1x128xi32, #tpu.memory_space<vmem>>
          %dma_start3A_1396 = tpu.memref_squeeze %dma_start3A_1395 : memref<1x128xi32, #tpu.memory_space<vmem>> -> memref<128xi32, #tpu.memory_space<vmem>>
          %dma_start3A_1397 = arith.constant 0 : i32
          %dma_start3A_1398 = arith.constant 0 : i32
          %dma_start3A_1399 = tpu.memref_slice %arg2[%dma_start3A_1397, %dma_start3A_1398] : memref<100352x16xf32, #tpu.memory_space<hbm>> -> memref<100352x16xf32, #tpu.memory_space<hbm>>
          tpu.enqueue_indirect_dma source(%dma_start3A_1399 : memref<100352x16xf32, #tpu.memory_space<hbm>>) target(%dma_start3A_1393 : memref<128x16xf32, #tpu.memory_space<vmem>>) offsets(%dma_start3A_1396 : memref<128xi32, #tpu.memory_space<vmem>>) semaphore(%arg12 : memref<!tpu.dma_semaphore, #tpu.memory_space<semaphore_mem>>)
          %dma_start3A_1400 = arith.constant 13 : i32
          %dma_start3A_1401 = arith.constant 13 : i32
          %dma_start3A_1402 = arith.constant 0 : i32
          %dma_start3A_1403 = arith.constant 0 : i32
          %dma_start3A_1404 = tpu.memref_slice %arg10[%dma_start3A_1401, %dma_start3A_1402, %dma_start3A_1403] : memref<16x128x16xf32, #tpu.memory_space<vmem>> -> memref<1x128x16xf32, #tpu.memory_space<vmem>>
          %dma_start3A_1405 = tpu.memref_squeeze %dma_start3A_1404 : memref<1x128x16xf32, #tpu.memory_space<vmem>> -> memref<128x16xf32, #tpu.memory_space<vmem>>
          %dma_start3A_1406 = arith.constant 0 : i32
          %dma_start3A_1407 = tpu.memref_slice %arg9[%dma_start3A_1400, %dma_start3A_1406] : memref<16x128xi32, #tpu.memory_space<vmem>> -> memref<1x128xi32, #tpu.memory_space<vmem>>
          %dma_start3A_1408 = tpu.memref_squeeze %dma_start3A_1407 : memref<1x128xi32, #tpu.memory_space<vmem>> -> memref<128xi32, #tpu.memory_space<vmem>>
          %dma_start3A_1409 = arith.constant 0 : i32
          %dma_start3A_1410 = arith.constant 0 : i32
          %dma_start3A_1411 = tpu.memref_slice %arg2[%dma_start3A_1409, %dma_start3A_1410] : memref<100352x16xf32, #tpu.memory_space<hbm>> -> memref<100352x16xf32, #tpu.memory_space<hbm>>
          tpu.enqueue_indirect_dma source(%dma_start3A_1411 : memref<100352x16xf32, #tpu.memory_space<hbm>>) target(%dma_start3A_1405 : memref<128x16xf32, #tpu.memory_space<vmem>>) offsets(%dma_start3A_1408 : memref<128xi32, #tpu.memory_space<vmem>>) semaphore(%arg12 : memref<!tpu.dma_semaphore, #tpu.memory_space<semaphore_mem>>)
          %dma_start3A_1412 = arith.constant 14 : i32
          %dma_start3A_1413 = arith.constant 14 : i32
          %dma_start3A_1414 = arith.constant 0 : i32
          %dma_start3A_1415 = arith.constant 0 : i32
          %dma_start3A_1416 = tpu.memref_slice %arg10[%dma_start3A_1413, %dma_start3A_1414, %dma_start3A_1415] : memref<16x128x16xf32, #tpu.memory_space<vmem>> -> memref<1x128x16xf32, #tpu.memory_space<vmem>>
          %dma_start3A_1417 = tpu.memref_squeeze %dma_start3A_1416 : memref<1x128x16xf32, #tpu.memory_space<vmem>> -> memref<128x16xf32, #tpu.memory_space<vmem>>
          %dma_start3A_1418 = arith.constant 0 : i32
          %dma_start3A_1419 = tpu.memref_slice %arg9[%dma_start3A_1412, %dma_start3A_1418] : memref<16x128xi32, #tpu.memory_space<vmem>> -> memref<1x128xi32, #tpu.memory_space<vmem>>
          %dma_start3A_1420 = tpu.memref_squeeze %dma_start3A_1419 : memref<1x128xi32, #tpu.memory_space<vmem>> -> memref<128xi32, #tpu.memory_space<vmem>>
          %dma_start3A_1421 = arith.constant 0 : i32
          %dma_start3A_1422 = arith.constant 0 : i32
          %dma_start3A_1423 = tpu.memref_slice %arg2[%dma_start3A_1421, %dma_start3A_1422] : memref<100352x16xf32, #tpu.memory_space<hbm>> -> memref<100352x16xf32, #tpu.memory_space<hbm>>
          tpu.enqueue_indirect_dma source(%dma_start3A_1423 : memref<100352x16xf32, #tpu.memory_space<hbm>>) target(%dma_start3A_1417 : memref<128x16xf32, #tpu.memory_space<vmem>>) offsets(%dma_start3A_1420 : memref<128xi32, #tpu.memory_space<vmem>>) semaphore(%arg12 : memref<!tpu.dma_semaphore, #tpu.memory_space<semaphore_mem>>)
          %dma_start3A_1424 = arith.constant 15 : i32
          %dma_start3A_1425 = arith.constant 15 : i32
          %dma_start3A_1426 = arith.constant 0 : i32
          %dma_start3A_1427 = arith.constant 0 : i32
          %dma_start3A_1428 = tpu.memref_slice %arg10[%dma_start3A_1425, %dma_start3A_1426, %dma_start3A_1427] : memref<16x128x16xf32, #tpu.memory_space<vmem>> -> memref<1x128x16xf32, #tpu.memory_space<vmem>>
          %dma_start3A_1429 = tpu.memref_squeeze %dma_start3A_1428 : memref<1x128x16xf32, #tpu.memory_space<vmem>> -> memref<128x16xf32, #tpu.memory_space<vmem>>
          %dma_start3A_1430 = arith.constant 0 : i32
          %dma_start3A_1431 = tpu.memref_slice %arg9[%dma_start3A_1424, %dma_start3A_1430] : memref<16x128xi32, #tpu.memory_space<vmem>> -> memref<1x128xi32, #tpu.memory_space<vmem>>
          %dma_start3A_1432 = tpu.memref_squeeze %dma_start3A_1431 : memref<1x128xi32, #tpu.memory_space<vmem>> -> memref<128xi32, #tpu.memory_space<vmem>>
          %dma_start3A_1433 = arith.constant 0 : i32
          %dma_start3A_1434 = arith.constant 0 : i32
          %dma_start3A_1435 = tpu.memref_slice %arg2[%dma_start3A_1433, %dma_start3A_1434] : memref<100352x16xf32, #tpu.memory_space<hbm>> -> memref<100352x16xf32, #tpu.memory_space<hbm>>
          tpu.enqueue_indirect_dma source(%dma_start3A_1435 : memref<100352x16xf32, #tpu.memory_space<hbm>>) target(%dma_start3A_1429 : memref<128x16xf32, #tpu.memory_space<vmem>>) offsets(%dma_start3A_1432 : memref<128xi32, #tpu.memory_space<vmem>>) semaphore(%arg12 : memref<!tpu.dma_semaphore, #tpu.memory_space<semaphore_mem>>)
          %dma_wait3A_1436 = arith.constant 0 : i32
          %dma_wait3A_1437 = arith.constant 0 : i32
          %dma_wait3A_1438 = arith.constant 0 : i32
          %dma_wait3A_1439 = arith.constant 0 : i32
          %dma_wait3A_1440 = tpu.memref_slice %arg10[%dma_wait3A_1437, %dma_wait3A_1438, %dma_wait3A_1439] : memref<16x128x16xf32, #tpu.memory_space<vmem>> -> memref<1x128x16xf32, #tpu.memory_space<vmem>>
          %dma_wait3A_1441 = tpu.memref_squeeze %dma_wait3A_1440 : memref<1x128x16xf32, #tpu.memory_space<vmem>> -> memref<128x16xf32, #tpu.memory_space<vmem>>
          %dma_wait3A_1442 = arith.constant 0 : i32
          %dma_wait3A_1443 = tpu.memref_slice %arg9[%dma_wait3A_1436, %dma_wait3A_1442] : memref<16x128xi32, #tpu.memory_space<vmem>> -> memref<1x128xi32, #tpu.memory_space<vmem>>
          %dma_wait3A_1444 = tpu.memref_squeeze %dma_wait3A_1443 : memref<1x128xi32, #tpu.memory_space<vmem>> -> memref<128xi32, #tpu.memory_space<vmem>>
          %dma_wait3A_1445 = arith.constant 0 : i32
          %dma_wait3A_1446 = arith.constant 0 : i32
          %dma_wait3A_1447 = tpu.memref_slice %arg2[%dma_wait3A_1445, %dma_wait3A_1446] : memref<100352x16xf32, #tpu.memory_space<hbm>> -> memref<100352x16xf32, #tpu.memory_space<hbm>>
          tpu.wait_indirect_dma semaphore(%arg12 : memref<!tpu.dma_semaphore, #tpu.memory_space<semaphore_mem>>) src(%dma_wait3A_1447 : memref<100352x16xf32, #tpu.memory_space<hbm>>) dst(%dma_wait3A_1441 : memref<128x16xf32, #tpu.memory_space<vmem>>)
          %dma_wait3A_1448 = arith.constant 1 : i32
          %dma_wait3A_1449 = arith.constant 1 : i32
          %dma_wait3A_1450 = arith.constant 0 : i32
          %dma_wait3A_1451 = arith.constant 0 : i32
          %dma_wait3A_1452 = tpu.memref_slice %arg10[%dma_wait3A_1449, %dma_wait3A_1450, %dma_wait3A_1451] : memref<16x128x16xf32, #tpu.memory_space<vmem>> -> memref<1x128x16xf32, #tpu.memory_space<vmem>>
          %dma_wait3A_1453 = tpu.memref_squeeze %dma_wait3A_1452 : memref<1x128x16xf32, #tpu.memory_space<vmem>> -> memref<128x16xf32, #tpu.memory_space<vmem>>
          %dma_wait3A_1454 = arith.constant 0 : i32
          %dma_wait3A_1455 = tpu.memref_slice %arg9[%dma_wait3A_1448, %dma_wait3A_1454] : memref<16x128xi32, #tpu.memory_space<vmem>> -> memref<1x128xi32, #tpu.memory_space<vmem>>
          %dma_wait3A_1456 = tpu.memref_squeeze %dma_wait3A_1455 : memref<1x128xi32, #tpu.memory_space<vmem>> -> memref<128xi32, #tpu.memory_space<vmem>>
          %dma_wait3A_1457 = arith.constant 0 : i32
          %dma_wait3A_1458 = arith.constant 0 : i32
          %dma_wait3A_1459 = tpu.memref_slice %arg2[%dma_wait3A_1457, %dma_wait3A_1458] : memref<100352x16xf32, #tpu.memory_space<hbm>> -> memref<100352x16xf32, #tpu.memory_space<hbm>>
          tpu.wait_indirect_dma semaphore(%arg12 : memref<!tpu.dma_semaphore, #tpu.memory_space<semaphore_mem>>) src(%dma_wait3A_1459 : memref<100352x16xf32, #tpu.memory_space<hbm>>) dst(%dma_wait3A_1453 : memref<128x16xf32, #tpu.memory_space<vmem>>)
          %dma_wait3A_1460 = arith.constant 2 : i32
          %dma_wait3A_1461 = arith.constant 2 : i32
          %dma_wait3A_1462 = arith.constant 0 : i32
          %dma_wait3A_1463 = arith.constant 0 : i32
          %dma_wait3A_1464 = tpu.memref_slice %arg10[%dma_wait3A_1461, %dma_wait3A_1462, %dma_wait3A_1463] : memref<16x128x16xf32, #tpu.memory_space<vmem>> -> memref<1x128x16xf32, #tpu.memory_space<vmem>>
          %dma_wait3A_1465 = tpu.memref_squeeze %dma_wait3A_1464 : memref<1x128x16xf32, #tpu.memory_space<vmem>> -> memref<128x16xf32, #tpu.memory_space<vmem>>
          %dma_wait3A_1466 = arith.constant 0 : i32
          %dma_wait3A_1467 = tpu.memref_slice %arg9[%dma_wait3A_1460, %dma_wait3A_1466] : memref<16x128xi32, #tpu.memory_space<vmem>> -> memref<1x128xi32, #tpu.memory_space<vmem>>
          %dma_wait3A_1468 = tpu.memref_squeeze %dma_wait3A_1467 : memref<1x128xi32, #tpu.memory_space<vmem>> -> memref<128xi32, #tpu.memory_space<vmem>>
          %dma_wait3A_1469 = arith.constant 0 : i32
          %dma_wait3A_1470 = arith.constant 0 : i32
          %dma_wait3A_1471 = tpu.memref_slice %arg2[%dma_wait3A_1469, %dma_wait3A_1470] : memref<100352x16xf32, #tpu.memory_space<hbm>> -> memref<100352x16xf32, #tpu.memory_space<hbm>>
          tpu.wait_indirect_dma semaphore(%arg12 : memref<!tpu.dma_semaphore, #tpu.memory_space<semaphore_mem>>) src(%dma_wait3A_1471 : memref<100352x16xf32, #tpu.memory_space<hbm>>) dst(%dma_wait3A_1465 : memref<128x16xf32, #tpu.memory_space<vmem>>)
          %dma_wait3A_1472 = arith.constant 3 : i32
          %dma_wait3A_1473 = arith.constant 3 : i32
          %dma_wait3A_1474 = arith.constant 0 : i32
          %dma_wait3A_1475 = arith.constant 0 : i32
          %dma_wait3A_1476 = tpu.memref_slice %arg10[%dma_wait3A_1473, %dma_wait3A_1474, %dma_wait3A_1475] : memref<16x128x16xf32, #tpu.memory_space<vmem>> -> memref<1x128x16xf32, #tpu.memory_space<vmem>>
          %dma_wait3A_1477 = tpu.memref_squeeze %dma_wait3A_1476 : memref<1x128x16xf32, #tpu.memory_space<vmem>> -> memref<128x16xf32, #tpu.memory_space<vmem>>
          %dma_wait3A_1478 = arith.constant 0 : i32
          %dma_wait3A_1479 = tpu.memref_slice %arg9[%dma_wait3A_1472, %dma_wait3A_1478] : memref<16x128xi32, #tpu.memory_space<vmem>> -> memref<1x128xi32, #tpu.memory_space<vmem>>
          %dma_wait3A_1480 = tpu.memref_squeeze %dma_wait3A_1479 : memref<1x128xi32, #tpu.memory_space<vmem>> -> memref<128xi32, #tpu.memory_space<vmem>>
          %dma_wait3A_1481 = arith.constant 0 : i32
          %dma_wait3A_1482 = arith.constant 0 : i32
          %dma_wait3A_1483 = tpu.memref_slice %arg2[%dma_wait3A_1481, %dma_wait3A_1482] : memref<100352x16xf32, #tpu.memory_space<hbm>> -> memref<100352x16xf32, #tpu.memory_space<hbm>>
          tpu.wait_indirect_dma semaphore(%arg12 : memref<!tpu.dma_semaphore, #tpu.memory_space<semaphore_mem>>) src(%dma_wait3A_1483 : memref<100352x16xf32, #tpu.memory_space<hbm>>) dst(%dma_wait3A_1477 : memref<128x16xf32, #tpu.memory_space<vmem>>)
          %dma_wait3A_1484 = arith.constant 4 : i32
          %dma_wait3A_1485 = arith.constant 4 : i32
          %dma_wait3A_1486 = arith.constant 0 : i32
          %dma_wait3A_1487 = arith.constant 0 : i32
          %dma_wait3A_1488 = tpu.memref_slice %arg10[%dma_wait3A_1485, %dma_wait3A_1486, %dma_wait3A_1487] : memref<16x128x16xf32, #tpu.memory_space<vmem>> -> memref<1x128x16xf32, #tpu.memory_space<vmem>>
          %dma_wait3A_1489 = tpu.memref_squeeze %dma_wait3A_1488 : memref<1x128x16xf32, #tpu.memory_space<vmem>> -> memref<128x16xf32, #tpu.memory_space<vmem>>
          %dma_wait3A_1490 = arith.constant 0 : i32
          %dma_wait3A_1491 = tpu.memref_slice %arg9[%dma_wait3A_1484, %dma_wait3A_1490] : memref<16x128xi32, #tpu.memory_space<vmem>> -> memref<1x128xi32, #tpu.memory_space<vmem>>
          %dma_wait3A_1492 = tpu.memref_squeeze %dma_wait3A_1491 : memref<1x128xi32, #tpu.memory_space<vmem>> -> memref<128xi32, #tpu.memory_space<vmem>>
          %dma_wait3A_1493 = arith.constant 0 : i32
          %dma_wait3A_1494 = arith.constant 0 : i32
          %dma_wait3A_1495 = tpu.memref_slice %arg2[%dma_wait3A_1493, %dma_wait3A_1494] : memref<100352x16xf32, #tpu.memory_space<hbm>> -> memref<100352x16xf32, #tpu.memory_space<hbm>>
          tpu.wait_indirect_dma semaphore(%arg12 : memref<!tpu.dma_semaphore, #tpu.memory_space<semaphore_mem>>) src(%dma_wait3A_1495 : memref<100352x16xf32, #tpu.memory_space<hbm>>) dst(%dma_wait3A_1489 : memref<128x16xf32, #tpu.memory_space<vmem>>)
          %dma_wait3A_1496 = arith.constant 5 : i32
          %dma_wait3A_1497 = arith.constant 5 : i32
          %dma_wait3A_1498 = arith.constant 0 : i32
          %dma_wait3A_1499 = arith.constant 0 : i32
          %dma_wait3A_1500 = tpu.memref_slice %arg10[%dma_wait3A_1497, %dma_wait3A_1498, %dma_wait3A_1499] : memref<16x128x16xf32, #tpu.memory_space<vmem>> -> memref<1x128x16xf32, #tpu.memory_space<vmem>>
          %dma_wait3A_1501 = tpu.memref_squeeze %dma_wait3A_1500 : memref<1x128x16xf32, #tpu.memory_space<vmem>> -> memref<128x16xf32, #tpu.memory_space<vmem>>
          %dma_wait3A_1502 = arith.constant 0 : i32
          %dma_wait3A_1503 = tpu.memref_slice %arg9[%dma_wait3A_1496, %dma_wait3A_1502] : memref<16x128xi32, #tpu.memory_space<vmem>> -> memref<1x128xi32, #tpu.memory_space<vmem>>
          %dma_wait3A_1504 = tpu.memref_squeeze %dma_wait3A_1503 : memref<1x128xi32, #tpu.memory_space<vmem>> -> memref<128xi32, #tpu.memory_space<vmem>>
          %dma_wait3A_1505 = arith.constant 0 : i32
          %dma_wait3A_1506 = arith.constant 0 : i32
          %dma_wait3A_1507 = tpu.memref_slice %arg2[%dma_wait3A_1505, %dma_wait3A_1506] : memref<100352x16xf32, #tpu.memory_space<hbm>> -> memref<100352x16xf32, #tpu.memory_space<hbm>>
          tpu.wait_indirect_dma semaphore(%arg12 : memref<!tpu.dma_semaphore, #tpu.memory_space<semaphore_mem>>) src(%dma_wait3A_1507 : memref<100352x16xf32, #tpu.memory_space<hbm>>) dst(%dma_wait3A_1501 : memref<128x16xf32, #tpu.memory_space<vmem>>)
          %dma_wait3A_1508 = arith.constant 6 : i32
          %dma_wait3A_1509 = arith.constant 6 : i32
          %dma_wait3A_1510 = arith.constant 0 : i32
          %dma_wait3A_1511 = arith.constant 0 : i32
          %dma_wait3A_1512 = tpu.memref_slice %arg10[%dma_wait3A_1509, %dma_wait3A_1510, %dma_wait3A_1511] : memref<16x128x16xf32, #tpu.memory_space<vmem>> -> memref<1x128x16xf32, #tpu.memory_space<vmem>>
          %dma_wait3A_1513 = tpu.memref_squeeze %dma_wait3A_1512 : memref<1x128x16xf32, #tpu.memory_space<vmem>> -> memref<128x16xf32, #tpu.memory_space<vmem>>
          %dma_wait3A_1514 = arith.constant 0 : i32
          %dma_wait3A_1515 = tpu.memref_slice %arg9[%dma_wait3A_1508, %dma_wait3A_1514] : memref<16x128xi32, #tpu.memory_space<vmem>> -> memref<1x128xi32, #tpu.memory_space<vmem>>
          %dma_wait3A_1516 = tpu.memref_squeeze %dma_wait3A_1515 : memref<1x128xi32, #tpu.memory_space<vmem>> -> memref<128xi32, #tpu.memory_space<vmem>>
          %dma_wait3A_1517 = arith.constant 0 : i32
          %dma_wait3A_1518 = arith.constant 0 : i32
          %dma_wait3A_1519 = tpu.memref_slice %arg2[%dma_wait3A_1517, %dma_wait3A_1518] : memref<100352x16xf32, #tpu.memory_space<hbm>> -> memref<100352x16xf32, #tpu.memory_space<hbm>>
          tpu.wait_indirect_dma semaphore(%arg12 : memref<!tpu.dma_semaphore, #tpu.memory_space<semaphore_mem>>) src(%dma_wait3A_1519 : memref<100352x16xf32, #tpu.memory_space<hbm>>) dst(%dma_wait3A_1513 : memref<128x16xf32, #tpu.memory_space<vmem>>)
          %dma_wait3A_1520 = arith.constant 7 : i32
          %dma_wait3A_1521 = arith.constant 7 : i32
          %dma_wait3A_1522 = arith.constant 0 : i32
          %dma_wait3A_1523 = arith.constant 0 : i32
          %dma_wait3A_1524 = tpu.memref_slice %arg10[%dma_wait3A_1521, %dma_wait3A_1522, %dma_wait3A_1523] : memref<16x128x16xf32, #tpu.memory_space<vmem>> -> memref<1x128x16xf32, #tpu.memory_space<vmem>>
          %dma_wait3A_1525 = tpu.memref_squeeze %dma_wait3A_1524 : memref<1x128x16xf32, #tpu.memory_space<vmem>> -> memref<128x16xf32, #tpu.memory_space<vmem>>
          %dma_wait3A_1526 = arith.constant 0 : i32
          %dma_wait3A_1527 = tpu.memref_slice %arg9[%dma_wait3A_1520, %dma_wait3A_1526] : memref<16x128xi32, #tpu.memory_space<vmem>> -> memref<1x128xi32, #tpu.memory_space<vmem>>
          %dma_wait3A_1528 = tpu.memref_squeeze %dma_wait3A_1527 : memref<1x128xi32, #tpu.memory_space<vmem>> -> memref<128xi32, #tpu.memory_space<vmem>>
          %dma_wait3A_1529 = arith.constant 0 : i32
          %dma_wait3A_1530 = arith.constant 0 : i32
          %dma_wait3A_1531 = tpu.memref_slice %arg2[%dma_wait3A_1529, %dma_wait3A_1530] : memref<100352x16xf32, #tpu.memory_space<hbm>> -> memref<100352x16xf32, #tpu.memory_space<hbm>>
          tpu.wait_indirect_dma semaphore(%arg12 : memref<!tpu.dma_semaphore, #tpu.memory_space<semaphore_mem>>) src(%dma_wait3A_1531 : memref<100352x16xf32, #tpu.memory_space<hbm>>) dst(%dma_wait3A_1525 : memref<128x16xf32, #tpu.memory_space<vmem>>)
          %dma_wait3A_1532 = arith.constant 8 : i32
          %dma_wait3A_1533 = arith.constant 8 : i32
          %dma_wait3A_1534 = arith.constant 0 : i32
          %dma_wait3A_1535 = arith.constant 0 : i32
          %dma_wait3A_1536 = tpu.memref_slice %arg10[%dma_wait3A_1533, %dma_wait3A_1534, %dma_wait3A_1535] : memref<16x128x16xf32, #tpu.memory_space<vmem>> -> memref<1x128x16xf32, #tpu.memory_space<vmem>>
          %dma_wait3A_1537 = tpu.memref_squeeze %dma_wait3A_1536 : memref<1x128x16xf32, #tpu.memory_space<vmem>> -> memref<128x16xf32, #tpu.memory_space<vmem>>
          %dma_wait3A_1538 = arith.constant 0 : i32
          %dma_wait3A_1539 = tpu.memref_slice %arg9[%dma_wait3A_1532, %dma_wait3A_1538] : memref<16x128xi32, #tpu.memory_space<vmem>> -> memref<1x128xi32, #tpu.memory_space<vmem>>
          %dma_wait3A_1540 = tpu.memref_squeeze %dma_wait3A_1539 : memref<1x128xi32, #tpu.memory_space<vmem>> -> memref<128xi32, #tpu.memory_space<vmem>>
          %dma_wait3A_1541 = arith.constant 0 : i32
          %dma_wait3A_1542 = arith.constant 0 : i32
          %dma_wait3A_1543 = tpu.memref_slice %arg2[%dma_wait3A_1541, %dma_wait3A_1542] : memref<100352x16xf32, #tpu.memory_space<hbm>> -> memref<100352x16xf32, #tpu.memory_space<hbm>>
          tpu.wait_indirect_dma semaphore(%arg12 : memref<!tpu.dma_semaphore, #tpu.memory_space<semaphore_mem>>) src(%dma_wait3A_1543 : memref<100352x16xf32, #tpu.memory_space<hbm>>) dst(%dma_wait3A_1537 : memref<128x16xf32, #tpu.memory_space<vmem>>)
          %dma_wait3A_1544 = arith.constant 9 : i32
          %dma_wait3A_1545 = arith.constant 9 : i32
          %dma_wait3A_1546 = arith.constant 0 : i32
          %dma_wait3A_1547 = arith.constant 0 : i32
          %dma_wait3A_1548 = tpu.memref_slice %arg10[%dma_wait3A_1545, %dma_wait3A_1546, %dma_wait3A_1547] : memref<16x128x16xf32, #tpu.memory_space<vmem>> -> memref<1x128x16xf32, #tpu.memory_space<vmem>>
          %dma_wait3A_1549 = tpu.memref_squeeze %dma_wait3A_1548 : memref<1x128x16xf32, #tpu.memory_space<vmem>> -> memref<128x16xf32, #tpu.memory_space<vmem>>
          %dma_wait3A_1550 = arith.constant 0 : i32
          %dma_wait3A_1551 = tpu.memref_slice %arg9[%dma_wait3A_1544, %dma_wait3A_1550] : memref<16x128xi32, #tpu.memory_space<vmem>> -> memref<1x128xi32, #tpu.memory_space<vmem>>
          %dma_wait3A_1552 = tpu.memref_squeeze %dma_wait3A_1551 : memref<1x128xi32, #tpu.memory_space<vmem>> -> memref<128xi32, #tpu.memory_space<vmem>>
          %dma_wait3A_1553 = arith.constant 0 : i32
          %dma_wait3A_1554 = arith.constant 0 : i32
          %dma_wait3A_1555 = tpu.memref_slice %arg2[%dma_wait3A_1553, %dma_wait3A_1554] : memref<100352x16xf32, #tpu.memory_space<hbm>> -> memref<100352x16xf32, #tpu.memory_space<hbm>>
          tpu.wait_indirect_dma semaphore(%arg12 : memref<!tpu.dma_semaphore, #tpu.memory_space<semaphore_mem>>) src(%dma_wait3A_1555 : memref<100352x16xf32, #tpu.memory_space<hbm>>) dst(%dma_wait3A_1549 : memref<128x16xf32, #tpu.memory_space<vmem>>)
          %dma_wait3A_1556 = arith.constant 10 : i32
          %dma_wait3A_1557 = arith.constant 10 : i32
          %dma_wait3A_1558 = arith.constant 0 : i32
          %dma_wait3A_1559 = arith.constant 0 : i32
          %dma_wait3A_1560 = tpu.memref_slice %arg10[%dma_wait3A_1557, %dma_wait3A_1558, %dma_wait3A_1559] : memref<16x128x16xf32, #tpu.memory_space<vmem>> -> memref<1x128x16xf32, #tpu.memory_space<vmem>>
          %dma_wait3A_1561 = tpu.memref_squeeze %dma_wait3A_1560 : memref<1x128x16xf32, #tpu.memory_space<vmem>> -> memref<128x16xf32, #tpu.memory_space<vmem>>
          %dma_wait3A_1562 = arith.constant 0 : i32
          %dma_wait3A_1563 = tpu.memref_slice %arg9[%dma_wait3A_1556, %dma_wait3A_1562] : memref<16x128xi32, #tpu.memory_space<vmem>> -> memref<1x128xi32, #tpu.memory_space<vmem>>
          %dma_wait3A_1564 = tpu.memref_squeeze %dma_wait3A_1563 : memref<1x128xi32, #tpu.memory_space<vmem>> -> memref<128xi32, #tpu.memory_space<vmem>>
          %dma_wait3A_1565 = arith.constant 0 : i32
          %dma_wait3A_1566 = arith.constant 0 : i32
          %dma_wait3A_1567 = tpu.memref_slice %arg2[%dma_wait3A_1565, %dma_wait3A_1566] : memref<100352x16xf32, #tpu.memory_space<hbm>> -> memref<100352x16xf32, #tpu.memory_space<hbm>>
          tpu.wait_indirect_dma semaphore(%arg12 : memref<!tpu.dma_semaphore, #tpu.memory_space<semaphore_mem>>) src(%dma_wait3A_1567 : memref<100352x16xf32, #tpu.memory_space<hbm>>) dst(%dma_wait3A_1561 : memref<128x16xf32, #tpu.memory_space<vmem>>)
          %dma_wait3A_1568 = arith.constant 11 : i32
          %dma_wait3A_1569 = arith.constant 11 : i32
          %dma_wait3A_1570 = arith.constant 0 : i32
          %dma_wait3A_1571 = arith.constant 0 : i32
          %dma_wait3A_1572 = tpu.memref_slice %arg10[%dma_wait3A_1569, %dma_wait3A_1570, %dma_wait3A_1571] : memref<16x128x16xf32, #tpu.memory_space<vmem>> -> memref<1x128x16xf32, #tpu.memory_space<vmem>>
          %dma_wait3A_1573 = tpu.memref_squeeze %dma_wait3A_1572 : memref<1x128x16xf32, #tpu.memory_space<vmem>> -> memref<128x16xf32, #tpu.memory_space<vmem>>
          %dma_wait3A_1574 = arith.constant 0 : i32
          %dma_wait3A_1575 = tpu.memref_slice %arg9[%dma_wait3A_1568, %dma_wait3A_1574] : memref<16x128xi32, #tpu.memory_space<vmem>> -> memref<1x128xi32, #tpu.memory_space<vmem>>
          %dma_wait3A_1576 = tpu.memref_squeeze %dma_wait3A_1575 : memref<1x128xi32, #tpu.memory_space<vmem>> -> memref<128xi32, #tpu.memory_space<vmem>>
          %dma_wait3A_1577 = arith.constant 0 : i32
          %dma_wait3A_1578 = arith.constant 0 : i32
          %dma_wait3A_1579 = tpu.memref_slice %arg2[%dma_wait3A_1577, %dma_wait3A_1578] : memref<100352x16xf32, #tpu.memory_space<hbm>> -> memref<100352x16xf32, #tpu.memory_space<hbm>>
          tpu.wait_indirect_dma semaphore(%arg12 : memref<!tpu.dma_semaphore, #tpu.memory_space<semaphore_mem>>) src(%dma_wait3A_1579 : memref<100352x16xf32, #tpu.memory_space<hbm>>) dst(%dma_wait3A_1573 : memref<128x16xf32, #tpu.memory_space<vmem>>)
          %dma_wait3A_1580 = arith.constant 12 : i32
          %dma_wait3A_1581 = arith.constant 12 : i32
          %dma_wait3A_1582 = arith.constant 0 : i32
          %dma_wait3A_1583 = arith.constant 0 : i32
          %dma_wait3A_1584 = tpu.memref_slice %arg10[%dma_wait3A_1581, %dma_wait3A_1582, %dma_wait3A_1583] : memref<16x128x16xf32, #tpu.memory_space<vmem>> -> memref<1x128x16xf32, #tpu.memory_space<vmem>>
          %dma_wait3A_1585 = tpu.memref_squeeze %dma_wait3A_1584 : memref<1x128x16xf32, #tpu.memory_space<vmem>> -> memref<128x16xf32, #tpu.memory_space<vmem>>
          %dma_wait3A_1586 = arith.constant 0 : i32
          %dma_wait3A_1587 = tpu.memref_slice %arg9[%dma_wait3A_1580, %dma_wait3A_1586] : memref<16x128xi32, #tpu.memory_space<vmem>> -> memref<1x128xi32, #tpu.memory_space<vmem>>
          %dma_wait3A_1588 = tpu.memref_squeeze %dma_wait3A_1587 : memref<1x128xi32, #tpu.memory_space<vmem>> -> memref<128xi32, #tpu.memory_space<vmem>>
          %dma_wait3A_1589 = arith.constant 0 : i32
          %dma_wait3A_1590 = arith.constant 0 : i32
          %dma_wait3A_1591 = tpu.memref_slice %arg2[%dma_wait3A_1589, %dma_wait3A_1590] : memref<100352x16xf32, #tpu.memory_space<hbm>> -> memref<100352x16xf32, #tpu.memory_space<hbm>>
          tpu.wait_indirect_dma semaphore(%arg12 : memref<!tpu.dma_semaphore, #tpu.memory_space<semaphore_mem>>) src(%dma_wait3A_1591 : memref<100352x16xf32, #tpu.memory_space<hbm>>) dst(%dma_wait3A_1585 : memref<128x16xf32, #tpu.memory_space<vmem>>)
          %dma_wait3A_1592 = arith.constant 13 : i32
          %dma_wait3A_1593 = arith.constant 13 : i32
          %dma_wait3A_1594 = arith.constant 0 : i32
          %dma_wait3A_1595 = arith.constant 0 : i32
          %dma_wait3A_1596 = tpu.memref_slice %arg10[%dma_wait3A_1593, %dma_wait3A_1594, %dma_wait3A_1595] : memref<16x128x16xf32, #tpu.memory_space<vmem>> -> memref<1x128x16xf32, #tpu.memory_space<vmem>>
          %dma_wait3A_1597 = tpu.memref_squeeze %dma_wait3A_1596 : memref<1x128x16xf32, #tpu.memory_space<vmem>> -> memref<128x16xf32, #tpu.memory_space<vmem>>
          %dma_wait3A_1598 = arith.constant 0 : i32
          %dma_wait3A_1599 = tpu.memref_slice %arg9[%dma_wait3A_1592, %dma_wait3A_1598] : memref<16x128xi32, #tpu.memory_space<vmem>> -> memref<1x128xi32, #tpu.memory_space<vmem>>
          %dma_wait3A_1600 = tpu.memref_squeeze %dma_wait3A_1599 : memref<1x128xi32, #tpu.memory_space<vmem>> -> memref<128xi32, #tpu.memory_space<vmem>>
          %dma_wait3A_1601 = arith.constant 0 : i32
          %dma_wait3A_1602 = arith.constant 0 : i32
          %dma_wait3A_1603 = tpu.memref_slice %arg2[%dma_wait3A_1601, %dma_wait3A_1602] : memref<100352x16xf32, #tpu.memory_space<hbm>> -> memref<100352x16xf32, #tpu.memory_space<hbm>>
          tpu.wait_indirect_dma semaphore(%arg12 : memref<!tpu.dma_semaphore, #tpu.memory_space<semaphore_mem>>) src(%dma_wait3A_1603 : memref<100352x16xf32, #tpu.memory_space<hbm>>) dst(%dma_wait3A_1597 : memref<128x16xf32, #tpu.memory_space<vmem>>)
          %dma_wait3A_1604 = arith.constant 14 : i32
          %dma_wait3A_1605 = arith.constant 14 : i32
          %dma_wait3A_1606 = arith.constant 0 : i32
          %dma_wait3A_1607 = arith.constant 0 : i32
          %dma_wait3A_1608 = tpu.memref_slice %arg10[%dma_wait3A_1605, %dma_wait3A_1606, %dma_wait3A_1607] : memref<16x128x16xf32, #tpu.memory_space<vmem>> -> memref<1x128x16xf32, #tpu.memory_space<vmem>>
          %dma_wait3A_1609 = tpu.memref_squeeze %dma_wait3A_1608 : memref<1x128x16xf32, #tpu.memory_space<vmem>> -> memref<128x16xf32, #tpu.memory_space<vmem>>
          %dma_wait3A_1610 = arith.constant 0 : i32
          %dma_wait3A_1611 = tpu.memref_slice %arg9[%dma_wait3A_1604, %dma_wait3A_1610] : memref<16x128xi32, #tpu.memory_space<vmem>> -> memref<1x128xi32, #tpu.memory_space<vmem>>
          %dma_wait3A_1612 = tpu.memref_squeeze %dma_wait3A_1611 : memref<1x128xi32, #tpu.memory_space<vmem>> -> memref<128xi32, #tpu.memory_space<vmem>>
          %dma_wait3A_1613 = arith.constant 0 : i32
          %dma_wait3A_1614 = arith.constant 0 : i32
          %dma_wait3A_1615 = tpu.memref_slice %arg2[%dma_wait3A_1613, %dma_wait3A_1614] : memref<100352x16xf32, #tpu.memory_space<hbm>> -> memref<100352x16xf32, #tpu.memory_space<hbm>>
          tpu.wait_indirect_dma semaphore(%arg12 : memref<!tpu.dma_semaphore, #tpu.memory_space<semaphore_mem>>) src(%dma_wait3A_1615 : memref<100352x16xf32, #tpu.memory_space<hbm>>) dst(%dma_wait3A_1609 : memref<128x16xf32, #tpu.memory_space<vmem>>)
          %dma_wait3A_1616 = arith.constant 15 : i32
          %dma_wait3A_1617 = arith.constant 15 : i32
          %dma_wait3A_1618 = arith.constant 0 : i32
          %dma_wait3A_1619 = arith.constant 0 : i32
          %dma_wait3A_1620 = tpu.memref_slice %arg10[%dma_wait3A_1617, %dma_wait3A_1618, %dma_wait3A_1619] : memref<16x128x16xf32, #tpu.memory_space<vmem>> -> memref<1x128x16xf32, #tpu.memory_space<vmem>>
          %dma_wait3A_1621 = tpu.memref_squeeze %dma_wait3A_1620 : memref<1x128x16xf32, #tpu.memory_space<vmem>> -> memref<128x16xf32, #tpu.memory_space<vmem>>
          %dma_wait3A_1622 = arith.constant 0 : i32
          %dma_wait3A_1623 = tpu.memref_slice %arg9[%dma_wait3A_1616, %dma_wait3A_1622] : memref<16x128xi32, #tpu.memory_space<vmem>> -> memref<1x128xi32, #tpu.memory_space<vmem>>
          %dma_wait3A_1624 = tpu.memref_squeeze %dma_wait3A_1623 : memref<1x128xi32, #tpu.memory_space<vmem>> -> memref<128xi32, #tpu.memory_space<vmem>>
          %dma_wait3A_1625 = arith.constant 0 : i32
          %dma_wait3A_1626 = arith.constant 0 : i32
          %dma_wait3A_1627 = tpu.memref_slice %arg2[%dma_wait3A_1625, %dma_wait3A_1626] : memref<100352x16xf32, #tpu.memory_space<hbm>> -> memref<100352x16xf32, #tpu.memory_space<hbm>>
          tpu.wait_indirect_dma semaphore(%arg12 : memref<!tpu.dma_semaphore, #tpu.memory_space<semaphore_mem>>) src(%dma_wait3A_1627 : memref<100352x16xf32, #tpu.memory_space<hbm>>) dst(%dma_wait3A_1621 : memref<128x16xf32, #tpu.memory_space<vmem>>)
          scf.yield %add3A_907 : i32
        } else {
          scf.yield %while3A_874 : i32
        }
        %while3A_905:13 = scf.while (%while3A_906 = %while3A_873, %while3A_907 = %while3A_875, %while3A_908 = %while3A_876, %while3A_909 = %while3A_877, %while3A_910 = %while3A_878, %while3A_911 = %while3A_879, %while3A_912 = %while3A_880, %while3A_913 = %while3A_881, %while3A_914 = %while3A_882, %while3A_915 = %while3A_883, %while3A_916 = %while3A_884, %while3A_917 = %while3A_885, %while3A_918 = %while3A_886) : (vector<16xi32>, vector<16xf32>, vector<16xf32>, vector<16xf32>, vector<16xf32>, vector<16xf32>, vector<16xf32>, vector<16xf32>, vector<16xf32>, vector<16xf32>, vector<16xf32>, vector<16xf32>, vector<16xf32>) -> (vector<16xi32>, vector<16xf32>, vector<16xf32>, vector<16xf32>, vector<16xf32>, vector<16xf32>, vector<16xf32>, vector<16xf32>, vector<16xf32>, vector<16xf32>, vector<16xf32>, vector<16xf32>, vector<16xf32>) {
          %lt3A_919 = arith.cmpi slt, %while3A_906, %gather3A : vector<16xi32>
          %sub3A_920 = vector.broadcast %cond3A_904 : i32 to vector<16xi32>
          %sub3A_921 = arith.subi %while3A_906, %sub3A_920 : vector<16xi32>
          %lt3A_922 = arith.constant 2048 : i32
          %lt3A_923 = vector.broadcast %lt3A_922 : i32 to vector<16xi32>
          %lt3A_924 = arith.cmpi slt, %sub3A_921, %lt3A_923 : vector<16xi32>
          %and3A_925 = arith.andi %lt3A_919, %lt3A_924 : vector<16xi1>
          %reduce_or3A_926 = arith.constant 1.000000e+00 : f32
          %reduce_or3A_927 = arith.constant 0.000000e+00 : f32
          %reduce_or3A_928 = vector.broadcast %reduce_or3A_926 : f32 to vector<16xf32>
          %reduce_or3A_929 = vector.broadcast %reduce_or3A_927 : f32 to vector<16xf32>
          %reduce_or3A_930 = arith.select %and3A_925, %reduce_or3A_928, %reduce_or3A_929 : vector<16xi1>, vector<16xf32>
          %reduce_or3A_931 = arith.constant true
          %reduce_or3A_932 = vector.broadcast %reduce_or3A_931 : i1 to vector<16xi1>
          %reduce_or3A_933 = tpu.scan <max>, %reduce_or3A_930 masked %reduce_or3A_932 : vector<16xf32>, vector<16xi1> -> vector<16xf32>
          %reduce_or3A_934 = vector.extract %reduce_or3A_933[15] : f32 from vector<16xf32>
          %reduce_or3A_935 = arith.constant 0.000000e+00 : f32
          %reduce_or3A_936 = arith.cmpf ogt, %reduce_or3A_934, %reduce_or3A_935 : f32
          scf.condition(%reduce_or3A_936) %while3A_906, %while3A_907, %while3A_908, %while3A_909, %while3A_910, %while3A_911, %while3A_912, %while3A_913, %while3A_914, %while3A_915, %while3A_916, %while3A_917, %while3A_918 : vector<16xi32>, vector<16xf32>, vector<16xf32>, vector<16xf32>, vector<16xf32>, vector<16xf32>, vector<16xf32>, vector<16xf32>, vector<16xf32>, vector<16xf32>, vector<16xf32>, vector<16xf32>, vector<16xf32>
        } do {
        ^bb0(%while3A_906: vector<16xi32>, %while3A_907: vector<16xf32>, %while3A_908: vector<16xf32>, %while3A_909: vector<16xf32>, %while3A_910: vector<16xf32>, %while3A_911: vector<16xf32>, %while3A_912: vector<16xf32>, %while3A_913: vector<16xf32>, %while3A_914: vector<16xf32>, %while3A_915: vector<16xf32>, %while3A_916: vector<16xf32>, %while3A_917: vector<16xf32>, %while3A_918: vector<16xf32>):
          %sub3A_919 = vector.broadcast %cond3A_904 : i32 to vector<16xi32>
          %sub3A_920 = arith.subi %while3A_906, %sub3A_919 : vector<16xi32>
          %lt3A_921 = arith.cmpi slt, %while3A_906, %gather3A : vector<16xi32>
          %lt3A_922 = arith.constant 2048 : i32
          %lt3A_923 = vector.broadcast %lt3A_922 : i32 to vector<16xi32>
          %lt3A_924 = arith.cmpi slt, %sub3A_920, %lt3A_923 : vector<16xi32>
          %and3A_925 = arith.andi %lt3A_921, %lt3A_924 : vector<16xi1>
          %jit3A_926 = arith.constant 0 : i32
          %broadcast_in_dim3A_927 = vector.broadcast %jit3A_926 : i32 to vector<16xi32>
          %select_n3A_928 = arith.select %and3A_925, %sub3A_920, %broadcast_in_dim3A_927 : vector<16xi1>, vector<16xi32>
          %shift_right_logical3A = arith.constant 7 : i32
          %shift_right_logical3A_929 = vector.broadcast %shift_right_logical3A : i32 to vector<16xi32>
          %shift_right_logical3A_930 = arith.shrui %select_n3A_928, %shift_right_logical3A_929 : vector<16xi32>
          %and3A_931 = arith.constant 127 : i32
          %and3A_932 = vector.broadcast %and3A_931 : i32 to vector<16xi32>
          %and3A_933 = arith.andi %select_n3A_928, %and3A_932 : vector<16xi32>
          %gather3A_934 = tpu.vector_load_idx %arg10[%shift_right_logical3A_930, %and3A_933, %broadcast_in_dim3A_731] masked %and3A_925 : memref<16x128x16xf32, #tpu.memory_space<vmem>>[vector<16xi32>, vector<16xi32>, vector<16xi32>], vector<16xf32>, vector<16xi1>
          %gather3A_935 = tpu.vector_load_idx %arg10[%shift_right_logical3A_930, %and3A_933, %add3A_734] masked %and3A_925 : memref<16x128x16xf32, #tpu.memory_space<vmem>>[vector<16xi32>, vector<16xi32>, vector<16xi32>], vector<16xf32>, vector<16xi1>
          %gather3A_936 = tpu.vector_load_idx %arg10[%shift_right_logical3A_930, %and3A_933, %add3A_737] masked %and3A_925 : memref<16x128x16xf32, #tpu.memory_space<vmem>>[vector<16xi32>, vector<16xi32>, vector<16xi32>], vector<16xf32>, vector<16xi1>
          %gather3A_937 = tpu.vector_load_idx %arg10[%shift_right_logical3A_930, %and3A_933, %add3A_740] masked %and3A_925 : memref<16x128x16xf32, #tpu.memory_space<vmem>>[vector<16xi32>, vector<16xi32>, vector<16xi32>], vector<16xf32>, vector<16xi1>
          %sub3A_938 = arith.subf %gather3A_934, %get3A_796 : vector<16xf32>
          %sub3A_939 = arith.subf %gather3A_935, %get3A_801 : vector<16xf32>
          %sub3A_940 = arith.subf %gather3A_936, %get3A_806 : vector<16xf32>
          %sub3A_941 = arith.subf %gather3A_937, %get3A_811 : vector<16xf32>
          %mul3A_942 = arith.mulf %sub3A_938, %sub3A_938 : vector<16xf32>
          %mul3A_943 = arith.mulf %sub3A_939, %sub3A_939 : vector<16xf32>
          %add3A_944 = arith.addf %mul3A_942, %mul3A_943 : vector<16xf32>
          %mul3A_945 = arith.mulf %sub3A_940, %sub3A_940 : vector<16xf32>
          %add3A_946 = arith.addf %add3A_944, %mul3A_945 : vector<16xf32>
          %add3A_947 = arith.constant 9.99999993E-9 : f32
          %add3A_948 = vector.broadcast %add3A_947 : f32 to vector<16xf32>
          %add3A_949 = arith.addf %add3A_946, %add3A_948 : vector<16xf32>
          %div3A = arith.constant 1.000000e+00 : f32
          %div3A_950 = vector.broadcast %div3A : f32 to vector<16xf32>
          %div3A_951 = arith.divf %div3A_950, %add3A_949 : vector<16xf32>
          %jit3A_952 = arith.constant 0.000000e+00 : f32
          %broadcast_in_dim3A_953 = vector.broadcast %jit3A_952 : f32 to vector<16xf32>
          %select_n3A_954 = arith.select %and3A_925, %div3A_951, %broadcast_in_dim3A_953 : vector<16xi1>, vector<16xf32>
          %mul3A_955 = arith.mulf %select_n3A_954, %sub3A_938 : vector<16xf32>
          %mul3A_956 = arith.mulf %select_n3A_954, %sub3A_939 : vector<16xf32>
          %mul3A_957 = arith.mulf %select_n3A_954, %sub3A_940 : vector<16xf32>
          %mul3A_958 = arith.mulf %mul3A_955, %sub3A_938 : vector<16xf32>
          %add3A_959 = arith.addf %while3A_907, %mul3A_958 : vector<16xf32>
          %mul3A_960 = arith.mulf %mul3A_955, %sub3A_939 : vector<16xf32>
          %add3A_961 = arith.addf %while3A_908, %mul3A_960 : vector<16xf32>
          %mul3A_962 = arith.mulf %mul3A_955, %sub3A_940 : vector<16xf32>
          %add3A_963 = arith.addf %while3A_909, %mul3A_962 : vector<16xf32>
          %mul3A_964 = arith.mulf %mul3A_956, %sub3A_938 : vector<16xf32>
          %add3A_965 = arith.addf %while3A_910, %mul3A_964 : vector<16xf32>
          %mul3A_966 = arith.mulf %mul3A_956, %sub3A_939 : vector<16xf32>
          %add3A_967 = arith.addf %while3A_911, %mul3A_966 : vector<16xf32>
          %mul3A_968 = arith.mulf %mul3A_956, %sub3A_940 : vector<16xf32>
          %add3A_969 = arith.addf %while3A_912, %mul3A_968 : vector<16xf32>
          %mul3A_970 = arith.mulf %mul3A_957, %sub3A_938 : vector<16xf32>
          %add3A_971 = arith.addf %while3A_913, %mul3A_970 : vector<16xf32>
          %mul3A_972 = arith.mulf %mul3A_957, %sub3A_939 : vector<16xf32>
          %add3A_973 = arith.addf %while3A_914, %mul3A_972 : vector<16xf32>
          %mul3A_974 = arith.mulf %mul3A_957, %sub3A_940 : vector<16xf32>
          %add3A_975 = arith.addf %while3A_915, %mul3A_974 : vector<16xf32>
          %mul3A_976 = arith.mulf %mul3A_955, %sub3A_941 : vector<16xf32>
          %add3A_977 = arith.addf %while3A_916, %mul3A_976 : vector<16xf32>
          %mul3A_978 = arith.mulf %mul3A_956, %sub3A_941 : vector<16xf32>
          %add3A_979 = arith.addf %while3A_917, %mul3A_978 : vector<16xf32>
          %mul3A_980 = arith.mulf %mul3A_957, %sub3A_941 : vector<16xf32>
          %add3A_981 = arith.addf %while3A_918, %mul3A_980 : vector<16xf32>
          %jit3A_982 = arith.constant 1 : i32
          %jit3A_983 = arith.constant 0 : i32
          %broadcast_in_dim3A_984 = vector.broadcast %jit3A_982 : i32 to vector<16xi32>
          %broadcast_in_dim3A_985 = vector.broadcast %jit3A_983 : i32 to vector<16xi32>
          %select_n3A_986 = arith.select %and3A_925, %broadcast_in_dim3A_984, %broadcast_in_dim3A_985 : vector<16xi1>, vector<16xi32>
          %add3A_987 = arith.addi %while3A_906, %select_n3A_986 : vector<16xi32>
          scf.yield %add3A_987, %add3A_959, %add3A_961, %add3A_963, %add3A_965, %add3A_967, %add3A_969, %add3A_971, %add3A_973, %add3A_975, %add3A_977, %add3A_979, %add3A_981 : vector<16xi32>, vector<16xf32>, vector<16xf32>, vector<16xf32>, vector<16xf32>, vector<16xf32>, vector<16xf32>, vector<16xf32>, vector<16xf32>, vector<16xf32>, vector<16xf32>, vector<16xf32>, vector<16xf32>
        }
        scf.yield %while3A_905#0, %cond3A_904, %while3A_905#1, %while3A_905#2, %while3A_905#3, %while3A_905#4, %while3A_905#5, %while3A_905#6, %while3A_905#7, %while3A_905#8, %while3A_905#9, %while3A_905#10, %while3A_905#11, %while3A_905#12 : vector<16xi32>, i32, vector<16xf32>, vector<16xf32>, vector<16xf32>, vector<16xf32>, vector<16xf32>, vector<16xf32>, vector<16xf32>, vector<16xf32>, vector<16xf32>, vector<16xf32>, vector<16xf32>, vector<16xf32>
      }
      %add3A_814 = arith.constant 0 : i32
      %add3A_815 = arith.addi %add3A_814, %mul3A_773 : i32
      %multiple_of3A_816 = tpu.assume_multiple %add3A_815, 16 : i32
      %swap3A = arith.index_cast %multiple_of3A_816 : i32 to index
      %swap3A_817 = tpu.vector_load %arg11[%swap3A] {strides = array<i32>} : memref<37632xf32, #tpu.memory_space<vmem>>, vector<16xf32>,
      tpu.vector_store %arg11[%swap3A], %while3A#2 {strides = array<i32>} : memref<37632xf32, #tpu.memory_space<vmem>>, vector<16xf32>,
      %add3A_818 = arith.constant 3136 : i32
      %add3A_819 = arith.addi %add3A_818, %mul3A_773 : i32
      %multiple_of3A_820 = tpu.assume_multiple %add3A_819, 16 : i32
      %swap3A_821 = arith.index_cast %multiple_of3A_820 : i32 to index
      %swap3A_822 = tpu.vector_load %arg11[%swap3A_821] {strides = array<i32>} : memref<37632xf32, #tpu.memory_space<vmem>>, vector<16xf32>,
      tpu.vector_store %arg11[%swap3A_821], %while3A#3 {strides = array<i32>} : memref<37632xf32, #tpu.memory_space<vmem>>, vector<16xf32>,
      %add3A_823 = arith.constant 6272 : i32
      %add3A_824 = arith.addi %add3A_823, %mul3A_773 : i32
      %multiple_of3A_825 = tpu.assume_multiple %add3A_824, 16 : i32
      %swap3A_826 = arith.index_cast %multiple_of3A_825 : i32 to index
      %swap3A_827 = tpu.vector_load %arg11[%swap3A_826] {strides = array<i32>} : memref<37632xf32, #tpu.memory_space<vmem>>, vector<16xf32>,
      tpu.vector_store %arg11[%swap3A_826], %while3A#4 {strides = array<i32>} : memref<37632xf32, #tpu.memory_space<vmem>>, vector<16xf32>,
      %add3A_828 = arith.constant 9408 : i32
      %add3A_829 = arith.addi %add3A_828, %mul3A_773 : i32
      %multiple_of3A_830 = tpu.assume_multiple %add3A_829, 16 : i32
      %swap3A_831 = arith.index_cast %multiple_of3A_830 : i32 to index
      %swap3A_832 = tpu.vector_load %arg11[%swap3A_831] {strides = array<i32>} : memref<37632xf32, #tpu.memory_space<vmem>>, vector<16xf32>,
      tpu.vector_store %arg11[%swap3A_831], %while3A#5 {strides = array<i32>} : memref<37632xf32, #tpu.memory_space<vmem>>, vector<16xf32>,
      %add3A_833 = arith.constant 12544 : i32
      %add3A_834 = arith.addi %add3A_833, %mul3A_773 : i32
      %multiple_of3A_835 = tpu.assume_multiple %add3A_834, 16 : i32
      %swap3A_836 = arith.index_cast %multiple_of3A_835 : i32 to index
      %swap3A_837 = tpu.vector_load %arg11[%swap3A_836] {strides = array<i32>} : memref<37632xf32, #tpu.memory_space<vmem>>, vector<16xf32>,
      tpu.vector_store %arg11[%swap3A_836], %while3A#6 {strides = array<i32>} : memref<37632xf32, #tpu.memory_space<vmem>>, vector<16xf32>,
      %add3A_838 = arith.constant 15680 : i32
      %add3A_839 = arith.addi %add3A_838, %mul3A_773 : i32
      %multiple_of3A_840 = tpu.assume_multiple %add3A_839, 16 : i32
      %swap3A_841 = arith.index_cast %multiple_of3A_840 : i32 to index
      %swap3A_842 = tpu.vector_load %arg11[%swap3A_841] {strides = array<i32>} : memref<37632xf32, #tpu.memory_space<vmem>>, vector<16xf32>,
      tpu.vector_store %arg11[%swap3A_841], %while3A#7 {strides = array<i32>} : memref<37632xf32, #tpu.memory_space<vmem>>, vector<16xf32>,
      %add3A_843 = arith.constant 18816 : i32
      %add3A_844 = arith.addi %add3A_843, %mul3A_773 : i32
      %multiple_of3A_845 = tpu.assume_multiple %add3A_844, 16 : i32
      %swap3A_846 = arith.index_cast %multiple_of3A_845 : i32 to index
      %swap3A_847 = tpu.vector_load %arg11[%swap3A_846] {strides = array<i32>} : memref<37632xf32, #tpu.memory_space<vmem>>, vector<16xf32>,
      tpu.vector_store %arg11[%swap3A_846], %while3A#8 {strides = array<i32>} : memref<37632xf32, #tpu.memory_space<vmem>>, vector<16xf32>,
      %add3A_848 = arith.constant 21952 : i32
      %add3A_849 = arith.addi %add3A_848, %mul3A_773 : i32
      %multiple_of3A_850 = tpu.assume_multiple %add3A_849, 16 : i32
      %swap3A_851 = arith.index_cast %multiple_of3A_850 : i32 to index
      %swap3A_852 = tpu.vector_load %arg11[%swap3A_851] {strides = array<i32>} : memref<37632xf32, #tpu.memory_space<vmem>>, vector<16xf32>,
      tpu.vector_store %arg11[%swap3A_851], %while3A#9 {strides = array<i32>} : memref<37632xf32, #tpu.memory_space<vmem>>, vector<16xf32>,
      %add3A_853 = arith.constant 25088 : i32
      %add3A_854 = arith.addi %add3A_853, %mul3A_773 : i32
      %multiple_of3A_855 = tpu.assume_multiple %add3A_854, 16 : i32
      %swap3A_856 = arith.index_cast %multiple_of3A_855 : i32 to index
      %swap3A_857 = tpu.vector_load %arg11[%swap3A_856] {strides = array<i32>} : memref<37632xf32, #tpu.memory_space<vmem>>, vector<16xf32>,
      tpu.vector_store %arg11[%swap3A_856], %while3A#10 {strides = array<i32>} : memref<37632xf32, #tpu.memory_space<vmem>>, vector<16xf32>,
      %add3A_858 = arith.constant 28224 : i32
      %add3A_859 = arith.addi %add3A_858, %mul3A_773 : i32
      %multiple_of3A_860 = tpu.assume_multiple %add3A_859, 16 : i32
      %swap3A_861 = arith.index_cast %multiple_of3A_860 : i32 to index
      %swap3A_862 = tpu.vector_load %arg11[%swap3A_861] {strides = array<i32>} : memref<37632xf32, #tpu.memory_space<vmem>>, vector<16xf32>,
      tpu.vector_store %arg11[%swap3A_861], %while3A#11 {strides = array<i32>} : memref<37632xf32, #tpu.memory_space<vmem>>, vector<16xf32>,
      %add3A_863 = arith.constant 31360 : i32
      %add3A_864 = arith.addi %add3A_863, %mul3A_773 : i32
      %multiple_of3A_865 = tpu.assume_multiple %add3A_864, 16 : i32
      %swap3A_866 = arith.index_cast %multiple_of3A_865 : i32 to index
      %swap3A_867 = tpu.vector_load %arg11[%swap3A_866] {strides = array<i32>} : memref<37632xf32, #tpu.memory_space<vmem>>, vector<16xf32>,
      tpu.vector_store %arg11[%swap3A_866], %while3A#12 {strides = array<i32>} : memref<37632xf32, #tpu.memory_space<vmem>>, vector<16xf32>,
      %add3A_868 = arith.constant 34496 : i32
      %add3A_869 = arith.addi %add3A_868, %mul3A_773 : i32
      %multiple_of3A_870 = tpu.assume_multiple %add3A_869, 16 : i32
      %swap3A_871 = arith.index_cast %multiple_of3A_870 : i32 to index
      %swap3A_872 = tpu.vector_load %arg11[%swap3A_871] {strides = array<i32>} : memref<37632xf32, #tpu.memory_space<vmem>>, vector<16xf32>,
      tpu.vector_store %arg11[%swap3A_871], %while3A#13 {strides = array<i32>} : memref<37632xf32, #tpu.memory_space<vmem>>, vector<16xf32>,
      scf.yield %while3A#1 : i32
    }
    %scan3A_745 = arith.constant 196 : i32
    %add3A_746 = arith.constant 0 : i32
    %add3A_747 = arith.addi %add3A_746, %mul3A_2 : i32
    "tpu.region"() ({
      %run_scoped3A = tpu.sem_alloc : memref<!tpu.dma_semaphore, #tpu.memory_space<semaphore_mem>>
      %dma_start3A_770 = arith.constant 0 : i32
      %dma_start3A_771 = tpu.memref_slice %arg11[%dma_start3A_770] : memref<37632xf32, #tpu.memory_space<vmem>> -> memref<3136xf32, #tpu.memory_space<vmem>>
      %dma_start3A_772 = tpu.memref_slice %arg6[%add3A_747] : memref<1204224xf32, #tpu.memory_space<hbm>> -> memref<3136xf32, #tpu.memory_space<hbm>>
      %dma_start3A_773 = tpu.memref_slice %arg6[%add3A_747] : memref<1204224xf32, #tpu.memory_space<hbm>> -> memref<3136xf32, #tpu.memory_space<hbm>>
      %dma_start3A_774 = arith.constant 0 : i32
      %dma_start3A_775 = tpu.memref_slice %arg11[%dma_start3A_774] : memref<37632xf32, #tpu.memory_space<vmem>> -> memref<3136xf32, #tpu.memory_space<vmem>>
      tpu.enqueue_dma source(%dma_start3A_775 : memref<3136xf32, #tpu.memory_space<vmem>>) target(%dma_start3A_773 : memref<3136xf32, #tpu.memory_space<hbm>>) target_semaphore(%run_scoped3A : memref<!tpu.dma_semaphore, #tpu.memory_space<semaphore_mem>>)
      %dma_wait3A_776 = arith.constant 0 : i32
      %dma_wait3A_777 = tpu.memref_slice %arg11[%dma_wait3A_776] : memref<37632xf32, #tpu.memory_space<vmem>> -> memref<3136xf32, #tpu.memory_space<vmem>>
      %dma_wait3A_778 = tpu.memref_slice %arg6[%add3A_747] : memref<1204224xf32, #tpu.memory_space<hbm>> -> memref<3136xf32, #tpu.memory_space<hbm>>
      %dma_wait3A_779 = tpu.memref_slice %arg6[%add3A_747] : memref<1204224xf32, #tpu.memory_space<hbm>> -> memref<3136xf32, #tpu.memory_space<hbm>>
      %dma_wait3A_780 = arith.constant 0 : i32
      %dma_wait3A_781 = tpu.memref_slice %arg11[%dma_wait3A_780] : memref<37632xf32, #tpu.memory_space<vmem>> -> memref<3136xf32, #tpu.memory_space<vmem>>
      tpu.wait_dma2 semaphore(%run_scoped3A : memref<!tpu.dma_semaphore, #tpu.memory_space<semaphore_mem>>) src(%dma_wait3A_781 : memref<3136xf32, #tpu.memory_space<vmem>>) dst(%dma_wait3A_779 : memref<3136xf32, #tpu.memory_space<hbm>>)
      tpu.yield
    }) : () -> ()
    %add3A_748 = arith.constant 100352 : i32
    %add3A_749 = arith.addi %add3A_748, %mul3A_2 : i32
    "tpu.region"() ({
      %run_scoped3A = tpu.sem_alloc : memref<!tpu.dma_semaphore, #tpu.memory_space<semaphore_mem>>
      %dma_start3A_770 = arith.constant 3136 : i32
      %dma_start3A_771 = tpu.memref_slice %arg11[%dma_start3A_770] : memref<37632xf32, #tpu.memory_space<vmem>> -> memref<3136xf32, #tpu.memory_space<vmem>>
      %dma_start3A_772 = tpu.memref_slice %arg6[%add3A_749] : memref<1204224xf32, #tpu.memory_space<hbm>> -> memref<3136xf32, #tpu.memory_space<hbm>>
      %dma_start3A_773 = tpu.memref_slice %arg6[%add3A_749] : memref<1204224xf32, #tpu.memory_space<hbm>> -> memref<3136xf32, #tpu.memory_space<hbm>>
      %dma_start3A_774 = arith.constant 3136 : i32
      %dma_start3A_775 = tpu.memref_slice %arg11[%dma_start3A_774] : memref<37632xf32, #tpu.memory_space<vmem>> -> memref<3136xf32, #tpu.memory_space<vmem>>
      tpu.enqueue_dma source(%dma_start3A_775 : memref<3136xf32, #tpu.memory_space<vmem>>) target(%dma_start3A_773 : memref<3136xf32, #tpu.memory_space<hbm>>) target_semaphore(%run_scoped3A : memref<!tpu.dma_semaphore, #tpu.memory_space<semaphore_mem>>)
      %dma_wait3A_776 = arith.constant 3136 : i32
      %dma_wait3A_777 = tpu.memref_slice %arg11[%dma_wait3A_776] : memref<37632xf32, #tpu.memory_space<vmem>> -> memref<3136xf32, #tpu.memory_space<vmem>>
      %dma_wait3A_778 = tpu.memref_slice %arg6[%add3A_749] : memref<1204224xf32, #tpu.memory_space<hbm>> -> memref<3136xf32, #tpu.memory_space<hbm>>
      %dma_wait3A_779 = tpu.memref_slice %arg6[%add3A_749] : memref<1204224xf32, #tpu.memory_space<hbm>> -> memref<3136xf32, #tpu.memory_space<hbm>>
      %dma_wait3A_780 = arith.constant 3136 : i32
      %dma_wait3A_781 = tpu.memref_slice %arg11[%dma_wait3A_780] : memref<37632xf32, #tpu.memory_space<vmem>> -> memref<3136xf32, #tpu.memory_space<vmem>>
      tpu.wait_dma2 semaphore(%run_scoped3A : memref<!tpu.dma_semaphore, #tpu.memory_space<semaphore_mem>>) src(%dma_wait3A_781 : memref<3136xf32, #tpu.memory_space<vmem>>) dst(%dma_wait3A_779 : memref<3136xf32, #tpu.memory_space<hbm>>)
      tpu.yield
    }) : () -> ()
    %add3A_750 = arith.constant 200704 : i32
    %add3A_751 = arith.addi %add3A_750, %mul3A_2 : i32
    "tpu.region"() ({
      %run_scoped3A = tpu.sem_alloc : memref<!tpu.dma_semaphore, #tpu.memory_space<semaphore_mem>>
      %dma_start3A_770 = arith.constant 6272 : i32
      %dma_start3A_771 = tpu.memref_slice %arg11[%dma_start3A_770] : memref<37632xf32, #tpu.memory_space<vmem>> -> memref<3136xf32, #tpu.memory_space<vmem>>
      %dma_start3A_772 = tpu.memref_slice %arg6[%add3A_751] : memref<1204224xf32, #tpu.memory_space<hbm>> -> memref<3136xf32, #tpu.memory_space<hbm>>
      %dma_start3A_773 = tpu.memref_slice %arg6[%add3A_751] : memref<1204224xf32, #tpu.memory_space<hbm>> -> memref<3136xf32, #tpu.memory_space<hbm>>
      %dma_start3A_774 = arith.constant 6272 : i32
      %dma_start3A_775 = tpu.memref_slice %arg11[%dma_start3A_774] : memref<37632xf32, #tpu.memory_space<vmem>> -> memref<3136xf32, #tpu.memory_space<vmem>>
      tpu.enqueue_dma source(%dma_start3A_775 : memref<3136xf32, #tpu.memory_space<vmem>>) target(%dma_start3A_773 : memref<3136xf32, #tpu.memory_space<hbm>>) target_semaphore(%run_scoped3A : memref<!tpu.dma_semaphore, #tpu.memory_space<semaphore_mem>>)
      %dma_wait3A_776 = arith.constant 6272 : i32
      %dma_wait3A_777 = tpu.memref_slice %arg11[%dma_wait3A_776] : memref<37632xf32, #tpu.memory_space<vmem>> -> memref<3136xf32, #tpu.memory_space<vmem>>
      %dma_wait3A_778 = tpu.memref_slice %arg6[%add3A_751] : memref<1204224xf32, #tpu.memory_space<hbm>> -> memref<3136xf32, #tpu.memory_space<hbm>>
      %dma_wait3A_779 = tpu.memref_slice %arg6[%add3A_751] : memref<1204224xf32, #tpu.memory_space<hbm>> -> memref<3136xf32, #tpu.memory_space<hbm>>
      %dma_wait3A_780 = arith.constant 6272 : i32
      %dma_wait3A_781 = tpu.memref_slice %arg11[%dma_wait3A_780] : memref<37632xf32, #tpu.memory_space<vmem>> -> memref<3136xf32, #tpu.memory_space<vmem>>
      tpu.wait_dma2 semaphore(%run_scoped3A : memref<!tpu.dma_semaphore, #tpu.memory_space<semaphore_mem>>) src(%dma_wait3A_781 : memref<3136xf32, #tpu.memory_space<vmem>>) dst(%dma_wait3A_779 : memref<3136xf32, #tpu.memory_space<hbm>>)
      tpu.yield
    }) : () -> ()
    %add3A_752 = arith.constant 301056 : i32
    %add3A_753 = arith.addi %add3A_752, %mul3A_2 : i32
    "tpu.region"() ({
      %run_scoped3A = tpu.sem_alloc : memref<!tpu.dma_semaphore, #tpu.memory_space<semaphore_mem>>
      %dma_start3A_770 = arith.constant 9408 : i32
      %dma_start3A_771 = tpu.memref_slice %arg11[%dma_start3A_770] : memref<37632xf32, #tpu.memory_space<vmem>> -> memref<3136xf32, #tpu.memory_space<vmem>>
      %dma_start3A_772 = tpu.memref_slice %arg6[%add3A_753] : memref<1204224xf32, #tpu.memory_space<hbm>> -> memref<3136xf32, #tpu.memory_space<hbm>>
      %dma_start3A_773 = tpu.memref_slice %arg6[%add3A_753] : memref<1204224xf32, #tpu.memory_space<hbm>> -> memref<3136xf32, #tpu.memory_space<hbm>>
      %dma_start3A_774 = arith.constant 9408 : i32
      %dma_start3A_775 = tpu.memref_slice %arg11[%dma_start3A_774] : memref<37632xf32, #tpu.memory_space<vmem>> -> memref<3136xf32, #tpu.memory_space<vmem>>
      tpu.enqueue_dma source(%dma_start3A_775 : memref<3136xf32, #tpu.memory_space<vmem>>) target(%dma_start3A_773 : memref<3136xf32, #tpu.memory_space<hbm>>) target_semaphore(%run_scoped3A : memref<!tpu.dma_semaphore, #tpu.memory_space<semaphore_mem>>)
      %dma_wait3A_776 = arith.constant 9408 : i32
      %dma_wait3A_777 = tpu.memref_slice %arg11[%dma_wait3A_776] : memref<37632xf32, #tpu.memory_space<vmem>> -> memref<3136xf32, #tpu.memory_space<vmem>>
      %dma_wait3A_778 = tpu.memref_slice %arg6[%add3A_753] : memref<1204224xf32, #tpu.memory_space<hbm>> -> memref<3136xf32, #tpu.memory_space<hbm>>
      %dma_wait3A_779 = tpu.memref_slice %arg6[%add3A_753] : memref<1204224xf32, #tpu.memory_space<hbm>> -> memref<3136xf32, #tpu.memory_space<hbm>>
      %dma_wait3A_780 = arith.constant 9408 : i32
      %dma_wait3A_781 = tpu.memref_slice %arg11[%dma_wait3A_780] : memref<37632xf32, #tpu.memory_space<vmem>> -> memref<3136xf32, #tpu.memory_space<vmem>>
      tpu.wait_dma2 semaphore(%run_scoped3A : memref<!tpu.dma_semaphore, #tpu.memory_space<semaphore_mem>>) src(%dma_wait3A_781 : memref<3136xf32, #tpu.memory_space<vmem>>) dst(%dma_wait3A_779 : memref<3136xf32, #tpu.memory_space<hbm>>)
      tpu.yield
    }) : () -> ()
    %add3A_754 = arith.constant 401408 : i32
    %add3A_755 = arith.addi %add3A_754, %mul3A_2 : i32
    "tpu.region"() ({
      %run_scoped3A = tpu.sem_alloc : memref<!tpu.dma_semaphore, #tpu.memory_space<semaphore_mem>>
      %dma_start3A_770 = arith.constant 12544 : i32
      %dma_start3A_771 = tpu.memref_slice %arg11[%dma_start3A_770] : memref<37632xf32, #tpu.memory_space<vmem>> -> memref<3136xf32, #tpu.memory_space<vmem>>
      %dma_start3A_772 = tpu.memref_slice %arg6[%add3A_755] : memref<1204224xf32, #tpu.memory_space<hbm>> -> memref<3136xf32, #tpu.memory_space<hbm>>
      %dma_start3A_773 = tpu.memref_slice %arg6[%add3A_755] : memref<1204224xf32, #tpu.memory_space<hbm>> -> memref<3136xf32, #tpu.memory_space<hbm>>
      %dma_start3A_774 = arith.constant 12544 : i32
      %dma_start3A_775 = tpu.memref_slice %arg11[%dma_start3A_774] : memref<37632xf32, #tpu.memory_space<vmem>> -> memref<3136xf32, #tpu.memory_space<vmem>>
      tpu.enqueue_dma source(%dma_start3A_775 : memref<3136xf32, #tpu.memory_space<vmem>>) target(%dma_start3A_773 : memref<3136xf32, #tpu.memory_space<hbm>>) target_semaphore(%run_scoped3A : memref<!tpu.dma_semaphore, #tpu.memory_space<semaphore_mem>>)
      %dma_wait3A_776 = arith.constant 12544 : i32
      %dma_wait3A_777 = tpu.memref_slice %arg11[%dma_wait3A_776] : memref<37632xf32, #tpu.memory_space<vmem>> -> memref<3136xf32, #tpu.memory_space<vmem>>
      %dma_wait3A_778 = tpu.memref_slice %arg6[%add3A_755] : memref<1204224xf32, #tpu.memory_space<hbm>> -> memref<3136xf32, #tpu.memory_space<hbm>>
      %dma_wait3A_779 = tpu.memref_slice %arg6[%add3A_755] : memref<1204224xf32, #tpu.memory_space<hbm>> -> memref<3136xf32, #tpu.memory_space<hbm>>
      %dma_wait3A_780 = arith.constant 12544 : i32
      %dma_wait3A_781 = tpu.memref_slice %arg11[%dma_wait3A_780] : memref<37632xf32, #tpu.memory_space<vmem>> -> memref<3136xf32, #tpu.memory_space<vmem>>
      tpu.wait_dma2 semaphore(%run_scoped3A : memref<!tpu.dma_semaphore, #tpu.memory_space<semaphore_mem>>) src(%dma_wait3A_781 : memref<3136xf32, #tpu.memory_space<vmem>>) dst(%dma_wait3A_779 : memref<3136xf32, #tpu.memory_space<hbm>>)
      tpu.yield
    }) : () -> ()
    %add3A_756 = arith.constant 501760 : i32
    %add3A_757 = arith.addi %add3A_756, %mul3A_2 : i32
    "tpu.region"() ({
      %run_scoped3A = tpu.sem_alloc : memref<!tpu.dma_semaphore, #tpu.memory_space<semaphore_mem>>
      %dma_start3A_770 = arith.constant 15680 : i32
      %dma_start3A_771 = tpu.memref_slice %arg11[%dma_start3A_770] : memref<37632xf32, #tpu.memory_space<vmem>> -> memref<3136xf32, #tpu.memory_space<vmem>>
      %dma_start3A_772 = tpu.memref_slice %arg6[%add3A_757] : memref<1204224xf32, #tpu.memory_space<hbm>> -> memref<3136xf32, #tpu.memory_space<hbm>>
      %dma_start3A_773 = tpu.memref_slice %arg6[%add3A_757] : memref<1204224xf32, #tpu.memory_space<hbm>> -> memref<3136xf32, #tpu.memory_space<hbm>>
      %dma_start3A_774 = arith.constant 15680 : i32
      %dma_start3A_775 = tpu.memref_slice %arg11[%dma_start3A_774] : memref<37632xf32, #tpu.memory_space<vmem>> -> memref<3136xf32, #tpu.memory_space<vmem>>
      tpu.enqueue_dma source(%dma_start3A_775 : memref<3136xf32, #tpu.memory_space<vmem>>) target(%dma_start3A_773 : memref<3136xf32, #tpu.memory_space<hbm>>) target_semaphore(%run_scoped3A : memref<!tpu.dma_semaphore, #tpu.memory_space<semaphore_mem>>)
      %dma_wait3A_776 = arith.constant 15680 : i32
      %dma_wait3A_777 = tpu.memref_slice %arg11[%dma_wait3A_776] : memref<37632xf32, #tpu.memory_space<vmem>> -> memref<3136xf32, #tpu.memory_space<vmem>>
      %dma_wait3A_778 = tpu.memref_slice %arg6[%add3A_757] : memref<1204224xf32, #tpu.memory_space<hbm>> -> memref<3136xf32, #tpu.memory_space<hbm>>
      %dma_wait3A_779 = tpu.memref_slice %arg6[%add3A_757] : memref<1204224xf32, #tpu.memory_space<hbm>> -> memref<3136xf32, #tpu.memory_space<hbm>>
      %dma_wait3A_780 = arith.constant 15680 : i32
      %dma_wait3A_781 = tpu.memref_slice %arg11[%dma_wait3A_780] : memref<37632xf32, #tpu.memory_space<vmem>> -> memref<3136xf32, #tpu.memory_space<vmem>>
      tpu.wait_dma2 semaphore(%run_scoped3A : memref<!tpu.dma_semaphore, #tpu.memory_space<semaphore_mem>>) src(%dma_wait3A_781 : memref<3136xf32, #tpu.memory_space<vmem>>) dst(%dma_wait3A_779 : memref<3136xf32, #tpu.memory_space<hbm>>)
      tpu.yield
    }) : () -> ()
    %add3A_758 = arith.constant 602112 : i32
    %add3A_759 = arith.addi %add3A_758, %mul3A_2 : i32
    "tpu.region"() ({
      %run_scoped3A = tpu.sem_alloc : memref<!tpu.dma_semaphore, #tpu.memory_space<semaphore_mem>>
      %dma_start3A_770 = arith.constant 18816 : i32
      %dma_start3A_771 = tpu.memref_slice %arg11[%dma_start3A_770] : memref<37632xf32, #tpu.memory_space<vmem>> -> memref<3136xf32, #tpu.memory_space<vmem>>
      %dma_start3A_772 = tpu.memref_slice %arg6[%add3A_759] : memref<1204224xf32, #tpu.memory_space<hbm>> -> memref<3136xf32, #tpu.memory_space<hbm>>
      %dma_start3A_773 = tpu.memref_slice %arg6[%add3A_759] : memref<1204224xf32, #tpu.memory_space<hbm>> -> memref<3136xf32, #tpu.memory_space<hbm>>
      %dma_start3A_774 = arith.constant 18816 : i32
      %dma_start3A_775 = tpu.memref_slice %arg11[%dma_start3A_774] : memref<37632xf32, #tpu.memory_space<vmem>> -> memref<3136xf32, #tpu.memory_space<vmem>>
      tpu.enqueue_dma source(%dma_start3A_775 : memref<3136xf32, #tpu.memory_space<vmem>>) target(%dma_start3A_773 : memref<3136xf32, #tpu.memory_space<hbm>>) target_semaphore(%run_scoped3A : memref<!tpu.dma_semaphore, #tpu.memory_space<semaphore_mem>>)
      %dma_wait3A_776 = arith.constant 18816 : i32
      %dma_wait3A_777 = tpu.memref_slice %arg11[%dma_wait3A_776] : memref<37632xf32, #tpu.memory_space<vmem>> -> memref<3136xf32, #tpu.memory_space<vmem>>
      %dma_wait3A_778 = tpu.memref_slice %arg6[%add3A_759] : memref<1204224xf32, #tpu.memory_space<hbm>> -> memref<3136xf32, #tpu.memory_space<hbm>>
      %dma_wait3A_779 = tpu.memref_slice %arg6[%add3A_759] : memref<1204224xf32, #tpu.memory_space<hbm>> -> memref<3136xf32, #tpu.memory_space<hbm>>
      %dma_wait3A_780 = arith.constant 18816 : i32
      %dma_wait3A_781 = tpu.memref_slice %arg11[%dma_wait3A_780] : memref<37632xf32, #tpu.memory_space<vmem>> -> memref<3136xf32, #tpu.memory_space<vmem>>
      tpu.wait_dma2 semaphore(%run_scoped3A : memref<!tpu.dma_semaphore, #tpu.memory_space<semaphore_mem>>) src(%dma_wait3A_781 : memref<3136xf32, #tpu.memory_space<vmem>>) dst(%dma_wait3A_779 : memref<3136xf32, #tpu.memory_space<hbm>>)
      tpu.yield
    }) : () -> ()
    %add3A_760 = arith.constant 702464 : i32
    %add3A_761 = arith.addi %add3A_760, %mul3A_2 : i32
    "tpu.region"() ({
      %run_scoped3A = tpu.sem_alloc : memref<!tpu.dma_semaphore, #tpu.memory_space<semaphore_mem>>
      %dma_start3A_770 = arith.constant 21952 : i32
      %dma_start3A_771 = tpu.memref_slice %arg11[%dma_start3A_770] : memref<37632xf32, #tpu.memory_space<vmem>> -> memref<3136xf32, #tpu.memory_space<vmem>>
      %dma_start3A_772 = tpu.memref_slice %arg6[%add3A_761] : memref<1204224xf32, #tpu.memory_space<hbm>> -> memref<3136xf32, #tpu.memory_space<hbm>>
      %dma_start3A_773 = tpu.memref_slice %arg6[%add3A_761] : memref<1204224xf32, #tpu.memory_space<hbm>> -> memref<3136xf32, #tpu.memory_space<hbm>>
      %dma_start3A_774 = arith.constant 21952 : i32
      %dma_start3A_775 = tpu.memref_slice %arg11[%dma_start3A_774] : memref<37632xf32, #tpu.memory_space<vmem>> -> memref<3136xf32, #tpu.memory_space<vmem>>
      tpu.enqueue_dma source(%dma_start3A_775 : memref<3136xf32, #tpu.memory_space<vmem>>) target(%dma_start3A_773 : memref<3136xf32, #tpu.memory_space<hbm>>) target_semaphore(%run_scoped3A : memref<!tpu.dma_semaphore, #tpu.memory_space<semaphore_mem>>)
      %dma_wait3A_776 = arith.constant 21952 : i32
      %dma_wait3A_777 = tpu.memref_slice %arg11[%dma_wait3A_776] : memref<37632xf32, #tpu.memory_space<vmem>> -> memref<3136xf32, #tpu.memory_space<vmem>>
      %dma_wait3A_778 = tpu.memref_slice %arg6[%add3A_761] : memref<1204224xf32, #tpu.memory_space<hbm>> -> memref<3136xf32, #tpu.memory_space<hbm>>
      %dma_wait3A_779 = tpu.memref_slice %arg6[%add3A_761] : memref<1204224xf32, #tpu.memory_space<hbm>> -> memref<3136xf32, #tpu.memory_space<hbm>>
      %dma_wait3A_780 = arith.constant 21952 : i32
      %dma_wait3A_781 = tpu.memref_slice %arg11[%dma_wait3A_780] : memref<37632xf32, #tpu.memory_space<vmem>> -> memref<3136xf32, #tpu.memory_space<vmem>>
      tpu.wait_dma2 semaphore(%run_scoped3A : memref<!tpu.dma_semaphore, #tpu.memory_space<semaphore_mem>>) src(%dma_wait3A_781 : memref<3136xf32, #tpu.memory_space<vmem>>) dst(%dma_wait3A_779 : memref<3136xf32, #tpu.memory_space<hbm>>)
      tpu.yield
    }) : () -> ()
    %add3A_762 = arith.constant 802816 : i32
    %add3A_763 = arith.addi %add3A_762, %mul3A_2 : i32
    "tpu.region"() ({
      %run_scoped3A = tpu.sem_alloc : memref<!tpu.dma_semaphore, #tpu.memory_space<semaphore_mem>>
      %dma_start3A_770 = arith.constant 25088 : i32
      %dma_start3A_771 = tpu.memref_slice %arg11[%dma_start3A_770] : memref<37632xf32, #tpu.memory_space<vmem>> -> memref<3136xf32, #tpu.memory_space<vmem>>
      %dma_start3A_772 = tpu.memref_slice %arg6[%add3A_763] : memref<1204224xf32, #tpu.memory_space<hbm>> -> memref<3136xf32, #tpu.memory_space<hbm>>
      %dma_start3A_773 = tpu.memref_slice %arg6[%add3A_763] : memref<1204224xf32, #tpu.memory_space<hbm>> -> memref<3136xf32, #tpu.memory_space<hbm>>
      %dma_start3A_774 = arith.constant 25088 : i32
      %dma_start3A_775 = tpu.memref_slice %arg11[%dma_start3A_774] : memref<37632xf32, #tpu.memory_space<vmem>> -> memref<3136xf32, #tpu.memory_space<vmem>>
      tpu.enqueue_dma source(%dma_start3A_775 : memref<3136xf32, #tpu.memory_space<vmem>>) target(%dma_start3A_773 : memref<3136xf32, #tpu.memory_space<hbm>>) target_semaphore(%run_scoped3A : memref<!tpu.dma_semaphore, #tpu.memory_space<semaphore_mem>>)
      %dma_wait3A_776 = arith.constant 25088 : i32
      %dma_wait3A_777 = tpu.memref_slice %arg11[%dma_wait3A_776] : memref<37632xf32, #tpu.memory_space<vmem>> -> memref<3136xf32, #tpu.memory_space<vmem>>
      %dma_wait3A_778 = tpu.memref_slice %arg6[%add3A_763] : memref<1204224xf32, #tpu.memory_space<hbm>> -> memref<3136xf32, #tpu.memory_space<hbm>>
      %dma_wait3A_779 = tpu.memref_slice %arg6[%add3A_763] : memref<1204224xf32, #tpu.memory_space<hbm>> -> memref<3136xf32, #tpu.memory_space<hbm>>
      %dma_wait3A_780 = arith.constant 25088 : i32
      %dma_wait3A_781 = tpu.memref_slice %arg11[%dma_wait3A_780] : memref<37632xf32, #tpu.memory_space<vmem>> -> memref<3136xf32, #tpu.memory_space<vmem>>
      tpu.wait_dma2 semaphore(%run_scoped3A : memref<!tpu.dma_semaphore, #tpu.memory_space<semaphore_mem>>) src(%dma_wait3A_781 : memref<3136xf32, #tpu.memory_space<vmem>>) dst(%dma_wait3A_779 : memref<3136xf32, #tpu.memory_space<hbm>>)
      tpu.yield
    }) : () -> ()
    %add3A_764 = arith.constant 903168 : i32
    %add3A_765 = arith.addi %add3A_764, %mul3A_2 : i32
    "tpu.region"() ({
      %run_scoped3A = tpu.sem_alloc : memref<!tpu.dma_semaphore, #tpu.memory_space<semaphore_mem>>
      %dma_start3A_770 = arith.constant 28224 : i32
      %dma_start3A_771 = tpu.memref_slice %arg11[%dma_start3A_770] : memref<37632xf32, #tpu.memory_space<vmem>> -> memref<3136xf32, #tpu.memory_space<vmem>>
      %dma_start3A_772 = tpu.memref_slice %arg6[%add3A_765] : memref<1204224xf32, #tpu.memory_space<hbm>> -> memref<3136xf32, #tpu.memory_space<hbm>>
      %dma_start3A_773 = tpu.memref_slice %arg6[%add3A_765] : memref<1204224xf32, #tpu.memory_space<hbm>> -> memref<3136xf32, #tpu.memory_space<hbm>>
      %dma_start3A_774 = arith.constant 28224 : i32
      %dma_start3A_775 = tpu.memref_slice %arg11[%dma_start3A_774] : memref<37632xf32, #tpu.memory_space<vmem>> -> memref<3136xf32, #tpu.memory_space<vmem>>
      tpu.enqueue_dma source(%dma_start3A_775 : memref<3136xf32, #tpu.memory_space<vmem>>) target(%dma_start3A_773 : memref<3136xf32, #tpu.memory_space<hbm>>) target_semaphore(%run_scoped3A : memref<!tpu.dma_semaphore, #tpu.memory_space<semaphore_mem>>)
      %dma_wait3A_776 = arith.constant 28224 : i32
      %dma_wait3A_777 = tpu.memref_slice %arg11[%dma_wait3A_776] : memref<37632xf32, #tpu.memory_space<vmem>> -> memref<3136xf32, #tpu.memory_space<vmem>>
      %dma_wait3A_778 = tpu.memref_slice %arg6[%add3A_765] : memref<1204224xf32, #tpu.memory_space<hbm>> -> memref<3136xf32, #tpu.memory_space<hbm>>
      %dma_wait3A_779 = tpu.memref_slice %arg6[%add3A_765] : memref<1204224xf32, #tpu.memory_space<hbm>> -> memref<3136xf32, #tpu.memory_space<hbm>>
      %dma_wait3A_780 = arith.constant 28224 : i32
      %dma_wait3A_781 = tpu.memref_slice %arg11[%dma_wait3A_780] : memref<37632xf32, #tpu.memory_space<vmem>> -> memref<3136xf32, #tpu.memory_space<vmem>>
      tpu.wait_dma2 semaphore(%run_scoped3A : memref<!tpu.dma_semaphore, #tpu.memory_space<semaphore_mem>>) src(%dma_wait3A_781 : memref<3136xf32, #tpu.memory_space<vmem>>) dst(%dma_wait3A_779 : memref<3136xf32, #tpu.memory_space<hbm>>)
      tpu.yield
    }) : () -> ()
    %add3A_766 = arith.constant 1003520 : i32
    %add3A_767 = arith.addi %add3A_766, %mul3A_2 : i32
    "tpu.region"() ({
      %run_scoped3A = tpu.sem_alloc : memref<!tpu.dma_semaphore, #tpu.memory_space<semaphore_mem>>
      %dma_start3A_770 = arith.constant 31360 : i32
      %dma_start3A_771 = tpu.memref_slice %arg11[%dma_start3A_770] : memref<37632xf32, #tpu.memory_space<vmem>> -> memref<3136xf32, #tpu.memory_space<vmem>>
      %dma_start3A_772 = tpu.memref_slice %arg6[%add3A_767] : memref<1204224xf32, #tpu.memory_space<hbm>> -> memref<3136xf32, #tpu.memory_space<hbm>>
      %dma_start3A_773 = tpu.memref_slice %arg6[%add3A_767] : memref<1204224xf32, #tpu.memory_space<hbm>> -> memref<3136xf32, #tpu.memory_space<hbm>>
      %dma_start3A_774 = arith.constant 31360 : i32
      %dma_start3A_775 = tpu.memref_slice %arg11[%dma_start3A_774] : memref<37632xf32, #tpu.memory_space<vmem>> -> memref<3136xf32, #tpu.memory_space<vmem>>
      tpu.enqueue_dma source(%dma_start3A_775 : memref<3136xf32, #tpu.memory_space<vmem>>) target(%dma_start3A_773 : memref<3136xf32, #tpu.memory_space<hbm>>) target_semaphore(%run_scoped3A : memref<!tpu.dma_semaphore, #tpu.memory_space<semaphore_mem>>)
      %dma_wait3A_776 = arith.constant 31360 : i32
      %dma_wait3A_777 = tpu.memref_slice %arg11[%dma_wait3A_776] : memref<37632xf32, #tpu.memory_space<vmem>> -> memref<3136xf32, #tpu.memory_space<vmem>>
      %dma_wait3A_778 = tpu.memref_slice %arg6[%add3A_767] : memref<1204224xf32, #tpu.memory_space<hbm>> -> memref<3136xf32, #tpu.memory_space<hbm>>
      %dma_wait3A_779 = tpu.memref_slice %arg6[%add3A_767] : memref<1204224xf32, #tpu.memory_space<hbm>> -> memref<3136xf32, #tpu.memory_space<hbm>>
      %dma_wait3A_780 = arith.constant 31360 : i32
      %dma_wait3A_781 = tpu.memref_slice %arg11[%dma_wait3A_780] : memref<37632xf32, #tpu.memory_space<vmem>> -> memref<3136xf32, #tpu.memory_space<vmem>>
      tpu.wait_dma2 semaphore(%run_scoped3A : memref<!tpu.dma_semaphore, #tpu.memory_space<semaphore_mem>>) src(%dma_wait3A_781 : memref<3136xf32, #tpu.memory_space<vmem>>) dst(%dma_wait3A_779 : memref<3136xf32, #tpu.memory_space<hbm>>)
      tpu.yield
    }) : () -> ()
    %add3A_768 = arith.constant 1103872 : i32
    %add3A_769 = arith.addi %add3A_768, %mul3A_2 : i32
    "tpu.region"() ({
      %run_scoped3A = tpu.sem_alloc : memref<!tpu.dma_semaphore, #tpu.memory_space<semaphore_mem>>
      %dma_start3A_770 = arith.constant 34496 : i32
      %dma_start3A_771 = tpu.memref_slice %arg11[%dma_start3A_770] : memref<37632xf32, #tpu.memory_space<vmem>> -> memref<3136xf32, #tpu.memory_space<vmem>>
      %dma_start3A_772 = tpu.memref_slice %arg6[%add3A_769] : memref<1204224xf32, #tpu.memory_space<hbm>> -> memref<3136xf32, #tpu.memory_space<hbm>>
      %dma_start3A_773 = tpu.memref_slice %arg6[%add3A_769] : memref<1204224xf32, #tpu.memory_space<hbm>> -> memref<3136xf32, #tpu.memory_space<hbm>>
      %dma_start3A_774 = arith.constant 34496 : i32
      %dma_start3A_775 = tpu.memref_slice %arg11[%dma_start3A_774] : memref<37632xf32, #tpu.memory_space<vmem>> -> memref<3136xf32, #tpu.memory_space<vmem>>
      tpu.enqueue_dma source(%dma_start3A_775 : memref<3136xf32, #tpu.memory_space<vmem>>) target(%dma_start3A_773 : memref<3136xf32, #tpu.memory_space<hbm>>) target_semaphore(%run_scoped3A : memref<!tpu.dma_semaphore, #tpu.memory_space<semaphore_mem>>)
      %dma_wait3A_776 = arith.constant 34496 : i32
      %dma_wait3A_777 = tpu.memref_slice %arg11[%dma_wait3A_776] : memref<37632xf32, #tpu.memory_space<vmem>> -> memref<3136xf32, #tpu.memory_space<vmem>>
      %dma_wait3A_778 = tpu.memref_slice %arg6[%add3A_769] : memref<1204224xf32, #tpu.memory_space<hbm>> -> memref<3136xf32, #tpu.memory_space<hbm>>
      %dma_wait3A_779 = tpu.memref_slice %arg6[%add3A_769] : memref<1204224xf32, #tpu.memory_space<hbm>> -> memref<3136xf32, #tpu.memory_space<hbm>>
      %dma_wait3A_780 = arith.constant 34496 : i32
      %dma_wait3A_781 = tpu.memref_slice %arg11[%dma_wait3A_780] : memref<37632xf32, #tpu.memory_space<vmem>> -> memref<3136xf32, #tpu.memory_space<vmem>>
      tpu.wait_dma2 semaphore(%run_scoped3A : memref<!tpu.dma_semaphore, #tpu.memory_space<semaphore_mem>>) src(%dma_wait3A_781 : memref<3136xf32, #tpu.memory_space<vmem>>) dst(%dma_wait3A_779 : memref<3136xf32, #tpu.memory_space<hbm>>)
      tpu.yield
    }) : () -> ()
    return
  }
}

</mosaic_0001>

<sc_bundles>
// kernel: gather_offload_async_start.1
scs
__scs_entry_jumppad:
0x0: {  	(pc) =	sbr.rel $0x88, $3  }
0x1: {  	(tag) =	ssettag $0x0;
	lr =	simm.s32 $0x1  }
0x2: {  	[smem:$0x3F9D] =	sst lr;
	_ =	strace $0xD0000000  }
0x3: {  	_ = 	snop  }
0x4: {  	_ = 	snop  }
0x5: {  	_ = 	snop  }
0x6: {  	_ = 	snop  }
0x7: {  	_ = 	snop  }
__scs_overlays_trampoline_lowered:
0x8: {  	[smem:$0x3FAC] =	sst s0  }
0x9: {  	[smem:$0x3FAD] =	sst s1  }
0xa: {  	[smem:$0x3FAE] =	sst s2  }
0xb: {  	[smem:$0x3FAF] =	sst s3  }
0xc: {  	[smem:$0x3FB0] =	sst s4  }
0xd: {  	[smem:$0x3FB1] =	sst s5  }
0xe: {  	[smem:$0x3FB2] =	sst s6  }
0xf: {  	[smem:$0x3FB3] =	sst s7  }
0x10: {  	[smem:$0x3FB4] =	sst s8  }
0x11: {  	[smem:$0x3FB5] =	sst s9;
	s0 =	simm.s32 @!p0 $0x0  }
0x12: {  	s1 =	sld [smem:$0x3F9B];
	s0 =	simm.s32 @p0 $0x1  }
0x13: {  	[smem:$0x3FB6] =	sst s0;
	s0 =	simm.s32 @!p1 $0x0  }
0x14: {  	s2 =	sld [smem:$0x3F9A];
	s0 =	simm.s32 @p1 $0x1  }
0x15: {  	[smem:$0x3FB7] =	sst s0;
	s0 =	simm.s32 @!p2 $0x0  }
0x16: {  	s3 =	sld [smem:$0x3FDB];
	s0 =	simm.s32 @p2 $0x1  }
0x17: {  	s4 =	simm.s32 $0x1BF5;
	[smem:$0x3FB9] =	sst s0  }
0x18: {  	s0 =	sld [smem:$0x3F9C];
	_ =	swait.ge [sflag:s4], $0x0  }
0x19: {  	s7 =	sld [smem:$0x3F9D]  }
0x1a: {  	s8 =	sadd.s32 $0xFFFFE003, lr  }
0x1b: {  	s9 =	sadd.s32 $0xFFFFFEF7, lr;
	s5 =	simm.s32 $0xFFFFFFFF;
	p2 =	slt.u32 s8, $0xFFFFF086  }
0x1c: {  	p1 =	slt.u32 s9, $0xF7A;
	s5 =	simm.s32 @!p2 $0x0  }
0x1d: {  	s5 =	simm.s32 @p1 $0x1;
	p0 =	seq.s32 s7, s2  }
0x1e: {  	s7 =	smul.u32 @!p0 $0xF7A, s2;
	p2 =	seq.s32 @!p0 s5, $0x0  }
0x1f: {  	s9 =	smul.u32 $0xF7A, s1;
	s8 =	simm.s32 @!p0 $0x1BF5;
	p2 =	por !p2, p0  }
0x20: {  	[sflag:s8] =	ssyncset.s32 @!p0 $0xFFFFF086;
	s6 =	sadd.s32 @!p0 s3, s7;
	s7 =	simm.s32 @!p0 $0x108  }
0x21: {  	s3 =	sadd.s32 s3, s9;
	s6 =	sadd.s32 @!p0 $0x88, s6;
	s7 =	simm.s32 @p2 $0x1082  }
0x22: {  	[simem:s7], [sflag:s8] =	dma.local @!p0 [hbm:s6], $0xF7A  }
0x23: {  	s9 =	sor.u32 $0xD0000000, s2;
	s6 =	simm.s32 $0x108;
	_ =	swait.ge @!p0 [sflag:s8], $0x0  }
0x24: {  	s3 =	sadd.s32 $0x88, s3;
	s6 =	simm.s32 @!p1 $0x1082;
	[sflag:s4] =	ssyncset.s32 $0xFFFFF086  }
0x25: {  	[simem:s6], [sflag:s4] =	dma.local [hbm:s3], $0xF7A  }
0x26: {  	[smem:$0x3F9D] =	sst s1;
	(tag) =	ssettag s2;
	_ =	strace s9  }
0x27: {  	s1 =	sld [smem:$0x3FAD]  }
0x28: {  	s2 =	sld [smem:$0x3FAE]  }
0x29: {  	s4 =	sld [smem:$0x3FB0]  }
0x2a: {  	p0 =	seq.s32 s5, $0x0;
	s5 =	sld [smem:$0x3FB1]  }
0x2b: {  	s6 =	sld [smem:$0x3FB2]  }
0x2c: {  	s7 =	sld [smem:$0x3FB3]  }
0x2d: {  	s3 =	simm.s32 $0x108;
	s8 =	sld [smem:$0x3FB4]  }
0x2e: {  	s3 =	simm.s32 @!p0 $0x1082;
	s9 =	sld [smem:$0x3FB5]  }
0x2f: {  	lr =	sadd.s32 s0, s3;
	s0 =	sld [smem:$0x3FAC]  }
0x30: {  	s3 =	sld [smem:$0x3FAF]  }
0x31: {  	[smem:$0x3FB8] =	sst s10  }
0x32: {  	s10 =	sld [smem:$0x3FB6];
	_ =	sdelay $0x3  }
0x33: {  	p0 =	seq.s32 s10, $0x1;
	s10 =	sld [smem:$0x3FB8];
	_ =	sdelay $0x3  }
0x34: {  	[smem:$0x3FB8] =	sst s10  }
0x35: {  	s10 =	sld [smem:$0x3FB7];
	_ =	sdelay $0x3  }
0x36: {  	p1 =	seq.s32 s10, $0x1;
	s10 =	sld [smem:$0x3FB8];
	_ =	sdelay $0x3  }
0x37: {  	[smem:$0x3FB8] =	sst s10  }
0x38: {  	s10 =	sld [smem:$0x3FB9]  }
0x39: {  	_ = 	snop;
	(pc) =	sbr.ind lr, $3  }
0x3a: {  	_ = 	snop  }
0x3b: {  	_ = 	snop  }
0x3c: {  	p2 =	seq.s32 s10, $0x1;
	s10 =	sld [smem:$0x3FB8]  }
0x3d: {  	_ =	shalt  }
0x3e: {  	_ =	shalt  }
0x3f: {  	_ =	shalt  }
0x40: {  	_ =	shalt  }
0x41: {  	_ =	shalt  }
0x42: {  	_ =	shalt  }
0x43: {  	_ =	shalt  }
0x44: {  	_ =	shalt  }
0x45: {  	_ =	shalt  }
0x46: {  	_ =	shalt  }
0x47: {  	_ =	shalt  }
0x48: {  	_ =	shalt  }
0x49: {  	_ =	shalt  }
0x4a: {  	_ =	shalt  }
0x4b: {  	_ =	shalt  }
0x4c: {  	_ =	shalt  }
0x4d: {  	_ =	shalt  }
0x4e: {  	_ =	shalt  }
0x4f: {  	_ =	shalt  }
0x50: {  	_ =	shalt  }
0x51: {  	_ =	shalt  }
0x52: {  	_ =	shalt  }
0x53: {  	_ =	shalt  }
0x54: {  	_ =	shalt  }
0x55: {  	_ =	shalt  }
0x56: {  	_ =	shalt  }
0x57: {  	_ =	shalt  }
0x58: {  	_ =	shalt  }
0x59: {  	_ =	shalt  }
0x5a: {  	_ =	shalt  }
0x5b: {  	_ =	shalt  }
0x5c: {  	_ =	shalt  }
0x5d: {  	_ =	shalt  }
0x5e: {  	_ =	shalt  }
0x5f: {  	_ =	shalt  }
0x60: {  	_ =	shalt  }
0x61: {  	_ =	shalt  }
0x62: {  	_ =	shalt  }
0x63: {  	_ =	shalt  }
0x64: {  	_ =	shalt  }
0x65: {  	_ =	shalt  }
0x66: {  	_ =	shalt  }
0x67: {  	_ =	shalt  }
0x68: {  	_ =	shalt  }
0x69: {  	_ =	shalt  }
0x6a: {  	_ =	shalt  }
0x6b: {  	_ =	shalt  }
0x6c: {  	_ =	shalt  }
0x6d: {  	_ =	shalt  }
0x6e: {  	_ =	shalt  }
0x6f: {  	_ =	shalt  }
0x70: {  	_ =	shalt  }
0x71: {  	_ =	shalt  }
0x72: {  	_ =	shalt  }
0x73: {  	_ =	shalt  }
0x74: {  	_ =	shalt  }
0x75: {  	_ =	shalt  }
0x76: {  	_ =	shalt  }
0x77: {  	_ =	shalt  }
0x78: {  	_ =	shalt  }
0x79: {  	_ =	shalt  }
0x7a: {  	_ =	shalt  }
0x7b: {  	_ =	shalt  }
0x7c: {  	_ =	shalt  }
0x7d: {  	_ =	shalt  }
0x7e: {  	_ =	shalt  }
0x7f: {  	_ =	shalt  }
0x80: {  	_ =	shalt  }
0x81: {  	_ =	shalt  }
0x82: {  	_ =	shalt  }
0x83: {  	_ =	shalt  }
0x84: {  	_ =	shalt  }
0x85: {  	_ =	shalt  }
0x86: {  	_ =	shalt  }
0x87: {  	_ =	shalt  }
.Lfunc_end0:
.L_simem_size_0:
called_computation.1_lowered:
.L_overlay_start_0:
0x88: {  	s2 =	sld [smem:$0x3FD9]  }
0x89: {  	s3 =	sld [smem:$0x3FFE];
	_ =	sdelay $0x1  }
0x8a: {  	s1 =	srdreg.scid  }
0x8b: {  	s0 =	sand.u32 $0x1, s1  }
0x8c: {  	s16 =	sshll.u32 s0, $0xA;
	s2 =	sadd.s32 s3, s2  }
0x8d: {  	s2 =	sadd.s32 s2, s16  }
0x8e: {  	[smem:$0x3FC4] =	sst s2  }
0x8f: {  	_ = 	snop  }
0x90: {  	(tm) =	ssettm $0x1  }
0x91: {  	s17 =	sld [smem:$0x3FFB];
	_ =	sdelay $0x3  }
0x92: {  	_ =	strace s17  }
0x93: {  	s2 =	sld [smem:$0x3FFC];
	_ =	sdelay $0x3  }
0x94: {  	_ =	strace s2  }
0x95: {  	s2 =	sld [smem:$0x3FFD];
	_ =	sdelay $0x3  }
0x96: {  	_ =	strace s2  }
0x97: {  	_ =	strace $0x8FFFFFFF  }
0x98: {  	s18 =	sld [smem:$0x3FDB];
	_ =	sdelay $0x1  }
0x99: {  	s19 =	simm.s32 $_scs_section_size  }
0x9a: {  	s4 =	simm.s32 $_size__tile_overlayer_lowered;
	s5 =	simm.s32 $_tile_overlayer_lowered  }
0x9b: {  	s22 =	simm.s32 $0x1BFF;
	s21 =	sshll.u32 s5, $0x1;
	s2 =	sadd.s32 s19, s18  }
0x9c: {  	s6 =	simm.s32 $0x0;
	s20 =	sshll.u32 s4, $0x1;
	s4 =	sadd.s32 s21, s2  }
0x9d: {  	[timem:s6], [sflag:s22] =	dma.local [hbm:s4], s20  }
0x9e: {  	_ =	swait.ge [sflag:s22], s20  }
0x9f: {  	s3 =	ssub.s32 $0x0, s20;
	[sflag:s22] =	ssyncset.done $0x0  }
0xa0: {  	[sflag:s22] =	ssyncadd.s32 s3;
	_ =	sdelay $0x1  }
0xa1: {  	s23 =	simm.s32 $0x1B8B  }
0xa2: {  	_ =	swait.ge [sflag:s23], $0x1  }
0xa3: {  	[sflag:s23] =	ssyncset.done $0x0  }
0xa4: {  	s25 =	simm.s32 $0x1B8E;
	s24 =	sld [smem:$0x3FFE];
	[sflag:s23] =	ssyncadd.s32 $0xFFFFFFFF  }
0xa5: {  	s26 =	simm.s32 $execute0_lowered;
	[smem:$0x3FD2] =	sst s25  }
0xa6: {  	s4 =	sshll.u32 s26, $0x1;
	_ =	strace $0x8000004C;
	[dreg:$0x1] =	wrdreg $0xFFFFFFFF  }
0xa7: {  	s28 =	simm.s32 $_size_execute0_lowered;
	s2 =	sadd.s32 s2, s4;
	[dreg:$0x0] =	wrdreg $0x0  }
0xa8: {  	s4 =	sshll.u32 s28, $0x1;
	[dreg:$0x2] =	wrdreg s2  }
0xa9: {  	[dreg:$0x3] =	wrdreg s4  }
0xaa: {  	[dreg:$0x4] =	wrdreg $0xC0  }
0xab: {  	_ =	task [dreg:s6], $0x5FFFF  }
0xac: {  	[dreg:$0x1] =	wrdreg $0xFFFFFFFF  }
0xad: {  	[dreg:$0x0] =	wrdreg $0x60  }
0xae: {  	[dreg:$0x2] =	wrdreg s24  }
0xaf: {  	[dreg:$0x3] =	wrdreg $0x9  }
0xb0: {  	_ =	task.clear_ibuf [dreg:s6], $0x4FFFF;
	_ =	strace $0x9000004C  }
0xb1: {  	s29 =	simm.s32 $0x9;
	_ =	strace $0x8000004E  }
0xb2: {  	_ =	swait.ge [sflag:s29], $0x1  }
0xb3: {  	[sflag:s29] =	ssyncadd.s32 $0xFFFFFFFF  }
0xb4: {  	_ =	strace $0x9000004E  }
0xb5: {  	_ =	sfence  }
0xb6: {  	s30 =	sld [smem:$0x0];
	_ =	sdelay $0x2  }
0xb7: {  	s31 =	sshll.u32 s1, $0xD;
	s1 =	sshrl.u32 s1, $0x2  }
0xb8: {  	s3 =	sand.u32 $0x4000, s31;
	s1 =	sadd.s32 s1, s30  }
0xb9: {  	s0 =	sor.u32 s3, s0;
	s1 =	sshll.u32 s1, $0x11  }
0xba: {  	s0 =	sor.u32 s1, s0  }
0xbb: {  	s0 =	sadd.s32 $0x8F2B, s0  }
0xbc: {  	[sflag:s0] =	ssyncadd.remote.s32 $0x1  }
0xbd: {  	_ =	sfence.sel $0xFFFF  }
0xbe: {  	[dreg:$0x0] =	wrdreg $0xFFFFFFFF;
	(pc) =	sbr.abs _section_cstart, $3  }
0xbf: {  	[dreg:$0x1] =	wrdreg $0xFFFFFFFF  }
0xc0: {  	_ =	task.clear_ibuf [dreg:s6], $0x2FFFF;
	_ =	strace $0x9FFFFFFF  }
0xc1: {  	(tm) =	ssettm $0x7FFFFFFF  }
tec
execute0_lowered:
.L_overlay_start_1:
0x0: {  	(tag) =	ssettag $0x1  }
0x1: {  	s8 =	rddreg [dreg:$0x0]  }
0x2: {  	s0 =	rddreg [dreg:$0x1];
	_ =	strace $0x8000004D;
	s1 =	stileid.u32  }
0x3: {  	s3 =	srdreg.scid;
	s4 =	simm.s32 $0x1;
	s7 =	simm.s32 $0x1  }
0x4: {  	s9 =	simm.s32 $0x1;
	s10 =	simm.s32 $0x3;
	s13 =	simm.s32 $0x0  }
0x5: {  	s12 =	simm.s32 $0x0;
	s5 =	sand.u32 $0x1, s3;
	s6 =	sshll.u32 s1, $0x1  }
0x6: {  	s2 =	sadd.s32 $0x3400, s8;
	s3 =	sadd.s32 $0x189E00, s8;
	s5 =	sor.u32 s6, s5  }
.Ltmp0:
0x7: {  	[sflag:s4] =	ssyncpa.u1 $0x0;
	p0 =	slt.u32 s5, $0x13;
	(pc) =	sbr.rel .LBB2_1-.Ltmp0, $4  }
0x8: {  	s6 =	simm.s32 $0x2;
	s7 =	simm.s32 @!p0 $0x0;
	p0 =	sne.s32 s5, $0x12  }
0x9: {  	[sflag:s6] =	ssyncpa.u1 $0x0;
	s5 =	smul.u32 $0x1770, s5;
	s9 =	simm.s32 @!p0 $0x0  }
0xa: {  	s8 =	sadd.s32 $0x193200, s8;
	[sflag:s10] =	ssyncpa.u1 $0x0;
	s7 =	sadd.s32 s9, s7  }
0xb: {  	vm0 =	vmmov $0xffff;
	s10 =	simm.s32 $0x0;
	s11 =	smov.u32 s5;
	s9 =	sadd.s32 $0x1, s7  }
.LBB2_4:
0xc: {  	v5 =	vshrl.u32 v1, $0x11;
	v6 =	vshll.u32 v1, $0x7  }
0xd: {  	vm1 =	veq.s32 v1, $0x80000000;
	v58 =	vand.u32 $0x3, v5;
	v59 =	vand.u32 $0xFFFF80, v6  }
0xe: {  	v1 =	vsel vm1, $0xFFFFFFFF, v58;
	v5 =	vsel vm1, $0xFFFFFF80, v59  }
0xf: {  	v3 =	vor.u32 v4, v3;
	v60 =	vand.u32 $0xFFFFFC00, v5;
	v61 =	vand.u32 $0xFFFFFC00, v1  }
0x10: {  	v2 =	vor.u32 v2, v3;
	v63 =	vand.u32 $0x380, v5;
	v62 =	vadd.s32 v61, v60  }
0x11: {  	v1 =	vand.u32 $0x7F, v1;
	v3 =	vor.u32 v63, v62  }
0x12: {  	v1 =	vor.u32 v1, v3  }
0x13: {  	[tilespmem:s17], [sflag:$0x1] =	stream.indirect_vreg.gather [hbm4b:s2+s10], $0x1, v0, vm0, $0x4038;
	[tilespmem:$0x5DC0] =	vst v63  }
0x14: {  	(ifvalue) =	ssetifvalue $0x7FFFFFFF  }
0x15: {  	[tilespmem:s15], [sflag:$0x1] =	stream.indirect_vreg.gather [hbm4b:s2+s10], $0x1, v2, vm0, $0x4038;
	[tilespmem:$0x5DC0] =	vst v63  }
0x16: {  	s29 =	sadd.s32 $0x10, s15;
	(ifvalue) =	ssetifvalue $0x7FFFFFFF  }
0x17: {  	[tilespmem:s29], [sflag:$0x1] =	stream.indirect_vreg.gather [hbm4b:s2+s10], $0x1, v1, vm0, $0x4038;
	[tilespmem:$0x5DC0] =	vst v63  }
0x18: {  	_ =	swait.ge [sflag:s4], $0x1770  }
0x19: {  	s30 =	sshrl.u32 s13, $0x3;
	[sflag:s4] =	ssyncset.done $0x0  }
0x1a: {  	s31 =	sand.u32 $0x7, s13;
	s15 =	sadd.s32 s8, s30;
	[sflag:s4] =	ssyncadd.s32 $0xFFFFE890  }
0x1b: {  	[hbm4b:s15+s31] =	stream.linear.scatter [tilespmem:s14], [sflag:$0x3], $0x1770, $0x38;
	[tilespmem:$0x5DC0] =	vst v63  }
.LBB2_5:
0x1c: {  	s15 =	sadd.s32 $0x2EE00, s11  }
0x1d: {  	p1 =	sgt.s32 s15, $0x493DF  }
0x1e: {  	s15 =	smov.u32 @p1 s5;
	p1 =	sne.s32 s12, s9  }
.Ltmp1:
0x1f: {  	p0 =	slt.u32 s12, $0x2;
	(pc) =	sbr.rel @!p1 .LBB2_6-.Ltmp1, $4  }
0x20: {  	s14 =	simm.s32 @!p0 $0x3  }
0x21: {  	_ =	swait.ge @!p0 [sflag:s14], $0x1770  }
0x22: {  	s16 =	sadd.s32 $0x1, s12;
	s13 =	smov.u32 s11;
	[sflag:s14] =	ssyncset.done @!p0 $0x0  }
0x23: {  	s12 =	smov.u32 s16;
	s11 =	smov.u32 s15;
	[sflag:s14] =	ssyncadd.s32 @!p0 $0xFFFFE890  }
.LBB2_1:
0x24: {  	p0 =	sge.u32 s12, s7  }
0x25: {  	s14 =	sxor.u32 @!p0 $0x1, s12  }
0x26: {  	s14 =	smul.u32 @!p0 $0x5DC0, s14  }
0x27: {  	s31 =	sadd.s32 $0xFFFFFFFF, s12;
	s15 =	sshrl.u32 @!p0 s11, $0x3  }
0x28: {  	s16 =	sand.u32 @!p0 $0x7, s11;
	s15 =	sadd.s32 @!p0 s3, s15;
	s14 =	sshra.s32 @!p0 s14, $0x2  }
0x29: {  	[tilespmem:s14], [sflag:$0x2] =	stream.linear.gather @!p0 [hbm4b:s15+s16], $0x1770, $0x38;
	[tilespmem:$0x5DC0] =	vst v63  }
0x2a: {  	p0 =	sge.u32 s31, s7  }
.Ltmp2:
0x2b: {  	_ = 	snop;
	(pc) =	sbr.rel @p0 .LBB2_5-.Ltmp2, $1  }
0x2c: {  	_ =	sdelay $0x3  }
0x2d: {  	s14 =	sand.u32 $0x1, s12  }
0x2e: {  	_ =	swait.ge [sflag:s6], $0x1770;
	p0 =	seq.s32 s14, $0x1;
	s14 =	simm.s32 $0x1770  }
0x2f: {  	[sflag:s6] =	ssyncset.done $0x0;
	s14 =	simm.s32 @!p0 $0x0  }
0x30: {  	[sflag:s6] =	ssyncadd.s32 $0xFFFFE890;
	(ifvalue) =	ssetifvalue $0x7FFFFFFF;
	v0 =	vld.msk [tilespmem:s14+$0x0 ss:$0x1], $0xffff;
	_ =	sdelay $0x4  }
0x31: {  	s15 =	sadd.s32 $0x10, s14;
	v2 =	vshrl.u32 v0, $0x11;
	v3 =	vshll.u32 v0, $0x7  }
0x32: {  	v1 =	vld.msk [tilespmem:s15+$0x0 ss:$0x1], $0xffff;
	vm1 =	veq.s32 v0, $0x80000000;
	v0 =	vand.u32 $0x3, v2;
	v2 =	vand.u32 $0xFFFF80, v3  }
0x33: {  	v0 =	vsel vm1, $0xFFFFFFFF, v0;
	v2 =	vsel vm1, $0xFFFFFF80, v2  }
0x34: {  	v3 =	vand.u32 $0xFFFFFC00, v2;
	v4 =	vand.u32 $0xFFFFFC00, v0  }
0x35: {  	v2 =	vand.u32 $0x380, v2;
	v3 =	vadd.s32 v4, v3  }
0x36: {  	v0 =	vand.u32 $0x7F, v0;
	v2 =	vor.u32 v2, v3  }
0x37: {  	v5 =	vshll.u32 v1, $0x7;
	v4 =	vshrl.u32 v1, $0x11;
	v0 =	vor.u32 v0, v2  }
0x38: {  	vm1 =	veq.s32 v1, $0x80000000;
	v1 =	vand.u32 $0x3, v4;
	v4 =	vand.u32 $0xFFFF80, v5  }
0x39: {  	s14 =	sadd.s32 $0x2EE0, s14;
	s15 =	sadd.s32 $0x10, s15;
	v3 =	vsel vm1, $0xFFFFFFFF, v1;
	v4 =	vsel vm1, $0xFFFFFF80, v4  }
0x3a: {  	s16 =	simm.s32 $0x20;
	s17 =	smov.u32 s14;
	v1 =	vld.msk [tilespmem:s15+$0x0 ss:$0x1], $0xffff;
	v5 =	vand.u32 $0xFFFFFC00, v4;
	v6 =	vand.u32 $0xFFFFFC00, v3  }
0x3b: {  	s18 =	sadd.s32 $0x10, s15;
	(ifvalue) =	ssetifvalue $0x7FFFFFFF;
	s15 =	sadd.s32 $0x10, s14;
	v2 =	vand.u32 $0x7F, v3;
	v4 =	vand.u32 $0x380, v4;
	v3 =	vadd.s32 v6, v5  }
.LBB2_3:
0x3c: {  	[tilespmem:s17], [sflag:$0x1] =	stream.indirect_vreg.gather [hbm4b:s2+s10], $0x1, v0, vm0, $0x4038;
	[tilespmem:$0x5DC0] =	vst v63  }
0x3d: {  	s16 =	sadd.s32 $0x10, s16  }
0x3e: {  	v3 =	vor.u32 v4, v3;
	p0 =	slt.u32 s16, $0x1760  }
.Ltmp3:
0x3f: {  	v4 =	vshrl.u32 v1, $0x11;
	v5 =	vshll.u32 v1, $0x7;
	s17 =	smov.u32 s15;
	v0 =	vor.u32 v2, v3;
	v2 =	vmovc v1;
	v1 =	vld.msk [tilespmem:s18+$0x0 ss:$0x1], $0xffff;
	(pc) =	sbr.rel @p0 .LBB2_3-.Ltmp3, $4  }
0x40: {  	v3 =	vand.u32 $0xFFFF80, v5;
	vm1 =	veq.s32 v2, $0x80000000;
	v2 =	vand.u32 $0x3, v4  }
0x41: {  	v4 =	vsel vm1, $0xFFFFFFFF, v2;
	v5 =	vsel vm1, $0xFFFFFF80, v3  }
0x42: {  	v2 =	vand.u32 $0x7F, v4;
	v3 =	vand.u32 $0xFFFFFC00, v5;
	v4 =	vand.u32 $0xFFFFFC00, v4  }
0x43: {  	s15 =	sadd.s32 $0x10, s15;
	s18 =	sadd.s32 $0x10, s18;
	v3 =	vadd.s32 v4, v3;
	v4 =	vand.u32 $0x380, v5;
	(ifvalue) =	ssetifvalue $0x7FFFFFFF  }
.Ltmp4:
0x44: {  	_ = 	snop;
	(pc) =	sbr.rel .LBB2_4-.Ltmp4, $1  }
0x45: {  	_ =	sdelay $0x3  }
.LBB2_6:
0x46: {  	_ =	sfence.sel $0x180000  }
0x47: {  	s2 =	simm.s32 $0x2;
	[bflag:$0x0] =	sbarrier.arrive $0xFFFF  }
0x48: {  	s30 =	simm.s32 $0x3;
	[sflag:s2] =	ssyncpa.u1 $0x1  }
0x49: {  	s31 =	simm.s32 $0x1;
	[sflag:s30] =	ssyncpa.u1 $0x1  }
0x4a: {  	[sflag:s31] =	ssyncpa.u1 $0x1  }
0x4b: {  	p0 =	sne.s32 s1, $0x0;
	_ =	strace $0x9000004D  }
0x4c: {  	s0 =	sadd.s32 @!p0 $0x100000, s0;
	[bflag:$0x2] =	sbarrier.arrive $0xFFFF  }
0x4d: {  	[sflag:s0] =	ssyncadd.tile.s32 @!p0 $0x1;
	_ =	shalt  }
.Lfunc_end2:
_tile_overlayer_lowered:
.L_overlay_start_2:
0x4e: {  	(tag) =	ssettag $0x2  }
0x4f: {  	s0 =	rddreg [dreg:$0x0];
	s2 =	stileid.u32  }
0x50: {  	s1 =	rddreg [dreg:$0x1];
	p0 =	sne.s32 s2, $0x0  }
0x51: {  	s3 =	rddreg [dreg:$0x2];
	[bflag:$0x3] =	sbarrier.arrive $0xFFFF;
	s2 =	simm.s32 @!p0 $0x1C01  }
0x52: {  	[timem:s3], [sflag:s2] =	dma.local @!p0 [hbm:s0], s1  }
0x53: {  	s0 =	simm.s32 @!p0 $0x1  }
0x54: {  	_ =	swait.ge @!p0 [sflag:s0], s1  }
0x55: {  	s1 =	ssub.s32 @!p0 $0x0, s1;
	[sflag:s0] =	ssyncset.done @!p0 $0x0  }
0x56: {  	[sflag:s0] =	ssyncadd.s32 @!p0 s1  }
0x57: {  	[bflag:$0x3] =	sbarrier.arrive $0xFFFF  }
0x58: {  	_ =	shalt  }

// kernel: gather_offload_async_start
scs
__scs_entry_jumppad:
0x0: {  	(pc) =	sbr.rel $0x88, $3  }
0x1: {  	(tag) =	ssettag $0x0;
	lr =	simm.s32 $0x1  }
0x2: {  	[smem:$0x3F9D] =	sst lr;
	_ =	strace $0xD0000000  }
0x3: {  	_ = 	snop  }
0x4: {  	_ = 	snop  }
0x5: {  	_ = 	snop  }
0x6: {  	_ = 	snop  }
0x7: {  	_ = 	snop  }
__scs_overlays_trampoline_lowered:
0x8: {  	[smem:$0x3FAC] =	sst s0  }
0x9: {  	[smem:$0x3FAD] =	sst s1  }
0xa: {  	[smem:$0x3FAE] =	sst s2  }
0xb: {  	[smem:$0x3FAF] =	sst s3  }
0xc: {  	[smem:$0x3FB0] =	sst s4  }
0xd: {  	[smem:$0x3FB1] =	sst s5  }
0xe: {  	[smem:$0x3FB2] =	sst s6  }
0xf: {  	[smem:$0x3FB3] =	sst s7  }
0x10: {  	[smem:$0x3FB4] =	sst s8  }
0x11: {  	[smem:$0x3FB5] =	sst s9;
	s0 =	simm.s32 @!p0 $0x0  }
0x12: {  	s1 =	sld [smem:$0x3F9B];
	s0 =	simm.s32 @p0 $0x1  }
0x13: {  	[smem:$0x3FB6] =	sst s0;
	s0 =	simm.s32 @!p1 $0x0  }
0x14: {  	s2 =	sld [smem:$0x3F9A];
	s0 =	simm.s32 @p1 $0x1  }
0x15: {  	[smem:$0x3FB7] =	sst s0;
	s0 =	simm.s32 @!p2 $0x0  }
0x16: {  	s3 =	sld [smem:$0x3FDB];
	s0 =	simm.s32 @p2 $0x1  }
0x17: {  	s4 =	simm.s32 $0x1BF5;
	[smem:$0x3FB9] =	sst s0  }
0x18: {  	s0 =	sld [smem:$0x3F9C];
	_ =	swait.ge [sflag:s4], $0x0  }
0x19: {  	s7 =	sld [smem:$0x3F9D]  }
0x1a: {  	s8 =	sadd.s32 $0xFFFFE003, lr  }
0x1b: {  	s9 =	sadd.s32 $0xFFFFFEF7, lr;
	s5 =	simm.s32 $0xFFFFFFFF;
	p2 =	slt.u32 s8, $0xFFFFF086  }
0x1c: {  	p1 =	slt.u32 s9, $0xF7A;
	s5 =	simm.s32 @!p2 $0x0  }
0x1d: {  	s5 =	simm.s32 @p1 $0x1;
	p0 =	seq.s32 s7, s2  }
0x1e: {  	s7 =	smul.u32 @!p0 $0xF7A, s2;
	p2 =	seq.s32 @!p0 s5, $0x0  }
0x1f: {  	s9 =	smul.u32 $0xF7A, s1;
	s8 =	simm.s32 @!p0 $0x1BF5;
	p2 =	por !p2, p0  }
0x20: {  	[sflag:s8] =	ssyncset.s32 @!p0 $0xFFFFF086;
	s6 =	sadd.s32 @!p0 s3, s7;
	s7 =	simm.s32 @!p0 $0x108  }
0x21: {  	s3 =	sadd.s32 s3, s9;
	s6 =	sadd.s32 @!p0 $0x88, s6;
	s7 =	simm.s32 @p2 $0x1082  }
0x22: {  	[simem:s7], [sflag:s8] =	dma.local @!p0 [hbm:s6], $0xF7A  }
0x23: {  	s9 =	sor.u32 $0xD0000000, s2;
	s6 =	simm.s32 $0x108;
	_ =	swait.ge @!p0 [sflag:s8], $0x0  }
0x24: {  	s3 =	sadd.s32 $0x88, s3;
	s6 =	simm.s32 @!p1 $0x1082;
	[sflag:s4] =	ssyncset.s32 $0xFFFFF086  }
0x25: {  	[simem:s6], [sflag:s4] =	dma.local [hbm:s3], $0xF7A  }
0x26: {  	[smem:$0x3F9D] =	sst s1;
	(tag) =	ssettag s2;
	_ =	strace s9  }
0x27: {  	s1 =	sld [smem:$0x3FAD]  }
0x28: {  	s2 =	sld [smem:$0x3FAE]  }
0x29: {  	s4 =	sld [smem:$0x3FB0]  }
0x2a: {  	p0 =	seq.s32 s5, $0x0;
	s5 =	sld [smem:$0x3FB1]  }
0x2b: {  	s6 =	sld [smem:$0x3FB2]  }
0x2c: {  	s7 =	sld [smem:$0x3FB3]  }
0x2d: {  	s3 =	simm.s32 $0x108;
	s8 =	sld [smem:$0x3FB4]  }
0x2e: {  	s3 =	simm.s32 @!p0 $0x1082;
	s9 =	sld [smem:$0x3FB5]  }
0x2f: {  	lr =	sadd.s32 s0, s3;
	s0 =	sld [smem:$0x3FAC]  }
0x30: {  	s3 =	sld [smem:$0x3FAF]  }
0x31: {  	[smem:$0x3FB8] =	sst s10  }
0x32: {  	s10 =	sld [smem:$0x3FB6];
	_ =	sdelay $0x3  }
0x33: {  	p0 =	seq.s32 s10, $0x1;
	s10 =	sld [smem:$0x3FB8];
	_ =	sdelay $0x3  }
0x34: {  	[smem:$0x3FB8] =	sst s10  }
0x35: {  	s10 =	sld [smem:$0x3FB7];
	_ =	sdelay $0x3  }
0x36: {  	p1 =	seq.s32 s10, $0x1;
	s10 =	sld [smem:$0x3FB8];
	_ =	sdelay $0x3  }
0x37: {  	[smem:$0x3FB8] =	sst s10  }
0x38: {  	s10 =	sld [smem:$0x3FB9]  }
0x39: {  	_ = 	snop;
	(pc) =	sbr.ind lr, $3  }
0x3a: {  	_ = 	snop  }
0x3b: {  	_ = 	snop  }
0x3c: {  	p2 =	seq.s32 s10, $0x1;
	s10 =	sld [smem:$0x3FB8]  }
0x3d: {  	_ =	shalt  }
0x3e: {  	_ =	shalt  }
0x3f: {  	_ =	shalt  }
0x40: {  	_ =	shalt  }
0x41: {  	_ =	shalt  }
0x42: {  	_ =	shalt  }
0x43: {  	_ =	shalt  }
0x44: {  	_ =	shalt  }
0x45: {  	_ =	shalt  }
0x46: {  	_ =	shalt  }
0x47: {  	_ =	shalt  }
0x48: {  	_ =	shalt  }
0x49: {  	_ =	shalt  }
0x4a: {  	_ =	shalt  }
0x4b: {  	_ =	shalt  }
0x4c: {  	_ =	shalt  }
0x4d: {  	_ =	shalt  }
0x4e: {  	_ =	shalt  }
0x4f: {  	_ =	shalt  }
0x50: {  	_ =	shalt  }
0x51: {  	_ =	shalt  }
0x52: {  	_ =	shalt  }
0x53: {  	_ =	shalt  }
0x54: {  	_ =	shalt  }
0x55: {  	_ =	shalt  }
0x56: {  	_ =	shalt  }
0x57: {  	_ =	shalt  }
0x58: {  	_ =	shalt  }
0x59: {  	_ =	shalt  }
0x5a: {  	_ =	shalt  }
0x5b: {  	_ =	shalt  }
0x5c: {  	_ =	shalt  }
0x5d: {  	_ =	shalt  }
0x5e: {  	_ =	shalt  }
0x5f: {  	_ =	shalt  }
0x60: {  	_ =	shalt  }
0x61: {  	_ =	shalt  }
0x62: {  	_ =	shalt  }
0x63: {  	_ =	shalt  }
0x64: {  	_ =	shalt  }
0x65: {  	_ =	shalt  }
0x66: {  	_ =	shalt  }
0x67: {  	_ =	shalt  }
0x68: {  	_ =	shalt  }
0x69: {  	_ =	shalt  }
0x6a: {  	_ =	shalt  }
0x6b: {  	_ =	shalt  }
0x6c: {  	_ =	shalt  }
0x6d: {  	_ =	shalt  }
0x6e: {  	_ =	shalt  }
0x6f: {  	_ =	shalt  }
0x70: {  	_ =	shalt  }
0x71: {  	_ =	shalt  }
0x72: {  	_ =	shalt  }
0x73: {  	_ =	shalt  }
0x74: {  	_ =	shalt  }
0x75: {  	_ =	shalt  }
0x76: {  	_ =	shalt  }
0x77: {  	_ =	shalt  }
0x78: {  	_ =	shalt  }
0x79: {  	_ =	shalt  }
0x7a: {  	_ =	shalt  }
0x7b: {  	_ =	shalt  }
0x7c: {  	_ =	shalt  }
0x7d: {  	_ =	shalt  }
0x7e: {  	_ =	shalt  }
0x7f: {  	_ =	shalt  }
0x80: {  	_ =	shalt  }
0x81: {  	_ =	shalt  }
0x82: {  	_ =	shalt  }
0x83: {  	_ =	shalt  }
0x84: {  	_ =	shalt  }
0x85: {  	_ =	shalt  }
0x86: {  	_ =	shalt  }
0x87: {  	_ =	shalt  }
.Lfunc_end0:
.L_simem_size_0:
called_computation_lowered:
.L_overlay_start_0:
0x88: {  	s2 =	sld [smem:$0x3FD9]  }
0x89: {  	s3 =	sld [smem:$0x3FFE];
	_ =	sdelay $0x1  }
0x8a: {  	s1 =	srdreg.scid  }
0x8b: {  	s0 =	sand.u32 $0x1, s1  }
0x8c: {  	s16 =	sshll.u32 s0, $0xA;
	s2 =	sadd.s32 s3, s2  }
0x8d: {  	s2 =	sadd.s32 s2, s16  }
0x8e: {  	[smem:$0x3FC4] =	sst s2  }
0x8f: {  	_ = 	snop  }
0x90: {  	(tm) =	ssettm $0x1  }
0x91: {  	s17 =	sld [smem:$0x3FFB];
	_ =	sdelay $0x3  }
0x92: {  	_ =	strace s17  }
0x93: {  	s2 =	sld [smem:$0x3FFC];
	_ =	sdelay $0x3  }
0x94: {  	_ =	strace s2  }
0x95: {  	s2 =	sld [smem:$0x3FFD];
	_ =	sdelay $0x3  }
0x96: {  	_ =	strace s2  }
0x97: {  	_ =	strace $0x8FFFFFFF  }
0x98: {  	s18 =	sld [smem:$0x3FDB];
	_ =	sdelay $0x1  }
0x99: {  	s19 =	simm.s32 $_scs_section_size  }
0x9a: {  	s4 =	simm.s32 $_size__tile_overlayer_lowered;
	s5 =	simm.s32 $_tile_overlayer_lowered  }
0x9b: {  	s22 =	simm.s32 $0x1BFF;
	s21 =	sshll.u32 s5, $0x1;
	s2 =	sadd.s32 s19, s18  }
0x9c: {  	s6 =	simm.s32 $0x0;
	s20 =	sshll.u32 s4, $0x1;
	s4 =	sadd.s32 s21, s2  }
0x9d: {  	[timem:s6], [sflag:s22] =	dma.local [hbm:s4], s20  }
0x9e: {  	_ =	swait.ge [sflag:s22], s20  }
0x9f: {  	s3 =	ssub.s32 $0x0, s20;
	[sflag:s22] =	ssyncset.done $0x0  }
0xa0: {  	[sflag:s22] =	ssyncadd.s32 s3;
	_ =	sdelay $0x1  }
0xa1: {  	s23 =	simm.s32 $0x1B8B  }
0xa2: {  	_ =	swait.ge [sflag:s23], $0x1  }
0xa3: {  	[sflag:s23] =	ssyncset.done $0x0  }
0xa4: {  	s25 =	simm.s32 $0x1B8E;
	s24 =	sld [smem:$0x3FFE];
	[sflag:s23] =	ssyncadd.s32 $0xFFFFFFFF  }
0xa5: {  	s26 =	simm.s32 $execute0_lowered;
	[smem:$0x3FD2] =	sst s25  }
0xa6: {  	s4 =	sshll.u32 s26, $0x1;
	_ =	strace $0x80000049;
	[dreg:$0x1] =	wrdreg $0xFFFFFFFF  }
0xa7: {  	s28 =	simm.s32 $_size_execute0_lowered;
	s2 =	sadd.s32 s2, s4;
	[dreg:$0x0] =	wrdreg $0x0  }
0xa8: {  	s4 =	sshll.u32 s28, $0x1;
	[dreg:$0x2] =	wrdreg s2  }
0xa9: {  	[dreg:$0x3] =	wrdreg s4  }
0xaa: {  	[dreg:$0x4] =	wrdreg $0xC0  }
0xab: {  	_ =	task [dreg:s6], $0x5FFFF  }
0xac: {  	[dreg:$0x1] =	wrdreg $0xFFFFFFFF  }
0xad: {  	[dreg:$0x0] =	wrdreg $0x60  }
0xae: {  	[dreg:$0x2] =	wrdreg s24  }
0xaf: {  	[dreg:$0x3] =	wrdreg $0x9  }
0xb0: {  	_ =	task.clear_ibuf [dreg:s6], $0x4FFFF;
	_ =	strace $0x90000049  }
0xb1: {  	s29 =	simm.s32 $0x9;
	_ =	strace $0x8000004B  }
0xb2: {  	_ =	swait.ge [sflag:s29], $0x1  }
0xb3: {  	[sflag:s29] =	ssyncadd.s32 $0xFFFFFFFF  }
0xb4: {  	_ =	strace $0x9000004B  }
0xb5: {  	_ =	sfence  }
0xb6: {  	s30 =	sld [smem:$0x0];
	_ =	sdelay $0x2  }
0xb7: {  	s31 =	sshll.u32 s1, $0xD;
	s1 =	sshrl.u32 s1, $0x2  }
0xb8: {  	s3 =	sand.u32 $0x4000, s31;
	s1 =	sadd.s32 s1, s30  }
0xb9: {  	s0 =	sor.u32 s3, s0;
	s1 =	sshll.u32 s1, $0x11  }
0xba: {  	s0 =	sor.u32 s1, s0  }
0xbb: {  	s0 =	sadd.s32 $0x8F2B, s0  }
0xbc: {  	[sflag:s0] =	ssyncadd.remote.s32 $0x1  }
0xbd: {  	_ =	sfence.sel $0xFFFF  }
0xbe: {  	[dreg:$0x0] =	wrdreg $0xFFFFFFFF;
	(pc) =	sbr.abs _section_cstart, $3  }
0xbf: {  	[dreg:$0x1] =	wrdreg $0xFFFFFFFF  }
0xc0: {  	_ =	task.clear_ibuf [dreg:s6], $0x2FFFF;
	_ =	strace $0x9FFFFFFF  }
0xc1: {  	(tm) =	ssettm $0x7FFFFFFF  }
tec
execute0_lowered:
.L_overlay_start_1:
0x0: {  	(tag) =	ssettag $0x1  }
0x1: {  	s8 =	rddreg [dreg:$0x0]  }
0x2: {  	s0 =	rddreg [dreg:$0x1];
	_ =	strace $0x8000004A;
	s1 =	stileid.u32  }
0x3: {  	s3 =	srdreg.scid;
	s4 =	simm.s32 $0x1;
	s7 =	simm.s32 $0x1  }
0x4: {  	s9 =	simm.s32 $0x1;
	s10 =	simm.s32 $0x3;
	s13 =	simm.s32 $0x0  }
0x5: {  	s12 =	simm.s32 $0x0;
	s5 =	sand.u32 $0x1, s3;
	s6 =	sshll.u32 s1, $0x1  }
0x6: {  	s2 =	sadd.s32 $0x1E8E00, s8;
	s3 =	sadd.s32 $0x196200, s8;
	s5 =	sor.u32 s6, s5  }
.Ltmp0:
0x7: {  	[sflag:s4] =	ssyncpa.u1 $0x0;
	p0 =	slt.u32 s5, $0x13;
	(pc) =	sbr.rel .LBB2_1-.Ltmp0, $4  }
0x8: {  	s6 =	simm.s32 $0x2;
	s7 =	simm.s32 @!p0 $0x0;
	p0 =	sne.s32 s5, $0x12  }
0x9: {  	[sflag:s6] =	ssyncpa.u1 $0x0;
	s5 =	smul.u32 $0x1770, s5;
	s9 =	simm.s32 @!p0 $0x0  }
0xa: {  	s8 =	sadd.s32 $0x189E00, s8;
	[sflag:s10] =	ssyncpa.u1 $0x0;
	s7 =	sadd.s32 s9, s7  }
0xb: {  	vm0 =	vmmov $0xffff;
	s10 =	simm.s32 $0x0;
	s11 =	smov.u32 s5;
	s9 =	sadd.s32 $0x1, s7  }
.LBB2_4:
0xc: {  	v5 =	vshrl.u32 v1, $0x11;
	v6 =	vshll.u32 v1, $0x7  }
0xd: {  	vm1 =	veq.s32 v1, $0x80000000;
	v58 =	vand.u32 $0x3, v5;
	v59 =	vand.u32 $0xFFFF80, v6  }
0xe: {  	v1 =	vsel vm1, $0xFFFFFFFF, v58;
	v5 =	vsel vm1, $0xFFFFFF80, v59  }
0xf: {  	v3 =	vor.u32 v4, v3;
	v60 =	vand.u32 $0xFFFFFC00, v5;
	v61 =	vand.u32 $0xFFFFFC00, v1  }
0x10: {  	v2 =	vor.u32 v2, v3;
	v63 =	vand.u32 $0x380, v5;
	v62 =	vadd.s32 v61, v60  }
0x11: {  	v1 =	vand.u32 $0x7F, v1;
	v3 =	vor.u32 v63, v62  }
0x12: {  	v1 =	vor.u32 v1, v3  }
0x13: {  	[tilespmem:s17], [sflag:$0x1] =	stream.indirect_vreg.gather [hbm4b:s2+s10], $0x1, v0, vm0, $0x4038;
	[tilespmem:$0x5DC0] =	vst v63  }
0x14: {  	(ifvalue) =	ssetifvalue $0x7FFFFFFF  }
0x15: {  	[tilespmem:s15], [sflag:$0x1] =	stream.indirect_vreg.gather [hbm4b:s2+s10], $0x1, v2, vm0, $0x4038;
	[tilespmem:$0x5DC0] =	vst v63  }
0x16: {  	s29 =	sadd.s32 $0x10, s15;
	(ifvalue) =	ssetifvalue $0x7FFFFFFF  }
0x17: {  	[tilespmem:s29], [sflag:$0x1] =	stream.indirect_vreg.gather [hbm4b:s2+s10], $0x1, v1, vm0, $0x4038;
	[tilespmem:$0x5DC0] =	vst v63  }
0x18: {  	_ =	swait.ge [sflag:s4], $0x1770  }
0x19: {  	s30 =	sshrl.u32 s13, $0x3;
	[sflag:s4] =	ssyncset.done $0x0  }
0x1a: {  	s31 =	sand.u32 $0x7, s13;
	s15 =	sadd.s32 s8, s30;
	[sflag:s4] =	ssyncadd.s32 $0xFFFFE890  }
0x1b: {  	[hbm4b:s15+s31] =	stream.linear.scatter [tilespmem:s14], [sflag:$0x3], $0x1770, $0x38;
	[tilespmem:$0x5DC0] =	vst v63  }
.LBB2_5:
0x1c: {  	s15 =	sadd.s32 $0x2EE00, s11  }
0x1d: {  	p1 =	sgt.s32 s15, $0x493DF  }
0x1e: {  	s15 =	smov.u32 @p1 s5;
	p1 =	sne.s32 s12, s9  }
.Ltmp1:
0x1f: {  	p0 =	slt.u32 s12, $0x2;
	(pc) =	sbr.rel @!p1 .LBB2_6-.Ltmp1, $4  }
0x20: {  	s14 =	simm.s32 @!p0 $0x3  }
0x21: {  	_ =	swait.ge @!p0 [sflag:s14], $0x1770  }
0x22: {  	s16 =	sadd.s32 $0x1, s12;
	s13 =	smov.u32 s11;
	[sflag:s14] =	ssyncset.done @!p0 $0x0  }
0x23: {  	s12 =	smov.u32 s16;
	s11 =	smov.u32 s15;
	[sflag:s14] =	ssyncadd.s32 @!p0 $0xFFFFE890  }
.LBB2_1:
0x24: {  	p0 =	sge.u32 s12, s7  }
0x25: {  	s14 =	sxor.u32 @!p0 $0x1, s12  }
0x26: {  	s14 =	smul.u32 @!p0 $0x5DC0, s14  }
0x27: {  	s31 =	sadd.s32 $0xFFFFFFFF, s12;
	s15 =	sshrl.u32 @!p0 s11, $0x3  }
0x28: {  	s16 =	sand.u32 @!p0 $0x7, s11;
	s15 =	sadd.s32 @!p0 s3, s15;
	s14 =	sshra.s32 @!p0 s14, $0x2  }
0x29: {  	[tilespmem:s14], [sflag:$0x2] =	stream.linear.gather @!p0 [hbm4b:s15+s16], $0x1770, $0x38;
	[tilespmem:$0x5DC0] =	vst v63  }
0x2a: {  	p0 =	sge.u32 s31, s7  }
.Ltmp2:
0x2b: {  	_ = 	snop;
	(pc) =	sbr.rel @p0 .LBB2_5-.Ltmp2, $1  }
0x2c: {  	_ =	sdelay $0x3  }
0x2d: {  	s14 =	sand.u32 $0x1, s12  }
0x2e: {  	_ =	swait.ge [sflag:s6], $0x1770;
	p0 =	seq.s32 s14, $0x1;
	s14 =	simm.s32 $0x1770  }
0x2f: {  	[sflag:s6] =	ssyncset.done $0x0;
	s14 =	simm.s32 @!p0 $0x0  }
0x30: {  	[sflag:s6] =	ssyncadd.s32 $0xFFFFE890;
	(ifvalue) =	ssetifvalue $0x7FFFFFFF;
	v0 =	vld.msk [tilespmem:s14+$0x0 ss:$0x1], $0xffff;
	_ =	sdelay $0x4  }
0x31: {  	s15 =	sadd.s32 $0x10, s14;
	v2 =	vshrl.u32 v0, $0x11;
	v3 =	vshll.u32 v0, $0x7  }
0x32: {  	v1 =	vld.msk [tilespmem:s15+$0x0 ss:$0x1], $0xffff;
	vm1 =	veq.s32 v0, $0x80000000;
	v0 =	vand.u32 $0x3, v2;
	v2 =	vand.u32 $0xFFFF80, v3  }
0x33: {  	v0 =	vsel vm1, $0xFFFFFFFF, v0;
	v2 =	vsel vm1, $0xFFFFFF80, v2  }
0x34: {  	v3 =	vand.u32 $0xFFFFFC00, v2;
	v4 =	vand.u32 $0xFFFFFC00, v0  }
0x35: {  	v2 =	vand.u32 $0x380, v2;
	v3 =	vadd.s32 v4, v3  }
0x36: {  	v0 =	vand.u32 $0x7F, v0;
	v2 =	vor.u32 v2, v3  }
0x37: {  	v5 =	vshll.u32 v1, $0x7;
	v4 =	vshrl.u32 v1, $0x11;
	v0 =	vor.u32 v0, v2  }
0x38: {  	vm1 =	veq.s32 v1, $0x80000000;
	v1 =	vand.u32 $0x3, v4;
	v4 =	vand.u32 $0xFFFF80, v5  }
0x39: {  	s14 =	sadd.s32 $0x2EE0, s14;
	s15 =	sadd.s32 $0x10, s15;
	v3 =	vsel vm1, $0xFFFFFFFF, v1;
	v4 =	vsel vm1, $0xFFFFFF80, v4  }
0x3a: {  	s16 =	simm.s32 $0x20;
	s17 =	smov.u32 s14;
	v1 =	vld.msk [tilespmem:s15+$0x0 ss:$0x1], $0xffff;
	v5 =	vand.u32 $0xFFFFFC00, v4;
	v6 =	vand.u32 $0xFFFFFC00, v3  }
0x3b: {  	s18 =	sadd.s32 $0x10, s15;
	(ifvalue) =	ssetifvalue $0x7FFFFFFF;
	s15 =	sadd.s32 $0x10, s14;
	v2 =	vand.u32 $0x7F, v3;
	v4 =	vand.u32 $0x380, v4;
	v3 =	vadd.s32 v6, v5  }
.LBB2_3:
0x3c: {  	[tilespmem:s17], [sflag:$0x1] =	stream.indirect_vreg.gather [hbm4b:s2+s10], $0x1, v0, vm0, $0x4038;
	[tilespmem:$0x5DC0] =	vst v63  }
0x3d: {  	s16 =	sadd.s32 $0x10, s16  }
0x3e: {  	v3 =	vor.u32 v4, v3;
	p0 =	slt.u32 s16, $0x1760  }
.Ltmp3:
0x3f: {  	v4 =	vshrl.u32 v1, $0x11;
	v5 =	vshll.u32 v1, $0x7;
	s17 =	smov.u32 s15;
	v0 =	vor.u32 v2, v3;
	v2 =	vmovc v1;
	v1 =	vld.msk [tilespmem:s18+$0x0 ss:$0x1], $0xffff;
	(pc) =	sbr.rel @p0 .LBB2_3-.Ltmp3, $4  }
0x40: {  	v3 =	vand.u32 $0xFFFF80, v5;
	vm1 =	veq.s32 v2, $0x80000000;
	v2 =	vand.u32 $0x3, v4  }
0x41: {  	v4 =	vsel vm1, $0xFFFFFFFF, v2;
	v5 =	vsel vm1, $0xFFFFFF80, v3  }
0x42: {  	v2 =	vand.u32 $0x7F, v4;
	v3 =	vand.u32 $0xFFFFFC00, v5;
	v4 =	vand.u32 $0xFFFFFC00, v4  }
0x43: {  	s15 =	sadd.s32 $0x10, s15;
	s18 =	sadd.s32 $0x10, s18;
	v3 =	vadd.s32 v4, v3;
	v4 =	vand.u32 $0x380, v5;
	(ifvalue) =	ssetifvalue $0x7FFFFFFF  }
.Ltmp4:
0x44: {  	_ = 	snop;
	(pc) =	sbr.rel .LBB2_4-.Ltmp4, $1  }
0x45: {  	_ =	sdelay $0x3  }
.LBB2_6:
0x46: {  	_ =	sfence.sel $0x180000  }
0x47: {  	s2 =	simm.s32 $0x2;
	[bflag:$0x0] =	sbarrier.arrive $0xFFFF  }
0x48: {  	s30 =	simm.s32 $0x3;
	[sflag:s2] =	ssyncpa.u1 $0x1  }
0x49: {  	s31 =	simm.s32 $0x1;
	[sflag:s30] =	ssyncpa.u1 $0x1  }
0x4a: {  	[sflag:s31] =	ssyncpa.u1 $0x1  }
0x4b: {  	p0 =	sne.s32 s1, $0x0;
	_ =	strace $0x9000004A  }
0x4c: {  	s0 =	sadd.s32 @!p0 $0x100000, s0;
	[bflag:$0x2] =	sbarrier.arrive $0xFFFF  }
0x4d: {  	[sflag:s0] =	ssyncadd.tile.s32 @!p0 $0x1;
	_ =	shalt  }
.Lfunc_end2:
_tile_overlayer_lowered:
.L_overlay_start_2:
0x4e: {  	(tag) =	ssettag $0x2  }
0x4f: {  	s0 =	rddreg [dreg:$0x0];
	s2 =	stileid.u32  }
0x50: {  	s1 =	rddreg [dreg:$0x1];
	p0 =	sne.s32 s2, $0x0  }
0x51: {  	s3 =	rddreg [dreg:$0x2];
	[bflag:$0x3] =	sbarrier.arrive $0xFFFF;
	s2 =	simm.s32 @!p0 $0x1C01  }
0x52: {  	[timem:s3], [sflag:s2] =	dma.local @!p0 [hbm:s0], s1  }
0x53: {  	s0 =	simm.s32 @!p0 $0x1  }
0x54: {  	_ =	swait.ge @!p0 [sflag:s0], s1  }
0x55: {  	s1 =	ssub.s32 @!p0 $0x0, s1;
	[sflag:s0] =	ssyncset.done @!p0 $0x0  }
0x56: {  	[sflag:s0] =	ssyncadd.s32 @!p0 s1  }
0x57: {  	[bflag:$0x3] =	sbarrier.arrive $0xFFFF  }
0x58: {  	_ =	shalt  }

// kernel: kernel.3.cloned.1.call-start
scs
__scs_entry_jumppad:
0x0: {  	(pc) =	sbr.rel $0x88, $3  }
0x1: {  	(tag) =	ssettag $0x0;
	lr =	simm.s32 $0x1  }
0x2: {  	[smem:$0x3F9D] =	sst lr;
	_ =	strace $0xD0000000  }
0x3: {  	_ = 	snop  }
0x4: {  	_ = 	snop  }
0x5: {  	_ = 	snop  }
0x6: {  	_ = 	snop  }
0x7: {  	_ = 	snop  }
__scs_overlays_trampoline_lowered:
0x8: {  	[smem:$0x3FAC] =	sst s0  }
0x9: {  	[smem:$0x3FAD] =	sst s1  }
0xa: {  	[smem:$0x3FAE] =	sst s2  }
0xb: {  	[smem:$0x3FAF] =	sst s3  }
0xc: {  	[smem:$0x3FB0] =	sst s4  }
0xd: {  	[smem:$0x3FB1] =	sst s5  }
0xe: {  	[smem:$0x3FB2] =	sst s6  }
0xf: {  	[smem:$0x3FB3] =	sst s7  }
0x10: {  	[smem:$0x3FB4] =	sst s8  }
0x11: {  	[smem:$0x3FB5] =	sst s9;
	s0 =	simm.s32 @!p0 $0x0  }
0x12: {  	s1 =	sld [smem:$0x3F9B];
	s0 =	simm.s32 @p0 $0x1  }
0x13: {  	[smem:$0x3FB6] =	sst s0;
	s0 =	simm.s32 @!p1 $0x0  }
0x14: {  	s2 =	sld [smem:$0x3F9A];
	s0 =	simm.s32 @p1 $0x1  }
0x15: {  	[smem:$0x3FB7] =	sst s0;
	s0 =	simm.s32 @!p2 $0x0  }
0x16: {  	s3 =	sld [smem:$0x3FDB];
	s0 =	simm.s32 @p2 $0x1  }
0x17: {  	s4 =	simm.s32 $0x1BF5;
	[smem:$0x3FB9] =	sst s0  }
0x18: {  	s0 =	sld [smem:$0x3F9C];
	_ =	swait.ge [sflag:s4], $0x0  }
0x19: {  	s7 =	sld [smem:$0x3F9D]  }
0x1a: {  	s8 =	sadd.s32 $0xFFFFE003, lr  }
0x1b: {  	s9 =	sadd.s32 $0xFFFFFEF7, lr;
	s5 =	simm.s32 $0xFFFFFFFF;
	p2 =	slt.u32 s8, $0xFFFFF086  }
0x1c: {  	p1 =	slt.u32 s9, $0xF7A;
	s5 =	simm.s32 @!p2 $0x0  }
0x1d: {  	s5 =	simm.s32 @p1 $0x1;
	p0 =	seq.s32 s7, s2  }
0x1e: {  	s7 =	smul.u32 @!p0 $0xF7A, s2;
	p2 =	seq.s32 @!p0 s5, $0x0  }
0x1f: {  	s9 =	smul.u32 $0xF7A, s1;
	s8 =	simm.s32 @!p0 $0x1BF5;
	p2 =	por !p2, p0  }
0x20: {  	[sflag:s8] =	ssyncset.s32 @!p0 $0xFFFFF086;
	s6 =	sadd.s32 @!p0 s3, s7;
	s7 =	simm.s32 @!p0 $0x108  }
0x21: {  	s3 =	sadd.s32 s3, s9;
	s6 =	sadd.s32 @!p0 $0x88, s6;
	s7 =	simm.s32 @p2 $0x1082  }
0x22: {  	[simem:s7], [sflag:s8] =	dma.local @!p0 [hbm:s6], $0xF7A  }
0x23: {  	s9 =	sor.u32 $0xD0000000, s2;
	s6 =	simm.s32 $0x108;
	_ =	swait.ge @!p0 [sflag:s8], $0x0  }
0x24: {  	s3 =	sadd.s32 $0x88, s3;
	s6 =	simm.s32 @!p1 $0x1082;
	[sflag:s4] =	ssyncset.s32 $0xFFFFF086  }
0x25: {  	[simem:s6], [sflag:s4] =	dma.local [hbm:s3], $0xF7A  }
0x26: {  	[smem:$0x3F9D] =	sst s1;
	(tag) =	ssettag s2;
	_ =	strace s9  }
0x27: {  	s1 =	sld [smem:$0x3FAD]  }
0x28: {  	s2 =	sld [smem:$0x3FAE]  }
0x29: {  	s4 =	sld [smem:$0x3FB0]  }
0x2a: {  	p0 =	seq.s32 s5, $0x0;
	s5 =	sld [smem:$0x3FB1]  }
0x2b: {  	s6 =	sld [smem:$0x3FB2]  }
0x2c: {  	s7 =	sld [smem:$0x3FB3]  }
0x2d: {  	s3 =	simm.s32 $0x108;
	s8 =	sld [smem:$0x3FB4]  }
0x2e: {  	s3 =	simm.s32 @!p0 $0x1082;
	s9 =	sld [smem:$0x3FB5]  }
0x2f: {  	lr =	sadd.s32 s0, s3;
	s0 =	sld [smem:$0x3FAC]  }
0x30: {  	s3 =	sld [smem:$0x3FAF]  }
0x31: {  	[smem:$0x3FB8] =	sst s10  }
0x32: {  	s10 =	sld [smem:$0x3FB6];
	_ =	sdelay $0x3  }
0x33: {  	p0 =	seq.s32 s10, $0x1;
	s10 =	sld [smem:$0x3FB8];
	_ =	sdelay $0x3  }
0x34: {  	[smem:$0x3FB8] =	sst s10  }
0x35: {  	s10 =	sld [smem:$0x3FB7];
	_ =	sdelay $0x3  }
0x36: {  	p1 =	seq.s32 s10, $0x1;
	s10 =	sld [smem:$0x3FB8];
	_ =	sdelay $0x3  }
0x37: {  	[smem:$0x3FB8] =	sst s10  }
0x38: {  	s10 =	sld [smem:$0x3FB9]  }
0x39: {  	_ = 	snop;
	(pc) =	sbr.ind lr, $3  }
0x3a: {  	_ = 	snop  }
0x3b: {  	_ = 	snop  }
0x3c: {  	p2 =	seq.s32 s10, $0x1;
	s10 =	sld [smem:$0x3FB8]  }
0x3d: {  	_ =	shalt  }
0x3e: {  	_ =	shalt  }
0x3f: {  	_ =	shalt  }
0x40: {  	_ =	shalt  }
0x41: {  	_ =	shalt  }
0x42: {  	_ =	shalt  }
0x43: {  	_ =	shalt  }
0x44: {  	_ =	shalt  }
0x45: {  	_ =	shalt  }
0x46: {  	_ =	shalt  }
0x47: {  	_ =	shalt  }
0x48: {  	_ =	shalt  }
0x49: {  	_ =	shalt  }
0x4a: {  	_ =	shalt  }
0x4b: {  	_ =	shalt  }
0x4c: {  	_ =	shalt  }
0x4d: {  	_ =	shalt  }
0x4e: {  	_ =	shalt  }
0x4f: {  	_ =	shalt  }
0x50: {  	_ =	shalt  }
0x51: {  	_ =	shalt  }
0x52: {  	_ =	shalt  }
0x53: {  	_ =	shalt  }
0x54: {  	_ =	shalt  }
0x55: {  	_ =	shalt  }
0x56: {  	_ =	shalt  }
0x57: {  	_ =	shalt  }
0x58: {  	_ =	shalt  }
0x59: {  	_ =	shalt  }
0x5a: {  	_ =	shalt  }
0x5b: {  	_ =	shalt  }
0x5c: {  	_ =	shalt  }
0x5d: {  	_ =	shalt  }
0x5e: {  	_ =	shalt  }
0x5f: {  	_ =	shalt  }
0x60: {  	_ =	shalt  }
0x61: {  	_ =	shalt  }
0x62: {  	_ =	shalt  }
0x63: {  	_ =	shalt  }
0x64: {  	_ =	shalt  }
0x65: {  	_ =	shalt  }
0x66: {  	_ =	shalt  }
0x67: {  	_ =	shalt  }
0x68: {  	_ =	shalt  }
0x69: {  	_ =	shalt  }
0x6a: {  	_ =	shalt  }
0x6b: {  	_ =	shalt  }
0x6c: {  	_ =	shalt  }
0x6d: {  	_ =	shalt  }
0x6e: {  	_ =	shalt  }
0x6f: {  	_ =	shalt  }
0x70: {  	_ =	shalt  }
0x71: {  	_ =	shalt  }
0x72: {  	_ =	shalt  }
0x73: {  	_ =	shalt  }
0x74: {  	_ =	shalt  }
0x75: {  	_ =	shalt  }
0x76: {  	_ =	shalt  }
0x77: {  	_ =	shalt  }
0x78: {  	_ =	shalt  }
0x79: {  	_ =	shalt  }
0x7a: {  	_ =	shalt  }
0x7b: {  	_ =	shalt  }
0x7c: {  	_ =	shalt  }
0x7d: {  	_ =	shalt  }
0x7e: {  	_ =	shalt  }
0x7f: {  	_ =	shalt  }
0x80: {  	_ =	shalt  }
0x81: {  	_ =	shalt  }
0x82: {  	_ =	shalt  }
0x83: {  	_ =	shalt  }
0x84: {  	_ =	shalt  }
0x85: {  	_ =	shalt  }
0x86: {  	_ =	shalt  }
0x87: {  	_ =	shalt  }
.Lfunc_end0:
.L_simem_size_0:
called_computation.2_lowered:
.L_overlay_start_0:
0x88: {  	s2 =	sld [smem:$0x3FD9]  }
0x89: {  	s3 =	sld [smem:$0x3FFE];
	_ =	sdelay $0x1  }
0x8a: {  	s1 =	srdreg.scid  }
0x8b: {  	s0 =	sand.u32 $0x1, s1  }
0x8c: {  	s16 =	sshll.u32 s0, $0xA;
	s2 =	sadd.s32 s3, s2  }
0x8d: {  	s2 =	sadd.s32 s2, s16  }
0x8e: {  	[smem:$0x3FC4] =	sst s2  }
0x8f: {  	_ = 	snop  }
0x90: {  	(tm) =	ssettm $0x1  }
0x91: {  	s17 =	sld [smem:$0x3FFB];
	_ =	sdelay $0x3  }
0x92: {  	_ =	strace s17  }
0x93: {  	s2 =	sld [smem:$0x3FFC];
	_ =	sdelay $0x3  }
0x94: {  	_ =	strace s2  }
0x95: {  	s2 =	sld [smem:$0x3FFD];
	_ =	sdelay $0x3  }
0x96: {  	_ =	strace s2  }
0x97: {  	_ =	strace $0x8FFFFFFF  }
0x98: {  	s18 =	sld [smem:$0x3FDB];
	_ =	sdelay $0x1  }
0x99: {  	s19 =	simm.s32 $_scs_section_size  }
0x9a: {  	s4 =	simm.s32 $_size__tile_overlayer_lowered;
	s5 =	simm.s32 $_tile_overlayer_lowered  }
0x9b: {  	s22 =	simm.s32 $0x1BFF;
	s21 =	sshll.u32 s5, $0x1;
	s2 =	sadd.s32 s19, s18  }
0x9c: {  	s6 =	simm.s32 $0x0;
	s20 =	sshll.u32 s4, $0x1;
	s4 =	sadd.s32 s21, s2  }
0x9d: {  	[timem:s6], [sflag:s22] =	dma.local [hbm:s4], s20  }
0x9e: {  	_ =	swait.ge [sflag:s22], s20  }
0x9f: {  	s3 =	ssub.s32 $0x0, s20;
	[sflag:s22] =	ssyncset.done $0x0  }
0xa0: {  	[sflag:s22] =	ssyncadd.s32 s3;
	_ =	sdelay $0x1  }
0xa1: {  	s23 =	simm.s32 $0x1B8B  }
0xa2: {  	_ =	swait.ge [sflag:s23], $0x1  }
0xa3: {  	[sflag:s23] =	ssyncset.done $0x0  }
0xa4: {  	s25 =	simm.s32 $0x1B8E;
	s24 =	sld [smem:$0x3FFE];
	[sflag:s23] =	ssyncadd.s32 $0xFFFFFFFF  }
0xa5: {  	s26 =	simm.s32 $execute0_lowered;
	[smem:$0x3FD2] =	sst s25  }
0xa6: {  	s4 =	sshll.u32 s26, $0x1;
	_ =	strace $0x80000046;
	[dreg:$0x1] =	wrdreg $0xFFFFFFFF  }
0xa7: {  	s28 =	simm.s32 $_size_execute0_lowered;
	s2 =	sadd.s32 s2, s4;
	[dreg:$0x0] =	wrdreg $0x0  }
0xa8: {  	s4 =	sshll.u32 s28, $0x1;
	[dreg:$0x2] =	wrdreg s2  }
0xa9: {  	[dreg:$0x3] =	wrdreg s4  }
0xaa: {  	[dreg:$0x4] =	wrdreg $0xC0  }
0xab: {  	_ =	task [dreg:s6], $0x5FFFF  }
0xac: {  	[dreg:$0x1] =	wrdreg $0xFFFFFFFF  }
0xad: {  	[dreg:$0x0] =	wrdreg $0x60  }
0xae: {  	[dreg:$0x2] =	wrdreg s24  }
0xaf: {  	[dreg:$0x3] =	wrdreg $0x9  }
0xb0: {  	_ =	task.clear_ibuf [dreg:s6], $0x4FFFF;
	_ =	strace $0x90000046  }
0xb1: {  	s29 =	simm.s32 $0x9;
	_ =	strace $0x80000048  }
0xb2: {  	_ =	swait.ge [sflag:s29], $0x1  }
0xb3: {  	[sflag:s29] =	ssyncadd.s32 $0xFFFFFFFF  }
0xb4: {  	_ =	strace $0x90000048  }
0xb5: {  	_ =	sfence  }
0xb6: {  	s30 =	sld [smem:$0x0];
	_ =	sdelay $0x2  }
0xb7: {  	s31 =	sshll.u32 s1, $0xD;
	s1 =	sshrl.u32 s1, $0x2  }
0xb8: {  	s3 =	sand.u32 $0x4000, s31;
	s1 =	sadd.s32 s1, s30  }
0xb9: {  	s0 =	sor.u32 s3, s0;
	s1 =	sshll.u32 s1, $0x11  }
0xba: {  	s0 =	sor.u32 s1, s0  }
0xbb: {  	s0 =	sadd.s32 $0x8F2B, s0  }
0xbc: {  	[sflag:s0] =	ssyncadd.remote.s32 $0x1  }
0xbd: {  	_ =	sfence.sel $0xFFFF  }
0xbe: {  	[dreg:$0x0] =	wrdreg $0xFFFFFFFF;
	(pc) =	sbr.abs _section_cstart, $3  }
0xbf: {  	[dreg:$0x1] =	wrdreg $0xFFFFFFFF  }
0xc0: {  	_ =	task.clear_ibuf [dreg:s6], $0x2FFFF;
	_ =	strace $0x9FFFFFFF  }
0xc1: {  	(tm) =	ssettm $0x7FFFFFFF  }
tec
execute0_lowered:
.L_overlay_start_1:
0x0: {  	(tag) =	ssettag $0x1  }
0x1: {  	s0 =	srdreg.scid;
	s1 =	stileid.u32  }
0x2: {  	s3 =	rddreg [dreg:$0x0];
	s2 =	simm.s32 $0x0;
	s30 =	simm.s32 $0x3D50  }
0x3: {  	s31 =	simm.s32 $0x3DD0;
	s28 =	simm.s32 $0x4050;
	s29 =	simm.s32 $0x40D0  }
0x4: {  	s12 =	simm.s32 $0x43D0;
	s0 =	sand.u32 $0x1, s0;
	s1 =	sshll.u32 s1, $0x1  }
0x5: {  	[smem:$0x7FF] =	sst s2;
	s4 =	sadd.s32 $0x3400, s3;
	s1 =	sor.u32 s0, s1  }
0x6: {  	s7 =	sadd.s32 $0x34400, s3;
	s0 =	ssub.s32 $0x2, s0;
	s5 =	smul.u32 $0xC40, s1  }
0x7: {  	_ =	strace $0x80000047;
	s9 =	sshrl.u32 s0, $0x1;
	p0 =	seq.s32 s1, $0x0  }
0x8: {  	s1 =	simm.s32 $0x3E50;
	s0 =	ssub.s32 s0, s9;
	[dreg:$0x2] =	wrdreg s5  }
0x9: {  	s6 =	sshrl.u32 s5, $0x3;
	s5 =	sadd.s32 $0x40800, s3;
	s0 =	smax.u32 s0, $0x1  }
0xa: {  	s8 =	sadd.s32 s6, s3;
	s13 =	sadd.s32 s7, s6;
	[dreg:$0x14] =	wrdreg s0  }
0xb: {  	s14 =	sadd.s32 $0x3100, s6;
	s8 =	sadd.s32 $0xA2400, s8;
	[dreg:$0x4] =	wrdreg s13  }
0xc: {  	s15 =	sadd.s32 $0x6200, s6;
	s11 =	sadd.s32 s7, s14;
	[dreg:$0x3] =	wrdreg s8  }
0xd: {  	s10 =	sadd.s32 $0x9300, s6;
	s16 =	sadd.s32 s7, s15;
	[dreg:$0x5] =	wrdreg s11  }
0xe: {  	s3 =	sadd.s32 $0xA5600, s3;
	s7 =	sadd.s32 s7, s10;
	[dreg:$0x6] =	wrdreg s16  }
0xf: {  	s9 =	simm.s32 $0x42D0;
	s17 =	sadd.s32 s3, s14;
	[dreg:$0x7] =	wrdreg s7  }
0x10: {  	s0 =	simm.s32 $0x3ED0;
	s18 =	sadd.s32 s3, s15;
	[dreg:$0x9] =	wrdreg s17  }
0x11: {  	s6 =	sadd.s32 s3, s6;
	s3 =	sadd.s32 s3, s10;
	[dreg:$0xa] =	wrdreg s18  }
0x12: {  	s10 =	simm.s32 $0x4350;
	s13 =	simm.s32 $0x4450;
	[dreg:$0xb] =	wrdreg s3  }
0x13: {  	s14 =	simm.s32 $0x44D0;
	s19 =	sadd.s32 $0xC400, s6;
	[dreg:$0x8] =	wrdreg s6  }
0x14: {  	s15 =	simm.s32 $0x1;
	s20 =	sadd.s32 $0xF500, s6;
	[dreg:$0xc] =	wrdreg s19  }
0x15: {  	s21 =	sadd.s32 $0x12600, s6;
	s22 =	sadd.s32 $0x15700, s6;
	[dreg:$0xd] =	wrdreg s20  }
0x16: {  	s23 =	sadd.s32 $0x18800, s6;
	s24 =	sadd.s32 $0x1B900, s6;
	[dreg:$0xe] =	wrdreg s21  }
0x17: {  	s25 =	sadd.s32 $0x1EA00, s6;
	s26 =	sadd.s32 $0x21B00, s6;
	[dreg:$0xf] =	wrdreg s22  }
0x18: {  	s11 =	simm.s32 $0x2;
	s6 =	simm.s32 $0x4150;
	[dreg:$0x10] =	wrdreg s23  }
.Ltmp0:
0x19: {  	s7 =	simm.s32 $0x41D0;
	[dreg:$0x11] =	wrdreg s24;
	(pc) =	sbr.rel .LBB2_1-.Ltmp0, $4  }
0x1a: {  	s8 =	simm.s32 $0x4250;
	s16 =	simm.s32 $0x80;
	[dreg:$0x12] =	wrdreg s25  }
0x1b: {  	s17 =	simm.s32 $0x4550;
	s18 =	simm.s32 $0x0;
	[dreg:$0x13] =	wrdreg s26  }
0x1c: {  	v0 =	vlaneseq.u32;
	vm0 =	vmxor vm0, vm0;
	s25 =	simm.s32 $0x3F50;
	s26 =	simm.s32 $0x3FD0;
	s20 =	simm.s32 $0xA550  }
0x1d: {  	vm1 =	vmmov $0x1;
	v1 =	vimm.f32 $0.0e+00;
	v2 =	vimm.s32 $0x0;
	s21 =	simm.s32 $0xAD50;
	s22 =	simm.s32 $0xB550;
	s23 =	simm.s32 $0xBD50  }
.LBB2_4:
0x1e: {  	s3 =	rddreg [dreg:$0x8];
	s11 =	simm.s32 $0xC550  }
0x1f: {  	[hbm4b:s3+s2] =	stream.linear.scatter [tilespmem:s11], [sflag:$0x2], $0xC40, $0x38;
	[tilespmem:$0x15850] =	vst v63  }
0x20: {  	s11 =	simm.s32 $0x2  }
0x21: {  	_ =	swait.ge [sflag:s11], $0xC40  }
0x22: {  	[sflag:s11] =	ssyncset.done $0x0  }
0x23: {  	s18 =	simm.s32 $0xD190;
	s24 =	rddreg [dreg:$0x9];
	[sflag:s11] =	ssyncadd.s32 $0xFFFFF3C0  }
0x24: {  	[hbm4b:s24+s2] =	stream.linear.scatter [tilespmem:s18], [sflag:$0x2], $0xC40, $0x38;
	[tilespmem:$0x15850] =	vst v63  }
0x25: {  	_ =	swait.ge [sflag:s11], $0xC40  }
0x26: {  	[sflag:s11] =	ssyncset.done $0x0  }
0x27: {  	s24 =	simm.s32 $0xDDD0;
	s19 =	rddreg [dreg:$0xa];
	[sflag:s11] =	ssyncadd.s32 $0xFFFFF3C0  }
0x28: {  	[hbm4b:s19+s2] =	stream.linear.scatter [tilespmem:s24], [sflag:$0x2], $0xC40, $0x38;
	[tilespmem:$0x15850] =	vst v63  }
0x29: {  	_ =	swait.ge [sflag:s11], $0xC40  }
0x2a: {  	[sflag:s11] =	ssyncset.done $0x0  }
0x2b: {  	s24 =	simm.s32 $0xEA10;
	s19 =	rddreg [dreg:$0xb];
	[sflag:s11] =	ssyncadd.s32 $0xFFFFF3C0  }
0x2c: {  	[hbm4b:s19+s2] =	stream.linear.scatter [tilespmem:s24], [sflag:$0x2], $0xC40, $0x38;
	[tilespmem:$0x15850] =	vst v63  }
0x2d: {  	_ =	swait.ge [sflag:s11], $0xC40  }
0x2e: {  	[sflag:s11] =	ssyncset.done $0x0  }
0x2f: {  	s24 =	simm.s32 $0xF650;
	s19 =	rddreg [dreg:$0xc];
	[sflag:s11] =	ssyncadd.s32 $0xFFFFF3C0  }
0x30: {  	[hbm4b:s19+s2] =	stream.linear.scatter [tilespmem:s24], [sflag:$0x2], $0xC40, $0x38;
	[tilespmem:$0x15850] =	vst v63  }
0x31: {  	_ =	swait.ge [sflag:s11], $0xC40  }
0x32: {  	[sflag:s11] =	ssyncset.done $0x0  }
0x33: {  	s24 =	simm.s32 $0x10290;
	s19 =	rddreg [dreg:$0xd];
	[sflag:s11] =	ssyncadd.s32 $0xFFFFF3C0  }
0x34: {  	[hbm4b:s19+s2] =	stream.linear.scatter [tilespmem:s24], [sflag:$0x2], $0xC40, $0x38;
	[tilespmem:$0x15850] =	vst v63  }
0x35: {  	_ =	swait.ge [sflag:s11], $0xC40  }
0x36: {  	[sflag:s11] =	ssyncset.done $0x0  }
0x37: {  	s24 =	simm.s32 $0x10ED0;
	s19 =	rddreg [dreg:$0xe];
	[sflag:s11] =	ssyncadd.s32 $0xFFFFF3C0  }
0x38: {  	[hbm4b:s19+s2] =	stream.linear.scatter [tilespmem:s24], [sflag:$0x2], $0xC40, $0x38;
	[tilespmem:$0x15850] =	vst v63  }
0x39: {  	_ =	swait.ge [sflag:s11], $0xC40  }
0x3a: {  	[sflag:s11] =	ssyncset.done $0x0  }
0x3b: {  	s24 =	simm.s32 $0x11B10;
	s19 =	rddreg [dreg:$0xf];
	[sflag:s11] =	ssyncadd.s32 $0xFFFFF3C0  }
0x3c: {  	[hbm4b:s19+s2] =	stream.linear.scatter [tilespmem:s24], [sflag:$0x2], $0xC40, $0x38;
	[tilespmem:$0x15850] =	vst v63  }
0x3d: {  	_ =	swait.ge [sflag:s11], $0xC40  }
0x3e: {  	[sflag:s11] =	ssyncset.done $0x0  }
0x3f: {  	s24 =	simm.s32 $0x12750;
	s19 =	rddreg [dreg:$0x10];
	[sflag:s11] =	ssyncadd.s32 $0xFFFFF3C0  }
0x40: {  	[hbm4b:s19+s2] =	stream.linear.scatter [tilespmem:s24], [sflag:$0x2], $0xC40, $0x38;
	[tilespmem:$0x15850] =	vst v63  }
0x41: {  	_ =	swait.ge [sflag:s11], $0xC40  }
0x42: {  	[sflag:s11] =	ssyncset.done $0x0  }
0x43: {  	s24 =	simm.s32 $0x13390;
	s19 =	rddreg [dreg:$0x11];
	[sflag:s11] =	ssyncadd.s32 $0xFFFFF3C0  }
0x44: {  	[hbm4b:s19+s2] =	stream.linear.scatter [tilespmem:s24], [sflag:$0x2], $0xC40, $0x38;
	[tilespmem:$0x15850] =	vst v63  }
0x45: {  	_ =	swait.ge [sflag:s11], $0xC40  }
0x46: {  	[sflag:s11] =	ssyncset.done $0x0  }
0x47: {  	s24 =	simm.s32 $0x13FD0;
	s19 =	rddreg [dreg:$0x12];
	[sflag:s11] =	ssyncadd.s32 $0xFFFFF3C0  }
0x48: {  	[hbm4b:s19+s2] =	stream.linear.scatter [tilespmem:s24], [sflag:$0x2], $0xC40, $0x38;
	[tilespmem:$0x15850] =	vst v63  }
0x49: {  	_ =	swait.ge [sflag:s11], $0xC40  }
0x4a: {  	[sflag:s11] =	ssyncset.done $0x0  }
0x4b: {  	s24 =	simm.s32 $0x14C10;
	s19 =	rddreg [dreg:$0x13];
	[sflag:s11] =	ssyncadd.s32 $0xFFFFF3C0  }
0x4c: {  	[hbm4b:s19+s2] =	stream.linear.scatter [tilespmem:s24], [sflag:$0x2], $0xC40, $0x38;
	[tilespmem:$0x15850] =	vst v63  }
0x4d: {  	_ =	swait.ge [sflag:s11], $0xC40  }
0x4e: {  	s19 =	rddreg [dreg:$0x15]  }
0x4f: {  	s24 =	rddreg [dreg:$0x14];
	s18 =	sadd.s32 $0x1, s19  }
0x50: {  	p1 =	sne.s32 s18, s24  }
.Ltmp1:
0x51: {  	_ = 	snop;
	(pc) =	sbr.rel @!p1 .LBB2_5-.Ltmp1, $3  }
0x52: {  	_ =	sdelay $0x1  }
0x53: {  	[sflag:s11] =	ssyncset.done $0x0  }
0x54: {  	[sflag:s11] =	ssyncadd.s32 $0xFFFFF3C0  }
.LBB2_1:
0x55: {  	[dreg:$0x15] =	wrdreg s18  }
0x56: {  	s3 =	rddreg [dreg:$0x3]  }
0x57: {  	[tilespmem:s2], [sflag:$0x2] =	stream.linear.gather [hbm4b:s3+s2], $0xC50, $0x38;
	[tilespmem:$0x15850] =	vst v63  }
0x58: {  	_ =	swait.ge [sflag:s11], $0xC50  }
0x59: {  	[sflag:s11] =	ssyncset.done $0x0  }
0x5a: {  	s24 =	simm.s32 $0xC50;
	s19 =	rddreg [dreg:$0x4];
	[sflag:s11] =	ssyncadd.s32 $0xFFFFF3B0  }
0x5b: {  	[tilespmem:s24], [sflag:$0x2] =	stream.linear.gather [hbm4b:s19+s2], $0xC40, $0x38;
	[tilespmem:$0x15850] =	vst v63  }
0x5c: {  	_ =	swait.ge [sflag:s11], $0xC40  }
0x5d: {  	[sflag:s11] =	ssyncset.done $0x0  }
0x5e: {  	s24 =	simm.s32 $0x1890;
	s19 =	rddreg [dreg:$0x5];
	[sflag:s11] =	ssyncadd.s32 $0xFFFFF3C0  }
0x5f: {  	[tilespmem:s24], [sflag:$0x2] =	stream.linear.gather [hbm4b:s19+s2], $0xC40, $0x38;
	[tilespmem:$0x15850] =	vst v63  }
0x60: {  	_ =	swait.ge [sflag:s11], $0xC40  }
0x61: {  	[sflag:s11] =	ssyncset.done $0x0  }
0x62: {  	s24 =	simm.s32 $0x24D0;
	s19 =	rddreg [dreg:$0x6];
	[sflag:s11] =	ssyncadd.s32 $0xFFFFF3C0  }
0x63: {  	[tilespmem:s24], [sflag:$0x2] =	stream.linear.gather [hbm4b:s19+s2], $0xC40, $0x38;
	[tilespmem:$0x15850] =	vst v63  }
0x64: {  	_ =	swait.ge [sflag:s11], $0xC40  }
0x65: {  	[sflag:s11] =	ssyncset.done $0x0  }
0x66: {  	s24 =	simm.s32 $0x3110;
	s19 =	rddreg [dreg:$0x7];
	[sflag:s11] =	ssyncadd.s32 $0xFFFFF3C0  }
0x67: {  	[tilespmem:s24], [sflag:$0x2] =	stream.linear.gather [hbm4b:s19+s2], $0xC40, $0x38;
	[tilespmem:$0x15850] =	vst v63  }
0x68: {  	_ =	swait.ge [sflag:s11], $0xC40  }
0x69: {  	[sflag:s11] =	ssyncset.done $0x0  }
0x6a: {  	[sflag:s11] =	ssyncadd.s32 $0xFFFFF3C0  }
0x6b: {  	v3 =	vld [tilespmem:$0x0];
	_ =	sdelay $0x4  }
0x6c: {  	(v2sf) =	vpush v3, $0x0;
	_ =	sdelay $0xe  }
0x6d: {  	s11 =	spop (v2sf)  }
0x6e: {  	s11 =	sand.u32 $0xFFFFFFF8, s11  }
0x6f: {  	s11 =	simm.s32 @p0 $0x0  }
0x70: {  	s18 =	sshrl.u32 s11, $0x3  }
0x71: {  	s19 =	sadd.s32 $0x80, s11;
	s3 =	sadd.s32 s5, s18  }
0x72: {  	[tilespmem:s30], [sflag:$0x1] =	stream.linear.gather [hbm4b:s3+s2], $0x80, $0x38;
	[tilespmem:$0x15850] =	vst v63  }
0x73: {  	s3 =	sshrl.u32 s19, $0x3  }
0x74: {  	s24 =	sadd.s32 $0x100, s11;
	s3 =	sadd.s32 s5, s3  }
0x75: {  	[tilespmem:s31], [sflag:$0x1] =	stream.linear.gather [hbm4b:s3+s2], $0x80, $0x38;
	[tilespmem:$0x15850] =	vst v63  }
0x76: {  	s3 =	sshrl.u32 s24, $0x3  }
0x77: {  	s18 =	sadd.s32 $0x180, s11;
	s3 =	sadd.s32 s5, s3  }
0x78: {  	[tilespmem:s1], [sflag:$0x1] =	stream.linear.gather [hbm4b:s3+s2], $0x80, $0x38;
	[tilespmem:$0x15850] =	vst v63  }
0x79: {  	s3 =	sshrl.u32 s18, $0x3  }
0x7a: {  	s19 =	sadd.s32 $0x200, s11;
	s3 =	sadd.s32 s5, s3  }
0x7b: {  	[tilespmem:s0], [sflag:$0x1] =	stream.linear.gather [hbm4b:s3+s2], $0x80, $0x38;
	[tilespmem:$0x15850] =	vst v63  }
0x7c: {  	s3 =	sshrl.u32 s19, $0x3  }
0x7d: {  	s24 =	sadd.s32 $0x280, s11;
	s3 =	sadd.s32 s5, s3  }
0x7e: {  	[tilespmem:s25], [sflag:$0x1] =	stream.linear.gather [hbm4b:s3+s2], $0x80, $0x38;
	[tilespmem:$0x15850] =	vst v63  }
0x7f: {  	s3 =	sshrl.u32 s24, $0x3  }
0x80: {  	s18 =	sadd.s32 $0x300, s11;
	s3 =	sadd.s32 s5, s3  }
0x81: {  	[tilespmem:s26], [sflag:$0x1] =	stream.linear.gather [hbm4b:s3+s2], $0x80, $0x38;
	[tilespmem:$0x15850] =	vst v63  }
0x82: {  	s3 =	sshrl.u32 s18, $0x3  }
0x83: {  	s19 =	sadd.s32 $0x380, s11;
	s3 =	sadd.s32 s5, s3  }
0x84: {  	[tilespmem:s28], [sflag:$0x1] =	stream.linear.gather [hbm4b:s3+s2], $0x80, $0x38;
	[tilespmem:$0x15850] =	vst v63  }
0x85: {  	s3 =	sshrl.u32 s19, $0x3  }
0x86: {  	s24 =	sadd.s32 $0x400, s11;
	s3 =	sadd.s32 s5, s3  }
0x87: {  	[tilespmem:s29], [sflag:$0x1] =	stream.linear.gather [hbm4b:s3+s2], $0x80, $0x38;
	[tilespmem:$0x15850] =	vst v63  }
0x88: {  	s3 =	sshrl.u32 s24, $0x3  }
0x89: {  	s18 =	sadd.s32 $0x480, s11;
	s3 =	sadd.s32 s5, s3  }
0x8a: {  	[tilespmem:s6], [sflag:$0x1] =	stream.linear.gather [hbm4b:s3+s2], $0x80, $0x38;
	[tilespmem:$0x15850] =	vst v63  }
0x8b: {  	s3 =	sshrl.u32 s18, $0x3  }
0x8c: {  	s19 =	sadd.s32 $0x500, s11;
	s3 =	sadd.s32 s5, s3  }
0x8d: {  	[tilespmem:s7], [sflag:$0x1] =	stream.linear.gather [hbm4b:s3+s2], $0x80, $0x38;
	[tilespmem:$0x15850] =	vst v63  }
0x8e: {  	s3 =	sshrl.u32 s19, $0x3  }
0x8f: {  	s24 =	sadd.s32 $0x580, s11;
	s3 =	sadd.s32 s5, s3  }
0x90: {  	[tilespmem:s8], [sflag:$0x1] =	stream.linear.gather [hbm4b:s3+s2], $0x80, $0x38;
	[tilespmem:$0x15850] =	vst v63  }
0x91: {  	s3 =	sshrl.u32 s24, $0x3  }
0x92: {  	s18 =	sadd.s32 $0x600, s11;
	s3 =	sadd.s32 s5, s3  }
0x93: {  	[tilespmem:s9], [sflag:$0x1] =	stream.linear.gather [hbm4b:s3+s2], $0x80, $0x38;
	[tilespmem:$0x15850] =	vst v63  }
0x94: {  	s3 =	sshrl.u32 s18, $0x3  }
0x95: {  	s19 =	sadd.s32 $0x680, s11;
	s3 =	sadd.s32 s5, s3  }
0x96: {  	[tilespmem:s10], [sflag:$0x1] =	stream.linear.gather [hbm4b:s3+s2], $0x80, $0x38;
	[tilespmem:$0x15850] =	vst v63  }
0x97: {  	s3 =	sshrl.u32 s19, $0x3  }
0x98: {  	s24 =	sadd.s32 $0x700, s11;
	s3 =	sadd.s32 s5, s3  }
0x99: {  	[tilespmem:s12], [sflag:$0x1] =	stream.linear.gather [hbm4b:s3+s2], $0x80, $0x38;
	[tilespmem:$0x15850] =	vst v63  }
0x9a: {  	s3 =	sshrl.u32 s24, $0x3  }
0x9b: {  	s18 =	sadd.s32 $0x780, s11;
	s3 =	sadd.s32 s5, s3  }
0x9c: {  	[tilespmem:s13], [sflag:$0x1] =	stream.linear.gather [hbm4b:s3+s2], $0x80, $0x38;
	[tilespmem:$0x15850] =	vst v63  }
0x9d: {  	s3 =	sshrl.u32 s18, $0x3  }
0x9e: {  	s3 =	sadd.s32 s5, s3  }
0x9f: {  	[tilespmem:s14], [sflag:$0x1] =	stream.linear.gather [hbm4b:s3+s2], $0x80, $0x38;
	[tilespmem:$0x15850] =	vst v63  }
0xa0: {  	_ =	swait.ge [sflag:s15], $0x80  }
0xa1: {  	[sflag:s15] =	ssyncset.done $0x0  }
0xa2: {  	[sflag:s15] =	ssyncadd.s32 $0xFFFFFF80  }
0xa3: {  	_ =	swait.ge [sflag:s15], $0x80  }
0xa4: {  	[sflag:s15] =	ssyncset.done $0x0  }
0xa5: {  	[sflag:s15] =	ssyncadd.s32 $0xFFFFFF80  }
0xa6: {  	_ =	swait.ge [sflag:s15], $0x80  }
0xa7: {  	[sflag:s15] =	ssyncset.done $0x0  }
0xa8: {  	[sflag:s15] =	ssyncadd.s32 $0xFFFFFF80  }
0xa9: {  	_ =	swait.ge [sflag:s15], $0x80  }
0xaa: {  	[sflag:s15] =	ssyncset.done $0x0  }
0xab: {  	[sflag:s15] =	ssyncadd.s32 $0xFFFFFF80  }
0xac: {  	_ =	swait.ge [sflag:s15], $0x80  }
0xad: {  	[sflag:s15] =	ssyncset.done $0x0  }
0xae: {  	[sflag:s15] =	ssyncadd.s32 $0xFFFFFF80  }
0xaf: {  	_ =	swait.ge [sflag:s15], $0x80  }
0xb0: {  	[sflag:s15] =	ssyncset.done $0x0  }
0xb1: {  	[sflag:s15] =	ssyncadd.s32 $0xFFFFFF80  }
0xb2: {  	_ =	swait.ge [sflag:s15], $0x80  }
0xb3: {  	[sflag:s15] =	ssyncset.done $0x0  }
0xb4: {  	[sflag:s15] =	ssyncadd.s32 $0xFFFFFF80  }
0xb5: {  	_ =	swait.ge [sflag:s15], $0x80  }
0xb6: {  	[sflag:s15] =	ssyncset.done $0x0  }
0xb7: {  	[sflag:s15] =	ssyncadd.s32 $0xFFFFFF80  }
0xb8: {  	_ =	swait.ge [sflag:s15], $0x80  }
0xb9: {  	[sflag:s15] =	ssyncset.done $0x0  }
0xba: {  	[sflag:s15] =	ssyncadd.s32 $0xFFFFFF80  }
0xbb: {  	_ =	swait.ge [sflag:s15], $0x80  }
0xbc: {  	[sflag:s15] =	ssyncset.done $0x0  }
0xbd: {  	[sflag:s15] =	ssyncadd.s32 $0xFFFFFF80  }
0xbe: {  	_ =	swait.ge [sflag:s15], $0x80  }
0xbf: {  	[sflag:s15] =	ssyncset.done $0x0  }
0xc0: {  	[sflag:s15] =	ssyncadd.s32 $0xFFFFFF80  }
0xc1: {  	_ =	swait.ge [sflag:s15], $0x80  }
0xc2: {  	[sflag:s15] =	ssyncset.done $0x0  }
0xc3: {  	[sflag:s15] =	ssyncadd.s32 $0xFFFFFF80  }
0xc4: {  	_ =	swait.ge [sflag:s15], $0x80  }
0xc5: {  	[sflag:s15] =	ssyncset.done $0x0  }
0xc6: {  	[sflag:s15] =	ssyncadd.s32 $0xFFFFFF80  }
0xc7: {  	_ =	swait.ge [sflag:s15], $0x80  }
0xc8: {  	[sflag:s15] =	ssyncset.done $0x0  }
0xc9: {  	[sflag:s15] =	ssyncadd.s32 $0xFFFFFF80  }
0xca: {  	_ =	swait.ge [sflag:s15], $0x80  }
0xcb: {  	[sflag:s15] =	ssyncset.done $0x0  }
0xcc: {  	[sflag:s15] =	ssyncadd.s32 $0xFFFFFF80  }
0xcd: {  	_ =	swait.ge [sflag:s15], $0x80  }
0xce: {  	[sflag:s15] =	ssyncset.done $0x0  }
0xcf: {  	[sflag:s15] =	ssyncadd.s32 $0xFFFFFF80  }
0xd0: {  	[tilespmem:s17], [sflag:$0x1] =	stream.indirect.gather [hbm4b:s4+s16], $0x10, s30, s16, $0xb8;
	[tilespmem:$0x15850] =	vst v63  }
0xd1: {  	s19 =	simm.s32 $0x4D50  }
0xd2: {  	[tilespmem:s19], [sflag:$0x1] =	stream.indirect.gather [hbm4b:s4+s16], $0x10, s31, s16, $0xb8;
	[tilespmem:$0x15850] =	vst v63  }
0xd3: {  	s24 =	simm.s32 $0x5550  }
0xd4: {  	[tilespmem:s24], [sflag:$0x1] =	stream.indirect.gather [hbm4b:s4+s16], $0x10, s1, s16, $0xb8;
	[tilespmem:$0x15850] =	vst v63  }
0xd5: {  	s18 =	simm.s32 $0x5D50  }
0xd6: {  	[tilespmem:s18], [sflag:$0x1] =	stream.indirect.gather [hbm4b:s4+s16], $0x10, s0, s16, $0xb8;
	[tilespmem:$0x15850] =	vst v63  }
0xd7: {  	s19 =	simm.s32 $0x6550  }
0xd8: {  	[tilespmem:s19], [sflag:$0x1] =	stream.indirect.gather [hbm4b:s4+s16], $0x10, s25, s16, $0xb8;
	[tilespmem:$0x15850] =	vst v63  }
0xd9: {  	s24 =	simm.s32 $0x6D50  }
0xda: {  	[tilespmem:s24], [sflag:$0x1] =	stream.indirect.gather [hbm4b:s4+s16], $0x10, s26, s16, $0xb8;
	[tilespmem:$0x15850] =	vst v63  }
0xdb: {  	s18 =	simm.s32 $0x7550  }
0xdc: {  	[tilespmem:s18], [sflag:$0x1] =	stream.indirect.gather [hbm4b:s4+s16], $0x10, s28, s16, $0xb8;
	[tilespmem:$0x15850] =	vst v63  }
0xdd: {  	s19 =	simm.s32 $0x7D50  }
0xde: {  	[tilespmem:s19], [sflag:$0x1] =	stream.indirect.gather [hbm4b:s4+s16], $0x10, s29, s16, $0xb8;
	[tilespmem:$0x15850] =	vst v63  }
0xdf: {  	s24 =	simm.s32 $0x8550  }
0xe0: {  	[tilespmem:s24], [sflag:$0x1] =	stream.indirect.gather [hbm4b:s4+s16], $0x10, s6, s16, $0xb8;
	[tilespmem:$0x15850] =	vst v63  }
0xe1: {  	s18 =	simm.s32 $0x8D50  }
0xe2: {  	[tilespmem:s18], [sflag:$0x1] =	stream.indirect.gather [hbm4b:s4+s16], $0x10, s7, s16, $0xb8;
	[tilespmem:$0x15850] =	vst v63  }
0xe3: {  	s19 =	simm.s32 $0x9550  }
0xe4: {  	[tilespmem:s19], [sflag:$0x1] =	stream.indirect.gather [hbm4b:s4+s16], $0x10, s8, s16, $0xb8;
	[tilespmem:$0x15850] =	vst v63  }
0xe5: {  	s24 =	simm.s32 $0x9D50  }
0xe6: {  	[tilespmem:s24], [sflag:$0x1] =	stream.indirect.gather [hbm4b:s4+s16], $0x10, s9, s16, $0xb8;
	[tilespmem:$0x15850] =	vst v63  }
0xe7: {  	_ = 	snop  }
0xe8: {  	[tilespmem:s20], [sflag:$0x1] =	stream.indirect.gather [hbm4b:s4+s16], $0x10, s10, s16, $0xb8;
	[tilespmem:$0x15850] =	vst v63  }
0xe9: {  	_ = 	snop  }
0xea: {  	[tilespmem:s21], [sflag:$0x1] =	stream.indirect.gather [hbm4b:s4+s16], $0x10, s12, s16, $0xb8;
	[tilespmem:$0x15850] =	vst v63  }
0xeb: {  	_ = 	snop  }
0xec: {  	[tilespmem:s22], [sflag:$0x1] =	stream.indirect.gather [hbm4b:s4+s16], $0x10, s13, s16, $0xb8;
	[tilespmem:$0x15850] =	vst v63  }
0xed: {  	_ = 	snop  }
0xee: {  	[tilespmem:s23], [sflag:$0x1] =	stream.indirect.gather [hbm4b:s4+s16], $0x10, s14, s16, $0xb8;
	[tilespmem:$0x15850] =	vst v63  }
0xef: {  	_ =	swait.ge [sflag:s15], $0x800  }
0xf0: {  	[sflag:s15] =	ssyncset.done $0x0  }
0xf1: {  	[sflag:s15] =	ssyncadd.s32 $0xFFFFF800  }
0xf2: {  	_ =	swait.ge [sflag:s15], $0x800  }
0xf3: {  	[sflag:s15] =	ssyncset.done $0x0  }
0xf4: {  	[sflag:s15] =	ssyncadd.s32 $0xFFFFF800  }
0xf5: {  	_ =	swait.ge [sflag:s15], $0x800  }
0xf6: {  	[sflag:s15] =	ssyncset.done $0x0  }
0xf7: {  	[sflag:s15] =	ssyncadd.s32 $0xFFFFF800  }
0xf8: {  	_ =	swait.ge [sflag:s15], $0x800  }
0xf9: {  	[sflag:s15] =	ssyncset.done $0x0  }
0xfa: {  	[sflag:s15] =	ssyncadd.s32 $0xFFFFF800  }
0xfb: {  	_ =	swait.ge [sflag:s15], $0x800  }
0xfc: {  	[sflag:s15] =	ssyncset.done $0x0  }
0xfd: {  	[sflag:s15] =	ssyncadd.s32 $0xFFFFF800  }
0xfe: {  	_ =	swait.ge [sflag:s15], $0x800  }
0xff: {  	[sflag:s15] =	ssyncset.done $0x0  }
0x100: {  	[sflag:s15] =	ssyncadd.s32 $0xFFFFF800  }
0x101: {  	_ =	swait.ge [sflag:s15], $0x800  }
0x102: {  	[sflag:s15] =	ssyncset.done $0x0  }
0x103: {  	[sflag:s15] =	ssyncadd.s32 $0xFFFFF800  }
0x104: {  	_ =	swait.ge [sflag:s15], $0x800  }
0x105: {  	[sflag:s15] =	ssyncset.done $0x0  }
0x106: {  	[sflag:s15] =	ssyncadd.s32 $0xFFFFF800  }
0x107: {  	_ =	swait.ge [sflag:s15], $0x800  }
0x108: {  	[sflag:s15] =	ssyncset.done $0x0  }
0x109: {  	[sflag:s15] =	ssyncadd.s32 $0xFFFFF800  }
0x10a: {  	_ =	swait.ge [sflag:s15], $0x800  }
0x10b: {  	[sflag:s15] =	ssyncset.done $0x0  }
0x10c: {  	[sflag:s15] =	ssyncadd.s32 $0xFFFFF800  }
0x10d: {  	_ =	swait.ge [sflag:s15], $0x800  }
0x10e: {  	[sflag:s15] =	ssyncset.done $0x0  }
0x10f: {  	[sflag:s15] =	ssyncadd.s32 $0xFFFFF800  }
0x110: {  	_ =	swait.ge [sflag:s15], $0x800  }
0x111: {  	[sflag:s15] =	ssyncset.done $0x0  }
0x112: {  	[sflag:s15] =	ssyncadd.s32 $0xFFFFF800  }
0x113: {  	_ =	swait.ge [sflag:s15], $0x800  }
0x114: {  	[sflag:s15] =	ssyncset.done $0x0  }
0x115: {  	[sflag:s15] =	ssyncadd.s32 $0xFFFFF800  }
0x116: {  	_ =	swait.ge [sflag:s15], $0x800  }
0x117: {  	[sflag:s15] =	ssyncset.done $0x0  }
0x118: {  	[sflag:s15] =	ssyncadd.s32 $0xFFFFF800  }
0x119: {  	_ =	swait.ge [sflag:s15], $0x800  }
.Ltmp2:
0x11a: {  	[sflag:s15] =	ssyncset.done $0x0;
	(pc) =	sbr.rel .LBB2_2-.Ltmp2, $4  }
0x11b: {  	[sflag:s15] =	ssyncadd.s32 $0xFFFFF800  }
0x11c: {  	_ =	swait.ge [sflag:s15], $0x800  }
0x11d: {  	[sflag:s15] =	ssyncset.done $0x0  }
0x11e: {  	s24 =	simm.s32 $0x0;
	[sflag:s15] =	ssyncadd.s32 $0xFFFFF800  }
.LBB2_3:
0x11f: {  	s18 =	sadd.s32 $0xC40, s3;
	[tilespmem:s3+$0xC550] =	vst v20  }
0x120: {  	s19 =	sadd.s32 $0x1880, s3;
	[tilespmem:s18+$0xC550] =	vst v18  }
0x121: {  	s18 =	sadd.s32 $0x24C0, s3;
	[tilespmem:s19+$0xC550] =	vst v16  }
0x122: {  	[tilespmem:s18+$0xC550] =	vst v15  }
0x123: {  	[tilespmem:s3+$0xF650] =	vst v13  }
0x124: {  	s24 =	sadd.s32 $0x1, s24;
	[tilespmem:s3+$0x10290] =	vst v12  }
0x125: {  	p1 =	sne.s32 s24, $0xC4;
	[tilespmem:s3+$0x10ED0] =	vst v10  }
.Ltmp3:
0x126: {  	[tilespmem:s3+$0x11B10] =	vst v9;
	(pc) =	sbr.rel @!p1 .LBB2_4-.Ltmp3, $4  }
0x127: {  	[tilespmem:s3+$0x12750] =	vst v8  }
0x128: {  	[tilespmem:s3+$0x13390] =	vst v6  }
0x129: {  	[tilespmem:s3+$0x13FD0] =	vst v4  }
0x12a: {  	[tilespmem:s3+$0x14C10] =	vst v3  }
.LBB2_2:
0x12b: {  	s3 =	sshll.u32 s24, $0x4  }
0x12c: {  	s18 =	sor.u32 $0x1, s3  }
0x12d: {  	v3 =	vadd.s32 s18, v0;
	_ =	sdelay $0x3  }
0x12e: {  	v4 =	vld [tilespmem:s3+$0x0]  }
0x12f: {  	s19 =	rddreg [dreg:$0x2];
	s18 =	ssub.s32 $0x0, s3;
	v5 =	vld.idx.msk [tilespmem:v3+s2+$0x0], $0xffff  }
0x130: {  	vm2 =	vmmov vm0;
	p1 =	seq.s32 s19, s18  }
0x131: {  	vm2 =	vmneg @p1 vm2  }
0x132: {  	vm2 =	vmand vm2, vm1  }
0x133: {  	v7 =	vsel vm2, $0x0, v4  }
0x134: {  	v3 =	vimm.f32 $0.0e+00;
	vm2 =	vlt.s32 v7, v5  }
0x135: {  	v4 =	vsel vm2, $0x3F800000, v3  }
0x136: {  	(xrf0) =	vmax.scan.msk.f32 $0xffff, v4;
	_ =	sdelay $0x5  }
0x137: {  	v4, _, _ =	vpop (xrf0)  }
0x138: {  	(v2sf) =	vpush v4, $0xF;
	_ =	sdelay $0xe  }
0x139: {  	s19 =	spop (v2sf)  }
0x13a: {  	p1 =	sgt.f32 s19, $0.0e+00  }
.Ltmp4:
0x13b: {  	_ = 	snop;
	(pc) =	sbr.rel @p1 .LBB2_7-.Ltmp4, $4  }
.Ltmp5:
0x13c: {  	v6 =	vimm.f32 $0.0e+00;
	v8 =	vimm.f32 $0.0e+00;
	v11 =	vld [tilespmem:s3+$0xC50];
	(pc) =	sbr.rel @!p1 .LBB2_3-.Ltmp5, $4  }
0x13d: {  	v9 =	vimm.f32 $0.0e+00;
	v10 =	vimm.f32 $0.0e+00;
	v12 =	vimm.f32 $0.0e+00;
	v14 =	vld [tilespmem:s3+$0x1890]  }
0x13e: {  	v13 =	vimm.f32 $0.0e+00;
	v15 =	vimm.f32 $0.0e+00;
	v16 =	vimm.f32 $0.0e+00;
	v17 =	vld [tilespmem:s3+$0x24D0]  }
0x13f: {  	v18 =	vimm.f32 $0.0e+00;
	v20 =	vimm.f32 $0.0e+00;
	v19 =	vld [tilespmem:s3+$0x3110];
	v4 =	vimm.f32 $0.0e+00  }
0x140: {  	_ = 	snop  }
.LBB2_6:
0x141: {  	vm2 =	vlt.s32 v7, v5  }
0x142: {  	v21 =	vsel vm2, $0x3F800000, v1  }
0x143: {  	(xrf0) =	vmax.scan.msk.f32 $0xffff, v21;
	_ =	sdelay $0x5  }
0x144: {  	v21, _, _ =	vpop (xrf0)  }
0x145: {  	(v2sf) =	vpush v21, $0xF;
	_ =	sdelay $0xe  }
0x146: {  	s18 =	spop (v2sf)  }
0x147: {  	p1 =	sgt.f32 s18, $0.0e+00  }
.Ltmp6:
0x148: {  	_ = 	snop;
	(pc) =	sbr.rel @!p1 .LBB2_3-.Ltmp6, $1  }
0x149: {  	_ =	sdelay $0x3  }
.LBB2_7:
0x14a: {  	v21 =	vmov s11  }
0x14b: {  	v22 =	vsub.s32 v7, v21  }
0x14c: {  	vm3 =	vlt.s32 v22, $0x800  }
0x14d: {  	vm2 =	vmand vm2, vm3  }
0x14e: {  	v23 =	vsel vm2, $0x3F800000, v1  }
0x14f: {  	(xrf0) =	vmax.scan.msk.f32 $0xffff, v23;
	_ =	sdelay $0x5  }
0x150: {  	v23, _, _ =	vpop (xrf0)  }
0x151: {  	(v2sf) =	vpush v23, $0xF;
	_ =	sdelay $0xe  }
0x152: {  	s18 =	spop (v2sf)  }
0x153: {  	p1 =	sgt.f32 s18, $0.0e+00  }
.Ltmp7:
0x154: {  	_ = 	snop;
	(pc) =	sbr.rel @p1 .LBB2_9-.Ltmp7, $1  }
0x155: {  	_ =	sdelay $0x3  }
0x156: {  	s18 =	sadd.s32 $0x800, s11  }
0x157: {  	s19 =	sshrl.u32 s18, $0x3  }
0x158: {  	s19 =	sadd.s32 s5, s19  }
0x159: {  	[tilespmem:s30], [sflag:$0x1] =	stream.linear.gather [hbm4b:s19+s2], $0x80, $0x38;
	[tilespmem:$0x15850] =	vst v63  }
0x15a: {  	s19 =	sadd.s32 $0x880, s11  }
0x15b: {  	s19 =	sshrl.u32 s19, $0x3  }
0x15c: {  	s19 =	sadd.s32 s5, s19  }
0x15d: {  	[tilespmem:s31], [sflag:$0x1] =	stream.linear.gather [hbm4b:s19+s2], $0x80, $0x38;
	[tilespmem:$0x15850] =	vst v63  }
0x15e: {  	s19 =	sadd.s32 $0x900, s11  }
0x15f: {  	s19 =	sshrl.u32 s19, $0x3  }
0x160: {  	s19 =	sadd.s32 s5, s19  }
0x161: {  	[tilespmem:s1], [sflag:$0x1] =	stream.linear.gather [hbm4b:s19+s2], $0x80, $0x38;
	[tilespmem:$0x15850] =	vst v63  }
0x162: {  	s19 =	sadd.s32 $0x980, s11  }
0x163: {  	s19 =	sshrl.u32 s19, $0x3  }
0x164: {  	s19 =	sadd.s32 s5, s19  }
0x165: {  	[tilespmem:s0], [sflag:$0x1] =	stream.linear.gather [hbm4b:s19+s2], $0x80, $0x38;
	[tilespmem:$0x15850] =	vst v63  }
0x166: {  	s19 =	sadd.s32 $0xA00, s11  }
0x167: {  	s19 =	sshrl.u32 s19, $0x3  }
0x168: {  	s19 =	sadd.s32 s5, s19  }
0x169: {  	[tilespmem:s25], [sflag:$0x1] =	stream.linear.gather [hbm4b:s19+s2], $0x80, $0x38;
	[tilespmem:$0x15850] =	vst v63  }
0x16a: {  	s19 =	sadd.s32 $0xA80, s11  }
0x16b: {  	s19 =	sshrl.u32 s19, $0x3  }
0x16c: {  	s19 =	sadd.s32 s5, s19  }
0x16d: {  	[tilespmem:s26], [sflag:$0x1] =	stream.linear.gather [hbm4b:s19+s2], $0x80, $0x38;
	[tilespmem:$0x15850] =	vst v63  }
0x16e: {  	s19 =	sadd.s32 $0xB00, s11  }
0x16f: {  	s19 =	sshrl.u32 s19, $0x3  }
0x170: {  	s19 =	sadd.s32 s5, s19  }
0x171: {  	[tilespmem:s28], [sflag:$0x1] =	stream.linear.gather [hbm4b:s19+s2], $0x80, $0x38;
	[tilespmem:$0x15850] =	vst v63  }
0x172: {  	s19 =	sadd.s32 $0xB80, s11  }
0x173: {  	s19 =	sshrl.u32 s19, $0x3  }
0x174: {  	s19 =	sadd.s32 s5, s19  }
0x175: {  	[tilespmem:s29], [sflag:$0x1] =	stream.linear.gather [hbm4b:s19+s2], $0x80, $0x38;
	[tilespmem:$0x15850] =	vst v63  }
0x176: {  	s19 =	sadd.s32 $0xC00, s11  }
0x177: {  	s19 =	sshrl.u32 s19, $0x3  }
0x178: {  	s19 =	sadd.s32 s5, s19  }
0x179: {  	[tilespmem:s6], [sflag:$0x1] =	stream.linear.gather [hbm4b:s19+s2], $0x80, $0x38;
	[tilespmem:$0x15850] =	vst v63  }
0x17a: {  	s19 =	sadd.s32 $0xC80, s11  }
0x17b: {  	s19 =	sshrl.u32 s19, $0x3  }
0x17c: {  	s19 =	sadd.s32 s5, s19  }
0x17d: {  	[tilespmem:s7], [sflag:$0x1] =	stream.linear.gather [hbm4b:s19+s2], $0x80, $0x38;
	[tilespmem:$0x15850] =	vst v63  }
0x17e: {  	s19 =	sadd.s32 $0xD00, s11  }
0x17f: {  	s19 =	sshrl.u32 s19, $0x3  }
0x180: {  	s19 =	sadd.s32 s5, s19  }
0x181: {  	[tilespmem:s8], [sflag:$0x1] =	stream.linear.gather [hbm4b:s19+s2], $0x80, $0x38;
	[tilespmem:$0x15850] =	vst v63  }
0x182: {  	s19 =	sadd.s32 $0xD80, s11  }
0x183: {  	s19 =	sshrl.u32 s19, $0x3  }
0x184: {  	s19 =	sadd.s32 s5, s19  }
0x185: {  	[tilespmem:s9], [sflag:$0x1] =	stream.linear.gather [hbm4b:s19+s2], $0x80, $0x38;
	[tilespmem:$0x15850] =	vst v63  }
0x186: {  	s19 =	sadd.s32 $0xE00, s11  }
0x187: {  	s19 =	sshrl.u32 s19, $0x3  }
0x188: {  	s19 =	sadd.s32 s5, s19  }
0x189: {  	[tilespmem:s10], [sflag:$0x1] =	stream.linear.gather [hbm4b:s19+s2], $0x80, $0x38;
	[tilespmem:$0x15850] =	vst v63  }
0x18a: {  	s19 =	sadd.s32 $0xE80, s11  }
0x18b: {  	s19 =	sshrl.u32 s19, $0x3  }
0x18c: {  	s19 =	sadd.s32 s5, s19  }
0x18d: {  	[tilespmem:s12], [sflag:$0x1] =	stream.linear.gather [hbm4b:s19+s2], $0x80, $0x38;
	[tilespmem:$0x15850] =	vst v63  }
0x18e: {  	s19 =	sadd.s32 $0xF00, s11  }
0x18f: {  	s19 =	sshrl.u32 s19, $0x3  }
0x190: {  	s19 =	sadd.s32 s5, s19  }
0x191: {  	[tilespmem:s13], [sflag:$0x1] =	stream.linear.gather [hbm4b:s19+s2], $0x80, $0x38;
	[tilespmem:$0x15850] =	vst v63  }
0x192: {  	s19 =	sadd.s32 $0xF80, s11  }
0x193: {  	s11 =	sshrl.u32 s19, $0x3  }
0x194: {  	s11 =	sadd.s32 s5, s11  }
0x195: {  	[tilespmem:s14], [sflag:$0x1] =	stream.linear.gather [hbm4b:s11+s2], $0x80, $0x38;
	[tilespmem:$0x15850] =	vst v63  }
0x196: {  	_ =	swait.ge [sflag:s15], $0x80  }
0x197: {  	[sflag:s15] =	ssyncset.done $0x0  }
0x198: {  	[sflag:s15] =	ssyncadd.s32 $0xFFFFFF80  }
0x199: {  	_ =	swait.ge [sflag:s15], $0x80  }
0x19a: {  	[sflag:s15] =	ssyncset.done $0x0  }
0x19b: {  	[sflag:s15] =	ssyncadd.s32 $0xFFFFFF80  }
0x19c: {  	_ =	swait.ge [sflag:s15], $0x80  }
0x19d: {  	[sflag:s15] =	ssyncset.done $0x0  }
0x19e: {  	[sflag:s15] =	ssyncadd.s32 $0xFFFFFF80  }
0x19f: {  	_ =	swait.ge [sflag:s15], $0x80  }
0x1a0: {  	[sflag:s15] =	ssyncset.done $0x0  }
0x1a1: {  	[sflag:s15] =	ssyncadd.s32 $0xFFFFFF80  }
0x1a2: {  	_ =	swait.ge [sflag:s15], $0x80  }
0x1a3: {  	[sflag:s15] =	ssyncset.done $0x0  }
0x1a4: {  	[sflag:s15] =	ssyncadd.s32 $0xFFFFFF80  }
0x1a5: {  	_ =	swait.ge [sflag:s15], $0x80  }
0x1a6: {  	[sflag:s15] =	ssyncset.done $0x0  }
0x1a7: {  	[sflag:s15] =	ssyncadd.s32 $0xFFFFFF80  }
0x1a8: {  	_ =	swait.ge [sflag:s15], $0x80  }
0x1a9: {  	[sflag:s15] =	ssyncset.done $0x0  }
0x1aa: {  	[sflag:s15] =	ssyncadd.s32 $0xFFFFFF80  }
0x1ab: {  	_ =	swait.ge [sflag:s15], $0x80  }
0x1ac: {  	[sflag:s15] =	ssyncset.done $0x0  }
0x1ad: {  	[sflag:s15] =	ssyncadd.s32 $0xFFFFFF80  }
0x1ae: {  	_ =	swait.ge [sflag:s15], $0x80  }
0x1af: {  	[sflag:s15] =	ssyncset.done $0x0  }
0x1b0: {  	[sflag:s15] =	ssyncadd.s32 $0xFFFFFF80  }
0x1b1: {  	_ =	swait.ge [sflag:s15], $0x80  }
0x1b2: {  	[sflag:s15] =	ssyncset.done $0x0  }
0x1b3: {  	[sflag:s15] =	ssyncadd.s32 $0xFFFFFF80  }
0x1b4: {  	_ =	swait.ge [sflag:s15], $0x80  }
0x1b5: {  	[sflag:s15] =	ssyncset.done $0x0  }
0x1b6: {  	[sflag:s15] =	ssyncadd.s32 $0xFFFFFF80  }
0x1b7: {  	_ =	swait.ge [sflag:s15], $0x80  }
0x1b8: {  	[sflag:s15] =	ssyncset.done $0x0  }
0x1b9: {  	[sflag:s15] =	ssyncadd.s32 $0xFFFFFF80  }
0x1ba: {  	_ =	swait.ge [sflag:s15], $0x80  }
0x1bb: {  	[sflag:s15] =	ssyncset.done $0x0  }
0x1bc: {  	[sflag:s15] =	ssyncadd.s32 $0xFFFFFF80  }
0x1bd: {  	_ =	swait.ge [sflag:s15], $0x80  }
0x1be: {  	[sflag:s15] =	ssyncset.done $0x0  }
0x1bf: {  	[sflag:s15] =	ssyncadd.s32 $0xFFFFFF80  }
0x1c0: {  	_ =	swait.ge [sflag:s15], $0x80  }
0x1c1: {  	[sflag:s15] =	ssyncset.done $0x0  }
0x1c2: {  	[sflag:s15] =	ssyncadd.s32 $0xFFFFFF80  }
0x1c3: {  	_ =	swait.ge [sflag:s15], $0x80  }
0x1c4: {  	[sflag:s15] =	ssyncset.done $0x0  }
0x1c5: {  	[sflag:s15] =	ssyncadd.s32 $0xFFFFFF80  }
0x1c6: {  	[tilespmem:s17], [sflag:$0x1] =	stream.indirect.gather [hbm4b:s4+s16], $0x10, s30, s16, $0xb8;
	[tilespmem:$0x15850] =	vst v63  }
0x1c7: {  	s19 =	simm.s32 $0x4D50  }
0x1c8: {  	[tilespmem:s19], [sflag:$0x1] =	stream.indirect.gather [hbm4b:s4+s16], $0x10, s31, s16, $0xb8;
	[tilespmem:$0x15850] =	vst v63  }
0x1c9: {  	s19 =	simm.s32 $0x5550  }
0x1ca: {  	[tilespmem:s19], [sflag:$0x1] =	stream.indirect.gather [hbm4b:s4+s16], $0x10, s1, s16, $0xb8;
	[tilespmem:$0x15850] =	vst v63  }
0x1cb: {  	s19 =	simm.s32 $0x5D50  }
0x1cc: {  	[tilespmem:s19], [sflag:$0x1] =	stream.indirect.gather [hbm4b:s4+s16], $0x10, s0, s16, $0xb8;
	[tilespmem:$0x15850] =	vst v63  }
0x1cd: {  	s19 =	simm.s32 $0x6550  }
0x1ce: {  	[tilespmem:s19], [sflag:$0x1] =	stream.indirect.gather [hbm4b:s4+s16], $0x10, s25, s16, $0xb8;
	[tilespmem:$0x15850] =	vst v63  }
0x1cf: {  	s19 =	simm.s32 $0x6D50  }
0x1d0: {  	[tilespmem:s19], [sflag:$0x1] =	stream.indirect.gather [hbm4b:s4+s16], $0x10, s26, s16, $0xb8;
	[tilespmem:$0x15850] =	vst v63  }
0x1d1: {  	s19 =	simm.s32 $0x7550  }
0x1d2: {  	[tilespmem:s19], [sflag:$0x1] =	stream.indirect.gather [hbm4b:s4+s16], $0x10, s28, s16, $0xb8;
	[tilespmem:$0x15850] =	vst v63  }
0x1d3: {  	s19 =	simm.s32 $0x7D50  }
0x1d4: {  	[tilespmem:s19], [sflag:$0x1] =	stream.indirect.gather [hbm4b:s4+s16], $0x10, s29, s16, $0xb8;
	[tilespmem:$0x15850] =	vst v63  }
0x1d5: {  	s19 =	simm.s32 $0x8550  }
0x1d6: {  	[tilespmem:s19], [sflag:$0x1] =	stream.indirect.gather [hbm4b:s4+s16], $0x10, s6, s16, $0xb8;
	[tilespmem:$0x15850] =	vst v63  }
0x1d7: {  	s19 =	simm.s32 $0x8D50  }
0x1d8: {  	[tilespmem:s19], [sflag:$0x1] =	stream.indirect.gather [hbm4b:s4+s16], $0x10, s7, s16, $0xb8;
	[tilespmem:$0x15850] =	vst v63  }
0x1d9: {  	s19 =	simm.s32 $0x9550  }
0x1da: {  	[tilespmem:s19], [sflag:$0x1] =	stream.indirect.gather [hbm4b:s4+s16], $0x10, s8, s16, $0xb8;
	[tilespmem:$0x15850] =	vst v63  }
0x1db: {  	s19 =	simm.s32 $0x9D50  }
0x1dc: {  	[tilespmem:s19], [sflag:$0x1] =	stream.indirect.gather [hbm4b:s4+s16], $0x10, s9, s16, $0xb8;
	[tilespmem:$0x15850] =	vst v63  }
0x1dd: {  	_ = 	snop  }
0x1de: {  	[tilespmem:s20], [sflag:$0x1] =	stream.indirect.gather [hbm4b:s4+s16], $0x10, s10, s16, $0xb8;
	[tilespmem:$0x15850] =	vst v63  }
0x1df: {  	_ = 	snop  }
0x1e0: {  	[tilespmem:s21], [sflag:$0x1] =	stream.indirect.gather [hbm4b:s4+s16], $0x10, s12, s16, $0xb8;
	[tilespmem:$0x15850] =	vst v63  }
0x1e1: {  	_ = 	snop  }
0x1e2: {  	[tilespmem:s22], [sflag:$0x1] =	stream.indirect.gather [hbm4b:s4+s16], $0x10, s13, s16, $0xb8;
	[tilespmem:$0x15850] =	vst v63  }
0x1e3: {  	_ = 	snop  }
0x1e4: {  	[tilespmem:s23], [sflag:$0x1] =	stream.indirect.gather [hbm4b:s4+s16], $0x10, s14, s16, $0xb8;
	[tilespmem:$0x15850] =	vst v63  }
0x1e5: {  	_ =	swait.ge [sflag:s15], $0x800  }
0x1e6: {  	[sflag:s15] =	ssyncset.done $0x0  }
0x1e7: {  	[sflag:s15] =	ssyncadd.s32 $0xFFFFF800  }
0x1e8: {  	_ =	swait.ge [sflag:s15], $0x800  }
0x1e9: {  	[sflag:s15] =	ssyncset.done $0x0  }
0x1ea: {  	[sflag:s15] =	ssyncadd.s32 $0xFFFFF800  }
0x1eb: {  	_ =	swait.ge [sflag:s15], $0x800  }
0x1ec: {  	[sflag:s15] =	ssyncset.done $0x0  }
0x1ed: {  	[sflag:s15] =	ssyncadd.s32 $0xFFFFF800  }
0x1ee: {  	_ =	swait.ge [sflag:s15], $0x800  }
0x1ef: {  	[sflag:s15] =	ssyncset.done $0x0  }
0x1f0: {  	[sflag:s15] =	ssyncadd.s32 $0xFFFFF800  }
0x1f1: {  	_ =	swait.ge [sflag:s15], $0x800  }
0x1f2: {  	[sflag:s15] =	ssyncset.done $0x0  }
0x1f3: {  	[sflag:s15] =	ssyncadd.s32 $0xFFFFF800  }
0x1f4: {  	_ =	swait.ge [sflag:s15], $0x800  }
0x1f5: {  	[sflag:s15] =	ssyncset.done $0x0  }
0x1f6: {  	[sflag:s15] =	ssyncadd.s32 $0xFFFFF800  }
0x1f7: {  	_ =	swait.ge [sflag:s15], $0x800  }
0x1f8: {  	[sflag:s15] =	ssyncset.done $0x0  }
0x1f9: {  	[sflag:s15] =	ssyncadd.s32 $0xFFFFF800  }
0x1fa: {  	_ =	swait.ge [sflag:s15], $0x800  }
0x1fb: {  	[sflag:s15] =	ssyncset.done $0x0  }
0x1fc: {  	[sflag:s15] =	ssyncadd.s32 $0xFFFFF800  }
0x1fd: {  	_ =	swait.ge [sflag:s15], $0x800  }
0x1fe: {  	[sflag:s15] =	ssyncset.done $0x0  }
0x1ff: {  	[sflag:s15] =	ssyncadd.s32 $0xFFFFF800  }
0x200: {  	_ =	swait.ge [sflag:s15], $0x800  }
0x201: {  	[sflag:s15] =	ssyncset.done $0x0  }
0x202: {  	[sflag:s15] =	ssyncadd.s32 $0xFFFFF800  }
0x203: {  	_ =	swait.ge [sflag:s15], $0x800  }
0x204: {  	[sflag:s15] =	ssyncset.done $0x0  }
0x205: {  	[sflag:s15] =	ssyncadd.s32 $0xFFFFF800  }
0x206: {  	_ =	swait.ge [sflag:s15], $0x800  }
0x207: {  	[sflag:s15] =	ssyncset.done $0x0  }
0x208: {  	[sflag:s15] =	ssyncadd.s32 $0xFFFFF800  }
0x209: {  	_ =	swait.ge [sflag:s15], $0x800  }
0x20a: {  	[sflag:s15] =	ssyncset.done $0x0  }
0x20b: {  	[sflag:s15] =	ssyncadd.s32 $0xFFFFF800  }
0x20c: {  	_ =	swait.ge [sflag:s15], $0x800  }
0x20d: {  	[sflag:s15] =	ssyncset.done $0x0  }
0x20e: {  	[sflag:s15] =	ssyncadd.s32 $0xFFFFF800  }
0x20f: {  	_ =	swait.ge [sflag:s15], $0x800  }
0x210: {  	[sflag:s15] =	ssyncset.done $0x0  }
0x211: {  	[sflag:s15] =	ssyncadd.s32 $0xFFFFF800  }
0x212: {  	_ =	swait.ge [sflag:s15], $0x800  }
0x213: {  	v21 =	vmov s18;
	[sflag:s15] =	ssyncset.done $0x0  }
0x214: {  	v22 =	vsub.s32 v7, v21;
	s11 =	smov.u32 s18;
	[sflag:s15] =	ssyncadd.s32 $0xFFFFF800  }
.LBB2_9:
0x215: {  	vm2 =	vlt.s32 v7, v5;
	vm3 =	vlt.s32 v22, $0x800  }
0x216: {  	vm2 =	vmand vm2, vm3  }
0x217: {  	v23 =	vsel vm2, $0x3F800000, v1  }
0x218: {  	(xrf0) =	vmax.scan.msk.f32 $0xffff, v23;
	_ =	sdelay $0x5  }
0x219: {  	v23, _, _ =	vpop (xrf0)  }
0x21a: {  	(v2sf) =	vpush v23, $0xF;
	_ =	sdelay $0xe  }
0x21b: {  	s18 =	spop (v2sf)  }
0x21c: {  	p1 =	sgt.f32 s18, $0.0e+00  }
.Ltmp8:
0x21d: {  	_ = 	snop;
	(pc) =	sbr.rel @!p1 .LBB2_6-.Ltmp8, $1  }
0x21e: {  	_ =	sdelay $0x3  }
.LBB2_10:
0x21f: {  	v22 =	vshll.u32 v22, $0x4  }
0x220: {  	v22 =	vnsel vm2, $0x0, v22  }
0x221: {  	v23 =	vor.u32 $0x1, v22;
	_ =	sdelay $0x1  }
0x222: {  	v24 =	vor.u32 $0x2, v22;
	_ =	sdelay $0x1  }
0x223: {  	v25 =	vld.idx.msk [tilespmem:v22+s17+$0x0], vm2  }
0x224: {  	v23 =	vld.idx.msk [tilespmem:v23+s17+$0x0], vm2;
	_ =	sdelay $0x1  }
0x225: {  	v24 =	vld.idx.msk [tilespmem:v24+s17+$0x0], vm2;
	_ =	sdelay $0x2  }
0x226: {  	v25 =	vsub.f32 v25, v11;
	v23 =	vsub.f32 v23, v14;
	_ =	sdelay $0x1  }
0x227: {  	v24 =	vsub.f32 v24, v17;
	v26 =	vmul.f32 v25, v25;
	v27 =	vmul.f32 v23, v23;
	_ =	sdelay $0x1  }
0x228: {  	v56 =	vmul.f32 v24, v24;
	v26 =	vadd.f32 v27, v26;
	_ =	sdelay $0x1  }
0x229: {  	v26 =	vadd.f32 v56, v26;
	_ =	sdelay $0x1  }
0x22a: {  	v26 =	vadd.f32 $9.999999930e-09, v26;
	_ =	sdelay $0x1  }
0x22b: {  	(erf) = vrcp.f32 v26;
	_ =	sdelay $0x4  }
0x22c: {  	v57 =	vor.u32 $0x3, v22;
	_ =	sdelay $0x1  }
0x22d: {  	v22 =	vsel vm2, $0x1, v2  }
0x22e: {  	v7 =	vadd.s32 v22, v7  }
0x22f: {  	v22 =	vsub.s32 v7, v21;
	v58 =	vpop (erf)  }
0x230: {  	vm3 =	vlt.s32 v22, $0x800;
	v26 =	vld.idx.msk [tilespmem:v57+s17+$0x0], vm2;
	v27 =	vnsel vm2, $0x0, v58;
	vm2 =	vlt.s32 v7, v5  }
0x231: {  	vm2 =	vmand vm2, vm3  }
0x232: {  	v28 =	vsel vm2, $0x3F800000, v1  }
0x233: {  	(xrf0) =	vmax.scan.msk.f32 $0xffff, v28;
	_ =	sdelay $0x5  }
0x234: {  	v28, _, _ =	vpop (xrf0)  }
0x235: {  	(v2sf) =	vpush v28, $0xF;
	_ =	sdelay $0x9  }
0x236: {  	v59 =	vmul.f32 v27, v25  }
0x237: {  	v29 =	vmul.f32 v27, v23  }
0x238: {  	v27 =	vmul.f32 v27, v24;
	v30 =	vmul.f32 v59, v25  }
0x239: {  	v31 =	vmul.f32 v59, v23;
	v32 =	vmul.f32 v59, v24  }
0x23a: {  	v26 =	vsub.f32 v26, v19;
	v60 =	vmul.f32 v29, v25;
	v61 =	vmul.f32 v29, v23  }
0x23b: {  	v62 =	vmul.f32 v29, v24;
	v25 =	vmul.f32 v27, v25;
	v20 =	vadd.f32 v30, v20;
	s18 =	spop (v2sf)  }
0x23c: {  	v23 =	vmul.f32 v27, v23;
	v18 =	vadd.f32 v31, v18;
	v16 =	vadd.f32 v32, v16;
	p1 =	sgt.f32 s18, $0.0e+00  }
.Ltmp9:
0x23d: {  	v24 =	vmul.f32 v27, v24;
	v15 =	vadd.f32 v60, v15;
	v13 =	vadd.f32 v61, v13;
	(pc) =	sbr.rel @p1 .LBB2_10-.Ltmp9, $4  }
0x23e: {  	v63 =	vmul.f32 v59, v26;
	v12 =	vadd.f32 v62, v12;
	v10 =	vadd.f32 v25, v10  }
0x23f: {  	v9 =	vadd.f32 v23, v9;
	v23 =	vmul.f32 v29, v26;
	v26 =	vmul.f32 v27, v26  }
0x240: {  	v8 =	vadd.f32 v24, v8;
	v6 =	vadd.f32 v63, v6  }
0x241: {  	v4 =	vadd.f32 v23, v4;
	v3 =	vadd.f32 v26, v3  }
.Ltmp10:
0x242: {  	_ = 	snop;
	(pc) =	sbr.rel .LBB2_6-.Ltmp10, $1  }
0x243: {  	_ =	sdelay $0x3  }
.LBB2_5:
0x244: {  	_ =	sfence.sel $0x180000  }
0x245: {  	[bflag:$0x0] =	sbarrier.arrive $0xFFFF  }
0x246: {  	_ =	strace $0x90000047  }
0x247: {  	s0 =	stileid.u32;
	[bflag:$0x2] =	sbarrier.arrive $0xFFFF  }
0x248: {  	p0 =	sne.s32 s0, $0x0;
	s0 =	rddreg [dreg:$0x1]  }
0x249: {  	s0 =	sadd.s32 @!p0 $0x100000, s0  }
0x24a: {  	[sflag:s0] =	ssyncadd.tile.s32 @!p0 $0x1;
	_ =	shalt  }
.Lfunc_end2:
_tile_overlayer_lowered:
.L_overlay_start_2:
0x24b: {  	(tag) =	ssettag $0x2  }
0x24c: {  	s0 =	rddreg [dreg:$0x0];
	s2 =	stileid.u32  }
0x24d: {  	s1 =	rddreg [dreg:$0x1];
	p0 =	sne.s32 s2, $0x0  }
0x24e: {  	s3 =	rddreg [dreg:$0x2];
	[bflag:$0x3] =	sbarrier.arrive $0xFFFF;
	s2 =	simm.s32 @!p0 $0x1C02  }
0x24f: {  	[timem:s3], [sflag:s2] =	dma.local @!p0 [hbm:s0], s1  }
0x250: {  	s0 =	simm.s32 @!p0 $0x2  }
0x251: {  	_ =	swait.ge @!p0 [sflag:s0], s1  }
0x252: {  	s1 =	ssub.s32 @!p0 $0x0, s1;
	[sflag:s0] =	ssyncset.done @!p0 $0x0  }
0x253: {  	[sflag:s0] =	ssyncadd.s32 @!p0 s1  }
0x254: {  	[bflag:$0x3] =	sbarrier.arrive $0xFFFF  }
0x255: {  	_ =	shalt  }

</sc_bundles>
